<compile_context>
chip_gen: v7x
topology: tpu7x:2x2x1
jax: 0.10.2.dev20260603
libtpu: 0.0.44.dev20260713+nightly
codegen_flags: <defaults>
</compile_context>

<pallas_src>
import functools

import jax
import jax.numpy as jnp
from jax import lax
from jax.experimental import pallas as pl
from jax.experimental.pallas import tpu as pltpu
from jax.experimental.pallas import tpu_sc as plsc

N = 10000
E = 320000
D = 128
DH = D // 2

NC = 2
NS = 16

N_PAD = 10240
RPT = N_PAD // NS
EPT = E // NS
K = 400
SUB = 80
NSUB = K // SUB
NCHUNK = EPT // K
NITER = NCHUNK // 2
DEG_W = 8

_mesh = plsc.VectorSubcoreMesh(core_axis_name="c", subcore_axis_name="s")
_sc_params = pltpu.CompilerParams(use_tc_tiling_on_sc=False)


def _sc_agg_body(with_deg, *refs):
    if with_deg:
        (x3_hbm, src_hbm, dst_hbm, agg_out, deg_out,
         rows0, rows1, srcb, dstb, onesb, accum, degacc,
         gsem0, gsem1, ssem0, ssem1, dsem0, dsem1) = refs
    else:
        (x3_hbm, src_hbm, dst_hbm, agg_out,
         rows0, rows1, srcb, dstb, accum,
         gsem0, gsem1, ssem0, ssem1, dsem0, dsem1) = refs

    c = lax.axis_index("c")
    s = lax.axis_index("s")
    rbase = s * RPT

    def clamp(ch):
        return jnp.where(ch < NCHUNK, ch, 0)

    def start_src(ch, p, sem):
        ch = clamp(ch)
        pltpu.async_copy(src_hbm.at[pl.ds(s * EPT + ch * K, K)],
                         srcb.at[p], sem)

    def wait_src(p, sem):
        pltpu.make_async_copy(src_hbm.at[pl.ds(0, K)], srcb.at[p], sem).wait()

    def start_dst(ch, p, sem):
        ch = clamp(ch)
        for j in range(NSUB):
            pltpu.async_copy(
                dst_hbm.at[pl.ds(s * EPT + ch * K + j * SUB, SUB)],
                dstb.at[p, j], sem)

    def wait_dst(p, sem):
        for j in range(NSUB):
            pltpu.make_async_copy(dst_hbm.at[pl.ds(0, SUB)],
                                  dstb.at[p, j], sem).wait()

    def start_gather(p, rows, sem):
        pltpu.async_copy(x3_hbm.at[c].at[srcb.at[p]], rows, sem)

    def wait_gather(rows, sem):
        pltpu.make_async_copy(x3_hbm.at[c].at[pl.ds(0, K)], rows, sem).wait()

    def scatter(p, rows, deg_core):
        for j in range(NSUB):
            pltpu.sync_copy(rows.at[pl.ds(j * SUB, SUB)],
                            accum.at[dstb.at[p, j]], add=True)
        if with_deg:
            @pl.when(c == deg_core)
            def _():
                for j in range(NSUB):
                    pltpu.sync_copy(onesb.at[pl.ds(0, SUB)],
                                    degacc.at[dstb.at[p, j]], add=True)

    start_src(0, 0, ssem0)
    start_dst(0, 0, dsem0)
    start_src(1, 1, ssem1)
    start_dst(1, 1, dsem1)

    def zrow(i, carry):
        for j in range(DH // 16):
            rows0[i, pl.ds(j * 16, 16)] = jnp.zeros((16,), jnp.float32)
        return carry

    lax.fori_loop(0, K, zrow, 0)
    pltpu.sync_copy(rows0, accum.at[pl.ds(rbase, K)])
    pltpu.sync_copy(rows0.at[pl.ds(0, RPT - K)],
                    accum.at[pl.ds(rbase + K, RPT - K)])

    if with_deg:
        def zdeg(i, carry):
            onesb[i, pl.ds(0, DEG_W)] = jnp.zeros((DEG_W,), jnp.float32)
            return carry

        lax.fori_loop(0, SUB, zdeg, 0)
        for t in range(RPT // SUB):
            pltpu.sync_copy(onesb, degacc.at[pl.ds(rbase + t * SUB, SUB)])
        rem = RPT % SUB
        if rem:
            pltpu.sync_copy(onesb.at[pl.ds(0, rem)],
                            degacc.at[pl.ds(rbase + RPT - rem, rem)])

        def fones(i, carry):
            onesb[i, pl.ds(0, DEG_W)] = jnp.ones((DEG_W,), jnp.float32)
            return carry

        lax.fori_loop(0, SUB, fones, 0)

    plsc.subcore_barrier()

    wait_src(0, ssem0)
    start_gather(0, rows0, gsem0)

    def body(i, carry):
        e = 2 * i
        wait_src(1, ssem1)
        start_gather(1, rows1, gsem1)
        wait_gather(rows0, gsem0)
        start_src(e + 2, 0, ssem0)
        wait_dst(0, dsem0)
        scatter(0, rows0, 0)
        start_dst(e + 2, 0, dsem0)
        wait_src(0, ssem0)
        start_gather(0, rows0, gsem0)
        wait_gather(rows1, gsem1)
        start_src(e + 3, 1, ssem1)
        wait_dst(1, dsem1)
        scatter(1, rows1, 1)
        start_dst(e + 3, 1, dsem1)
        return carry

    lax.fori_loop(0, NITER, body, 0)

    wait_src(1, ssem1)
    wait_dst(0, dsem0)
    wait_dst(1, dsem1)
    wait_gather(rows0, gsem0)

    plsc.subcore_barrier()

    pltpu.sync_copy(accum.at[pl.ds(rbase, RPT)],
                    agg_out.at[c, pl.ds(rbase, RPT)])
    if with_deg:
        pltpu.sync_copy(degacc.at[pl.ds(rbase, RPT)],
                        deg_out.at[c, pl.ds(rbase, RPT)])


_sc_agg_deg = pl.kernel(
    functools.partial(_sc_agg_body, True),
    out_type=[
        jax.ShapeDtypeStruct((NC, N_PAD, DH), jnp.float32),
        jax.ShapeDtypeStruct((NC, N_PAD, DEG_W), jnp.float32),
    ],
    mesh=_mesh,
    scratch_types=[
        pltpu.VMEM((K, DH), jnp.float32),
        pltpu.VMEM((K, DH), jnp.float32),
        pltpu.VMEM((2, K), jnp.int32),
        pltpu.VMEM((2, NSUB, SUB), jnp.int32),
        pltpu.VMEM((SUB, DEG_W), jnp.float32),
        pltpu.VMEM_SHARED((N_PAD, DH), jnp.float32),
        pltpu.VMEM_SHARED((N_PAD, DEG_W), jnp.float32),
        pltpu.SemaphoreType.DMA,
        pltpu.SemaphoreType.DMA,
        pltpu.SemaphoreType.DMA,
        pltpu.SemaphoreType.DMA,
        pltpu.SemaphoreType.DMA,
        pltpu.SemaphoreType.DMA,
    ],
    compiler_params=_sc_params,
)

_sc_agg = pl.kernel(
    functools.partial(_sc_agg_body, False),
    out_type=[jax.ShapeDtypeStruct((NC, N_PAD, DH), jnp.float32)],
    mesh=_mesh,
    scratch_types=[
        pltpu.VMEM((K, DH), jnp.float32),
        pltpu.VMEM((K, DH), jnp.float32),
        pltpu.VMEM((2, K), jnp.int32),
        pltpu.VMEM((2, NSUB, SUB), jnp.int32),
        pltpu.VMEM_SHARED((N_PAD, DH), jnp.float32),
        pltpu.SemaphoreType.DMA,
        pltpu.SemaphoreType.DMA,
        pltpu.SemaphoreType.DMA,
        pltpu.SemaphoreType.DMA,
        pltpu.SemaphoreType.DMA,
        pltpu.SemaphoreType.DMA,
    ],
    compiler_params=_sc_params,
)

R = 2000



def _tc_split_body(h_ref, o_ref):
    h = h_ref[...]
    o_ref[0] = h[:, :DH]
    o_ref[1] = h[:, DH:]


def _tc_split(h):
    return pl.pallas_call(
        _tc_split_body,
        grid=(N // R,),
        in_specs=[pl.BlockSpec((R, D), lambda i: (i, 0))],
        out_specs=pl.BlockSpec((NC, R, DH), lambda i: (0, i, 0)),
        out_shape=jax.ShapeDtypeStruct((NC, N, DH), jnp.float32),
    )(h)


def _tc_self_body(h_ref, w_ref, b_ref, o_ref):
    h = h_ref[...]
    o_ref[...] = (
        jnp.dot(h, w_ref[...], preferred_element_type=jnp.float32)
        + b_ref[...])


def _tc_self(h, w, b):
    return pl.pallas_call(
        _tc_self_body,
        grid=(N // R,),
        in_specs=[
            pl.BlockSpec((R, D), lambda i: (i, 0)),
            pl.BlockSpec((D, D), lambda i: (0, 0)),
            pl.BlockSpec((1, D), lambda i: (0, 0)),
        ],
        out_specs=pl.BlockSpec((R, D), lambda i: (i, 0)),
        out_shape=jax.ShapeDtypeStruct((N, D), jnp.float32),
    )(h, w, b)


def _tc_self_split_body(h_ref, w_ref, b_ref, o_ref):
    h = jnp.concatenate([h_ref[0], h_ref[1]], axis=1)
    o_ref[...] = (
        jnp.dot(h, w_ref[...], preferred_element_type=jnp.float32)
        + b_ref[...])


def _tc_self_split(h3, w, b):
    return pl.pallas_call(
        _tc_self_split_body,
        grid=(N // R,),
        in_specs=[
            pl.BlockSpec((NC, R, DH), lambda i: (0, i, 0)),
            pl.BlockSpec((D, D), lambda i: (0, 0)),
            pl.BlockSpec((1, D), lambda i: (0, 0)),
        ],
        out_specs=pl.BlockSpec((R, D), lambda i: (i, 0)),
        out_shape=jax.ShapeDtypeStruct((N, D), jnp.float32),
    )(h3, w, b)


def _tc_combine_body(act, split_out, pre_ref, p_ref, d_ref, w_ref, o_ref):
    agg = jnp.concatenate([p_ref[0], p_ref[1]], axis=1)
    deg = jnp.maximum(d_ref[0, :, 0:1] + d_ref[1, :, 0:1], 1.0)
    agg = agg / deg
    out = pre_ref[...] + jnp.dot(agg, w_ref[...],
                                 preferred_element_type=jnp.float32)
    if act:
        out = jnp.maximum(out, 0.0)
    if split_out:
        o_ref[0] = out[:, :DH]
        o_ref[1] = out[:, DH:]
    else:
        o_ref[...] = out


def _tc_combine(act, split_out, pre, agg_p, deg, w_agg):
    if split_out:
        out_shape = jax.ShapeDtypeStruct((NC, N, DH), jnp.float32)
        out_spec = pl.BlockSpec((NC, R, DH), lambda i: (0, i, 0))
    else:
        out_shape = jax.ShapeDtypeStruct((N, D), jnp.float32)
        out_spec = pl.BlockSpec((R, D), lambda i: (i, 0))
    return pl.pallas_call(
        functools.partial(_tc_combine_body, act, split_out),
        grid=(N // R,),
        in_specs=[
            pl.BlockSpec((R, D), lambda i: (i, 0)),
            pl.BlockSpec((NC, R, DH), lambda i: (0, i, 0)),
            pl.BlockSpec((NC, R, DEG_W), lambda i: (0, i, 0)),
            pl.BlockSpec((D, D), lambda i: (0, 0)),
        ],
        out_specs=out_spec,
        out_shape=out_shape,
    )(pre, agg_p, deg, w_agg)


def kernel(x, edge_index, W1, b1, W2, b2):
    src = edge_index[0]
    dst = edge_index[1]
    x3 = _tc_split(x)
    agg1_p, deg = _sc_agg_deg(x3, src, dst)
    pre1 = _tc_self(x, W1[:D], b1.reshape(1, D))
    h1_3 = _tc_combine(True, True, pre1, agg1_p, deg, W1[D:])
    (agg2_p,) = _sc_agg(h1_3, src, dst)
    pre2 = _tc_self_split(h1_3, W2[:D], b2.reshape(1, D))
    out = _tc_combine(False, False, pre2, agg2_p, deg, W2[D:])
    return out

# --- scband reference (transcript-rebuilt; emitter-appended) ---
"""Pipeline reference for scband-asage-38912403702070 (READ-ONLY COPY).

The authoritative reference and input builder live on the scoring server;
editing this copy changes nothing except your own understanding.
"""

import jax, jax.numpy as jnp
import numpy as np

N_NODES = 10000
N_EDGES = 320000
D = 128


def setup_inputs(seed: int = 0) -> dict:
    key = jax.random.key(seed)
    ks = jax.random.split(key, 6)
    x = jax.random.normal(ks[0], (N_NODES, D), dtype=jnp.float32)
    edge_index = jax.random.randint(ks[1], (2, N_EDGES), 0, N_NODES, dtype=jnp.int32)
    # learned parameters: two SAGE layers, each Linear(2*D -> D) as in w_linears
    W1 = jax.random.normal(ks[2], (2 * D, D), dtype=jnp.float32) * 0.05
    b1 = jnp.zeros((D,), dtype=jnp.float32)
    W2 = jax.random.normal(ks[3], (2 * D, D), dtype=jnp.float32) * 0.05
    b2 = jnp.zeros((D,), dtype=jnp.float32)
    return {"x": x, "edge_index": edge_index, "W1": W1, "b1": b1, "W2": W2, "b2": b2}


def reference(x, edge_index, W1, b1, W2, b2):
    # GraphSAGE-style message passing core of ASAGE:
    # per layer: mean-aggregate neighbor embeddings (gather + scatter-add),
    # concat with self embedding, linear transform (w_linears), relu between layers.
    n = x.shape[0]
    src = edge_index[0]
    dst = edge_index[1]
    ones = jnp.ones((src.shape[0],), dtype=x.dtype)
    deg = jax.ops.segment_sum(ones, dst, num_segments=n)
    deg = jnp.maximum(deg, 1.0)[:, None]

    def sage_layer(h, W, b, act):
        msgs = h[src]  # gather over edges
        agg = jax.ops.segment_sum(msgs, dst, num_segments=n)  # scatter-add
        agg = agg / deg  # mean aggregation
        z = jnp.concatenate([h, agg], axis=1)
        out = z @ W + b
        if act:
            out = jax.nn.relu(out)
        return out

    h = sage_layer(x, W1, b1, True)
    h = sage_layer(h, W2, b2, False)
    return h

if __name__ == "__main__":
    import jax
    _d = setup_inputs()
    print(jax.jit(kernel)(*tuple(_d.values())))

</pallas_src>

<mosaic_0001>
#map = affine_map<(d0, d1) -> (0, 0, 0)>
#map1 = affine_map<(d0, d1) -> (0)>
module attributes {stable_mosaic.version = 14 : i64} {
  func.func @_sc_agg_body(%arg0: i32, %arg1: i32, %arg2: memref<2x10000x64xf32, #tpu.memory_space<hbm>>, %arg3: memref<320000xi32, #tpu.memory_space<hbm>>, %arg4: memref<320000xi32, #tpu.memory_space<hbm>>, %arg5: memref<2x10240x64xf32, #tpu.memory_space<hbm>>, %arg6: memref<400x64xf32, #tpu.memory_space<vmem>>, %arg7: memref<400x64xf32, #tpu.memory_space<vmem>>, %arg8: memref<2x400xi32, #tpu.memory_space<vmem>>, %arg9: memref<2x5x80xi32, #tpu.memory_space<vmem>>, %arg10: memref<10240x64xf32, #tpu.memory_space<vmem_shared>>, %arg11: memref<!tpu.dma_semaphore, #tpu.memory_space<semaphore_mem>>, %arg12: memref<!tpu.dma_semaphore, #tpu.memory_space<semaphore_mem>>, %arg13: memref<!tpu.dma_semaphore, #tpu.memory_space<semaphore_mem>>, %arg14: memref<!tpu.dma_semaphore, #tpu.memory_space<semaphore_mem>>, %arg15: memref<!tpu.dma_semaphore, #tpu.memory_space<semaphore_mem>>, %arg16: memref<!tpu.dma_semaphore, #tpu.memory_space<semaphore_mem>>) attributes {dimension_semantics = [#tpu.dimension_semantics<core_parallel>, #tpu.dimension_semantics<subcore_parallel>], iteration_bounds = array<i64: 2, 16>, scalar_prefetch = 0 : i64, scratch_operands = 11 : i64, tpu.core_type = #tpu.core_type<sc_vector_subcore>, window_params = [{transform_indices = #map}, {transform_indices = #map1}, {transform_indices = #map1}, {transform_indices = #map}]} {
    %mul3A = arith.constant 640 : i32
    %mul3A_0 = arith.muli %arg1, %mul3A : i32
    %jit3A = arith.constant true
    %jit3A_1 = arith.constant 0 : i32
    %jit3A_2 = arith.constant 0 : i32
    %select_n3A = arith.select %jit3A, %jit3A_1, %jit3A_2 : i32
    %mul3A_3 = arith.constant 20000 : i32
    %mul3A_4 = arith.muli %arg1, %mul3A_3 : i32
    %mul3A_5 = arith.constant 400 : i32
    %mul3A_6 = arith.muli %select_n3A, %mul3A_5 : i32
    %add3A = arith.addi %mul3A_4, %mul3A_6 : i32
    %dma_start3A = arith.constant 0 : i32
    %dma_start3A_7 = arith.constant 0 : i32
    %dma_start3A_8 = tpu.memref_slice %arg8[%dma_start3A, %dma_start3A_7] : memref<2x400xi32, #tpu.memory_space<vmem>> -> memref<1x400xi32, #tpu.memory_space<vmem>>
    %dma_start3A_9 = tpu.memref_squeeze %dma_start3A_8 : memref<1x400xi32, #tpu.memory_space<vmem>> -> memref<400xi32, #tpu.memory_space<vmem>>
    %dma_start3A_10 = tpu.memref_slice %arg3[%add3A] : memref<320000xi32, #tpu.memory_space<hbm>> -> memref<400xi32, #tpu.memory_space<hbm>>
    %dma_start3A_11 = arith.constant 0 : i32
    %dma_start3A_12 = tpu.memref_slice %arg8[%dma_start3A, %dma_start3A_11] : memref<2x400xi32, #tpu.memory_space<vmem>> -> memref<1x400xi32, #tpu.memory_space<vmem>>
    %dma_start3A_13 = tpu.memref_squeeze %dma_start3A_12 : memref<1x400xi32, #tpu.memory_space<vmem>> -> memref<400xi32, #tpu.memory_space<vmem>>
    %dma_start3A_14 = tpu.memref_slice %arg3[%add3A] : memref<320000xi32, #tpu.memory_space<hbm>> -> memref<400xi32, #tpu.memory_space<hbm>>
    tpu.enqueue_dma source(%dma_start3A_14 : memref<400xi32, #tpu.memory_space<hbm>>) target(%dma_start3A_13 : memref<400xi32, #tpu.memory_space<vmem>>) target_semaphore(%arg13 : memref<!tpu.dma_semaphore, #tpu.memory_space<semaphore_mem>>)
    %jit3A_15 = arith.constant true
    %jit3A_16 = arith.constant 0 : i32
    %jit3A_17 = arith.constant 0 : i32
    %select_n3A_18 = arith.select %jit3A_15, %jit3A_16, %jit3A_17 : i32
    %mul3A_19 = arith.constant 20000 : i32
    %mul3A_20 = arith.muli %arg1, %mul3A_19 : i32
    %mul3A_21 = arith.constant 400 : i32
    %mul3A_22 = arith.muli %select_n3A_18, %mul3A_21 : i32
    %add3A_23 = arith.addi %mul3A_20, %mul3A_22 : i32
    %add3A_24 = arith.constant 0 : i32
    %add3A_25 = arith.addi %add3A_23, %add3A_24 : i32
    %dma_start3A_26 = arith.constant 0 : i32
    %dma_start3A_27 = arith.constant 0 : i32
    %dma_start3A_28 = arith.constant 0 : i32
    %dma_start3A_29 = tpu.memref_slice %arg9[%dma_start3A_26, %dma_start3A_27, %dma_start3A_28] : memref<2x5x80xi32, #tpu.memory_space<vmem>> -> memref<1x1x80xi32, #tpu.memory_space<vmem>>
    %dma_start3A_30 = tpu.memref_squeeze %dma_start3A_29 : memref<1x1x80xi32, #tpu.memory_space<vmem>> -> memref<80xi32, #tpu.memory_space<vmem>>
    %dma_start3A_31 = tpu.memref_slice %arg4[%add3A_25] : memref<320000xi32, #tpu.memory_space<hbm>> -> memref<80xi32, #tpu.memory_space<hbm>>
    %dma_start3A_32 = arith.constant 0 : i32
    %dma_start3A_33 = tpu.memref_slice %arg9[%dma_start3A_26, %dma_start3A_27, %dma_start3A_32] : memref<2x5x80xi32, #tpu.memory_space<vmem>> -> memref<1x1x80xi32, #tpu.memory_space<vmem>>
    %dma_start3A_34 = tpu.memref_squeeze %dma_start3A_33 : memref<1x1x80xi32, #tpu.memory_space<vmem>> -> memref<80xi32, #tpu.memory_space<vmem>>
    %dma_start3A_35 = tpu.memref_slice %arg4[%add3A_25] : memref<320000xi32, #tpu.memory_space<hbm>> -> memref<80xi32, #tpu.memory_space<hbm>>
    tpu.enqueue_dma source(%dma_start3A_35 : memref<80xi32, #tpu.memory_space<hbm>>) target(%dma_start3A_34 : memref<80xi32, #tpu.memory_space<vmem>>) target_semaphore(%arg15 : memref<!tpu.dma_semaphore, #tpu.memory_space<semaphore_mem>>)
    %mul3A_36 = arith.constant 20000 : i32
    %mul3A_37 = arith.muli %arg1, %mul3A_36 : i32
    %mul3A_38 = arith.constant 400 : i32
    %mul3A_39 = arith.muli %select_n3A_18, %mul3A_38 : i32
    %add3A_40 = arith.addi %mul3A_37, %mul3A_39 : i32
    %add3A_41 = arith.constant 80 : i32
    %add3A_42 = arith.addi %add3A_40, %add3A_41 : i32
    %dma_start3A_43 = arith.constant 0 : i32
    %dma_start3A_44 = arith.constant 1 : i32
    %dma_start3A_45 = arith.constant 0 : i32
    %dma_start3A_46 = tpu.memref_slice %arg9[%dma_start3A_43, %dma_start3A_44, %dma_start3A_45] : memref<2x5x80xi32, #tpu.memory_space<vmem>> -> memref<1x1x80xi32, #tpu.memory_space<vmem>>
    %dma_start3A_47 = tpu.memref_squeeze %dma_start3A_46 : memref<1x1x80xi32, #tpu.memory_space<vmem>> -> memref<80xi32, #tpu.memory_space<vmem>>
    %dma_start3A_48 = tpu.memref_slice %arg4[%add3A_42] : memref<320000xi32, #tpu.memory_space<hbm>> -> memref<80xi32, #tpu.memory_space<hbm>>
    %dma_start3A_49 = arith.constant 0 : i32
    %dma_start3A_50 = tpu.memref_slice %arg9[%dma_start3A_43, %dma_start3A_44, %dma_start3A_49] : memref<2x5x80xi32, #tpu.memory_space<vmem>> -> memref<1x1x80xi32, #tpu.memory_space<vmem>>
    %dma_start3A_51 = tpu.memref_squeeze %dma_start3A_50 : memref<1x1x80xi32, #tpu.memory_space<vmem>> -> memref<80xi32, #tpu.memory_space<vmem>>
    %dma_start3A_52 = tpu.memref_slice %arg4[%add3A_42] : memref<320000xi32, #tpu.memory_space<hbm>> -> memref<80xi32, #tpu.memory_space<hbm>>
    tpu.enqueue_dma source(%dma_start3A_52 : memref<80xi32, #tpu.memory_space<hbm>>) target(%dma_start3A_51 : memref<80xi32, #tpu.memory_space<vmem>>) target_semaphore(%arg15 : memref<!tpu.dma_semaphore, #tpu.memory_space<semaphore_mem>>)
    %mul3A_53 = arith.constant 20000 : i32
    %mul3A_54 = arith.muli %arg1, %mul3A_53 : i32
    %mul3A_55 = arith.constant 400 : i32
    %mul3A_56 = arith.muli %select_n3A_18, %mul3A_55 : i32
    %add3A_57 = arith.addi %mul3A_54, %mul3A_56 : i32
    %add3A_58 = arith.constant 160 : i32
    %add3A_59 = arith.addi %add3A_57, %add3A_58 : i32
    %dma_start3A_60 = arith.constant 0 : i32
    %dma_start3A_61 = arith.constant 2 : i32
    %dma_start3A_62 = arith.constant 0 : i32
    %dma_start3A_63 = tpu.memref_slice %arg9[%dma_start3A_60, %dma_start3A_61, %dma_start3A_62] : memref<2x5x80xi32, #tpu.memory_space<vmem>> -> memref<1x1x80xi32, #tpu.memory_space<vmem>>
    %dma_start3A_64 = tpu.memref_squeeze %dma_start3A_63 : memref<1x1x80xi32, #tpu.memory_space<vmem>> -> memref<80xi32, #tpu.memory_space<vmem>>
    %dma_start3A_65 = tpu.memref_slice %arg4[%add3A_59] : memref<320000xi32, #tpu.memory_space<hbm>> -> memref<80xi32, #tpu.memory_space<hbm>>
    %dma_start3A_66 = arith.constant 0 : i32
    %dma_start3A_67 = tpu.memref_slice %arg9[%dma_start3A_60, %dma_start3A_61, %dma_start3A_66] : memref<2x5x80xi32, #tpu.memory_space<vmem>> -> memref<1x1x80xi32, #tpu.memory_space<vmem>>
    %dma_start3A_68 = tpu.memref_squeeze %dma_start3A_67 : memref<1x1x80xi32, #tpu.memory_space<vmem>> -> memref<80xi32, #tpu.memory_space<vmem>>
    %dma_start3A_69 = tpu.memref_slice %arg4[%add3A_59] : memref<320000xi32, #tpu.memory_space<hbm>> -> memref<80xi32, #tpu.memory_space<hbm>>
    tpu.enqueue_dma source(%dma_start3A_69 : memref<80xi32, #tpu.memory_space<hbm>>) target(%dma_start3A_68 : memref<80xi32, #tpu.memory_space<vmem>>) target_semaphore(%arg15 : memref<!tpu.dma_semaphore, #tpu.memory_space<semaphore_mem>>)
    %mul3A_70 = arith.constant 20000 : i32
    %mul3A_71 = arith.muli %arg1, %mul3A_70 : i32
    %mul3A_72 = arith.constant 400 : i32
    %mul3A_73 = arith.muli %select_n3A_18, %mul3A_72 : i32
    %add3A_74 = arith.addi %mul3A_71, %mul3A_73 : i32
    %add3A_75 = arith.constant 240 : i32
    %add3A_76 = arith.addi %add3A_74, %add3A_75 : i32
    %dma_start3A_77 = arith.constant 0 : i32
    %dma_start3A_78 = arith.constant 3 : i32
    %dma_start3A_79 = arith.constant 0 : i32
    %dma_start3A_80 = tpu.memref_slice %arg9[%dma_start3A_77, %dma_start3A_78, %dma_start3A_79] : memref<2x5x80xi32, #tpu.memory_space<vmem>> -> memref<1x1x80xi32, #tpu.memory_space<vmem>>
    %dma_start3A_81 = tpu.memref_squeeze %dma_start3A_80 : memref<1x1x80xi32, #tpu.memory_space<vmem>> -> memref<80xi32, #tpu.memory_space<vmem>>
    %dma_start3A_82 = tpu.memref_slice %arg4[%add3A_76] : memref<320000xi32, #tpu.memory_space<hbm>> -> memref<80xi32, #tpu.memory_space<hbm>>
    %dma_start3A_83 = arith.constant 0 : i32
    %dma_start3A_84 = tpu.memref_slice %arg9[%dma_start3A_77, %dma_start3A_78, %dma_start3A_83] : memref<2x5x80xi32, #tpu.memory_space<vmem>> -> memref<1x1x80xi32, #tpu.memory_space<vmem>>
    %dma_start3A_85 = tpu.memref_squeeze %dma_start3A_84 : memref<1x1x80xi32, #tpu.memory_space<vmem>> -> memref<80xi32, #tpu.memory_space<vmem>>
    %dma_start3A_86 = tpu.memref_slice %arg4[%add3A_76] : memref<320000xi32, #tpu.memory_space<hbm>> -> memref<80xi32, #tpu.memory_space<hbm>>
    tpu.enqueue_dma source(%dma_start3A_86 : memref<80xi32, #tpu.memory_space<hbm>>) target(%dma_start3A_85 : memref<80xi32, #tpu.memory_space<vmem>>) target_semaphore(%arg15 : memref<!tpu.dma_semaphore, #tpu.memory_space<semaphore_mem>>)
    %mul3A_87 = arith.constant 20000 : i32
    %mul3A_88 = arith.muli %arg1, %mul3A_87 : i32
    %mul3A_89 = arith.constant 400 : i32
    %mul3A_90 = arith.muli %select_n3A_18, %mul3A_89 : i32
    %add3A_91 = arith.addi %mul3A_88, %mul3A_90 : i32
    %add3A_92 = arith.constant 320 : i32
    %add3A_93 = arith.addi %add3A_91, %add3A_92 : i32
    %dma_start3A_94 = arith.constant 0 : i32
    %dma_start3A_95 = arith.constant 4 : i32
    %dma_start3A_96 = arith.constant 0 : i32
    %dma_start3A_97 = tpu.memref_slice %arg9[%dma_start3A_94, %dma_start3A_95, %dma_start3A_96] : memref<2x5x80xi32, #tpu.memory_space<vmem>> -> memref<1x1x80xi32, #tpu.memory_space<vmem>>
    %dma_start3A_98 = tpu.memref_squeeze %dma_start3A_97 : memref<1x1x80xi32, #tpu.memory_space<vmem>> -> memref<80xi32, #tpu.memory_space<vmem>>
    %dma_start3A_99 = tpu.memref_slice %arg4[%add3A_93] : memref<320000xi32, #tpu.memory_space<hbm>> -> memref<80xi32, #tpu.memory_space<hbm>>
    %dma_start3A_100 = arith.constant 0 : i32
    %dma_start3A_101 = tpu.memref_slice %arg9[%dma_start3A_94, %dma_start3A_95, %dma_start3A_100] : memref<2x5x80xi32, #tpu.memory_space<vmem>> -> memref<1x1x80xi32, #tpu.memory_space<vmem>>
    %dma_start3A_102 = tpu.memref_squeeze %dma_start3A_101 : memref<1x1x80xi32, #tpu.memory_space<vmem>> -> memref<80xi32, #tpu.memory_space<vmem>>
    %dma_start3A_103 = tpu.memref_slice %arg4[%add3A_93] : memref<320000xi32, #tpu.memory_space<hbm>> -> memref<80xi32, #tpu.memory_space<hbm>>
    tpu.enqueue_dma source(%dma_start3A_103 : memref<80xi32, #tpu.memory_space<hbm>>) target(%dma_start3A_102 : memref<80xi32, #tpu.memory_space<vmem>>) target_semaphore(%arg15 : memref<!tpu.dma_semaphore, #tpu.memory_space<semaphore_mem>>)
    %jit3A_104 = arith.constant true
    %jit3A_105 = arith.constant 1 : i32
    %jit3A_106 = arith.constant 0 : i32
    %select_n3A_107 = arith.select %jit3A_104, %jit3A_105, %jit3A_106 : i32
    %mul3A_108 = arith.constant 20000 : i32
    %mul3A_109 = arith.muli %arg1, %mul3A_108 : i32
    %mul3A_110 = arith.constant 400 : i32
    %mul3A_111 = arith.muli %select_n3A_107, %mul3A_110 : i32
    %add3A_112 = arith.addi %mul3A_109, %mul3A_111 : i32
    %dma_start3A_113 = arith.constant 1 : i32
    %dma_start3A_114 = arith.constant 0 : i32
    %dma_start3A_115 = tpu.memref_slice %arg8[%dma_start3A_113, %dma_start3A_114] : memref<2x400xi32, #tpu.memory_space<vmem>> -> memref<1x400xi32, #tpu.memory_space<vmem>>
    %dma_start3A_116 = tpu.memref_squeeze %dma_start3A_115 : memref<1x400xi32, #tpu.memory_space<vmem>> -> memref<400xi32, #tpu.memory_space<vmem>>
    %dma_start3A_117 = tpu.memref_slice %arg3[%add3A_112] : memref<320000xi32, #tpu.memory_space<hbm>> -> memref<400xi32, #tpu.memory_space<hbm>>
    %dma_start3A_118 = arith.constant 0 : i32
    %dma_start3A_119 = tpu.memref_slice %arg8[%dma_start3A_113, %dma_start3A_118] : memref<2x400xi32, #tpu.memory_space<vmem>> -> memref<1x400xi32, #tpu.memory_space<vmem>>
    %dma_start3A_120 = tpu.memref_squeeze %dma_start3A_119 : memref<1x400xi32, #tpu.memory_space<vmem>> -> memref<400xi32, #tpu.memory_space<vmem>>
    %dma_start3A_121 = tpu.memref_slice %arg3[%add3A_112] : memref<320000xi32, #tpu.memory_space<hbm>> -> memref<400xi32, #tpu.memory_space<hbm>>
    tpu.enqueue_dma source(%dma_start3A_121 : memref<400xi32, #tpu.memory_space<hbm>>) target(%dma_start3A_120 : memref<400xi32, #tpu.memory_space<vmem>>) target_semaphore(%arg14 : memref<!tpu.dma_semaphore, #tpu.memory_space<semaphore_mem>>)
    %jit3A_122 = arith.constant true
    %jit3A_123 = arith.constant 1 : i32
    %jit3A_124 = arith.constant 0 : i32
    %select_n3A_125 = arith.select %jit3A_122, %jit3A_123, %jit3A_124 : i32
    %mul3A_126 = arith.constant 20000 : i32
    %mul3A_127 = arith.muli %arg1, %mul3A_126 : i32
    %mul3A_128 = arith.constant 400 : i32
    %mul3A_129 = arith.muli %select_n3A_125, %mul3A_128 : i32
    %add3A_130 = arith.addi %mul3A_127, %mul3A_129 : i32
    %add3A_131 = arith.constant 0 : i32
    %add3A_132 = arith.addi %add3A_130, %add3A_131 : i32
    %dma_start3A_133 = arith.constant 1 : i32
    %dma_start3A_134 = arith.constant 0 : i32
    %dma_start3A_135 = arith.constant 0 : i32
    %dma_start3A_136 = tpu.memref_slice %arg9[%dma_start3A_133, %dma_start3A_134, %dma_start3A_135] : memref<2x5x80xi32, #tpu.memory_space<vmem>> -> memref<1x1x80xi32, #tpu.memory_space<vmem>>
    %dma_start3A_137 = tpu.memref_squeeze %dma_start3A_136 : memref<1x1x80xi32, #tpu.memory_space<vmem>> -> memref<80xi32, #tpu.memory_space<vmem>>
    %dma_start3A_138 = tpu.memref_slice %arg4[%add3A_132] : memref<320000xi32, #tpu.memory_space<hbm>> -> memref<80xi32, #tpu.memory_space<hbm>>
    %dma_start3A_139 = arith.constant 0 : i32
    %dma_start3A_140 = tpu.memref_slice %arg9[%dma_start3A_133, %dma_start3A_134, %dma_start3A_139] : memref<2x5x80xi32, #tpu.memory_space<vmem>> -> memref<1x1x80xi32, #tpu.memory_space<vmem>>
    %dma_start3A_141 = tpu.memref_squeeze %dma_start3A_140 : memref<1x1x80xi32, #tpu.memory_space<vmem>> -> memref<80xi32, #tpu.memory_space<vmem>>
    %dma_start3A_142 = tpu.memref_slice %arg4[%add3A_132] : memref<320000xi32, #tpu.memory_space<hbm>> -> memref<80xi32, #tpu.memory_space<hbm>>
    tpu.enqueue_dma source(%dma_start3A_142 : memref<80xi32, #tpu.memory_space<hbm>>) target(%dma_start3A_141 : memref<80xi32, #tpu.memory_space<vmem>>) target_semaphore(%arg16 : memref<!tpu.dma_semaphore, #tpu.memory_space<semaphore_mem>>)
    %mul3A_143 = arith.constant 20000 : i32
    %mul3A_144 = arith.muli %arg1, %mul3A_143 : i32
    %mul3A_145 = arith.constant 400 : i32
    %mul3A_146 = arith.muli %select_n3A_125, %mul3A_145 : i32
    %add3A_147 = arith.addi %mul3A_144, %mul3A_146 : i32
    %add3A_148 = arith.constant 80 : i32
    %add3A_149 = arith.addi %add3A_147, %add3A_148 : i32
    %dma_start3A_150 = arith.constant 1 : i32
    %dma_start3A_151 = arith.constant 1 : i32
    %dma_start3A_152 = arith.constant 0 : i32
    %dma_start3A_153 = tpu.memref_slice %arg9[%dma_start3A_150, %dma_start3A_151, %dma_start3A_152] : memref<2x5x80xi32, #tpu.memory_space<vmem>> -> memref<1x1x80xi32, #tpu.memory_space<vmem>>
    %dma_start3A_154 = tpu.memref_squeeze %dma_start3A_153 : memref<1x1x80xi32, #tpu.memory_space<vmem>> -> memref<80xi32, #tpu.memory_space<vmem>>
    %dma_start3A_155 = tpu.memref_slice %arg4[%add3A_149] : memref<320000xi32, #tpu.memory_space<hbm>> -> memref<80xi32, #tpu.memory_space<hbm>>
    %dma_start3A_156 = arith.constant 0 : i32
    %dma_start3A_157 = tpu.memref_slice %arg9[%dma_start3A_150, %dma_start3A_151, %dma_start3A_156] : memref<2x5x80xi32, #tpu.memory_space<vmem>> -> memref<1x1x80xi32, #tpu.memory_space<vmem>>
    %dma_start3A_158 = tpu.memref_squeeze %dma_start3A_157 : memref<1x1x80xi32, #tpu.memory_space<vmem>> -> memref<80xi32, #tpu.memory_space<vmem>>
    %dma_start3A_159 = tpu.memref_slice %arg4[%add3A_149] : memref<320000xi32, #tpu.memory_space<hbm>> -> memref<80xi32, #tpu.memory_space<hbm>>
    tpu.enqueue_dma source(%dma_start3A_159 : memref<80xi32, #tpu.memory_space<hbm>>) target(%dma_start3A_158 : memref<80xi32, #tpu.memory_space<vmem>>) target_semaphore(%arg16 : memref<!tpu.dma_semaphore, #tpu.memory_space<semaphore_mem>>)
    %mul3A_160 = arith.constant 20000 : i32
    %mul3A_161 = arith.muli %arg1, %mul3A_160 : i32
    %mul3A_162 = arith.constant 400 : i32
    %mul3A_163 = arith.muli %select_n3A_125, %mul3A_162 : i32
    %add3A_164 = arith.addi %mul3A_161, %mul3A_163 : i32
    %add3A_165 = arith.constant 160 : i32
    %add3A_166 = arith.addi %add3A_164, %add3A_165 : i32
    %dma_start3A_167 = arith.constant 1 : i32
    %dma_start3A_168 = arith.constant 2 : i32
    %dma_start3A_169 = arith.constant 0 : i32
    %dma_start3A_170 = tpu.memref_slice %arg9[%dma_start3A_167, %dma_start3A_168, %dma_start3A_169] : memref<2x5x80xi32, #tpu.memory_space<vmem>> -> memref<1x1x80xi32, #tpu.memory_space<vmem>>
    %dma_start3A_171 = tpu.memref_squeeze %dma_start3A_170 : memref<1x1x80xi32, #tpu.memory_space<vmem>> -> memref<80xi32, #tpu.memory_space<vmem>>
    %dma_start3A_172 = tpu.memref_slice %arg4[%add3A_166] : memref<320000xi32, #tpu.memory_space<hbm>> -> memref<80xi32, #tpu.memory_space<hbm>>
    %dma_start3A_173 = arith.constant 0 : i32
    %dma_start3A_174 = tpu.memref_slice %arg9[%dma_start3A_167, %dma_start3A_168, %dma_start3A_173] : memref<2x5x80xi32, #tpu.memory_space<vmem>> -> memref<1x1x80xi32, #tpu.memory_space<vmem>>
    %dma_start3A_175 = tpu.memref_squeeze %dma_start3A_174 : memref<1x1x80xi32, #tpu.memory_space<vmem>> -> memref<80xi32, #tpu.memory_space<vmem>>
    %dma_start3A_176 = tpu.memref_slice %arg4[%add3A_166] : memref<320000xi32, #tpu.memory_space<hbm>> -> memref<80xi32, #tpu.memory_space<hbm>>
    tpu.enqueue_dma source(%dma_start3A_176 : memref<80xi32, #tpu.memory_space<hbm>>) target(%dma_start3A_175 : memref<80xi32, #tpu.memory_space<vmem>>) target_semaphore(%arg16 : memref<!tpu.dma_semaphore, #tpu.memory_space<semaphore_mem>>)
    %mul3A_177 = arith.constant 20000 : i32
    %mul3A_178 = arith.muli %arg1, %mul3A_177 : i32
    %mul3A_179 = arith.constant 400 : i32
    %mul3A_180 = arith.muli %select_n3A_125, %mul3A_179 : i32
    %add3A_181 = arith.addi %mul3A_178, %mul3A_180 : i32
    %add3A_182 = arith.constant 240 : i32
    %add3A_183 = arith.addi %add3A_181, %add3A_182 : i32
    %dma_start3A_184 = arith.constant 1 : i32
    %dma_start3A_185 = arith.constant 3 : i32
    %dma_start3A_186 = arith.constant 0 : i32
    %dma_start3A_187 = tpu.memref_slice %arg9[%dma_start3A_184, %dma_start3A_185, %dma_start3A_186] : memref<2x5x80xi32, #tpu.memory_space<vmem>> -> memref<1x1x80xi32, #tpu.memory_space<vmem>>
    %dma_start3A_188 = tpu.memref_squeeze %dma_start3A_187 : memref<1x1x80xi32, #tpu.memory_space<vmem>> -> memref<80xi32, #tpu.memory_space<vmem>>
    %dma_start3A_189 = tpu.memref_slice %arg4[%add3A_183] : memref<320000xi32, #tpu.memory_space<hbm>> -> memref<80xi32, #tpu.memory_space<hbm>>
    %dma_start3A_190 = arith.constant 0 : i32
    %dma_start3A_191 = tpu.memref_slice %arg9[%dma_start3A_184, %dma_start3A_185, %dma_start3A_190] : memref<2x5x80xi32, #tpu.memory_space<vmem>> -> memref<1x1x80xi32, #tpu.memory_space<vmem>>
    %dma_start3A_192 = tpu.memref_squeeze %dma_start3A_191 : memref<1x1x80xi32, #tpu.memory_space<vmem>> -> memref<80xi32, #tpu.memory_space<vmem>>
    %dma_start3A_193 = tpu.memref_slice %arg4[%add3A_183] : memref<320000xi32, #tpu.memory_space<hbm>> -> memref<80xi32, #tpu.memory_space<hbm>>
    tpu.enqueue_dma source(%dma_start3A_193 : memref<80xi32, #tpu.memory_space<hbm>>) target(%dma_start3A_192 : memref<80xi32, #tpu.memory_space<vmem>>) target_semaphore(%arg16 : memref<!tpu.dma_semaphore, #tpu.memory_space<semaphore_mem>>)
    %mul3A_194 = arith.constant 20000 : i32
    %mul3A_195 = arith.muli %arg1, %mul3A_194 : i32
    %mul3A_196 = arith.constant 400 : i32
    %mul3A_197 = arith.muli %select_n3A_125, %mul3A_196 : i32
    %add3A_198 = arith.addi %mul3A_195, %mul3A_197 : i32
    %add3A_199 = arith.constant 320 : i32
    %add3A_200 = arith.addi %add3A_198, %add3A_199 : i32
    %dma_start3A_201 = arith.constant 1 : i32
    %dma_start3A_202 = arith.constant 4 : i32
    %dma_start3A_203 = arith.constant 0 : i32
    %dma_start3A_204 = tpu.memref_slice %arg9[%dma_start3A_201, %dma_start3A_202, %dma_start3A_203] : memref<2x5x80xi32, #tpu.memory_space<vmem>> -> memref<1x1x80xi32, #tpu.memory_space<vmem>>
    %dma_start3A_205 = tpu.memref_squeeze %dma_start3A_204 : memref<1x1x80xi32, #tpu.memory_space<vmem>> -> memref<80xi32, #tpu.memory_space<vmem>>
    %dma_start3A_206 = tpu.memref_slice %arg4[%add3A_200] : memref<320000xi32, #tpu.memory_space<hbm>> -> memref<80xi32, #tpu.memory_space<hbm>>
    %dma_start3A_207 = arith.constant 0 : i32
    %dma_start3A_208 = tpu.memref_slice %arg9[%dma_start3A_201, %dma_start3A_202, %dma_start3A_207] : memref<2x5x80xi32, #tpu.memory_space<vmem>> -> memref<1x1x80xi32, #tpu.memory_space<vmem>>
    %dma_start3A_209 = tpu.memref_squeeze %dma_start3A_208 : memref<1x1x80xi32, #tpu.memory_space<vmem>> -> memref<80xi32, #tpu.memory_space<vmem>>
    %dma_start3A_210 = tpu.memref_slice %arg4[%add3A_200] : memref<320000xi32, #tpu.memory_space<hbm>> -> memref<80xi32, #tpu.memory_space<hbm>>
    tpu.enqueue_dma source(%dma_start3A_210 : memref<80xi32, #tpu.memory_space<hbm>>) target(%dma_start3A_209 : memref<80xi32, #tpu.memory_space<vmem>>) target_semaphore(%arg16 : memref<!tpu.dma_semaphore, #tpu.memory_space<semaphore_mem>>)
    %scan3A = arith.constant 0 : i32
    %scan3A_211 = arith.constant 0 : i32
    %scan3A_212 = arith.constant 400 : i32
    %scan3A_213 = arith.addi %scan3A_211, %scan3A_212 : i32
    %scan3A_214 = arith.constant 1 : i32
    scf.for %scan3A_391 = %scan3A_211 to %scan3A_213 step %scan3A_214  : i32 {
      %broadcast_in_dim3A = arith.constant 0.000000e+00 : f32
      %broadcast_in_dim3A_392 = vector.broadcast %broadcast_in_dim3A : f32 to vector<16xf32>
      %swap3A = arith.index_cast %scan3A_391 : i32 to index
      %swap3A_393 = arith.constant 0 : index
      %swap3A_394 = tpu.vector_load %arg6[%swap3A, %swap3A_393] {strides = array<i32>} : memref<400x64xf32, #tpu.memory_space<vmem>>, vector<1x16xf32>,
      %swap3A_395 = vector.shape_cast %swap3A_394 : vector<1x16xf32> to vector<16xf32>
      %swap3A_396 = vector.shape_cast %broadcast_in_dim3A_392 : vector<16xf32> to vector<1x16xf32>
      tpu.vector_store %arg6[%swap3A, %swap3A_393], %swap3A_396 {strides = array<i32>} : memref<400x64xf32, #tpu.memory_space<vmem>>, vector<1x16xf32>,
      %broadcast_in_dim3A_397 = arith.constant 0.000000e+00 : f32
      %broadcast_in_dim3A_398 = vector.broadcast %broadcast_in_dim3A_397 : f32 to vector<16xf32>
      %swap3A_399 = arith.index_cast %scan3A_391 : i32 to index
      %swap3A_400 = arith.constant 16 : index
      %swap3A_401 = tpu.vector_load %arg6[%swap3A_399, %swap3A_400] {strides = array<i32>} : memref<400x64xf32, #tpu.memory_space<vmem>>, vector<1x16xf32>,
      %swap3A_402 = vector.shape_cast %swap3A_401 : vector<1x16xf32> to vector<16xf32>
      %swap3A_403 = vector.shape_cast %broadcast_in_dim3A_398 : vector<16xf32> to vector<1x16xf32>
      tpu.vector_store %arg6[%swap3A_399, %swap3A_400], %swap3A_403 {strides = array<i32>} : memref<400x64xf32, #tpu.memory_space<vmem>>, vector<1x16xf32>,
      %broadcast_in_dim3A_404 = arith.constant 0.000000e+00 : f32
      %broadcast_in_dim3A_405 = vector.broadcast %broadcast_in_dim3A_404 : f32 to vector<16xf32>
      %swap3A_406 = arith.index_cast %scan3A_391 : i32 to index
      %swap3A_407 = arith.constant 32 : index
      %swap3A_408 = tpu.vector_load %arg6[%swap3A_406, %swap3A_407] {strides = array<i32>} : memref<400x64xf32, #tpu.memory_space<vmem>>, vector<1x16xf32>,
      %swap3A_409 = vector.shape_cast %swap3A_408 : vector<1x16xf32> to vector<16xf32>
      %swap3A_410 = vector.shape_cast %broadcast_in_dim3A_405 : vector<16xf32> to vector<1x16xf32>
      tpu.vector_store %arg6[%swap3A_406, %swap3A_407], %swap3A_410 {strides = array<i32>} : memref<400x64xf32, #tpu.memory_space<vmem>>, vector<1x16xf32>,
      %broadcast_in_dim3A_411 = arith.constant 0.000000e+00 : f32
      %broadcast_in_dim3A_412 = vector.broadcast %broadcast_in_dim3A_411 : f32 to vector<16xf32>
      %swap3A_413 = arith.index_cast %scan3A_391 : i32 to index
      %swap3A_414 = arith.constant 48 : index
      %swap3A_415 = tpu.vector_load %arg6[%swap3A_413, %swap3A_414] {strides = array<i32>} : memref<400x64xf32, #tpu.memory_space<vmem>>, vector<1x16xf32>,
      %swap3A_416 = vector.shape_cast %swap3A_415 : vector<1x16xf32> to vector<16xf32>
      %swap3A_417 = vector.shape_cast %broadcast_in_dim3A_412 : vector<16xf32> to vector<1x16xf32>
      tpu.vector_store %arg6[%swap3A_413, %swap3A_414], %swap3A_417 {strides = array<i32>} : memref<400x64xf32, #tpu.memory_space<vmem>>, vector<1x16xf32>,
    }
    %scan3A_215 = arith.constant 400 : i32
    "tpu.region"() ({
      %run_scoped3A = tpu.sem_alloc : memref<!tpu.dma_semaphore, #tpu.memory_space<semaphore_mem>>
      %dma_start3A_391 = arith.constant 0 : i32
      %dma_start3A_392 = tpu.memref_slice %arg10[%mul3A_0, %dma_start3A_391] : memref<10240x64xf32, #tpu.memory_space<vmem_shared>> -> memref<400x64xf32, #tpu.memory_space<vmem_shared>>
      %dma_start3A_393 = arith.constant 0 : i32
      %dma_start3A_394 = tpu.memref_slice %arg10[%mul3A_0, %dma_start3A_393] : memref<10240x64xf32, #tpu.memory_space<vmem_shared>> -> memref<400x64xf32, #tpu.memory_space<vmem_shared>>
      tpu.enqueue_dma source(%arg6 : memref<400x64xf32, #tpu.memory_space<vmem>>) target(%dma_start3A_394 : memref<400x64xf32, #tpu.memory_space<vmem_shared>>) target_semaphore(%run_scoped3A : memref<!tpu.dma_semaphore, #tpu.memory_space<semaphore_mem>>)
      %dma_wait3A_395 = arith.constant 0 : i32
      %dma_wait3A_396 = tpu.memref_slice %arg10[%mul3A_0, %dma_wait3A_395] : memref<10240x64xf32, #tpu.memory_space<vmem_shared>> -> memref<400x64xf32, #tpu.memory_space<vmem_shared>>
      %dma_wait3A_397 = arith.constant 0 : i32
      %dma_wait3A_398 = tpu.memref_slice %arg10[%mul3A_0, %dma_wait3A_397] : memref<10240x64xf32, #tpu.memory_space<vmem_shared>> -> memref<400x64xf32, #tpu.memory_space<vmem_shared>>
      tpu.wait_dma2 semaphore(%run_scoped3A : memref<!tpu.dma_semaphore, #tpu.memory_space<semaphore_mem>>) src(%arg6 : memref<400x64xf32, #tpu.memory_space<vmem>>) dst(%dma_wait3A_398 : memref<400x64xf32, #tpu.memory_space<vmem_shared>>)
      tpu.yield
    }) : () -> ()
    %add3A_216 = arith.constant 400 : i32
    %add3A_217 = arith.addi %mul3A_0, %add3A_216 : i32
    "tpu.region"() ({
      %run_scoped3A = tpu.sem_alloc : memref<!tpu.dma_semaphore, #tpu.memory_space<semaphore_mem>>
      %dma_start3A_391 = arith.constant 0 : i32
      %dma_start3A_392 = arith.constant 0 : i32
      %dma_start3A_393 = tpu.memref_slice %arg6[%dma_start3A_391, %dma_start3A_392] : memref<400x64xf32, #tpu.memory_space<vmem>> -> memref<240x64xf32, #tpu.memory_space<vmem>>
      %dma_start3A_394 = arith.constant 0 : i32
      %dma_start3A_395 = tpu.memref_slice %arg10[%add3A_217, %dma_start3A_394] : memref<10240x64xf32, #tpu.memory_space<vmem_shared>> -> memref<240x64xf32, #tpu.memory_space<vmem_shared>>
      %dma_start3A_396 = arith.constant 0 : i32
      %dma_start3A_397 = tpu.memref_slice %arg10[%add3A_217, %dma_start3A_396] : memref<10240x64xf32, #tpu.memory_space<vmem_shared>> -> memref<240x64xf32, #tpu.memory_space<vmem_shared>>
      %dma_start3A_398 = arith.constant 0 : i32
      %dma_start3A_399 = arith.constant 0 : i32
      %dma_start3A_400 = tpu.memref_slice %arg6[%dma_start3A_398, %dma_start3A_399] : memref<400x64xf32, #tpu.memory_space<vmem>> -> memref<240x64xf32, #tpu.memory_space<vmem>>
      tpu.enqueue_dma source(%dma_start3A_400 : memref<240x64xf32, #tpu.memory_space<vmem>>) target(%dma_start3A_397 : memref<240x64xf32, #tpu.memory_space<vmem_shared>>) target_semaphore(%run_scoped3A : memref<!tpu.dma_semaphore, #tpu.memory_space<semaphore_mem>>)
      %dma_wait3A_401 = arith.constant 0 : i32
      %dma_wait3A_402 = arith.constant 0 : i32
      %dma_wait3A_403 = tpu.memref_slice %arg6[%dma_wait3A_401, %dma_wait3A_402] : memref<400x64xf32, #tpu.memory_space<vmem>> -> memref<240x64xf32, #tpu.memory_space<vmem>>
      %dma_wait3A_404 = arith.constant 0 : i32
      %dma_wait3A_405 = tpu.memref_slice %arg10[%add3A_217, %dma_wait3A_404] : memref<10240x64xf32, #tpu.memory_space<vmem_shared>> -> memref<240x64xf32, #tpu.memory_space<vmem_shared>>
      %dma_wait3A_406 = arith.constant 0 : i32
      %dma_wait3A_407 = tpu.memref_slice %arg10[%add3A_217, %dma_wait3A_406] : memref<10240x64xf32, #tpu.memory_space<vmem_shared>> -> memref<240x64xf32, #tpu.memory_space<vmem_shared>>
      %dma_wait3A_408 = arith.constant 0 : i32
      %dma_wait3A_409 = arith.constant 0 : i32
      %dma_wait3A_410 = tpu.memref_slice %arg6[%dma_wait3A_408, %dma_wait3A_409] : memref<400x64xf32, #tpu.memory_space<vmem>> -> memref<240x64xf32, #tpu.memory_space<vmem>>
      tpu.wait_dma2 semaphore(%run_scoped3A : memref<!tpu.dma_semaphore, #tpu.memory_space<semaphore_mem>>) src(%dma_wait3A_410 : memref<240x64xf32, #tpu.memory_space<vmem>>) dst(%dma_wait3A_407 : memref<240x64xf32, #tpu.memory_space<vmem_shared>>)
      tpu.yield
    }) : () -> ()
    %barrier3A = arith.constant 0 : index
    tpu.barrier barrier_id(%barrier3A)
    %dma_wait3A = arith.constant 0 : i32
    %dma_wait3A_218 = arith.constant 0 : i32
    %dma_wait3A_219 = tpu.memref_slice %arg8[%dma_wait3A, %dma_wait3A_218] : memref<2x400xi32, #tpu.memory_space<vmem>> -> memref<1x400xi32, #tpu.memory_space<vmem>>
    %dma_wait3A_220 = tpu.memref_squeeze %dma_wait3A_219 : memref<1x400xi32, #tpu.memory_space<vmem>> -> memref<400xi32, #tpu.memory_space<vmem>>
    %dma_wait3A_221 = arith.constant 0 : i32
    %dma_wait3A_222 = tpu.memref_slice %arg3[%dma_wait3A_221] : memref<320000xi32, #tpu.memory_space<hbm>> -> memref<400xi32, #tpu.memory_space<hbm>>
    %dma_wait3A_223 = arith.constant 0 : i32
    %dma_wait3A_224 = tpu.memref_slice %arg8[%dma_wait3A, %dma_wait3A_223] : memref<2x400xi32, #tpu.memory_space<vmem>> -> memref<1x400xi32, #tpu.memory_space<vmem>>
    %dma_wait3A_225 = tpu.memref_squeeze %dma_wait3A_224 : memref<1x400xi32, #tpu.memory_space<vmem>> -> memref<400xi32, #tpu.memory_space<vmem>>
    %dma_wait3A_226 = arith.constant 0 : i32
    %dma_wait3A_227 = tpu.memref_slice %arg3[%dma_wait3A_226] : memref<320000xi32, #tpu.memory_space<hbm>> -> memref<400xi32, #tpu.memory_space<hbm>>
    tpu.wait_dma2 semaphore(%arg13 : memref<!tpu.dma_semaphore, #tpu.memory_space<semaphore_mem>>) src(%dma_wait3A_227 : memref<400xi32, #tpu.memory_space<hbm>>) dst(%dma_wait3A_225 : memref<400xi32, #tpu.memory_space<vmem>>)
    %dma_start3A_228 = arith.constant 0 : i32
    %dma_start3A_229 = arith.constant 0 : i32
    %dma_start3A_230 = tpu.memref_slice %arg8[%dma_start3A_228, %dma_start3A_229] : memref<2x400xi32, #tpu.memory_space<vmem>> -> memref<1x400xi32, #tpu.memory_space<vmem>>
    %dma_start3A_231 = tpu.memref_squeeze %dma_start3A_230 : memref<1x400xi32, #tpu.memory_space<vmem>> -> memref<400xi32, #tpu.memory_space<vmem>>
    %dma_start3A_232 = arith.constant 0 : i32
    %dma_start3A_233 = arith.constant 0 : i32
    %dma_start3A_234 = tpu.memref_slice %arg2[%arg0, %dma_start3A_232, %dma_start3A_233] : memref<2x10000x64xf32, #tpu.memory_space<hbm>> -> memref<1x10000x64xf32, #tpu.memory_space<hbm>>
    %dma_start3A_235 = tpu.memref_squeeze %dma_start3A_234 : memref<1x10000x64xf32, #tpu.memory_space<hbm>> -> memref<10000x64xf32, #tpu.memory_space<hbm>>
    %dma_start3A_236 = arith.constant 0 : i32
    %dma_start3A_237 = arith.constant 0 : i32
    %dma_start3A_238 = tpu.memref_slice %dma_start3A_235[%dma_start3A_236, %dma_start3A_237] : memref<10000x64xf32, #tpu.memory_space<hbm>> -> memref<10000x64xf32, #tpu.memory_space<hbm>>
    tpu.enqueue_indirect_dma source(%dma_start3A_238 : memref<10000x64xf32, #tpu.memory_space<hbm>>) target(%arg6 : memref<400x64xf32, #tpu.memory_space<vmem>>) offsets(%dma_start3A_231 : memref<400xi32, #tpu.memory_space<vmem>>) semaphore(%arg11 : memref<!tpu.dma_semaphore, #tpu.memory_space<semaphore_mem>>)
    %scan3A_239 = arith.constant 0 : i32
    %scan3A_240 = arith.constant 0 : i32
    %scan3A_241 = arith.constant 25 : i32
    %scan3A_242 = arith.addi %scan3A_240, %scan3A_241 : i32
    %scan3A_243 = arith.constant 1 : i32
    scf.for %scan3A_391 = %scan3A_240 to %scan3A_242 step %scan3A_243  : i32 {
      %mul3A_392 = arith.constant 2 : i32
      %mul3A_393 = arith.muli %mul3A_392, %scan3A_391 : i32
      %dma_wait3A_394 = arith.constant 1 : i32
      %dma_wait3A_395 = arith.constant 0 : i32
      %dma_wait3A_396 = tpu.memref_slice %arg8[%dma_wait3A_394, %dma_wait3A_395] : memref<2x400xi32, #tpu.memory_space<vmem>> -> memref<1x400xi32, #tpu.memory_space<vmem>>
      %dma_wait3A_397 = tpu.memref_squeeze %dma_wait3A_396 : memref<1x400xi32, #tpu.memory_space<vmem>> -> memref<400xi32, #tpu.memory_space<vmem>>
      %dma_wait3A_398 = arith.constant 0 : i32
      %dma_wait3A_399 = tpu.memref_slice %arg3[%dma_wait3A_398] : memref<320000xi32, #tpu.memory_space<hbm>> -> memref<400xi32, #tpu.memory_space<hbm>>
      %dma_wait3A_400 = arith.constant 0 : i32
      %dma_wait3A_401 = tpu.memref_slice %arg8[%dma_wait3A_394, %dma_wait3A_400] : memref<2x400xi32, #tpu.memory_space<vmem>> -> memref<1x400xi32, #tpu.memory_space<vmem>>
      %dma_wait3A_402 = tpu.memref_squeeze %dma_wait3A_401 : memref<1x400xi32, #tpu.memory_space<vmem>> -> memref<400xi32, #tpu.memory_space<vmem>>
      %dma_wait3A_403 = arith.constant 0 : i32
      %dma_wait3A_404 = tpu.memref_slice %arg3[%dma_wait3A_403] : memref<320000xi32, #tpu.memory_space<hbm>> -> memref<400xi32, #tpu.memory_space<hbm>>
      tpu.wait_dma2 semaphore(%arg14 : memref<!tpu.dma_semaphore, #tpu.memory_space<semaphore_mem>>) src(%dma_wait3A_404 : memref<400xi32, #tpu.memory_space<hbm>>) dst(%dma_wait3A_402 : memref<400xi32, #tpu.memory_space<vmem>>)
      %dma_start3A_405 = arith.constant 1 : i32
      %dma_start3A_406 = arith.constant 0 : i32
      %dma_start3A_407 = tpu.memref_slice %arg8[%dma_start3A_405, %dma_start3A_406] : memref<2x400xi32, #tpu.memory_space<vmem>> -> memref<1x400xi32, #tpu.memory_space<vmem>>
      %dma_start3A_408 = tpu.memref_squeeze %dma_start3A_407 : memref<1x400xi32, #tpu.memory_space<vmem>> -> memref<400xi32, #tpu.memory_space<vmem>>
      %dma_start3A_409 = arith.constant 0 : i32
      %dma_start3A_410 = arith.constant 0 : i32
      %dma_start3A_411 = tpu.memref_slice %arg2[%arg0, %dma_start3A_409, %dma_start3A_410] : memref<2x10000x64xf32, #tpu.memory_space<hbm>> -> memref<1x10000x64xf32, #tpu.memory_space<hbm>>
      %dma_start3A_412 = tpu.memref_squeeze %dma_start3A_411 : memref<1x10000x64xf32, #tpu.memory_space<hbm>> -> memref<10000x64xf32, #tpu.memory_space<hbm>>
      %dma_start3A_413 = arith.constant 0 : i32
      %dma_start3A_414 = arith.constant 0 : i32
      %dma_start3A_415 = tpu.memref_slice %dma_start3A_412[%dma_start3A_413, %dma_start3A_414] : memref<10000x64xf32, #tpu.memory_space<hbm>> -> memref<10000x64xf32, #tpu.memory_space<hbm>>
      tpu.enqueue_indirect_dma source(%dma_start3A_415 : memref<10000x64xf32, #tpu.memory_space<hbm>>) target(%arg7 : memref<400x64xf32, #tpu.memory_space<vmem>>) offsets(%dma_start3A_408 : memref<400xi32, #tpu.memory_space<vmem>>) semaphore(%arg12 : memref<!tpu.dma_semaphore, #tpu.memory_space<semaphore_mem>>)
      %dma_wait3A_416 = arith.constant 0 : i32
      %dma_wait3A_417 = arith.constant 0 : i32
      %dma_wait3A_418 = tpu.memref_slice %arg2[%arg0, %dma_wait3A_416, %dma_wait3A_417] : memref<2x10000x64xf32, #tpu.memory_space<hbm>> -> memref<1x10000x64xf32, #tpu.memory_space<hbm>>
      %dma_wait3A_419 = tpu.memref_squeeze %dma_wait3A_418 : memref<1x10000x64xf32, #tpu.memory_space<hbm>> -> memref<10000x64xf32, #tpu.memory_space<hbm>>
      %dma_wait3A_420 = arith.constant 0 : i32
      %dma_wait3A_421 = arith.constant 0 : i32
      %dma_wait3A_422 = tpu.memref_slice %dma_wait3A_419[%dma_wait3A_420, %dma_wait3A_421] : memref<10000x64xf32, #tpu.memory_space<hbm>> -> memref<400x64xf32, #tpu.memory_space<hbm>>
      %dma_wait3A_423 = arith.constant 0 : i32
      %dma_wait3A_424 = arith.constant 0 : i32
      %dma_wait3A_425 = tpu.memref_slice %arg2[%arg0, %dma_wait3A_423, %dma_wait3A_424] : memref<2x10000x64xf32, #tpu.memory_space<hbm>> -> memref<1x10000x64xf32, #tpu.memory_space<hbm>>
      %dma_wait3A_426 = tpu.memref_squeeze %dma_wait3A_425 : memref<1x10000x64xf32, #tpu.memory_space<hbm>> -> memref<10000x64xf32, #tpu.memory_space<hbm>>
      %dma_wait3A_427 = arith.constant 0 : i32
      %dma_wait3A_428 = arith.constant 0 : i32
      %dma_wait3A_429 = tpu.memref_slice %dma_wait3A_426[%dma_wait3A_427, %dma_wait3A_428] : memref<10000x64xf32, #tpu.memory_space<hbm>> -> memref<400x64xf32, #tpu.memory_space<hbm>>
      tpu.wait_dma2 semaphore(%arg11 : memref<!tpu.dma_semaphore, #tpu.memory_space<semaphore_mem>>) src(%dma_wait3A_429 : memref<400x64xf32, #tpu.memory_space<hbm>>) dst(%arg6 : memref<400x64xf32, #tpu.memory_space<vmem>>)
      %add3A_430 = arith.constant 2 : i32
      %add3A_431 = arith.addi %mul3A_393, %add3A_430 : i32
      %lt3A = arith.constant 50 : i32
      %lt3A_432 = arith.cmpi slt, %add3A_431, %lt3A : i32
      %jit3A_433 = arith.constant 0 : i32
      %select_n3A_434 = arith.select %lt3A_432, %add3A_431, %jit3A_433 : i32
      %mul3A_435 = arith.constant 20000 : i32
      %mul3A_436 = arith.muli %arg1, %mul3A_435 : i32
      %mul3A_437 = arith.constant 400 : i32
      %mul3A_438 = arith.muli %select_n3A_434, %mul3A_437 : i32
      %add3A_439 = arith.addi %mul3A_436, %mul3A_438 : i32
      %dma_start3A_440 = arith.constant 0 : i32
      %dma_start3A_441 = arith.constant 0 : i32
      %dma_start3A_442 = tpu.memref_slice %arg8[%dma_start3A_440, %dma_start3A_441] : memref<2x400xi32, #tpu.memory_space<vmem>> -> memref<1x400xi32, #tpu.memory_space<vmem>>
      %dma_start3A_443 = tpu.memref_squeeze %dma_start3A_442 : memref<1x400xi32, #tpu.memory_space<vmem>> -> memref<400xi32, #tpu.memory_space<vmem>>
      %dma_start3A_444 = tpu.memref_slice %arg3[%add3A_439] : memref<320000xi32, #tpu.memory_space<hbm>> -> memref<400xi32, #tpu.memory_space<hbm>>
      %dma_start3A_445 = arith.constant 0 : i32
      %dma_start3A_446 = tpu.memref_slice %arg8[%dma_start3A_440, %dma_start3A_445] : memref<2x400xi32, #tpu.memory_space<vmem>> -> memref<1x400xi32, #tpu.memory_space<vmem>>
      %dma_start3A_447 = tpu.memref_squeeze %dma_start3A_446 : memref<1x400xi32, #tpu.memory_space<vmem>> -> memref<400xi32, #tpu.memory_space<vmem>>
      %dma_start3A_448 = tpu.memref_slice %arg3[%add3A_439] : memref<320000xi32, #tpu.memory_space<hbm>> -> memref<400xi32, #tpu.memory_space<hbm>>
      tpu.enqueue_dma source(%dma_start3A_448 : memref<400xi32, #tpu.memory_space<hbm>>) target(%dma_start3A_447 : memref<400xi32, #tpu.memory_space<vmem>>) target_semaphore(%arg13 : memref<!tpu.dma_semaphore, #tpu.memory_space<semaphore_mem>>)
      %dma_wait3A_449 = arith.constant 0 : i32
      %dma_wait3A_450 = arith.constant 0 : i32
      %dma_wait3A_451 = arith.constant 0 : i32
      %dma_wait3A_452 = tpu.memref_slice %arg9[%dma_wait3A_449, %dma_wait3A_450, %dma_wait3A_451] : memref<2x5x80xi32, #tpu.memory_space<vmem>> -> memref<1x1x80xi32, #tpu.memory_space<vmem>>
      %dma_wait3A_453 = tpu.memref_squeeze %dma_wait3A_452 : memref<1x1x80xi32, #tpu.memory_space<vmem>> -> memref<80xi32, #tpu.memory_space<vmem>>
      %dma_wait3A_454 = arith.constant 0 : i32
      %dma_wait3A_455 = tpu.memref_slice %arg4[%dma_wait3A_454] : memref<320000xi32, #tpu.memory_space<hbm>> -> memref<80xi32, #tpu.memory_space<hbm>>
      %dma_wait3A_456 = arith.constant 0 : i32
      %dma_wait3A_457 = tpu.memref_slice %arg9[%dma_wait3A_449, %dma_wait3A_450, %dma_wait3A_456] : memref<2x5x80xi32, #tpu.memory_space<vmem>> -> memref<1x1x80xi32, #tpu.memory_space<vmem>>
      %dma_wait3A_458 = tpu.memref_squeeze %dma_wait3A_457 : memref<1x1x80xi32, #tpu.memory_space<vmem>> -> memref<80xi32, #tpu.memory_space<vmem>>
      %dma_wait3A_459 = arith.constant 0 : i32
      %dma_wait3A_460 = tpu.memref_slice %arg4[%dma_wait3A_459] : memref<320000xi32, #tpu.memory_space<hbm>> -> memref<80xi32, #tpu.memory_space<hbm>>
      tpu.wait_dma2 semaphore(%arg15 : memref<!tpu.dma_semaphore, #tpu.memory_space<semaphore_mem>>) src(%dma_wait3A_460 : memref<80xi32, #tpu.memory_space<hbm>>) dst(%dma_wait3A_458 : memref<80xi32, #tpu.memory_space<vmem>>)
      %dma_wait3A_461 = arith.constant 0 : i32
      %dma_wait3A_462 = arith.constant 1 : i32
      %dma_wait3A_463 = arith.constant 0 : i32
      %dma_wait3A_464 = tpu.memref_slice %arg9[%dma_wait3A_461, %dma_wait3A_462, %dma_wait3A_463] : memref<2x5x80xi32, #tpu.memory_space<vmem>> -> memref<1x1x80xi32, #tpu.memory_space<vmem>>
      %dma_wait3A_465 = tpu.memref_squeeze %dma_wait3A_464 : memref<1x1x80xi32, #tpu.memory_space<vmem>> -> memref<80xi32, #tpu.memory_space<vmem>>
      %dma_wait3A_466 = arith.constant 0 : i32
      %dma_wait3A_467 = tpu.memref_slice %arg4[%dma_wait3A_466] : memref<320000xi32, #tpu.memory_space<hbm>> -> memref<80xi32, #tpu.memory_space<hbm>>
      %dma_wait3A_468 = arith.constant 0 : i32
      %dma_wait3A_469 = tpu.memref_slice %arg9[%dma_wait3A_461, %dma_wait3A_462, %dma_wait3A_468] : memref<2x5x80xi32, #tpu.memory_space<vmem>> -> memref<1x1x80xi32, #tpu.memory_space<vmem>>
      %dma_wait3A_470 = tpu.memref_squeeze %dma_wait3A_469 : memref<1x1x80xi32, #tpu.memory_space<vmem>> -> memref<80xi32, #tpu.memory_space<vmem>>
      %dma_wait3A_471 = arith.constant 0 : i32
      %dma_wait3A_472 = tpu.memref_slice %arg4[%dma_wait3A_471] : memref<320000xi32, #tpu.memory_space<hbm>> -> memref<80xi32, #tpu.memory_space<hbm>>
      tpu.wait_dma2 semaphore(%arg15 : memref<!tpu.dma_semaphore, #tpu.memory_space<semaphore_mem>>) src(%dma_wait3A_472 : memref<80xi32, #tpu.memory_space<hbm>>) dst(%dma_wait3A_470 : memref<80xi32, #tpu.memory_space<vmem>>)
      %dma_wait3A_473 = arith.constant 0 : i32
      %dma_wait3A_474 = arith.constant 2 : i32
      %dma_wait3A_475 = arith.constant 0 : i32
      %dma_wait3A_476 = tpu.memref_slice %arg9[%dma_wait3A_473, %dma_wait3A_474, %dma_wait3A_475] : memref<2x5x80xi32, #tpu.memory_space<vmem>> -> memref<1x1x80xi32, #tpu.memory_space<vmem>>
      %dma_wait3A_477 = tpu.memref_squeeze %dma_wait3A_476 : memref<1x1x80xi32, #tpu.memory_space<vmem>> -> memref<80xi32, #tpu.memory_space<vmem>>
      %dma_wait3A_478 = arith.constant 0 : i32
      %dma_wait3A_479 = tpu.memref_slice %arg4[%dma_wait3A_478] : memref<320000xi32, #tpu.memory_space<hbm>> -> memref<80xi32, #tpu.memory_space<hbm>>
      %dma_wait3A_480 = arith.constant 0 : i32
      %dma_wait3A_481 = tpu.memref_slice %arg9[%dma_wait3A_473, %dma_wait3A_474, %dma_wait3A_480] : memref<2x5x80xi32, #tpu.memory_space<vmem>> -> memref<1x1x80xi32, #tpu.memory_space<vmem>>
      %dma_wait3A_482 = tpu.memref_squeeze %dma_wait3A_481 : memref<1x1x80xi32, #tpu.memory_space<vmem>> -> memref<80xi32, #tpu.memory_space<vmem>>
      %dma_wait3A_483 = arith.constant 0 : i32
      %dma_wait3A_484 = tpu.memref_slice %arg4[%dma_wait3A_483] : memref<320000xi32, #tpu.memory_space<hbm>> -> memref<80xi32, #tpu.memory_space<hbm>>
      tpu.wait_dma2 semaphore(%arg15 : memref<!tpu.dma_semaphore, #tpu.memory_space<semaphore_mem>>) src(%dma_wait3A_484 : memref<80xi32, #tpu.memory_space<hbm>>) dst(%dma_wait3A_482 : memref<80xi32, #tpu.memory_space<vmem>>)
      %dma_wait3A_485 = arith.constant 0 : i32
      %dma_wait3A_486 = arith.constant 3 : i32
      %dma_wait3A_487 = arith.constant 0 : i32
      %dma_wait3A_488 = tpu.memref_slice %arg9[%dma_wait3A_485, %dma_wait3A_486, %dma_wait3A_487] : memref<2x5x80xi32, #tpu.memory_space<vmem>> -> memref<1x1x80xi32, #tpu.memory_space<vmem>>
      %dma_wait3A_489 = tpu.memref_squeeze %dma_wait3A_488 : memref<1x1x80xi32, #tpu.memory_space<vmem>> -> memref<80xi32, #tpu.memory_space<vmem>>
      %dma_wait3A_490 = arith.constant 0 : i32
      %dma_wait3A_491 = tpu.memref_slice %arg4[%dma_wait3A_490] : memref<320000xi32, #tpu.memory_space<hbm>> -> memref<80xi32, #tpu.memory_space<hbm>>
      %dma_wait3A_492 = arith.constant 0 : i32
      %dma_wait3A_493 = tpu.memref_slice %arg9[%dma_wait3A_485, %dma_wait3A_486, %dma_wait3A_492] : memref<2x5x80xi32, #tpu.memory_space<vmem>> -> memref<1x1x80xi32, #tpu.memory_space<vmem>>
      %dma_wait3A_494 = tpu.memref_squeeze %dma_wait3A_493 : memref<1x1x80xi32, #tpu.memory_space<vmem>> -> memref<80xi32, #tpu.memory_space<vmem>>
      %dma_wait3A_495 = arith.constant 0 : i32
      %dma_wait3A_496 = tpu.memref_slice %arg4[%dma_wait3A_495] : memref<320000xi32, #tpu.memory_space<hbm>> -> memref<80xi32, #tpu.memory_space<hbm>>
      tpu.wait_dma2 semaphore(%arg15 : memref<!tpu.dma_semaphore, #tpu.memory_space<semaphore_mem>>) src(%dma_wait3A_496 : memref<80xi32, #tpu.memory_space<hbm>>) dst(%dma_wait3A_494 : memref<80xi32, #tpu.memory_space<vmem>>)
      %dma_wait3A_497 = arith.constant 0 : i32
      %dma_wait3A_498 = arith.constant 4 : i32
      %dma_wait3A_499 = arith.constant 0 : i32
      %dma_wait3A_500 = tpu.memref_slice %arg9[%dma_wait3A_497, %dma_wait3A_498, %dma_wait3A_499] : memref<2x5x80xi32, #tpu.memory_space<vmem>> -> memref<1x1x80xi32, #tpu.memory_space<vmem>>
      %dma_wait3A_501 = tpu.memref_squeeze %dma_wait3A_500 : memref<1x1x80xi32, #tpu.memory_space<vmem>> -> memref<80xi32, #tpu.memory_space<vmem>>
      %dma_wait3A_502 = arith.constant 0 : i32
      %dma_wait3A_503 = tpu.memref_slice %arg4[%dma_wait3A_502] : memref<320000xi32, #tpu.memory_space<hbm>> -> memref<80xi32, #tpu.memory_space<hbm>>
      %dma_wait3A_504 = arith.constant 0 : i32
      %dma_wait3A_505 = tpu.memref_slice %arg9[%dma_wait3A_497, %dma_wait3A_498, %dma_wait3A_504] : memref<2x5x80xi32, #tpu.memory_space<vmem>> -> memref<1x1x80xi32, #tpu.memory_space<vmem>>
      %dma_wait3A_506 = tpu.memref_squeeze %dma_wait3A_505 : memref<1x1x80xi32, #tpu.memory_space<vmem>> -> memref<80xi32, #tpu.memory_space<vmem>>
      %dma_wait3A_507 = arith.constant 0 : i32
      %dma_wait3A_508 = tpu.memref_slice %arg4[%dma_wait3A_507] : memref<320000xi32, #tpu.memory_space<hbm>> -> memref<80xi32, #tpu.memory_space<hbm>>
      tpu.wait_dma2 semaphore(%arg15 : memref<!tpu.dma_semaphore, #tpu.memory_space<semaphore_mem>>) src(%dma_wait3A_508 : memref<80xi32, #tpu.memory_space<hbm>>) dst(%dma_wait3A_506 : memref<80xi32, #tpu.memory_space<vmem>>)
      %run_scoped3A = arith.constant 0 : i32
      %run_scoped3A_509 = arith.constant 0 : i32
      "tpu.region"() ({
        %run_scoped3A_826 = tpu.sem_alloc : memref<!tpu.dma_semaphore, #tpu.memory_space<semaphore_mem>>
        %dma_start3A_827 = arith.constant 0 : i32
        %dma_start3A_828 = arith.constant 0 : i32
        %dma_start3A_829 = tpu.memref_slice %arg6[%dma_start3A_827, %dma_start3A_828] : memref<400x64xf32, #tpu.memory_space<vmem>> -> memref<80x64xf32, #tpu.memory_space<vmem>>
        %dma_start3A_830 = arith.constant 0 : i32
        %dma_start3A_831 = tpu.memref_slice %arg9[%run_scoped3A, %run_scoped3A_509, %dma_start3A_830] : memref<2x5x80xi32, #tpu.memory_space<vmem>> -> memref<1x1x80xi32, #tpu.memory_space<vmem>>
        %dma_start3A_832 = tpu.memref_squeeze %dma_start3A_831 : memref<1x1x80xi32, #tpu.memory_space<vmem>> -> memref<80xi32, #tpu.memory_space<vmem>>
        %dma_start3A_833 = arith.constant 0 : i32
        %dma_start3A_834 = arith.constant 0 : i32
        %dma_start3A_835 = tpu.memref_slice %arg10[%dma_start3A_833, %dma_start3A_834] : memref<10240x64xf32, #tpu.memory_space<vmem_shared>> -> memref<10240x64xf32, #tpu.memory_space<vmem_shared>>
        tpu.enqueue_indirect_dma source(%dma_start3A_829 : memref<80x64xf32, #tpu.memory_space<vmem>>) target(%dma_start3A_835 : memref<10240x64xf32, #tpu.memory_space<vmem_shared>>) offsets(%dma_start3A_832 : memref<80xi32, #tpu.memory_space<vmem>>) semaphore(%run_scoped3A_826 : memref<!tpu.dma_semaphore, #tpu.memory_space<semaphore_mem>>) {add = true}
        %dma_wait3A_836 = arith.constant 0 : i32
        %dma_wait3A_837 = arith.constant 0 : i32
        %dma_wait3A_838 = tpu.memref_slice %arg6[%dma_wait3A_836, %dma_wait3A_837] : memref<400x64xf32, #tpu.memory_space<vmem>> -> memref<80x64xf32, #tpu.memory_space<vmem>>
        %dma_wait3A_839 = arith.constant 0 : i32
        %dma_wait3A_840 = tpu.memref_slice %arg9[%run_scoped3A, %run_scoped3A_509, %dma_wait3A_839] : memref<2x5x80xi32, #tpu.memory_space<vmem>> -> memref<1x1x80xi32, #tpu.memory_space<vmem>>
        %dma_wait3A_841 = tpu.memref_squeeze %dma_wait3A_840 : memref<1x1x80xi32, #tpu.memory_space<vmem>> -> memref<80xi32, #tpu.memory_space<vmem>>
        %dma_wait3A_842 = arith.constant 0 : i32
        %dma_wait3A_843 = arith.constant 0 : i32
        %dma_wait3A_844 = tpu.memref_slice %arg10[%dma_wait3A_842, %dma_wait3A_843] : memref<10240x64xf32, #tpu.memory_space<vmem_shared>> -> memref<10240x64xf32, #tpu.memory_space<vmem_shared>>
        tpu.wait_indirect_dma semaphore(%run_scoped3A_826 : memref<!tpu.dma_semaphore, #tpu.memory_space<semaphore_mem>>) src(%dma_wait3A_838 : memref<80x64xf32, #tpu.memory_space<vmem>>) dst(%dma_wait3A_844 : memref<10240x64xf32, #tpu.memory_space<vmem_shared>>)
        tpu.yield
      }) : () -> ()
      %run_scoped3A_510 = arith.constant 0 : i32
      %run_scoped3A_511 = arith.constant 1 : i32
      "tpu.region"() ({
        %run_scoped3A_826 = tpu.sem_alloc : memref<!tpu.dma_semaphore, #tpu.memory_space<semaphore_mem>>
        %dma_start3A_827 = arith.constant 80 : i32
        %dma_start3A_828 = arith.constant 0 : i32
        %dma_start3A_829 = tpu.memref_slice %arg6[%dma_start3A_827, %dma_start3A_828] : memref<400x64xf32, #tpu.memory_space<vmem>> -> memref<80x64xf32, #tpu.memory_space<vmem>>
        %dma_start3A_830 = arith.constant 0 : i32
        %dma_start3A_831 = tpu.memref_slice %arg9[%run_scoped3A_510, %run_scoped3A_511, %dma_start3A_830] : memref<2x5x80xi32, #tpu.memory_space<vmem>> -> memref<1x1x80xi32, #tpu.memory_space<vmem>>
        %dma_start3A_832 = tpu.memref_squeeze %dma_start3A_831 : memref<1x1x80xi32, #tpu.memory_space<vmem>> -> memref<80xi32, #tpu.memory_space<vmem>>
        %dma_start3A_833 = arith.constant 0 : i32
        %dma_start3A_834 = arith.constant 0 : i32
        %dma_start3A_835 = tpu.memref_slice %arg10[%dma_start3A_833, %dma_start3A_834] : memref<10240x64xf32, #tpu.memory_space<vmem_shared>> -> memref<10240x64xf32, #tpu.memory_space<vmem_shared>>
        tpu.enqueue_indirect_dma source(%dma_start3A_829 : memref<80x64xf32, #tpu.memory_space<vmem>>) target(%dma_start3A_835 : memref<10240x64xf32, #tpu.memory_space<vmem_shared>>) offsets(%dma_start3A_832 : memref<80xi32, #tpu.memory_space<vmem>>) semaphore(%run_scoped3A_826 : memref<!tpu.dma_semaphore, #tpu.memory_space<semaphore_mem>>) {add = true}
        %dma_wait3A_836 = arith.constant 80 : i32
        %dma_wait3A_837 = arith.constant 0 : i32
        %dma_wait3A_838 = tpu.memref_slice %arg6[%dma_wait3A_836, %dma_wait3A_837] : memref<400x64xf32, #tpu.memory_space<vmem>> -> memref<80x64xf32, #tpu.memory_space<vmem>>
        %dma_wait3A_839 = arith.constant 0 : i32
        %dma_wait3A_840 = tpu.memref_slice %arg9[%run_scoped3A_510, %run_scoped3A_511, %dma_wait3A_839] : memref<2x5x80xi32, #tpu.memory_space<vmem>> -> memref<1x1x80xi32, #tpu.memory_space<vmem>>
        %dma_wait3A_841 = tpu.memref_squeeze %dma_wait3A_840 : memref<1x1x80xi32, #tpu.memory_space<vmem>> -> memref<80xi32, #tpu.memory_space<vmem>>
        %dma_wait3A_842 = arith.constant 0 : i32
        %dma_wait3A_843 = arith.constant 0 : i32
        %dma_wait3A_844 = tpu.memref_slice %arg10[%dma_wait3A_842, %dma_wait3A_843] : memref<10240x64xf32, #tpu.memory_space<vmem_shared>> -> memref<10240x64xf32, #tpu.memory_space<vmem_shared>>
        tpu.wait_indirect_dma semaphore(%run_scoped3A_826 : memref<!tpu.dma_semaphore, #tpu.memory_space<semaphore_mem>>) src(%dma_wait3A_838 : memref<80x64xf32, #tpu.memory_space<vmem>>) dst(%dma_wait3A_844 : memref<10240x64xf32, #tpu.memory_space<vmem_shared>>)
        tpu.yield
      }) : () -> ()
      %run_scoped3A_512 = arith.constant 0 : i32
      %run_scoped3A_513 = arith.constant 2 : i32
      "tpu.region"() ({
        %run_scoped3A_826 = tpu.sem_alloc : memref<!tpu.dma_semaphore, #tpu.memory_space<semaphore_mem>>
        %dma_start3A_827 = arith.constant 160 : i32
        %dma_start3A_828 = arith.constant 0 : i32
        %dma_start3A_829 = tpu.memref_slice %arg6[%dma_start3A_827, %dma_start3A_828] : memref<400x64xf32, #tpu.memory_space<vmem>> -> memref<80x64xf32, #tpu.memory_space<vmem>>
        %dma_start3A_830 = arith.constant 0 : i32
        %dma_start3A_831 = tpu.memref_slice %arg9[%run_scoped3A_512, %run_scoped3A_513, %dma_start3A_830] : memref<2x5x80xi32, #tpu.memory_space<vmem>> -> memref<1x1x80xi32, #tpu.memory_space<vmem>>
        %dma_start3A_832 = tpu.memref_squeeze %dma_start3A_831 : memref<1x1x80xi32, #tpu.memory_space<vmem>> -> memref<80xi32, #tpu.memory_space<vmem>>
        %dma_start3A_833 = arith.constant 0 : i32
        %dma_start3A_834 = arith.constant 0 : i32
        %dma_start3A_835 = tpu.memref_slice %arg10[%dma_start3A_833, %dma_start3A_834] : memref<10240x64xf32, #tpu.memory_space<vmem_shared>> -> memref<10240x64xf32, #tpu.memory_space<vmem_shared>>
        tpu.enqueue_indirect_dma source(%dma_start3A_829 : memref<80x64xf32, #tpu.memory_space<vmem>>) target(%dma_start3A_835 : memref<10240x64xf32, #tpu.memory_space<vmem_shared>>) offsets(%dma_start3A_832 : memref<80xi32, #tpu.memory_space<vmem>>) semaphore(%run_scoped3A_826 : memref<!tpu.dma_semaphore, #tpu.memory_space<semaphore_mem>>) {add = true}
        %dma_wait3A_836 = arith.constant 160 : i32
        %dma_wait3A_837 = arith.constant 0 : i32
        %dma_wait3A_838 = tpu.memref_slice %arg6[%dma_wait3A_836, %dma_wait3A_837] : memref<400x64xf32, #tpu.memory_space<vmem>> -> memref<80x64xf32, #tpu.memory_space<vmem>>
        %dma_wait3A_839 = arith.constant 0 : i32
        %dma_wait3A_840 = tpu.memref_slice %arg9[%run_scoped3A_512, %run_scoped3A_513, %dma_wait3A_839] : memref<2x5x80xi32, #tpu.memory_space<vmem>> -> memref<1x1x80xi32, #tpu.memory_space<vmem>>
        %dma_wait3A_841 = tpu.memref_squeeze %dma_wait3A_840 : memref<1x1x80xi32, #tpu.memory_space<vmem>> -> memref<80xi32, #tpu.memory_space<vmem>>
        %dma_wait3A_842 = arith.constant 0 : i32
        %dma_wait3A_843 = arith.constant 0 : i32
        %dma_wait3A_844 = tpu.memref_slice %arg10[%dma_wait3A_842, %dma_wait3A_843] : memref<10240x64xf32, #tpu.memory_space<vmem_shared>> -> memref<10240x64xf32, #tpu.memory_space<vmem_shared>>
        tpu.wait_indirect_dma semaphore(%run_scoped3A_826 : memref<!tpu.dma_semaphore, #tpu.memory_space<semaphore_mem>>) src(%dma_wait3A_838 : memref<80x64xf32, #tpu.memory_space<vmem>>) dst(%dma_wait3A_844 : memref<10240x64xf32, #tpu.memory_space<vmem_shared>>)
        tpu.yield
      }) : () -> ()
      %run_scoped3A_514 = arith.constant 0 : i32
      %run_scoped3A_515 = arith.constant 3 : i32
      "tpu.region"() ({
        %run_scoped3A_826 = tpu.sem_alloc : memref<!tpu.dma_semaphore, #tpu.memory_space<semaphore_mem>>
        %dma_start3A_827 = arith.constant 240 : i32
        %dma_start3A_828 = arith.constant 0 : i32
        %dma_start3A_829 = tpu.memref_slice %arg6[%dma_start3A_827, %dma_start3A_828] : memref<400x64xf32, #tpu.memory_space<vmem>> -> memref<80x64xf32, #tpu.memory_space<vmem>>
        %dma_start3A_830 = arith.constant 0 : i32
        %dma_start3A_831 = tpu.memref_slice %arg9[%run_scoped3A_514, %run_scoped3A_515, %dma_start3A_830] : memref<2x5x80xi32, #tpu.memory_space<vmem>> -> memref<1x1x80xi32, #tpu.memory_space<vmem>>
        %dma_start3A_832 = tpu.memref_squeeze %dma_start3A_831 : memref<1x1x80xi32, #tpu.memory_space<vmem>> -> memref<80xi32, #tpu.memory_space<vmem>>
        %dma_start3A_833 = arith.constant 0 : i32
        %dma_start3A_834 = arith.constant 0 : i32
        %dma_start3A_835 = tpu.memref_slice %arg10[%dma_start3A_833, %dma_start3A_834] : memref<10240x64xf32, #tpu.memory_space<vmem_shared>> -> memref<10240x64xf32, #tpu.memory_space<vmem_shared>>
        tpu.enqueue_indirect_dma source(%dma_start3A_829 : memref<80x64xf32, #tpu.memory_space<vmem>>) target(%dma_start3A_835 : memref<10240x64xf32, #tpu.memory_space<vmem_shared>>) offsets(%dma_start3A_832 : memref<80xi32, #tpu.memory_space<vmem>>) semaphore(%run_scoped3A_826 : memref<!tpu.dma_semaphore, #tpu.memory_space<semaphore_mem>>) {add = true}
        %dma_wait3A_836 = arith.constant 240 : i32
        %dma_wait3A_837 = arith.constant 0 : i32
        %dma_wait3A_838 = tpu.memref_slice %arg6[%dma_wait3A_836, %dma_wait3A_837] : memref<400x64xf32, #tpu.memory_space<vmem>> -> memref<80x64xf32, #tpu.memory_space<vmem>>
        %dma_wait3A_839 = arith.constant 0 : i32
        %dma_wait3A_840 = tpu.memref_slice %arg9[%run_scoped3A_514, %run_scoped3A_515, %dma_wait3A_839] : memref<2x5x80xi32, #tpu.memory_space<vmem>> -> memref<1x1x80xi32, #tpu.memory_space<vmem>>
        %dma_wait3A_841 = tpu.memref_squeeze %dma_wait3A_840 : memref<1x1x80xi32, #tpu.memory_space<vmem>> -> memref<80xi32, #tpu.memory_space<vmem>>
        %dma_wait3A_842 = arith.constant 0 : i32
        %dma_wait3A_843 = arith.constant 0 : i32
        %dma_wait3A_844 = tpu.memref_slice %arg10[%dma_wait3A_842, %dma_wait3A_843] : memref<10240x64xf32, #tpu.memory_space<vmem_shared>> -> memref<10240x64xf32, #tpu.memory_space<vmem_shared>>
        tpu.wait_indirect_dma semaphore(%run_scoped3A_826 : memref<!tpu.dma_semaphore, #tpu.memory_space<semaphore_mem>>) src(%dma_wait3A_838 : memref<80x64xf32, #tpu.memory_space<vmem>>) dst(%dma_wait3A_844 : memref<10240x64xf32, #tpu.memory_space<vmem_shared>>)
        tpu.yield
      }) : () -> ()
      %run_scoped3A_516 = arith.constant 0 : i32
      %run_scoped3A_517 = arith.constant 4 : i32
      "tpu.region"() ({
        %run_scoped3A_826 = tpu.sem_alloc : memref<!tpu.dma_semaphore, #tpu.memory_space<semaphore_mem>>
        %dma_start3A_827 = arith.constant 320 : i32
        %dma_start3A_828 = arith.constant 0 : i32
        %dma_start3A_829 = tpu.memref_slice %arg6[%dma_start3A_827, %dma_start3A_828] : memref<400x64xf32, #tpu.memory_space<vmem>> -> memref<80x64xf32, #tpu.memory_space<vmem>>
        %dma_start3A_830 = arith.constant 0 : i32
        %dma_start3A_831 = tpu.memref_slice %arg9[%run_scoped3A_516, %run_scoped3A_517, %dma_start3A_830] : memref<2x5x80xi32, #tpu.memory_space<vmem>> -> memref<1x1x80xi32, #tpu.memory_space<vmem>>
        %dma_start3A_832 = tpu.memref_squeeze %dma_start3A_831 : memref<1x1x80xi32, #tpu.memory_space<vmem>> -> memref<80xi32, #tpu.memory_space<vmem>>
        %dma_start3A_833 = arith.constant 0 : i32
        %dma_start3A_834 = arith.constant 0 : i32
        %dma_start3A_835 = tpu.memref_slice %arg10[%dma_start3A_833, %dma_start3A_834] : memref<10240x64xf32, #tpu.memory_space<vmem_shared>> -> memref<10240x64xf32, #tpu.memory_space<vmem_shared>>
        tpu.enqueue_indirect_dma source(%dma_start3A_829 : memref<80x64xf32, #tpu.memory_space<vmem>>) target(%dma_start3A_835 : memref<10240x64xf32, #tpu.memory_space<vmem_shared>>) offsets(%dma_start3A_832 : memref<80xi32, #tpu.memory_space<vmem>>) semaphore(%run_scoped3A_826 : memref<!tpu.dma_semaphore, #tpu.memory_space<semaphore_mem>>) {add = true}
        %dma_wait3A_836 = arith.constant 320 : i32
        %dma_wait3A_837 = arith.constant 0 : i32
        %dma_wait3A_838 = tpu.memref_slice %arg6[%dma_wait3A_836, %dma_wait3A_837] : memref<400x64xf32, #tpu.memory_space<vmem>> -> memref<80x64xf32, #tpu.memory_space<vmem>>
        %dma_wait3A_839 = arith.constant 0 : i32
        %dma_wait3A_840 = tpu.memref_slice %arg9[%run_scoped3A_516, %run_scoped3A_517, %dma_wait3A_839] : memref<2x5x80xi32, #tpu.memory_space<vmem>> -> memref<1x1x80xi32, #tpu.memory_space<vmem>>
        %dma_wait3A_841 = tpu.memref_squeeze %dma_wait3A_840 : memref<1x1x80xi32, #tpu.memory_space<vmem>> -> memref<80xi32, #tpu.memory_space<vmem>>
        %dma_wait3A_842 = arith.constant 0 : i32
        %dma_wait3A_843 = arith.constant 0 : i32
        %dma_wait3A_844 = tpu.memref_slice %arg10[%dma_wait3A_842, %dma_wait3A_843] : memref<10240x64xf32, #tpu.memory_space<vmem_shared>> -> memref<10240x64xf32, #tpu.memory_space<vmem_shared>>
        tpu.wait_indirect_dma semaphore(%run_scoped3A_826 : memref<!tpu.dma_semaphore, #tpu.memory_space<semaphore_mem>>) src(%dma_wait3A_838 : memref<80x64xf32, #tpu.memory_space<vmem>>) dst(%dma_wait3A_844 : memref<10240x64xf32, #tpu.memory_space<vmem_shared>>)
        tpu.yield
      }) : () -> ()
      %add3A_518 = arith.constant 2 : i32
      %add3A_519 = arith.addi %mul3A_393, %add3A_518 : i32
      %lt3A_520 = arith.constant 50 : i32
      %lt3A_521 = arith.cmpi slt, %add3A_519, %lt3A_520 : i32
      %jit3A_522 = arith.constant 0 : i32
      %select_n3A_523 = arith.select %lt3A_521, %add3A_519, %jit3A_522 : i32
      %mul3A_524 = arith.constant 20000 : i32
      %mul3A_525 = arith.muli %arg1, %mul3A_524 : i32
      %mul3A_526 = arith.constant 400 : i32
      %mul3A_527 = arith.muli %select_n3A_523, %mul3A_526 : i32
      %add3A_528 = arith.addi %mul3A_525, %mul3A_527 : i32
      %add3A_529 = arith.constant 0 : i32
      %add3A_530 = arith.addi %add3A_528, %add3A_529 : i32
      %dma_start3A_531 = arith.constant 0 : i32
      %dma_start3A_532 = arith.constant 0 : i32
      %dma_start3A_533 = arith.constant 0 : i32
      %dma_start3A_534 = tpu.memref_slice %arg9[%dma_start3A_531, %dma_start3A_532, %dma_start3A_533] : memref<2x5x80xi32, #tpu.memory_space<vmem>> -> memref<1x1x80xi32, #tpu.memory_space<vmem>>
      %dma_start3A_535 = tpu.memref_squeeze %dma_start3A_534 : memref<1x1x80xi32, #tpu.memory_space<vmem>> -> memref<80xi32, #tpu.memory_space<vmem>>
      %dma_start3A_536 = tpu.memref_slice %arg4[%add3A_530] : memref<320000xi32, #tpu.memory_space<hbm>> -> memref<80xi32, #tpu.memory_space<hbm>>
      %dma_start3A_537 = arith.constant 0 : i32
      %dma_start3A_538 = tpu.memref_slice %arg9[%dma_start3A_531, %dma_start3A_532, %dma_start3A_537] : memref<2x5x80xi32, #tpu.memory_space<vmem>> -> memref<1x1x80xi32, #tpu.memory_space<vmem>>
      %dma_start3A_539 = tpu.memref_squeeze %dma_start3A_538 : memref<1x1x80xi32, #tpu.memory_space<vmem>> -> memref<80xi32, #tpu.memory_space<vmem>>
      %dma_start3A_540 = tpu.memref_slice %arg4[%add3A_530] : memref<320000xi32, #tpu.memory_space<hbm>> -> memref<80xi32, #tpu.memory_space<hbm>>
      tpu.enqueue_dma source(%dma_start3A_540 : memref<80xi32, #tpu.memory_space<hbm>>) target(%dma_start3A_539 : memref<80xi32, #tpu.memory_space<vmem>>) target_semaphore(%arg15 : memref<!tpu.dma_semaphore, #tpu.memory_space<semaphore_mem>>)
      %mul3A_541 = arith.constant 20000 : i32
      %mul3A_542 = arith.muli %arg1, %mul3A_541 : i32
      %mul3A_543 = arith.constant 400 : i32
      %mul3A_544 = arith.muli %select_n3A_523, %mul3A_543 : i32
      %add3A_545 = arith.addi %mul3A_542, %mul3A_544 : i32
      %add3A_546 = arith.constant 80 : i32
      %add3A_547 = arith.addi %add3A_545, %add3A_546 : i32
      %dma_start3A_548 = arith.constant 0 : i32
      %dma_start3A_549 = arith.constant 1 : i32
      %dma_start3A_550 = arith.constant 0 : i32
      %dma_start3A_551 = tpu.memref_slice %arg9[%dma_start3A_548, %dma_start3A_549, %dma_start3A_550] : memref<2x5x80xi32, #tpu.memory_space<vmem>> -> memref<1x1x80xi32, #tpu.memory_space<vmem>>
      %dma_start3A_552 = tpu.memref_squeeze %dma_start3A_551 : memref<1x1x80xi32, #tpu.memory_space<vmem>> -> memref<80xi32, #tpu.memory_space<vmem>>
      %dma_start3A_553 = tpu.memref_slice %arg4[%add3A_547] : memref<320000xi32, #tpu.memory_space<hbm>> -> memref<80xi32, #tpu.memory_space<hbm>>
      %dma_start3A_554 = arith.constant 0 : i32
      %dma_start3A_555 = tpu.memref_slice %arg9[%dma_start3A_548, %dma_start3A_549, %dma_start3A_554] : memref<2x5x80xi32, #tpu.memory_space<vmem>> -> memref<1x1x80xi32, #tpu.memory_space<vmem>>
      %dma_start3A_556 = tpu.memref_squeeze %dma_start3A_555 : memref<1x1x80xi32, #tpu.memory_space<vmem>> -> memref<80xi32, #tpu.memory_space<vmem>>
      %dma_start3A_557 = tpu.memref_slice %arg4[%add3A_547] : memref<320000xi32, #tpu.memory_space<hbm>> -> memref<80xi32, #tpu.memory_space<hbm>>
      tpu.enqueue_dma source(%dma_start3A_557 : memref<80xi32, #tpu.memory_space<hbm>>) target(%dma_start3A_556 : memref<80xi32, #tpu.memory_space<vmem>>) target_semaphore(%arg15 : memref<!tpu.dma_semaphore, #tpu.memory_space<semaphore_mem>>)
      %mul3A_558 = arith.constant 20000 : i32
      %mul3A_559 = arith.muli %arg1, %mul3A_558 : i32
      %mul3A_560 = arith.constant 400 : i32
      %mul3A_561 = arith.muli %select_n3A_523, %mul3A_560 : i32
      %add3A_562 = arith.addi %mul3A_559, %mul3A_561 : i32
      %add3A_563 = arith.constant 160 : i32
      %add3A_564 = arith.addi %add3A_562, %add3A_563 : i32
      %dma_start3A_565 = arith.constant 0 : i32
      %dma_start3A_566 = arith.constant 2 : i32
      %dma_start3A_567 = arith.constant 0 : i32
      %dma_start3A_568 = tpu.memref_slice %arg9[%dma_start3A_565, %dma_start3A_566, %dma_start3A_567] : memref<2x5x80xi32, #tpu.memory_space<vmem>> -> memref<1x1x80xi32, #tpu.memory_space<vmem>>
      %dma_start3A_569 = tpu.memref_squeeze %dma_start3A_568 : memref<1x1x80xi32, #tpu.memory_space<vmem>> -> memref<80xi32, #tpu.memory_space<vmem>>
      %dma_start3A_570 = tpu.memref_slice %arg4[%add3A_564] : memref<320000xi32, #tpu.memory_space<hbm>> -> memref<80xi32, #tpu.memory_space<hbm>>
      %dma_start3A_571 = arith.constant 0 : i32
      %dma_start3A_572 = tpu.memref_slice %arg9[%dma_start3A_565, %dma_start3A_566, %dma_start3A_571] : memref<2x5x80xi32, #tpu.memory_space<vmem>> -> memref<1x1x80xi32, #tpu.memory_space<vmem>>
      %dma_start3A_573 = tpu.memref_squeeze %dma_start3A_572 : memref<1x1x80xi32, #tpu.memory_space<vmem>> -> memref<80xi32, #tpu.memory_space<vmem>>
      %dma_start3A_574 = tpu.memref_slice %arg4[%add3A_564] : memref<320000xi32, #tpu.memory_space<hbm>> -> memref<80xi32, #tpu.memory_space<hbm>>
      tpu.enqueue_dma source(%dma_start3A_574 : memref<80xi32, #tpu.memory_space<hbm>>) target(%dma_start3A_573 : memref<80xi32, #tpu.memory_space<vmem>>) target_semaphore(%arg15 : memref<!tpu.dma_semaphore, #tpu.memory_space<semaphore_mem>>)
      %mul3A_575 = arith.constant 20000 : i32
      %mul3A_576 = arith.muli %arg1, %mul3A_575 : i32
      %mul3A_577 = arith.constant 400 : i32
      %mul3A_578 = arith.muli %select_n3A_523, %mul3A_577 : i32
      %add3A_579 = arith.addi %mul3A_576, %mul3A_578 : i32
      %add3A_580 = arith.constant 240 : i32
      %add3A_581 = arith.addi %add3A_579, %add3A_580 : i32
      %dma_start3A_582 = arith.constant 0 : i32
      %dma_start3A_583 = arith.constant 3 : i32
      %dma_start3A_584 = arith.constant 0 : i32
      %dma_start3A_585 = tpu.memref_slice %arg9[%dma_start3A_582, %dma_start3A_583, %dma_start3A_584] : memref<2x5x80xi32, #tpu.memory_space<vmem>> -> memref<1x1x80xi32, #tpu.memory_space<vmem>>
      %dma_start3A_586 = tpu.memref_squeeze %dma_start3A_585 : memref<1x1x80xi32, #tpu.memory_space<vmem>> -> memref<80xi32, #tpu.memory_space<vmem>>
      %dma_start3A_587 = tpu.memref_slice %arg4[%add3A_581] : memref<320000xi32, #tpu.memory_space<hbm>> -> memref<80xi32, #tpu.memory_space<hbm>>
      %dma_start3A_588 = arith.constant 0 : i32
      %dma_start3A_589 = tpu.memref_slice %arg9[%dma_start3A_582, %dma_start3A_583, %dma_start3A_588] : memref<2x5x80xi32, #tpu.memory_space<vmem>> -> memref<1x1x80xi32, #tpu.memory_space<vmem>>
      %dma_start3A_590 = tpu.memref_squeeze %dma_start3A_589 : memref<1x1x80xi32, #tpu.memory_space<vmem>> -> memref<80xi32, #tpu.memory_space<vmem>>
      %dma_start3A_591 = tpu.memref_slice %arg4[%add3A_581] : memref<320000xi32, #tpu.memory_space<hbm>> -> memref<80xi32, #tpu.memory_space<hbm>>
      tpu.enqueue_dma source(%dma_start3A_591 : memref<80xi32, #tpu.memory_space<hbm>>) target(%dma_start3A_590 : memref<80xi32, #tpu.memory_space<vmem>>) target_semaphore(%arg15 : memref<!tpu.dma_semaphore, #tpu.memory_space<semaphore_mem>>)
      %mul3A_592 = arith.constant 20000 : i32
      %mul3A_593 = arith.muli %arg1, %mul3A_592 : i32
      %mul3A_594 = arith.constant 400 : i32
      %mul3A_595 = arith.muli %select_n3A_523, %mul3A_594 : i32
      %add3A_596 = arith.addi %mul3A_593, %mul3A_595 : i32
      %add3A_597 = arith.constant 320 : i32
      %add3A_598 = arith.addi %add3A_596, %add3A_597 : i32
      %dma_start3A_599 = arith.constant 0 : i32
      %dma_start3A_600 = arith.constant 4 : i32
      %dma_start3A_601 = arith.constant 0 : i32
      %dma_start3A_602 = tpu.memref_slice %arg9[%dma_start3A_599, %dma_start3A_600, %dma_start3A_601] : memref<2x5x80xi32, #tpu.memory_space<vmem>> -> memref<1x1x80xi32, #tpu.memory_space<vmem>>
      %dma_start3A_603 = tpu.memref_squeeze %dma_start3A_602 : memref<1x1x80xi32, #tpu.memory_space<vmem>> -> memref<80xi32, #tpu.memory_space<vmem>>
      %dma_start3A_604 = tpu.memref_slice %arg4[%add3A_598] : memref<320000xi32, #tpu.memory_space<hbm>> -> memref<80xi32, #tpu.memory_space<hbm>>
      %dma_start3A_605 = arith.constant 0 : i32
      %dma_start3A_606 = tpu.memref_slice %arg9[%dma_start3A_599, %dma_start3A_600, %dma_start3A_605] : memref<2x5x80xi32, #tpu.memory_space<vmem>> -> memref<1x1x80xi32, #tpu.memory_space<vmem>>
      %dma_start3A_607 = tpu.memref_squeeze %dma_start3A_606 : memref<1x1x80xi32, #tpu.memory_space<vmem>> -> memref<80xi32, #tpu.memory_space<vmem>>
      %dma_start3A_608 = tpu.memref_slice %arg4[%add3A_598] : memref<320000xi32, #tpu.memory_space<hbm>> -> memref<80xi32, #tpu.memory_space<hbm>>
      tpu.enqueue_dma source(%dma_start3A_608 : memref<80xi32, #tpu.memory_space<hbm>>) target(%dma_start3A_607 : memref<80xi32, #tpu.memory_space<vmem>>) target_semaphore(%arg15 : memref<!tpu.dma_semaphore, #tpu.memory_space<semaphore_mem>>)
      %dma_wait3A_609 = arith.constant 0 : i32
      %dma_wait3A_610 = arith.constant 0 : i32
      %dma_wait3A_611 = tpu.memref_slice %arg8[%dma_wait3A_609, %dma_wait3A_610] : memref<2x400xi32, #tpu.memory_space<vmem>> -> memref<1x400xi32, #tpu.memory_space<vmem>>
      %dma_wait3A_612 = tpu.memref_squeeze %dma_wait3A_611 : memref<1x400xi32, #tpu.memory_space<vmem>> -> memref<400xi32, #tpu.memory_space<vmem>>
      %dma_wait3A_613 = arith.constant 0 : i32
      %dma_wait3A_614 = tpu.memref_slice %arg3[%dma_wait3A_613] : memref<320000xi32, #tpu.memory_space<hbm>> -> memref<400xi32, #tpu.memory_space<hbm>>
      %dma_wait3A_615 = arith.constant 0 : i32
      %dma_wait3A_616 = tpu.memref_slice %arg8[%dma_wait3A_609, %dma_wait3A_615] : memref<2x400xi32, #tpu.memory_space<vmem>> -> memref<1x400xi32, #tpu.memory_space<vmem>>
      %dma_wait3A_617 = tpu.memref_squeeze %dma_wait3A_616 : memref<1x400xi32, #tpu.memory_space<vmem>> -> memref<400xi32, #tpu.memory_space<vmem>>
      %dma_wait3A_618 = arith.constant 0 : i32
      %dma_wait3A_619 = tpu.memref_slice %arg3[%dma_wait3A_618] : memref<320000xi32, #tpu.memory_space<hbm>> -> memref<400xi32, #tpu.memory_space<hbm>>
      tpu.wait_dma2 semaphore(%arg13 : memref<!tpu.dma_semaphore, #tpu.memory_space<semaphore_mem>>) src(%dma_wait3A_619 : memref<400xi32, #tpu.memory_space<hbm>>) dst(%dma_wait3A_617 : memref<400xi32, #tpu.memory_space<vmem>>)
      %dma_start3A_620 = arith.constant 0 : i32
      %dma_start3A_621 = arith.constant 0 : i32
      %dma_start3A_622 = tpu.memref_slice %arg8[%dma_start3A_620, %dma_start3A_621] : memref<2x400xi32, #tpu.memory_space<vmem>> -> memref<1x400xi32, #tpu.memory_space<vmem>>
      %dma_start3A_623 = tpu.memref_squeeze %dma_start3A_622 : memref<1x400xi32, #tpu.memory_space<vmem>> -> memref<400xi32, #tpu.memory_space<vmem>>
      %dma_start3A_624 = arith.constant 0 : i32
      %dma_start3A_625 = arith.constant 0 : i32
      %dma_start3A_626 = tpu.memref_slice %arg2[%arg0, %dma_start3A_624, %dma_start3A_625] : memref<2x10000x64xf32, #tpu.memory_space<hbm>> -> memref<1x10000x64xf32, #tpu.memory_space<hbm>>
      %dma_start3A_627 = tpu.memref_squeeze %dma_start3A_626 : memref<1x10000x64xf32, #tpu.memory_space<hbm>> -> memref<10000x64xf32, #tpu.memory_space<hbm>>
      %dma_start3A_628 = arith.constant 0 : i32
      %dma_start3A_629 = arith.constant 0 : i32
      %dma_start3A_630 = tpu.memref_slice %dma_start3A_627[%dma_start3A_628, %dma_start3A_629] : memref<10000x64xf32, #tpu.memory_space<hbm>> -> memref<10000x64xf32, #tpu.memory_space<hbm>>
      tpu.enqueue_indirect_dma source(%dma_start3A_630 : memref<10000x64xf32, #tpu.memory_space<hbm>>) target(%arg6 : memref<400x64xf32, #tpu.memory_space<vmem>>) offsets(%dma_start3A_623 : memref<400xi32, #tpu.memory_space<vmem>>) semaphore(%arg11 : memref<!tpu.dma_semaphore, #tpu.memory_space<semaphore_mem>>)
      %dma_wait3A_631 = arith.constant 0 : i32
      %dma_wait3A_632 = arith.constant 0 : i32
      %dma_wait3A_633 = tpu.memref_slice %arg2[%arg0, %dma_wait3A_631, %dma_wait3A_632] : memref<2x10000x64xf32, #tpu.memory_space<hbm>> -> memref<1x10000x64xf32, #tpu.memory_space<hbm>>
      %dma_wait3A_634 = tpu.memref_squeeze %dma_wait3A_633 : memref<1x10000x64xf32, #tpu.memory_space<hbm>> -> memref<10000x64xf32, #tpu.memory_space<hbm>>
      %dma_wait3A_635 = arith.constant 0 : i32
      %dma_wait3A_636 = arith.constant 0 : i32
      %dma_wait3A_637 = tpu.memref_slice %dma_wait3A_634[%dma_wait3A_635, %dma_wait3A_636] : memref<10000x64xf32, #tpu.memory_space<hbm>> -> memref<400x64xf32, #tpu.memory_space<hbm>>
      %dma_wait3A_638 = arith.constant 0 : i32
      %dma_wait3A_639 = arith.constant 0 : i32
      %dma_wait3A_640 = tpu.memref_slice %arg2[%arg0, %dma_wait3A_638, %dma_wait3A_639] : memref<2x10000x64xf32, #tpu.memory_space<hbm>> -> memref<1x10000x64xf32, #tpu.memory_space<hbm>>
      %dma_wait3A_641 = tpu.memref_squeeze %dma_wait3A_640 : memref<1x10000x64xf32, #tpu.memory_space<hbm>> -> memref<10000x64xf32, #tpu.memory_space<hbm>>
      %dma_wait3A_642 = arith.constant 0 : i32
      %dma_wait3A_643 = arith.constant 0 : i32
      %dma_wait3A_644 = tpu.memref_slice %dma_wait3A_641[%dma_wait3A_642, %dma_wait3A_643] : memref<10000x64xf32, #tpu.memory_space<hbm>> -> memref<400x64xf32, #tpu.memory_space<hbm>>
      tpu.wait_dma2 semaphore(%arg12 : memref<!tpu.dma_semaphore, #tpu.memory_space<semaphore_mem>>) src(%dma_wait3A_644 : memref<400x64xf32, #tpu.memory_space<hbm>>) dst(%arg7 : memref<400x64xf32, #tpu.memory_space<vmem>>)
      %add3A_645 = arith.constant 3 : i32
      %add3A_646 = arith.addi %mul3A_393, %add3A_645 : i32
      %lt3A_647 = arith.constant 50 : i32
      %lt3A_648 = arith.cmpi slt, %add3A_646, %lt3A_647 : i32
      %jit3A_649 = arith.constant 0 : i32
      %select_n3A_650 = arith.select %lt3A_648, %add3A_646, %jit3A_649 : i32
      %mul3A_651 = arith.constant 20000 : i32
      %mul3A_652 = arith.muli %arg1, %mul3A_651 : i32
      %mul3A_653 = arith.constant 400 : i32
      %mul3A_654 = arith.muli %select_n3A_650, %mul3A_653 : i32
      %add3A_655 = arith.addi %mul3A_652, %mul3A_654 : i32
      %dma_start3A_656 = arith.constant 1 : i32
      %dma_start3A_657 = arith.constant 0 : i32
      %dma_start3A_658 = tpu.memref_slice %arg8[%dma_start3A_656, %dma_start3A_657] : memref<2x400xi32, #tpu.memory_space<vmem>> -> memref<1x400xi32, #tpu.memory_space<vmem>>
      %dma_start3A_659 = tpu.memref_squeeze %dma_start3A_658 : memref<1x400xi32, #tpu.memory_space<vmem>> -> memref<400xi32, #tpu.memory_space<vmem>>
      %dma_start3A_660 = tpu.memref_slice %arg3[%add3A_655] : memref<320000xi32, #tpu.memory_space<hbm>> -> memref<400xi32, #tpu.memory_space<hbm>>
      %dma_start3A_661 = arith.constant 0 : i32
      %dma_start3A_662 = tpu.memref_slice %arg8[%dma_start3A_656, %dma_start3A_661] : memref<2x400xi32, #tpu.memory_space<vmem>> -> memref<1x400xi32, #tpu.memory_space<vmem>>
      %dma_start3A_663 = tpu.memref_squeeze %dma_start3A_662 : memref<1x400xi32, #tpu.memory_space<vmem>> -> memref<400xi32, #tpu.memory_space<vmem>>
      %dma_start3A_664 = tpu.memref_slice %arg3[%add3A_655] : memref<320000xi32, #tpu.memory_space<hbm>> -> memref<400xi32, #tpu.memory_space<hbm>>
      tpu.enqueue_dma source(%dma_start3A_664 : memref<400xi32, #tpu.memory_space<hbm>>) target(%dma_start3A_663 : memref<400xi32, #tpu.memory_space<vmem>>) target_semaphore(%arg14 : memref<!tpu.dma_semaphore, #tpu.memory_space<semaphore_mem>>)
      %dma_wait3A_665 = arith.constant 1 : i32
      %dma_wait3A_666 = arith.constant 0 : i32
      %dma_wait3A_667 = arith.constant 0 : i32
      %dma_wait3A_668 = tpu.memref_slice %arg9[%dma_wait3A_665, %dma_wait3A_666, %dma_wait3A_667] : memref<2x5x80xi32, #tpu.memory_space<vmem>> -> memref<1x1x80xi32, #tpu.memory_space<vmem>>
      %dma_wait3A_669 = tpu.memref_squeeze %dma_wait3A_668 : memref<1x1x80xi32, #tpu.memory_space<vmem>> -> memref<80xi32, #tpu.memory_space<vmem>>
      %dma_wait3A_670 = arith.constant 0 : i32
      %dma_wait3A_671 = tpu.memref_slice %arg4[%dma_wait3A_670] : memref<320000xi32, #tpu.memory_space<hbm>> -> memref<80xi32, #tpu.memory_space<hbm>>
      %dma_wait3A_672 = arith.constant 0 : i32
      %dma_wait3A_673 = tpu.memref_slice %arg9[%dma_wait3A_665, %dma_wait3A_666, %dma_wait3A_672] : memref<2x5x80xi32, #tpu.memory_space<vmem>> -> memref<1x1x80xi32, #tpu.memory_space<vmem>>
      %dma_wait3A_674 = tpu.memref_squeeze %dma_wait3A_673 : memref<1x1x80xi32, #tpu.memory_space<vmem>> -> memref<80xi32, #tpu.memory_space<vmem>>
      %dma_wait3A_675 = arith.constant 0 : i32
      %dma_wait3A_676 = tpu.memref_slice %arg4[%dma_wait3A_675] : memref<320000xi32, #tpu.memory_space<hbm>> -> memref<80xi32, #tpu.memory_space<hbm>>
      tpu.wait_dma2 semaphore(%arg16 : memref<!tpu.dma_semaphore, #tpu.memory_space<semaphore_mem>>) src(%dma_wait3A_676 : memref<80xi32, #tpu.memory_space<hbm>>) dst(%dma_wait3A_674 : memref<80xi32, #tpu.memory_space<vmem>>)
      %dma_wait3A_677 = arith.constant 1 : i32
      %dma_wait3A_678 = arith.constant 1 : i32
      %dma_wait3A_679 = arith.constant 0 : i32
      %dma_wait3A_680 = tpu.memref_slice %arg9[%dma_wait3A_677, %dma_wait3A_678, %dma_wait3A_679] : memref<2x5x80xi32, #tpu.memory_space<vmem>> -> memref<1x1x80xi32, #tpu.memory_space<vmem>>
      %dma_wait3A_681 = tpu.memref_squeeze %dma_wait3A_680 : memref<1x1x80xi32, #tpu.memory_space<vmem>> -> memref<80xi32, #tpu.memory_space<vmem>>
      %dma_wait3A_682 = arith.constant 0 : i32
      %dma_wait3A_683 = tpu.memref_slice %arg4[%dma_wait3A_682] : memref<320000xi32, #tpu.memory_space<hbm>> -> memref<80xi32, #tpu.memory_space<hbm>>
      %dma_wait3A_684 = arith.constant 0 : i32
      %dma_wait3A_685 = tpu.memref_slice %arg9[%dma_wait3A_677, %dma_wait3A_678, %dma_wait3A_684] : memref<2x5x80xi32, #tpu.memory_space<vmem>> -> memref<1x1x80xi32, #tpu.memory_space<vmem>>
      %dma_wait3A_686 = tpu.memref_squeeze %dma_wait3A_685 : memref<1x1x80xi32, #tpu.memory_space<vmem>> -> memref<80xi32, #tpu.memory_space<vmem>>
      %dma_wait3A_687 = arith.constant 0 : i32
      %dma_wait3A_688 = tpu.memref_slice %arg4[%dma_wait3A_687] : memref<320000xi32, #tpu.memory_space<hbm>> -> memref<80xi32, #tpu.memory_space<hbm>>
      tpu.wait_dma2 semaphore(%arg16 : memref<!tpu.dma_semaphore, #tpu.memory_space<semaphore_mem>>) src(%dma_wait3A_688 : memref<80xi32, #tpu.memory_space<hbm>>) dst(%dma_wait3A_686 : memref<80xi32, #tpu.memory_space<vmem>>)
      %dma_wait3A_689 = arith.constant 1 : i32
      %dma_wait3A_690 = arith.constant 2 : i32
      %dma_wait3A_691 = arith.constant 0 : i32
      %dma_wait3A_692 = tpu.memref_slice %arg9[%dma_wait3A_689, %dma_wait3A_690, %dma_wait3A_691] : memref<2x5x80xi32, #tpu.memory_space<vmem>> -> memref<1x1x80xi32, #tpu.memory_space<vmem>>
      %dma_wait3A_693 = tpu.memref_squeeze %dma_wait3A_692 : memref<1x1x80xi32, #tpu.memory_space<vmem>> -> memref<80xi32, #tpu.memory_space<vmem>>
      %dma_wait3A_694 = arith.constant 0 : i32
      %dma_wait3A_695 = tpu.memref_slice %arg4[%dma_wait3A_694] : memref<320000xi32, #tpu.memory_space<hbm>> -> memref<80xi32, #tpu.memory_space<hbm>>
      %dma_wait3A_696 = arith.constant 0 : i32
      %dma_wait3A_697 = tpu.memref_slice %arg9[%dma_wait3A_689, %dma_wait3A_690, %dma_wait3A_696] : memref<2x5x80xi32, #tpu.memory_space<vmem>> -> memref<1x1x80xi32, #tpu.memory_space<vmem>>
      %dma_wait3A_698 = tpu.memref_squeeze %dma_wait3A_697 : memref<1x1x80xi32, #tpu.memory_space<vmem>> -> memref<80xi32, #tpu.memory_space<vmem>>
      %dma_wait3A_699 = arith.constant 0 : i32
      %dma_wait3A_700 = tpu.memref_slice %arg4[%dma_wait3A_699] : memref<320000xi32, #tpu.memory_space<hbm>> -> memref<80xi32, #tpu.memory_space<hbm>>
      tpu.wait_dma2 semaphore(%arg16 : memref<!tpu.dma_semaphore, #tpu.memory_space<semaphore_mem>>) src(%dma_wait3A_700 : memref<80xi32, #tpu.memory_space<hbm>>) dst(%dma_wait3A_698 : memref<80xi32, #tpu.memory_space<vmem>>)
      %dma_wait3A_701 = arith.constant 1 : i32
      %dma_wait3A_702 = arith.constant 3 : i32
      %dma_wait3A_703 = arith.constant 0 : i32
      %dma_wait3A_704 = tpu.memref_slice %arg9[%dma_wait3A_701, %dma_wait3A_702, %dma_wait3A_703] : memref<2x5x80xi32, #tpu.memory_space<vmem>> -> memref<1x1x80xi32, #tpu.memory_space<vmem>>
      %dma_wait3A_705 = tpu.memref_squeeze %dma_wait3A_704 : memref<1x1x80xi32, #tpu.memory_space<vmem>> -> memref<80xi32, #tpu.memory_space<vmem>>
      %dma_wait3A_706 = arith.constant 0 : i32
      %dma_wait3A_707 = tpu.memref_slice %arg4[%dma_wait3A_706] : memref<320000xi32, #tpu.memory_space<hbm>> -> memref<80xi32, #tpu.memory_space<hbm>>
      %dma_wait3A_708 = arith.constant 0 : i32
      %dma_wait3A_709 = tpu.memref_slice %arg9[%dma_wait3A_701, %dma_wait3A_702, %dma_wait3A_708] : memref<2x5x80xi32, #tpu.memory_space<vmem>> -> memref<1x1x80xi32, #tpu.memory_space<vmem>>
      %dma_wait3A_710 = tpu.memref_squeeze %dma_wait3A_709 : memref<1x1x80xi32, #tpu.memory_space<vmem>> -> memref<80xi32, #tpu.memory_space<vmem>>
      %dma_wait3A_711 = arith.constant 0 : i32
      %dma_wait3A_712 = tpu.memref_slice %arg4[%dma_wait3A_711] : memref<320000xi32, #tpu.memory_space<hbm>> -> memref<80xi32, #tpu.memory_space<hbm>>
      tpu.wait_dma2 semaphore(%arg16 : memref<!tpu.dma_semaphore, #tpu.memory_space<semaphore_mem>>) src(%dma_wait3A_712 : memref<80xi32, #tpu.memory_space<hbm>>) dst(%dma_wait3A_710 : memref<80xi32, #tpu.memory_space<vmem>>)
      %dma_wait3A_713 = arith.constant 1 : i32
      %dma_wait3A_714 = arith.constant 4 : i32
      %dma_wait3A_715 = arith.constant 0 : i32
      %dma_wait3A_716 = tpu.memref_slice %arg9[%dma_wait3A_713, %dma_wait3A_714, %dma_wait3A_715] : memref<2x5x80xi32, #tpu.memory_space<vmem>> -> memref<1x1x80xi32, #tpu.memory_space<vmem>>
      %dma_wait3A_717 = tpu.memref_squeeze %dma_wait3A_716 : memref<1x1x80xi32, #tpu.memory_space<vmem>> -> memref<80xi32, #tpu.memory_space<vmem>>
      %dma_wait3A_718 = arith.constant 0 : i32
      %dma_wait3A_719 = tpu.memref_slice %arg4[%dma_wait3A_718] : memref<320000xi32, #tpu.memory_space<hbm>> -> memref<80xi32, #tpu.memory_space<hbm>>
      %dma_wait3A_720 = arith.constant 0 : i32
      %dma_wait3A_721 = tpu.memref_slice %arg9[%dma_wait3A_713, %dma_wait3A_714, %dma_wait3A_720] : memref<2x5x80xi32, #tpu.memory_space<vmem>> -> memref<1x1x80xi32, #tpu.memory_space<vmem>>
      %dma_wait3A_722 = tpu.memref_squeeze %dma_wait3A_721 : memref<1x1x80xi32, #tpu.memory_space<vmem>> -> memref<80xi32, #tpu.memory_space<vmem>>
      %dma_wait3A_723 = arith.constant 0 : i32
      %dma_wait3A_724 = tpu.memref_slice %arg4[%dma_wait3A_723] : memref<320000xi32, #tpu.memory_space<hbm>> -> memref<80xi32, #tpu.memory_space<hbm>>
      tpu.wait_dma2 semaphore(%arg16 : memref<!tpu.dma_semaphore, #tpu.memory_space<semaphore_mem>>) src(%dma_wait3A_724 : memref<80xi32, #tpu.memory_space<hbm>>) dst(%dma_wait3A_722 : memref<80xi32, #tpu.memory_space<vmem>>)
      %run_scoped3A_725 = arith.constant 1 : i32
      %run_scoped3A_726 = arith.constant 0 : i32
      "tpu.region"() ({
        %run_scoped3A_826 = tpu.sem_alloc : memref<!tpu.dma_semaphore, #tpu.memory_space<semaphore_mem>>
        %dma_start3A_827 = arith.constant 0 : i32
        %dma_start3A_828 = arith.constant 0 : i32
        %dma_start3A_829 = tpu.memref_slice %arg7[%dma_start3A_827, %dma_start3A_828] : memref<400x64xf32, #tpu.memory_space<vmem>> -> memref<80x64xf32, #tpu.memory_space<vmem>>
        %dma_start3A_830 = arith.constant 0 : i32
        %dma_start3A_831 = tpu.memref_slice %arg9[%run_scoped3A_725, %run_scoped3A_726, %dma_start3A_830] : memref<2x5x80xi32, #tpu.memory_space<vmem>> -> memref<1x1x80xi32, #tpu.memory_space<vmem>>
        %dma_start3A_832 = tpu.memref_squeeze %dma_start3A_831 : memref<1x1x80xi32, #tpu.memory_space<vmem>> -> memref<80xi32, #tpu.memory_space<vmem>>
        %dma_start3A_833 = arith.constant 0 : i32
        %dma_start3A_834 = arith.constant 0 : i32
        %dma_start3A_835 = tpu.memref_slice %arg10[%dma_start3A_833, %dma_start3A_834] : memref<10240x64xf32, #tpu.memory_space<vmem_shared>> -> memref<10240x64xf32, #tpu.memory_space<vmem_shared>>
        tpu.enqueue_indirect_dma source(%dma_start3A_829 : memref<80x64xf32, #tpu.memory_space<vmem>>) target(%dma_start3A_835 : memref<10240x64xf32, #tpu.memory_space<vmem_shared>>) offsets(%dma_start3A_832 : memref<80xi32, #tpu.memory_space<vmem>>) semaphore(%run_scoped3A_826 : memref<!tpu.dma_semaphore, #tpu.memory_space<semaphore_mem>>) {add = true}
        %dma_wait3A_836 = arith.constant 0 : i32
        %dma_wait3A_837 = arith.constant 0 : i32
        %dma_wait3A_838 = tpu.memref_slice %arg7[%dma_wait3A_836, %dma_wait3A_837] : memref<400x64xf32, #tpu.memory_space<vmem>> -> memref<80x64xf32, #tpu.memory_space<vmem>>
        %dma_wait3A_839 = arith.constant 0 : i32
        %dma_wait3A_840 = tpu.memref_slice %arg9[%run_scoped3A_725, %run_scoped3A_726, %dma_wait3A_839] : memref<2x5x80xi32, #tpu.memory_space<vmem>> -> memref<1x1x80xi32, #tpu.memory_space<vmem>>
        %dma_wait3A_841 = tpu.memref_squeeze %dma_wait3A_840 : memref<1x1x80xi32, #tpu.memory_space<vmem>> -> memref<80xi32, #tpu.memory_space<vmem>>
        %dma_wait3A_842 = arith.constant 0 : i32
        %dma_wait3A_843 = arith.constant 0 : i32
        %dma_wait3A_844 = tpu.memref_slice %arg10[%dma_wait3A_842, %dma_wait3A_843] : memref<10240x64xf32, #tpu.memory_space<vmem_shared>> -> memref<10240x64xf32, #tpu.memory_space<vmem_shared>>
        tpu.wait_indirect_dma semaphore(%run_scoped3A_826 : memref<!tpu.dma_semaphore, #tpu.memory_space<semaphore_mem>>) src(%dma_wait3A_838 : memref<80x64xf32, #tpu.memory_space<vmem>>) dst(%dma_wait3A_844 : memref<10240x64xf32, #tpu.memory_space<vmem_shared>>)
        tpu.yield
      }) : () -> ()
      %run_scoped3A_727 = arith.constant 1 : i32
      %run_scoped3A_728 = arith.constant 1 : i32
      "tpu.region"() ({
        %run_scoped3A_826 = tpu.sem_alloc : memref<!tpu.dma_semaphore, #tpu.memory_space<semaphore_mem>>
        %dma_start3A_827 = arith.constant 80 : i32
        %dma_start3A_828 = arith.constant 0 : i32
        %dma_start3A_829 = tpu.memref_slice %arg7[%dma_start3A_827, %dma_start3A_828] : memref<400x64xf32, #tpu.memory_space<vmem>> -> memref<80x64xf32, #tpu.memory_space<vmem>>
        %dma_start3A_830 = arith.constant 0 : i32
        %dma_start3A_831 = tpu.memref_slice %arg9[%run_scoped3A_727, %run_scoped3A_728, %dma_start3A_830] : memref<2x5x80xi32, #tpu.memory_space<vmem>> -> memref<1x1x80xi32, #tpu.memory_space<vmem>>
        %dma_start3A_832 = tpu.memref_squeeze %dma_start3A_831 : memref<1x1x80xi32, #tpu.memory_space<vmem>> -> memref<80xi32, #tpu.memory_space<vmem>>
        %dma_start3A_833 = arith.constant 0 : i32
        %dma_start3A_834 = arith.constant 0 : i32
        %dma_start3A_835 = tpu.memref_slice %arg10[%dma_start3A_833, %dma_start3A_834] : memref<10240x64xf32, #tpu.memory_space<vmem_shared>> -> memref<10240x64xf32, #tpu.memory_space<vmem_shared>>
        tpu.enqueue_indirect_dma source(%dma_start3A_829 : memref<80x64xf32, #tpu.memory_space<vmem>>) target(%dma_start3A_835 : memref<10240x64xf32, #tpu.memory_space<vmem_shared>>) offsets(%dma_start3A_832 : memref<80xi32, #tpu.memory_space<vmem>>) semaphore(%run_scoped3A_826 : memref<!tpu.dma_semaphore, #tpu.memory_space<semaphore_mem>>) {add = true}
        %dma_wait3A_836 = arith.constant 80 : i32
        %dma_wait3A_837 = arith.constant 0 : i32
        %dma_wait3A_838 = tpu.memref_slice %arg7[%dma_wait3A_836, %dma_wait3A_837] : memref<400x64xf32, #tpu.memory_space<vmem>> -> memref<80x64xf32, #tpu.memory_space<vmem>>
        %dma_wait3A_839 = arith.constant 0 : i32
        %dma_wait3A_840 = tpu.memref_slice %arg9[%run_scoped3A_727, %run_scoped3A_728, %dma_wait3A_839] : memref<2x5x80xi32, #tpu.memory_space<vmem>> -> memref<1x1x80xi32, #tpu.memory_space<vmem>>
        %dma_wait3A_841 = tpu.memref_squeeze %dma_wait3A_840 : memref<1x1x80xi32, #tpu.memory_space<vmem>> -> memref<80xi32, #tpu.memory_space<vmem>>
        %dma_wait3A_842 = arith.constant 0 : i32
        %dma_wait3A_843 = arith.constant 0 : i32
        %dma_wait3A_844 = tpu.memref_slice %arg10[%dma_wait3A_842, %dma_wait3A_843] : memref<10240x64xf32, #tpu.memory_space<vmem_shared>> -> memref<10240x64xf32, #tpu.memory_space<vmem_shared>>
        tpu.wait_indirect_dma semaphore(%run_scoped3A_826 : memref<!tpu.dma_semaphore, #tpu.memory_space<semaphore_mem>>) src(%dma_wait3A_838 : memref<80x64xf32, #tpu.memory_space<vmem>>) dst(%dma_wait3A_844 : memref<10240x64xf32, #tpu.memory_space<vmem_shared>>)
        tpu.yield
      }) : () -> ()
      %run_scoped3A_729 = arith.constant 1 : i32
      %run_scoped3A_730 = arith.constant 2 : i32
      "tpu.region"() ({
        %run_scoped3A_826 = tpu.sem_alloc : memref<!tpu.dma_semaphore, #tpu.memory_space<semaphore_mem>>
        %dma_start3A_827 = arith.constant 160 : i32
        %dma_start3A_828 = arith.constant 0 : i32
        %dma_start3A_829 = tpu.memref_slice %arg7[%dma_start3A_827, %dma_start3A_828] : memref<400x64xf32, #tpu.memory_space<vmem>> -> memref<80x64xf32, #tpu.memory_space<vmem>>
        %dma_start3A_830 = arith.constant 0 : i32
        %dma_start3A_831 = tpu.memref_slice %arg9[%run_scoped3A_729, %run_scoped3A_730, %dma_start3A_830] : memref<2x5x80xi32, #tpu.memory_space<vmem>> -> memref<1x1x80xi32, #tpu.memory_space<vmem>>
        %dma_start3A_832 = tpu.memref_squeeze %dma_start3A_831 : memref<1x1x80xi32, #tpu.memory_space<vmem>> -> memref<80xi32, #tpu.memory_space<vmem>>
        %dma_start3A_833 = arith.constant 0 : i32
        %dma_start3A_834 = arith.constant 0 : i32
        %dma_start3A_835 = tpu.memref_slice %arg10[%dma_start3A_833, %dma_start3A_834] : memref<10240x64xf32, #tpu.memory_space<vmem_shared>> -> memref<10240x64xf32, #tpu.memory_space<vmem_shared>>
        tpu.enqueue_indirect_dma source(%dma_start3A_829 : memref<80x64xf32, #tpu.memory_space<vmem>>) target(%dma_start3A_835 : memref<10240x64xf32, #tpu.memory_space<vmem_shared>>) offsets(%dma_start3A_832 : memref<80xi32, #tpu.memory_space<vmem>>) semaphore(%run_scoped3A_826 : memref<!tpu.dma_semaphore, #tpu.memory_space<semaphore_mem>>) {add = true}
        %dma_wait3A_836 = arith.constant 160 : i32
        %dma_wait3A_837 = arith.constant 0 : i32
        %dma_wait3A_838 = tpu.memref_slice %arg7[%dma_wait3A_836, %dma_wait3A_837] : memref<400x64xf32, #tpu.memory_space<vmem>> -> memref<80x64xf32, #tpu.memory_space<vmem>>
        %dma_wait3A_839 = arith.constant 0 : i32
        %dma_wait3A_840 = tpu.memref_slice %arg9[%run_scoped3A_729, %run_scoped3A_730, %dma_wait3A_839] : memref<2x5x80xi32, #tpu.memory_space<vmem>> -> memref<1x1x80xi32, #tpu.memory_space<vmem>>
        %dma_wait3A_841 = tpu.memref_squeeze %dma_wait3A_840 : memref<1x1x80xi32, #tpu.memory_space<vmem>> -> memref<80xi32, #tpu.memory_space<vmem>>
        %dma_wait3A_842 = arith.constant 0 : i32
        %dma_wait3A_843 = arith.constant 0 : i32
        %dma_wait3A_844 = tpu.memref_slice %arg10[%dma_wait3A_842, %dma_wait3A_843] : memref<10240x64xf32, #tpu.memory_space<vmem_shared>> -> memref<10240x64xf32, #tpu.memory_space<vmem_shared>>
        tpu.wait_indirect_dma semaphore(%run_scoped3A_826 : memref<!tpu.dma_semaphore, #tpu.memory_space<semaphore_mem>>) src(%dma_wait3A_838 : memref<80x64xf32, #tpu.memory_space<vmem>>) dst(%dma_wait3A_844 : memref<10240x64xf32, #tpu.memory_space<vmem_shared>>)
        tpu.yield
      }) : () -> ()
      %run_scoped3A_731 = arith.constant 1 : i32
      %run_scoped3A_732 = arith.constant 3 : i32
      "tpu.region"() ({
        %run_scoped3A_826 = tpu.sem_alloc : memref<!tpu.dma_semaphore, #tpu.memory_space<semaphore_mem>>
        %dma_start3A_827 = arith.constant 240 : i32
        %dma_start3A_828 = arith.constant 0 : i32
        %dma_start3A_829 = tpu.memref_slice %arg7[%dma_start3A_827, %dma_start3A_828] : memref<400x64xf32, #tpu.memory_space<vmem>> -> memref<80x64xf32, #tpu.memory_space<vmem>>
        %dma_start3A_830 = arith.constant 0 : i32
        %dma_start3A_831 = tpu.memref_slice %arg9[%run_scoped3A_731, %run_scoped3A_732, %dma_start3A_830] : memref<2x5x80xi32, #tpu.memory_space<vmem>> -> memref<1x1x80xi32, #tpu.memory_space<vmem>>
        %dma_start3A_832 = tpu.memref_squeeze %dma_start3A_831 : memref<1x1x80xi32, #tpu.memory_space<vmem>> -> memref<80xi32, #tpu.memory_space<vmem>>
        %dma_start3A_833 = arith.constant 0 : i32
        %dma_start3A_834 = arith.constant 0 : i32
        %dma_start3A_835 = tpu.memref_slice %arg10[%dma_start3A_833, %dma_start3A_834] : memref<10240x64xf32, #tpu.memory_space<vmem_shared>> -> memref<10240x64xf32, #tpu.memory_space<vmem_shared>>
        tpu.enqueue_indirect_dma source(%dma_start3A_829 : memref<80x64xf32, #tpu.memory_space<vmem>>) target(%dma_start3A_835 : memref<10240x64xf32, #tpu.memory_space<vmem_shared>>) offsets(%dma_start3A_832 : memref<80xi32, #tpu.memory_space<vmem>>) semaphore(%run_scoped3A_826 : memref<!tpu.dma_semaphore, #tpu.memory_space<semaphore_mem>>) {add = true}
        %dma_wait3A_836 = arith.constant 240 : i32
        %dma_wait3A_837 = arith.constant 0 : i32
        %dma_wait3A_838 = tpu.memref_slice %arg7[%dma_wait3A_836, %dma_wait3A_837] : memref<400x64xf32, #tpu.memory_space<vmem>> -> memref<80x64xf32, #tpu.memory_space<vmem>>
        %dma_wait3A_839 = arith.constant 0 : i32
        %dma_wait3A_840 = tpu.memref_slice %arg9[%run_scoped3A_731, %run_scoped3A_732, %dma_wait3A_839] : memref<2x5x80xi32, #tpu.memory_space<vmem>> -> memref<1x1x80xi32, #tpu.memory_space<vmem>>
        %dma_wait3A_841 = tpu.memref_squeeze %dma_wait3A_840 : memref<1x1x80xi32, #tpu.memory_space<vmem>> -> memref<80xi32, #tpu.memory_space<vmem>>
        %dma_wait3A_842 = arith.constant 0 : i32
        %dma_wait3A_843 = arith.constant 0 : i32
        %dma_wait3A_844 = tpu.memref_slice %arg10[%dma_wait3A_842, %dma_wait3A_843] : memref<10240x64xf32, #tpu.memory_space<vmem_shared>> -> memref<10240x64xf32, #tpu.memory_space<vmem_shared>>
        tpu.wait_indirect_dma semaphore(%run_scoped3A_826 : memref<!tpu.dma_semaphore, #tpu.memory_space<semaphore_mem>>) src(%dma_wait3A_838 : memref<80x64xf32, #tpu.memory_space<vmem>>) dst(%dma_wait3A_844 : memref<10240x64xf32, #tpu.memory_space<vmem_shared>>)
        tpu.yield
      }) : () -> ()
      %run_scoped3A_733 = arith.constant 1 : i32
      %run_scoped3A_734 = arith.constant 4 : i32
      "tpu.region"() ({
        %run_scoped3A_826 = tpu.sem_alloc : memref<!tpu.dma_semaphore, #tpu.memory_space<semaphore_mem>>
        %dma_start3A_827 = arith.constant 320 : i32
        %dma_start3A_828 = arith.constant 0 : i32
        %dma_start3A_829 = tpu.memref_slice %arg7[%dma_start3A_827, %dma_start3A_828] : memref<400x64xf32, #tpu.memory_space<vmem>> -> memref<80x64xf32, #tpu.memory_space<vmem>>
        %dma_start3A_830 = arith.constant 0 : i32
        %dma_start3A_831 = tpu.memref_slice %arg9[%run_scoped3A_733, %run_scoped3A_734, %dma_start3A_830] : memref<2x5x80xi32, #tpu.memory_space<vmem>> -> memref<1x1x80xi32, #tpu.memory_space<vmem>>
        %dma_start3A_832 = tpu.memref_squeeze %dma_start3A_831 : memref<1x1x80xi32, #tpu.memory_space<vmem>> -> memref<80xi32, #tpu.memory_space<vmem>>
        %dma_start3A_833 = arith.constant 0 : i32
        %dma_start3A_834 = arith.constant 0 : i32
        %dma_start3A_835 = tpu.memref_slice %arg10[%dma_start3A_833, %dma_start3A_834] : memref<10240x64xf32, #tpu.memory_space<vmem_shared>> -> memref<10240x64xf32, #tpu.memory_space<vmem_shared>>
        tpu.enqueue_indirect_dma source(%dma_start3A_829 : memref<80x64xf32, #tpu.memory_space<vmem>>) target(%dma_start3A_835 : memref<10240x64xf32, #tpu.memory_space<vmem_shared>>) offsets(%dma_start3A_832 : memref<80xi32, #tpu.memory_space<vmem>>) semaphore(%run_scoped3A_826 : memref<!tpu.dma_semaphore, #tpu.memory_space<semaphore_mem>>) {add = true}
        %dma_wait3A_836 = arith.constant 320 : i32
        %dma_wait3A_837 = arith.constant 0 : i32
        %dma_wait3A_838 = tpu.memref_slice %arg7[%dma_wait3A_836, %dma_wait3A_837] : memref<400x64xf32, #tpu.memory_space<vmem>> -> memref<80x64xf32, #tpu.memory_space<vmem>>
        %dma_wait3A_839 = arith.constant 0 : i32
        %dma_wait3A_840 = tpu.memref_slice %arg9[%run_scoped3A_733, %run_scoped3A_734, %dma_wait3A_839] : memref<2x5x80xi32, #tpu.memory_space<vmem>> -> memref<1x1x80xi32, #tpu.memory_space<vmem>>
        %dma_wait3A_841 = tpu.memref_squeeze %dma_wait3A_840 : memref<1x1x80xi32, #tpu.memory_space<vmem>> -> memref<80xi32, #tpu.memory_space<vmem>>
        %dma_wait3A_842 = arith.constant 0 : i32
        %dma_wait3A_843 = arith.constant 0 : i32
        %dma_wait3A_844 = tpu.memref_slice %arg10[%dma_wait3A_842, %dma_wait3A_843] : memref<10240x64xf32, #tpu.memory_space<vmem_shared>> -> memref<10240x64xf32, #tpu.memory_space<vmem_shared>>
        tpu.wait_indirect_dma semaphore(%run_scoped3A_826 : memref<!tpu.dma_semaphore, #tpu.memory_space<semaphore_mem>>) src(%dma_wait3A_838 : memref<80x64xf32, #tpu.memory_space<vmem>>) dst(%dma_wait3A_844 : memref<10240x64xf32, #tpu.memory_space<vmem_shared>>)
        tpu.yield
      }) : () -> ()
      %add3A_735 = arith.constant 3 : i32
      %add3A_736 = arith.addi %mul3A_393, %add3A_735 : i32
      %lt3A_737 = arith.constant 50 : i32
      %lt3A_738 = arith.cmpi slt, %add3A_736, %lt3A_737 : i32
      %jit3A_739 = arith.constant 0 : i32
      %select_n3A_740 = arith.select %lt3A_738, %add3A_736, %jit3A_739 : i32
      %mul3A_741 = arith.constant 20000 : i32
      %mul3A_742 = arith.muli %arg1, %mul3A_741 : i32
      %mul3A_743 = arith.constant 400 : i32
      %mul3A_744 = arith.muli %select_n3A_740, %mul3A_743 : i32
      %add3A_745 = arith.addi %mul3A_742, %mul3A_744 : i32
      %add3A_746 = arith.constant 0 : i32
      %add3A_747 = arith.addi %add3A_745, %add3A_746 : i32
      %dma_start3A_748 = arith.constant 1 : i32
      %dma_start3A_749 = arith.constant 0 : i32
      %dma_start3A_750 = arith.constant 0 : i32
      %dma_start3A_751 = tpu.memref_slice %arg9[%dma_start3A_748, %dma_start3A_749, %dma_start3A_750] : memref<2x5x80xi32, #tpu.memory_space<vmem>> -> memref<1x1x80xi32, #tpu.memory_space<vmem>>
      %dma_start3A_752 = tpu.memref_squeeze %dma_start3A_751 : memref<1x1x80xi32, #tpu.memory_space<vmem>> -> memref<80xi32, #tpu.memory_space<vmem>>
      %dma_start3A_753 = tpu.memref_slice %arg4[%add3A_747] : memref<320000xi32, #tpu.memory_space<hbm>> -> memref<80xi32, #tpu.memory_space<hbm>>
      %dma_start3A_754 = arith.constant 0 : i32
      %dma_start3A_755 = tpu.memref_slice %arg9[%dma_start3A_748, %dma_start3A_749, %dma_start3A_754] : memref<2x5x80xi32, #tpu.memory_space<vmem>> -> memref<1x1x80xi32, #tpu.memory_space<vmem>>
      %dma_start3A_756 = tpu.memref_squeeze %dma_start3A_755 : memref<1x1x80xi32, #tpu.memory_space<vmem>> -> memref<80xi32, #tpu.memory_space<vmem>>
      %dma_start3A_757 = tpu.memref_slice %arg4[%add3A_747] : memref<320000xi32, #tpu.memory_space<hbm>> -> memref<80xi32, #tpu.memory_space<hbm>>
      tpu.enqueue_dma source(%dma_start3A_757 : memref<80xi32, #tpu.memory_space<hbm>>) target(%dma_start3A_756 : memref<80xi32, #tpu.memory_space<vmem>>) target_semaphore(%arg16 : memref<!tpu.dma_semaphore, #tpu.memory_space<semaphore_mem>>)
      %mul3A_758 = arith.constant 20000 : i32
      %mul3A_759 = arith.muli %arg1, %mul3A_758 : i32
      %mul3A_760 = arith.constant 400 : i32
      %mul3A_761 = arith.muli %select_n3A_740, %mul3A_760 : i32
      %add3A_762 = arith.addi %mul3A_759, %mul3A_761 : i32
      %add3A_763 = arith.constant 80 : i32
      %add3A_764 = arith.addi %add3A_762, %add3A_763 : i32
      %dma_start3A_765 = arith.constant 1 : i32
      %dma_start3A_766 = arith.constant 1 : i32
      %dma_start3A_767 = arith.constant 0 : i32
      %dma_start3A_768 = tpu.memref_slice %arg9[%dma_start3A_765, %dma_start3A_766, %dma_start3A_767] : memref<2x5x80xi32, #tpu.memory_space<vmem>> -> memref<1x1x80xi32, #tpu.memory_space<vmem>>
      %dma_start3A_769 = tpu.memref_squeeze %dma_start3A_768 : memref<1x1x80xi32, #tpu.memory_space<vmem>> -> memref<80xi32, #tpu.memory_space<vmem>>
      %dma_start3A_770 = tpu.memref_slice %arg4[%add3A_764] : memref<320000xi32, #tpu.memory_space<hbm>> -> memref<80xi32, #tpu.memory_space<hbm>>
      %dma_start3A_771 = arith.constant 0 : i32
      %dma_start3A_772 = tpu.memref_slice %arg9[%dma_start3A_765, %dma_start3A_766, %dma_start3A_771] : memref<2x5x80xi32, #tpu.memory_space<vmem>> -> memref<1x1x80xi32, #tpu.memory_space<vmem>>
      %dma_start3A_773 = tpu.memref_squeeze %dma_start3A_772 : memref<1x1x80xi32, #tpu.memory_space<vmem>> -> memref<80xi32, #tpu.memory_space<vmem>>
      %dma_start3A_774 = tpu.memref_slice %arg4[%add3A_764] : memref<320000xi32, #tpu.memory_space<hbm>> -> memref<80xi32, #tpu.memory_space<hbm>>
      tpu.enqueue_dma source(%dma_start3A_774 : memref<80xi32, #tpu.memory_space<hbm>>) target(%dma_start3A_773 : memref<80xi32, #tpu.memory_space<vmem>>) target_semaphore(%arg16 : memref<!tpu.dma_semaphore, #tpu.memory_space<semaphore_mem>>)
      %mul3A_775 = arith.constant 20000 : i32
      %mul3A_776 = arith.muli %arg1, %mul3A_775 : i32
      %mul3A_777 = arith.constant 400 : i32
      %mul3A_778 = arith.muli %select_n3A_740, %mul3A_777 : i32
      %add3A_779 = arith.addi %mul3A_776, %mul3A_778 : i32
      %add3A_780 = arith.constant 160 : i32
      %add3A_781 = arith.addi %add3A_779, %add3A_780 : i32
      %dma_start3A_782 = arith.constant 1 : i32
      %dma_start3A_783 = arith.constant 2 : i32
      %dma_start3A_784 = arith.constant 0 : i32
      %dma_start3A_785 = tpu.memref_slice %arg9[%dma_start3A_782, %dma_start3A_783, %dma_start3A_784] : memref<2x5x80xi32, #tpu.memory_space<vmem>> -> memref<1x1x80xi32, #tpu.memory_space<vmem>>
      %dma_start3A_786 = tpu.memref_squeeze %dma_start3A_785 : memref<1x1x80xi32, #tpu.memory_space<vmem>> -> memref<80xi32, #tpu.memory_space<vmem>>
      %dma_start3A_787 = tpu.memref_slice %arg4[%add3A_781] : memref<320000xi32, #tpu.memory_space<hbm>> -> memref<80xi32, #tpu.memory_space<hbm>>
      %dma_start3A_788 = arith.constant 0 : i32
      %dma_start3A_789 = tpu.memref_slice %arg9[%dma_start3A_782, %dma_start3A_783, %dma_start3A_788] : memref<2x5x80xi32, #tpu.memory_space<vmem>> -> memref<1x1x80xi32, #tpu.memory_space<vmem>>
      %dma_start3A_790 = tpu.memref_squeeze %dma_start3A_789 : memref<1x1x80xi32, #tpu.memory_space<vmem>> -> memref<80xi32, #tpu.memory_space<vmem>>
      %dma_start3A_791 = tpu.memref_slice %arg4[%add3A_781] : memref<320000xi32, #tpu.memory_space<hbm>> -> memref<80xi32, #tpu.memory_space<hbm>>
      tpu.enqueue_dma source(%dma_start3A_791 : memref<80xi32, #tpu.memory_space<hbm>>) target(%dma_start3A_790 : memref<80xi32, #tpu.memory_space<vmem>>) target_semaphore(%arg16 : memref<!tpu.dma_semaphore, #tpu.memory_space<semaphore_mem>>)
      %mul3A_792 = arith.constant 20000 : i32
      %mul3A_793 = arith.muli %arg1, %mul3A_792 : i32
      %mul3A_794 = arith.constant 400 : i32
      %mul3A_795 = arith.muli %select_n3A_740, %mul3A_794 : i32
      %add3A_796 = arith.addi %mul3A_793, %mul3A_795 : i32
      %add3A_797 = arith.constant 240 : i32
      %add3A_798 = arith.addi %add3A_796, %add3A_797 : i32
      %dma_start3A_799 = arith.constant 1 : i32
      %dma_start3A_800 = arith.constant 3 : i32
      %dma_start3A_801 = arith.constant 0 : i32
      %dma_start3A_802 = tpu.memref_slice %arg9[%dma_start3A_799, %dma_start3A_800, %dma_start3A_801] : memref<2x5x80xi32, #tpu.memory_space<vmem>> -> memref<1x1x80xi32, #tpu.memory_space<vmem>>
      %dma_start3A_803 = tpu.memref_squeeze %dma_start3A_802 : memref<1x1x80xi32, #tpu.memory_space<vmem>> -> memref<80xi32, #tpu.memory_space<vmem>>
      %dma_start3A_804 = tpu.memref_slice %arg4[%add3A_798] : memref<320000xi32, #tpu.memory_space<hbm>> -> memref<80xi32, #tpu.memory_space<hbm>>
      %dma_start3A_805 = arith.constant 0 : i32
      %dma_start3A_806 = tpu.memref_slice %arg9[%dma_start3A_799, %dma_start3A_800, %dma_start3A_805] : memref<2x5x80xi32, #tpu.memory_space<vmem>> -> memref<1x1x80xi32, #tpu.memory_space<vmem>>
      %dma_start3A_807 = tpu.memref_squeeze %dma_start3A_806 : memref<1x1x80xi32, #tpu.memory_space<vmem>> -> memref<80xi32, #tpu.memory_space<vmem>>
      %dma_start3A_808 = tpu.memref_slice %arg4[%add3A_798] : memref<320000xi32, #tpu.memory_space<hbm>> -> memref<80xi32, #tpu.memory_space<hbm>>
      tpu.enqueue_dma source(%dma_start3A_808 : memref<80xi32, #tpu.memory_space<hbm>>) target(%dma_start3A_807 : memref<80xi32, #tpu.memory_space<vmem>>) target_semaphore(%arg16 : memref<!tpu.dma_semaphore, #tpu.memory_space<semaphore_mem>>)
      %mul3A_809 = arith.constant 20000 : i32
      %mul3A_810 = arith.muli %arg1, %mul3A_809 : i32
      %mul3A_811 = arith.constant 400 : i32
      %mul3A_812 = arith.muli %select_n3A_740, %mul3A_811 : i32
      %add3A_813 = arith.addi %mul3A_810, %mul3A_812 : i32
      %add3A_814 = arith.constant 320 : i32
      %add3A_815 = arith.addi %add3A_813, %add3A_814 : i32
      %dma_start3A_816 = arith.constant 1 : i32
      %dma_start3A_817 = arith.constant 4 : i32
      %dma_start3A_818 = arith.constant 0 : i32
      %dma_start3A_819 = tpu.memref_slice %arg9[%dma_start3A_816, %dma_start3A_817, %dma_start3A_818] : memref<2x5x80xi32, #tpu.memory_space<vmem>> -> memref<1x1x80xi32, #tpu.memory_space<vmem>>
      %dma_start3A_820 = tpu.memref_squeeze %dma_start3A_819 : memref<1x1x80xi32, #tpu.memory_space<vmem>> -> memref<80xi32, #tpu.memory_space<vmem>>
      %dma_start3A_821 = tpu.memref_slice %arg4[%add3A_815] : memref<320000xi32, #tpu.memory_space<hbm>> -> memref<80xi32, #tpu.memory_space<hbm>>
      %dma_start3A_822 = arith.constant 0 : i32
      %dma_start3A_823 = tpu.memref_slice %arg9[%dma_start3A_816, %dma_start3A_817, %dma_start3A_822] : memref<2x5x80xi32, #tpu.memory_space<vmem>> -> memref<1x1x80xi32, #tpu.memory_space<vmem>>
      %dma_start3A_824 = tpu.memref_squeeze %dma_start3A_823 : memref<1x1x80xi32, #tpu.memory_space<vmem>> -> memref<80xi32, #tpu.memory_space<vmem>>
      %dma_start3A_825 = tpu.memref_slice %arg4[%add3A_815] : memref<320000xi32, #tpu.memory_space<hbm>> -> memref<80xi32, #tpu.memory_space<hbm>>
      tpu.enqueue_dma source(%dma_start3A_825 : memref<80xi32, #tpu.memory_space<hbm>>) target(%dma_start3A_824 : memref<80xi32, #tpu.memory_space<vmem>>) target_semaphore(%arg16 : memref<!tpu.dma_semaphore, #tpu.memory_space<semaphore_mem>>)
    }
    %scan3A_244 = arith.constant 25 : i32
    %dma_wait3A_245 = arith.constant 1 : i32
    %dma_wait3A_246 = arith.constant 0 : i32
    %dma_wait3A_247 = tpu.memref_slice %arg8[%dma_wait3A_245, %dma_wait3A_246] : memref<2x400xi32, #tpu.memory_space<vmem>> -> memref<1x400xi32, #tpu.memory_space<vmem>>
    %dma_wait3A_248 = tpu.memref_squeeze %dma_wait3A_247 : memref<1x400xi32, #tpu.memory_space<vmem>> -> memref<400xi32, #tpu.memory_space<vmem>>
    %dma_wait3A_249 = arith.constant 0 : i32
    %dma_wait3A_250 = tpu.memref_slice %arg3[%dma_wait3A_249] : memref<320000xi32, #tpu.memory_space<hbm>> -> memref<400xi32, #tpu.memory_space<hbm>>
    %dma_wait3A_251 = arith.constant 0 : i32
    %dma_wait3A_252 = tpu.memref_slice %arg8[%dma_wait3A_245, %dma_wait3A_251] : memref<2x400xi32, #tpu.memory_space<vmem>> -> memref<1x400xi32, #tpu.memory_space<vmem>>
    %dma_wait3A_253 = tpu.memref_squeeze %dma_wait3A_252 : memref<1x400xi32, #tpu.memory_space<vmem>> -> memref<400xi32, #tpu.memory_space<vmem>>
    %dma_wait3A_254 = arith.constant 0 : i32
    %dma_wait3A_255 = tpu.memref_slice %arg3[%dma_wait3A_254] : memref<320000xi32, #tpu.memory_space<hbm>> -> memref<400xi32, #tpu.memory_space<hbm>>
    tpu.wait_dma2 semaphore(%arg14 : memref<!tpu.dma_semaphore, #tpu.memory_space<semaphore_mem>>) src(%dma_wait3A_255 : memref<400xi32, #tpu.memory_space<hbm>>) dst(%dma_wait3A_253 : memref<400xi32, #tpu.memory_space<vmem>>)
    %dma_wait3A_256 = arith.constant 0 : i32
    %dma_wait3A_257 = arith.constant 0 : i32
    %dma_wait3A_258 = arith.constant 0 : i32
    %dma_wait3A_259 = tpu.memref_slice %arg9[%dma_wait3A_256, %dma_wait3A_257, %dma_wait3A_258] : memref<2x5x80xi32, #tpu.memory_space<vmem>> -> memref<1x1x80xi32, #tpu.memory_space<vmem>>
    %dma_wait3A_260 = tpu.memref_squeeze %dma_wait3A_259 : memref<1x1x80xi32, #tpu.memory_space<vmem>> -> memref<80xi32, #tpu.memory_space<vmem>>
    %dma_wait3A_261 = arith.constant 0 : i32
    %dma_wait3A_262 = tpu.memref_slice %arg4[%dma_wait3A_261] : memref<320000xi32, #tpu.memory_space<hbm>> -> memref<80xi32, #tpu.memory_space<hbm>>
    %dma_wait3A_263 = arith.constant 0 : i32
    %dma_wait3A_264 = tpu.memref_slice %arg9[%dma_wait3A_256, %dma_wait3A_257, %dma_wait3A_263] : memref<2x5x80xi32, #tpu.memory_space<vmem>> -> memref<1x1x80xi32, #tpu.memory_space<vmem>>
    %dma_wait3A_265 = tpu.memref_squeeze %dma_wait3A_264 : memref<1x1x80xi32, #tpu.memory_space<vmem>> -> memref<80xi32, #tpu.memory_space<vmem>>
    %dma_wait3A_266 = arith.constant 0 : i32
    %dma_wait3A_267 = tpu.memref_slice %arg4[%dma_wait3A_266] : memref<320000xi32, #tpu.memory_space<hbm>> -> memref<80xi32, #tpu.memory_space<hbm>>
    tpu.wait_dma2 semaphore(%arg15 : memref<!tpu.dma_semaphore, #tpu.memory_space<semaphore_mem>>) src(%dma_wait3A_267 : memref<80xi32, #tpu.memory_space<hbm>>) dst(%dma_wait3A_265 : memref<80xi32, #tpu.memory_space<vmem>>)
    %dma_wait3A_268 = arith.constant 0 : i32
    %dma_wait3A_269 = arith.constant 1 : i32
    %dma_wait3A_270 = arith.constant 0 : i32
    %dma_wait3A_271 = tpu.memref_slice %arg9[%dma_wait3A_268, %dma_wait3A_269, %dma_wait3A_270] : memref<2x5x80xi32, #tpu.memory_space<vmem>> -> memref<1x1x80xi32, #tpu.memory_space<vmem>>
    %dma_wait3A_272 = tpu.memref_squeeze %dma_wait3A_271 : memref<1x1x80xi32, #tpu.memory_space<vmem>> -> memref<80xi32, #tpu.memory_space<vmem>>
    %dma_wait3A_273 = arith.constant 0 : i32
    %dma_wait3A_274 = tpu.memref_slice %arg4[%dma_wait3A_273] : memref<320000xi32, #tpu.memory_space<hbm>> -> memref<80xi32, #tpu.memory_space<hbm>>
    %dma_wait3A_275 = arith.constant 0 : i32
    %dma_wait3A_276 = tpu.memref_slice %arg9[%dma_wait3A_268, %dma_wait3A_269, %dma_wait3A_275] : memref<2x5x80xi32, #tpu.memory_space<vmem>> -> memref<1x1x80xi32, #tpu.memory_space<vmem>>
    %dma_wait3A_277 = tpu.memref_squeeze %dma_wait3A_276 : memref<1x1x80xi32, #tpu.memory_space<vmem>> -> memref<80xi32, #tpu.memory_space<vmem>>
    %dma_wait3A_278 = arith.constant 0 : i32
    %dma_wait3A_279 = tpu.memref_slice %arg4[%dma_wait3A_278] : memref<320000xi32, #tpu.memory_space<hbm>> -> memref<80xi32, #tpu.memory_space<hbm>>
    tpu.wait_dma2 semaphore(%arg15 : memref<!tpu.dma_semaphore, #tpu.memory_space<semaphore_mem>>) src(%dma_wait3A_279 : memref<80xi32, #tpu.memory_space<hbm>>) dst(%dma_wait3A_277 : memref<80xi32, #tpu.memory_space<vmem>>)
    %dma_wait3A_280 = arith.constant 0 : i32
    %dma_wait3A_281 = arith.constant 2 : i32
    %dma_wait3A_282 = arith.constant 0 : i32
    %dma_wait3A_283 = tpu.memref_slice %arg9[%dma_wait3A_280, %dma_wait3A_281, %dma_wait3A_282] : memref<2x5x80xi32, #tpu.memory_space<vmem>> -> memref<1x1x80xi32, #tpu.memory_space<vmem>>
    %dma_wait3A_284 = tpu.memref_squeeze %dma_wait3A_283 : memref<1x1x80xi32, #tpu.memory_space<vmem>> -> memref<80xi32, #tpu.memory_space<vmem>>
    %dma_wait3A_285 = arith.constant 0 : i32
    %dma_wait3A_286 = tpu.memref_slice %arg4[%dma_wait3A_285] : memref<320000xi32, #tpu.memory_space<hbm>> -> memref<80xi32, #tpu.memory_space<hbm>>
    %dma_wait3A_287 = arith.constant 0 : i32
    %dma_wait3A_288 = tpu.memref_slice %arg9[%dma_wait3A_280, %dma_wait3A_281, %dma_wait3A_287] : memref<2x5x80xi32, #tpu.memory_space<vmem>> -> memref<1x1x80xi32, #tpu.memory_space<vmem>>
    %dma_wait3A_289 = tpu.memref_squeeze %dma_wait3A_288 : memref<1x1x80xi32, #tpu.memory_space<vmem>> -> memref<80xi32, #tpu.memory_space<vmem>>
    %dma_wait3A_290 = arith.constant 0 : i32
    %dma_wait3A_291 = tpu.memref_slice %arg4[%dma_wait3A_290] : memref<320000xi32, #tpu.memory_space<hbm>> -> memref<80xi32, #tpu.memory_space<hbm>>
    tpu.wait_dma2 semaphore(%arg15 : memref<!tpu.dma_semaphore, #tpu.memory_space<semaphore_mem>>) src(%dma_wait3A_291 : memref<80xi32, #tpu.memory_space<hbm>>) dst(%dma_wait3A_289 : memref<80xi32, #tpu.memory_space<vmem>>)
    %dma_wait3A_292 = arith.constant 0 : i32
    %dma_wait3A_293 = arith.constant 3 : i32
    %dma_wait3A_294 = arith.constant 0 : i32
    %dma_wait3A_295 = tpu.memref_slice %arg9[%dma_wait3A_292, %dma_wait3A_293, %dma_wait3A_294] : memref<2x5x80xi32, #tpu.memory_space<vmem>> -> memref<1x1x80xi32, #tpu.memory_space<vmem>>
    %dma_wait3A_296 = tpu.memref_squeeze %dma_wait3A_295 : memref<1x1x80xi32, #tpu.memory_space<vmem>> -> memref<80xi32, #tpu.memory_space<vmem>>
    %dma_wait3A_297 = arith.constant 0 : i32
    %dma_wait3A_298 = tpu.memref_slice %arg4[%dma_wait3A_297] : memref<320000xi32, #tpu.memory_space<hbm>> -> memref<80xi32, #tpu.memory_space<hbm>>
    %dma_wait3A_299 = arith.constant 0 : i32
    %dma_wait3A_300 = tpu.memref_slice %arg9[%dma_wait3A_292, %dma_wait3A_293, %dma_wait3A_299] : memref<2x5x80xi32, #tpu.memory_space<vmem>> -> memref<1x1x80xi32, #tpu.memory_space<vmem>>
    %dma_wait3A_301 = tpu.memref_squeeze %dma_wait3A_300 : memref<1x1x80xi32, #tpu.memory_space<vmem>> -> memref<80xi32, #tpu.memory_space<vmem>>
    %dma_wait3A_302 = arith.constant 0 : i32
    %dma_wait3A_303 = tpu.memref_slice %arg4[%dma_wait3A_302] : memref<320000xi32, #tpu.memory_space<hbm>> -> memref<80xi32, #tpu.memory_space<hbm>>
    tpu.wait_dma2 semaphore(%arg15 : memref<!tpu.dma_semaphore, #tpu.memory_space<semaphore_mem>>) src(%dma_wait3A_303 : memref<80xi32, #tpu.memory_space<hbm>>) dst(%dma_wait3A_301 : memref<80xi32, #tpu.memory_space<vmem>>)
    %dma_wait3A_304 = arith.constant 0 : i32
    %dma_wait3A_305 = arith.constant 4 : i32
    %dma_wait3A_306 = arith.constant 0 : i32
    %dma_wait3A_307 = tpu.memref_slice %arg9[%dma_wait3A_304, %dma_wait3A_305, %dma_wait3A_306] : memref<2x5x80xi32, #tpu.memory_space<vmem>> -> memref<1x1x80xi32, #tpu.memory_space<vmem>>
    %dma_wait3A_308 = tpu.memref_squeeze %dma_wait3A_307 : memref<1x1x80xi32, #tpu.memory_space<vmem>> -> memref<80xi32, #tpu.memory_space<vmem>>
    %dma_wait3A_309 = arith.constant 0 : i32
    %dma_wait3A_310 = tpu.memref_slice %arg4[%dma_wait3A_309] : memref<320000xi32, #tpu.memory_space<hbm>> -> memref<80xi32, #tpu.memory_space<hbm>>
    %dma_wait3A_311 = arith.constant 0 : i32
    %dma_wait3A_312 = tpu.memref_slice %arg9[%dma_wait3A_304, %dma_wait3A_305, %dma_wait3A_311] : memref<2x5x80xi32, #tpu.memory_space<vmem>> -> memref<1x1x80xi32, #tpu.memory_space<vmem>>
    %dma_wait3A_313 = tpu.memref_squeeze %dma_wait3A_312 : memref<1x1x80xi32, #tpu.memory_space<vmem>> -> memref<80xi32, #tpu.memory_space<vmem>>
    %dma_wait3A_314 = arith.constant 0 : i32
    %dma_wait3A_315 = tpu.memref_slice %arg4[%dma_wait3A_314] : memref<320000xi32, #tpu.memory_space<hbm>> -> memref<80xi32, #tpu.memory_space<hbm>>
    tpu.wait_dma2 semaphore(%arg15 : memref<!tpu.dma_semaphore, #tpu.memory_space<semaphore_mem>>) src(%dma_wait3A_315 : memref<80xi32, #tpu.memory_space<hbm>>) dst(%dma_wait3A_313 : memref<80xi32, #tpu.memory_space<vmem>>)
    %dma_wait3A_316 = arith.constant 1 : i32
    %dma_wait3A_317 = arith.constant 0 : i32
    %dma_wait3A_318 = arith.constant 0 : i32
    %dma_wait3A_319 = tpu.memref_slice %arg9[%dma_wait3A_316, %dma_wait3A_317, %dma_wait3A_318] : memref<2x5x80xi32, #tpu.memory_space<vmem>> -> memref<1x1x80xi32, #tpu.memory_space<vmem>>
    %dma_wait3A_320 = tpu.memref_squeeze %dma_wait3A_319 : memref<1x1x80xi32, #tpu.memory_space<vmem>> -> memref<80xi32, #tpu.memory_space<vmem>>
    %dma_wait3A_321 = arith.constant 0 : i32
    %dma_wait3A_322 = tpu.memref_slice %arg4[%dma_wait3A_321] : memref<320000xi32, #tpu.memory_space<hbm>> -> memref<80xi32, #tpu.memory_space<hbm>>
    %dma_wait3A_323 = arith.constant 0 : i32
    %dma_wait3A_324 = tpu.memref_slice %arg9[%dma_wait3A_316, %dma_wait3A_317, %dma_wait3A_323] : memref<2x5x80xi32, #tpu.memory_space<vmem>> -> memref<1x1x80xi32, #tpu.memory_space<vmem>>
    %dma_wait3A_325 = tpu.memref_squeeze %dma_wait3A_324 : memref<1x1x80xi32, #tpu.memory_space<vmem>> -> memref<80xi32, #tpu.memory_space<vmem>>
    %dma_wait3A_326 = arith.constant 0 : i32
    %dma_wait3A_327 = tpu.memref_slice %arg4[%dma_wait3A_326] : memref<320000xi32, #tpu.memory_space<hbm>> -> memref<80xi32, #tpu.memory_space<hbm>>
    tpu.wait_dma2 semaphore(%arg16 : memref<!tpu.dma_semaphore, #tpu.memory_space<semaphore_mem>>) src(%dma_wait3A_327 : memref<80xi32, #tpu.memory_space<hbm>>) dst(%dma_wait3A_325 : memref<80xi32, #tpu.memory_space<vmem>>)
    %dma_wait3A_328 = arith.constant 1 : i32
    %dma_wait3A_329 = arith.constant 1 : i32
    %dma_wait3A_330 = arith.constant 0 : i32
    %dma_wait3A_331 = tpu.memref_slice %arg9[%dma_wait3A_328, %dma_wait3A_329, %dma_wait3A_330] : memref<2x5x80xi32, #tpu.memory_space<vmem>> -> memref<1x1x80xi32, #tpu.memory_space<vmem>>
    %dma_wait3A_332 = tpu.memref_squeeze %dma_wait3A_331 : memref<1x1x80xi32, #tpu.memory_space<vmem>> -> memref<80xi32, #tpu.memory_space<vmem>>
    %dma_wait3A_333 = arith.constant 0 : i32
    %dma_wait3A_334 = tpu.memref_slice %arg4[%dma_wait3A_333] : memref<320000xi32, #tpu.memory_space<hbm>> -> memref<80xi32, #tpu.memory_space<hbm>>
    %dma_wait3A_335 = arith.constant 0 : i32
    %dma_wait3A_336 = tpu.memref_slice %arg9[%dma_wait3A_328, %dma_wait3A_329, %dma_wait3A_335] : memref<2x5x80xi32, #tpu.memory_space<vmem>> -> memref<1x1x80xi32, #tpu.memory_space<vmem>>
    %dma_wait3A_337 = tpu.memref_squeeze %dma_wait3A_336 : memref<1x1x80xi32, #tpu.memory_space<vmem>> -> memref<80xi32, #tpu.memory_space<vmem>>
    %dma_wait3A_338 = arith.constant 0 : i32
    %dma_wait3A_339 = tpu.memref_slice %arg4[%dma_wait3A_338] : memref<320000xi32, #tpu.memory_space<hbm>> -> memref<80xi32, #tpu.memory_space<hbm>>
    tpu.wait_dma2 semaphore(%arg16 : memref<!tpu.dma_semaphore, #tpu.memory_space<semaphore_mem>>) src(%dma_wait3A_339 : memref<80xi32, #tpu.memory_space<hbm>>) dst(%dma_wait3A_337 : memref<80xi32, #tpu.memory_space<vmem>>)
    %dma_wait3A_340 = arith.constant 1 : i32
    %dma_wait3A_341 = arith.constant 2 : i32
    %dma_wait3A_342 = arith.constant 0 : i32
    %dma_wait3A_343 = tpu.memref_slice %arg9[%dma_wait3A_340, %dma_wait3A_341, %dma_wait3A_342] : memref<2x5x80xi32, #tpu.memory_space<vmem>> -> memref<1x1x80xi32, #tpu.memory_space<vmem>>
    %dma_wait3A_344 = tpu.memref_squeeze %dma_wait3A_343 : memref<1x1x80xi32, #tpu.memory_space<vmem>> -> memref<80xi32, #tpu.memory_space<vmem>>
    %dma_wait3A_345 = arith.constant 0 : i32
    %dma_wait3A_346 = tpu.memref_slice %arg4[%dma_wait3A_345] : memref<320000xi32, #tpu.memory_space<hbm>> -> memref<80xi32, #tpu.memory_space<hbm>>
    %dma_wait3A_347 = arith.constant 0 : i32
    %dma_wait3A_348 = tpu.memref_slice %arg9[%dma_wait3A_340, %dma_wait3A_341, %dma_wait3A_347] : memref<2x5x80xi32, #tpu.memory_space<vmem>> -> memref<1x1x80xi32, #tpu.memory_space<vmem>>
    %dma_wait3A_349 = tpu.memref_squeeze %dma_wait3A_348 : memref<1x1x80xi32, #tpu.memory_space<vmem>> -> memref<80xi32, #tpu.memory_space<vmem>>
    %dma_wait3A_350 = arith.constant 0 : i32
    %dma_wait3A_351 = tpu.memref_slice %arg4[%dma_wait3A_350] : memref<320000xi32, #tpu.memory_space<hbm>> -> memref<80xi32, #tpu.memory_space<hbm>>
    tpu.wait_dma2 semaphore(%arg16 : memref<!tpu.dma_semaphore, #tpu.memory_space<semaphore_mem>>) src(%dma_wait3A_351 : memref<80xi32, #tpu.memory_space<hbm>>) dst(%dma_wait3A_349 : memref<80xi32, #tpu.memory_space<vmem>>)
    %dma_wait3A_352 = arith.constant 1 : i32
    %dma_wait3A_353 = arith.constant 3 : i32
    %dma_wait3A_354 = arith.constant 0 : i32
    %dma_wait3A_355 = tpu.memref_slice %arg9[%dma_wait3A_352, %dma_wait3A_353, %dma_wait3A_354] : memref<2x5x80xi32, #tpu.memory_space<vmem>> -> memref<1x1x80xi32, #tpu.memory_space<vmem>>
    %dma_wait3A_356 = tpu.memref_squeeze %dma_wait3A_355 : memref<1x1x80xi32, #tpu.memory_space<vmem>> -> memref<80xi32, #tpu.memory_space<vmem>>
    %dma_wait3A_357 = arith.constant 0 : i32
    %dma_wait3A_358 = tpu.memref_slice %arg4[%dma_wait3A_357] : memref<320000xi32, #tpu.memory_space<hbm>> -> memref<80xi32, #tpu.memory_space<hbm>>
    %dma_wait3A_359 = arith.constant 0 : i32
    %dma_wait3A_360 = tpu.memref_slice %arg9[%dma_wait3A_352, %dma_wait3A_353, %dma_wait3A_359] : memref<2x5x80xi32, #tpu.memory_space<vmem>> -> memref<1x1x80xi32, #tpu.memory_space<vmem>>
    %dma_wait3A_361 = tpu.memref_squeeze %dma_wait3A_360 : memref<1x1x80xi32, #tpu.memory_space<vmem>> -> memref<80xi32, #tpu.memory_space<vmem>>
    %dma_wait3A_362 = arith.constant 0 : i32
    %dma_wait3A_363 = tpu.memref_slice %arg4[%dma_wait3A_362] : memref<320000xi32, #tpu.memory_space<hbm>> -> memref<80xi32, #tpu.memory_space<hbm>>
    tpu.wait_dma2 semaphore(%arg16 : memref<!tpu.dma_semaphore, #tpu.memory_space<semaphore_mem>>) src(%dma_wait3A_363 : memref<80xi32, #tpu.memory_space<hbm>>) dst(%dma_wait3A_361 : memref<80xi32, #tpu.memory_space<vmem>>)
    %dma_wait3A_364 = arith.constant 1 : i32
    %dma_wait3A_365 = arith.constant 4 : i32
    %dma_wait3A_366 = arith.constant 0 : i32
    %dma_wait3A_367 = tpu.memref_slice %arg9[%dma_wait3A_364, %dma_wait3A_365, %dma_wait3A_366] : memref<2x5x80xi32, #tpu.memory_space<vmem>> -> memref<1x1x80xi32, #tpu.memory_space<vmem>>
    %dma_wait3A_368 = tpu.memref_squeeze %dma_wait3A_367 : memref<1x1x80xi32, #tpu.memory_space<vmem>> -> memref<80xi32, #tpu.memory_space<vmem>>
    %dma_wait3A_369 = arith.constant 0 : i32
    %dma_wait3A_370 = tpu.memref_slice %arg4[%dma_wait3A_369] : memref<320000xi32, #tpu.memory_space<hbm>> -> memref<80xi32, #tpu.memory_space<hbm>>
    %dma_wait3A_371 = arith.constant 0 : i32
    %dma_wait3A_372 = tpu.memref_slice %arg9[%dma_wait3A_364, %dma_wait3A_365, %dma_wait3A_371] : memref<2x5x80xi32, #tpu.memory_space<vmem>> -> memref<1x1x80xi32, #tpu.memory_space<vmem>>
    %dma_wait3A_373 = tpu.memref_squeeze %dma_wait3A_372 : memref<1x1x80xi32, #tpu.memory_space<vmem>> -> memref<80xi32, #tpu.memory_space<vmem>>
    %dma_wait3A_374 = arith.constant 0 : i32
    %dma_wait3A_375 = tpu.memref_slice %arg4[%dma_wait3A_374] : memref<320000xi32, #tpu.memory_space<hbm>> -> memref<80xi32, #tpu.memory_space<hbm>>
    tpu.wait_dma2 semaphore(%arg16 : memref<!tpu.dma_semaphore, #tpu.memory_space<semaphore_mem>>) src(%dma_wait3A_375 : memref<80xi32, #tpu.memory_space<hbm>>) dst(%dma_wait3A_373 : memref<80xi32, #tpu.memory_space<vmem>>)
    %dma_wait3A_376 = arith.constant 0 : i32
    %dma_wait3A_377 = arith.constant 0 : i32
    %dma_wait3A_378 = tpu.memref_slice %arg2[%arg0, %dma_wait3A_376, %dma_wait3A_377] : memref<2x10000x64xf32, #tpu.memory_space<hbm>> -> memref<1x10000x64xf32, #tpu.memory_space<hbm>>
    %dma_wait3A_379 = tpu.memref_squeeze %dma_wait3A_378 : memref<1x10000x64xf32, #tpu.memory_space<hbm>> -> memref<10000x64xf32, #tpu.memory_space<hbm>>
    %dma_wait3A_380 = arith.constant 0 : i32
    %dma_wait3A_381 = arith.constant 0 : i32
    %dma_wait3A_382 = tpu.memref_slice %dma_wait3A_379[%dma_wait3A_380, %dma_wait3A_381] : memref<10000x64xf32, #tpu.memory_space<hbm>> -> memref<400x64xf32, #tpu.memory_space<hbm>>
    %dma_wait3A_383 = arith.constant 0 : i32
    %dma_wait3A_384 = arith.constant 0 : i32
    %dma_wait3A_385 = tpu.memref_slice %arg2[%arg0, %dma_wait3A_383, %dma_wait3A_384] : memref<2x10000x64xf32, #tpu.memory_space<hbm>> -> memref<1x10000x64xf32, #tpu.memory_space<hbm>>
    %dma_wait3A_386 = tpu.memref_squeeze %dma_wait3A_385 : memref<1x10000x64xf32, #tpu.memory_space<hbm>> -> memref<10000x64xf32, #tpu.memory_space<hbm>>
    %dma_wait3A_387 = arith.constant 0 : i32
    %dma_wait3A_388 = arith.constant 0 : i32
    %dma_wait3A_389 = tpu.memref_slice %dma_wait3A_386[%dma_wait3A_387, %dma_wait3A_388] : memref<10000x64xf32, #tpu.memory_space<hbm>> -> memref<400x64xf32, #tpu.memory_space<hbm>>
    tpu.wait_dma2 semaphore(%arg11 : memref<!tpu.dma_semaphore, #tpu.memory_space<semaphore_mem>>) src(%dma_wait3A_389 : memref<400x64xf32, #tpu.memory_space<hbm>>) dst(%arg6 : memref<400x64xf32, #tpu.memory_space<vmem>>)
    %barrier3A_390 = arith.constant 0 : index
    tpu.barrier barrier_id(%barrier3A_390)
    "tpu.region"() ({
      %run_scoped3A = tpu.sem_alloc : memref<!tpu.dma_semaphore, #tpu.memory_space<semaphore_mem>>
      %dma_start3A_391 = arith.constant 0 : i32
      %dma_start3A_392 = tpu.memref_slice %arg5[%arg0, %mul3A_0, %dma_start3A_391] : memref<2x10240x64xf32, #tpu.memory_space<hbm>> -> memref<1x640x64xf32, #tpu.memory_space<hbm>>
      %dma_start3A_393 = tpu.memref_squeeze %dma_start3A_392 : memref<1x640x64xf32, #tpu.memory_space<hbm>> -> memref<640x64xf32, #tpu.memory_space<hbm>>
      %dma_start3A_394 = arith.constant 0 : i32
      %dma_start3A_395 = tpu.memref_slice %arg10[%mul3A_0, %dma_start3A_394] : memref<10240x64xf32, #tpu.memory_space<vmem_shared>> -> memref<640x64xf32, #tpu.memory_space<vmem_shared>>
      tpu.enqueue_dma source(%dma_start3A_395 : memref<640x64xf32, #tpu.memory_space<vmem_shared>>) target(%dma_start3A_393 : memref<640x64xf32, #tpu.memory_space<hbm>>) target_semaphore(%run_scoped3A : memref<!tpu.dma_semaphore, #tpu.memory_space<semaphore_mem>>)
      %dma_wait3A_396 = arith.constant 0 : i32
      %dma_wait3A_397 = tpu.memref_slice %arg5[%arg0, %mul3A_0, %dma_wait3A_396] : memref<2x10240x64xf32, #tpu.memory_space<hbm>> -> memref<1x640x64xf32, #tpu.memory_space<hbm>>
      %dma_wait3A_398 = tpu.memref_squeeze %dma_wait3A_397 : memref<1x640x64xf32, #tpu.memory_space<hbm>> -> memref<640x64xf32, #tpu.memory_space<hbm>>
      %dma_wait3A_399 = arith.constant 0 : i32
      %dma_wait3A_400 = tpu.memref_slice %arg10[%mul3A_0, %dma_wait3A_399] : memref<10240x64xf32, #tpu.memory_space<vmem_shared>> -> memref<640x64xf32, #tpu.memory_space<vmem_shared>>
      tpu.wait_dma2 semaphore(%run_scoped3A : memref<!tpu.dma_semaphore, #tpu.memory_space<semaphore_mem>>) src(%dma_wait3A_400 : memref<640x64xf32, #tpu.memory_space<vmem_shared>>) dst(%dma_wait3A_398 : memref<640x64xf32, #tpu.memory_space<hbm>>)
      tpu.yield
    }) : () -> ()
    return
  }
}

#map = affine_map<(d0, d1) -> (0, 0, 0)>
#map1 = affine_map<(d0, d1) -> (0)>
module attributes {stable_mosaic.version = 14 : i64} {
  func.func @_sc_agg_body(%arg0: i32, %arg1: i32, %arg2: memref<2x10000x64xf32, #tpu.memory_space<hbm>>, %arg3: memref<320000xi32, #tpu.memory_space<hbm>>, %arg4: memref<320000xi32, #tpu.memory_space<hbm>>, %arg5: memref<2x10240x64xf32, #tpu.memory_space<hbm>>, %arg6: memref<2x10240x8xf32, #tpu.memory_space<hbm>>, %arg7: memref<400x64xf32, #tpu.memory_space<vmem>>, %arg8: memref<400x64xf32, #tpu.memory_space<vmem>>, %arg9: memref<2x400xi32, #tpu.memory_space<vmem>>, %arg10: memref<2x5x80xi32, #tpu.memory_space<vmem>>, %arg11: memref<80x8xf32, #tpu.memory_space<vmem>>, %arg12: memref<10240x64xf32, #tpu.memory_space<vmem_shared>>, %arg13: memref<10240x8xf32, #tpu.memory_space<vmem_shared>>, %arg14: memref<!tpu.dma_semaphore, #tpu.memory_space<semaphore_mem>>, %arg15: memref<!tpu.dma_semaphore, #tpu.memory_space<semaphore_mem>>, %arg16: memref<!tpu.dma_semaphore, #tpu.memory_space<semaphore_mem>>, %arg17: memref<!tpu.dma_semaphore, #tpu.memory_space<semaphore_mem>>, %arg18: memref<!tpu.dma_semaphore, #tpu.memory_space<semaphore_mem>>, %arg19: memref<!tpu.dma_semaphore, #tpu.memory_space<semaphore_mem>>) attributes {dimension_semantics = [#tpu.dimension_semantics<core_parallel>, #tpu.dimension_semantics<subcore_parallel>], iteration_bounds = array<i64: 2, 16>, scalar_prefetch = 0 : i64, scratch_operands = 13 : i64, tpu.core_type = #tpu.core_type<sc_vector_subcore>, window_params = [{transform_indices = #map}, {transform_indices = #map1}, {transform_indices = #map1}, {transform_indices = #map}, {transform_indices = #map}]} {
    %mul3A = arith.constant 640 : i32
    %mul3A_0 = arith.muli %arg1, %mul3A : i32
    %jit3A = arith.constant true
    %jit3A_1 = arith.constant 0 : i32
    %jit3A_2 = arith.constant 0 : i32
    %select_n3A = arith.select %jit3A, %jit3A_1, %jit3A_2 : i32
    %mul3A_3 = arith.constant 20000 : i32
    %mul3A_4 = arith.muli %arg1, %mul3A_3 : i32
    %mul3A_5 = arith.constant 400 : i32
    %mul3A_6 = arith.muli %select_n3A, %mul3A_5 : i32
    %add3A = arith.addi %mul3A_4, %mul3A_6 : i32
    %dma_start3A = arith.constant 0 : i32
    %dma_start3A_7 = arith.constant 0 : i32
    %dma_start3A_8 = tpu.memref_slice %arg9[%dma_start3A, %dma_start3A_7] : memref<2x400xi32, #tpu.memory_space<vmem>> -> memref<1x400xi32, #tpu.memory_space<vmem>>
    %dma_start3A_9 = tpu.memref_squeeze %dma_start3A_8 : memref<1x400xi32, #tpu.memory_space<vmem>> -> memref<400xi32, #tpu.memory_space<vmem>>
    %dma_start3A_10 = tpu.memref_slice %arg3[%add3A] : memref<320000xi32, #tpu.memory_space<hbm>> -> memref<400xi32, #tpu.memory_space<hbm>>
    %dma_start3A_11 = arith.constant 0 : i32
    %dma_start3A_12 = tpu.memref_slice %arg9[%dma_start3A, %dma_start3A_11] : memref<2x400xi32, #tpu.memory_space<vmem>> -> memref<1x400xi32, #tpu.memory_space<vmem>>
    %dma_start3A_13 = tpu.memref_squeeze %dma_start3A_12 : memref<1x400xi32, #tpu.memory_space<vmem>> -> memref<400xi32, #tpu.memory_space<vmem>>
    %dma_start3A_14 = tpu.memref_slice %arg3[%add3A] : memref<320000xi32, #tpu.memory_space<hbm>> -> memref<400xi32, #tpu.memory_space<hbm>>
    tpu.enqueue_dma source(%dma_start3A_14 : memref<400xi32, #tpu.memory_space<hbm>>) target(%dma_start3A_13 : memref<400xi32, #tpu.memory_space<vmem>>) target_semaphore(%arg16 : memref<!tpu.dma_semaphore, #tpu.memory_space<semaphore_mem>>)
    %jit3A_15 = arith.constant true
    %jit3A_16 = arith.constant 0 : i32
    %jit3A_17 = arith.constant 0 : i32
    %select_n3A_18 = arith.select %jit3A_15, %jit3A_16, %jit3A_17 : i32
    %mul3A_19 = arith.constant 20000 : i32
    %mul3A_20 = arith.muli %arg1, %mul3A_19 : i32
    %mul3A_21 = arith.constant 400 : i32
    %mul3A_22 = arith.muli %select_n3A_18, %mul3A_21 : i32
    %add3A_23 = arith.addi %mul3A_20, %mul3A_22 : i32
    %add3A_24 = arith.constant 0 : i32
    %add3A_25 = arith.addi %add3A_23, %add3A_24 : i32
    %dma_start3A_26 = arith.constant 0 : i32
    %dma_start3A_27 = arith.constant 0 : i32
    %dma_start3A_28 = arith.constant 0 : i32
    %dma_start3A_29 = tpu.memref_slice %arg10[%dma_start3A_26, %dma_start3A_27, %dma_start3A_28] : memref<2x5x80xi32, #tpu.memory_space<vmem>> -> memref<1x1x80xi32, #tpu.memory_space<vmem>>
    %dma_start3A_30 = tpu.memref_squeeze %dma_start3A_29 : memref<1x1x80xi32, #tpu.memory_space<vmem>> -> memref<80xi32, #tpu.memory_space<vmem>>
    %dma_start3A_31 = tpu.memref_slice %arg4[%add3A_25] : memref<320000xi32, #tpu.memory_space<hbm>> -> memref<80xi32, #tpu.memory_space<hbm>>
    %dma_start3A_32 = arith.constant 0 : i32
    %dma_start3A_33 = tpu.memref_slice %arg10[%dma_start3A_26, %dma_start3A_27, %dma_start3A_32] : memref<2x5x80xi32, #tpu.memory_space<vmem>> -> memref<1x1x80xi32, #tpu.memory_space<vmem>>
    %dma_start3A_34 = tpu.memref_squeeze %dma_start3A_33 : memref<1x1x80xi32, #tpu.memory_space<vmem>> -> memref<80xi32, #tpu.memory_space<vmem>>
    %dma_start3A_35 = tpu.memref_slice %arg4[%add3A_25] : memref<320000xi32, #tpu.memory_space<hbm>> -> memref<80xi32, #tpu.memory_space<hbm>>
    tpu.enqueue_dma source(%dma_start3A_35 : memref<80xi32, #tpu.memory_space<hbm>>) target(%dma_start3A_34 : memref<80xi32, #tpu.memory_space<vmem>>) target_semaphore(%arg18 : memref<!tpu.dma_semaphore, #tpu.memory_space<semaphore_mem>>)
    %mul3A_36 = arith.constant 20000 : i32
    %mul3A_37 = arith.muli %arg1, %mul3A_36 : i32
    %mul3A_38 = arith.constant 400 : i32
    %mul3A_39 = arith.muli %select_n3A_18, %mul3A_38 : i32
    %add3A_40 = arith.addi %mul3A_37, %mul3A_39 : i32
    %add3A_41 = arith.constant 80 : i32
    %add3A_42 = arith.addi %add3A_40, %add3A_41 : i32
    %dma_start3A_43 = arith.constant 0 : i32
    %dma_start3A_44 = arith.constant 1 : i32
    %dma_start3A_45 = arith.constant 0 : i32
    %dma_start3A_46 = tpu.memref_slice %arg10[%dma_start3A_43, %dma_start3A_44, %dma_start3A_45] : memref<2x5x80xi32, #tpu.memory_space<vmem>> -> memref<1x1x80xi32, #tpu.memory_space<vmem>>
    %dma_start3A_47 = tpu.memref_squeeze %dma_start3A_46 : memref<1x1x80xi32, #tpu.memory_space<vmem>> -> memref<80xi32, #tpu.memory_space<vmem>>
    %dma_start3A_48 = tpu.memref_slice %arg4[%add3A_42] : memref<320000xi32, #tpu.memory_space<hbm>> -> memref<80xi32, #tpu.memory_space<hbm>>
    %dma_start3A_49 = arith.constant 0 : i32
    %dma_start3A_50 = tpu.memref_slice %arg10[%dma_start3A_43, %dma_start3A_44, %dma_start3A_49] : memref<2x5x80xi32, #tpu.memory_space<vmem>> -> memref<1x1x80xi32, #tpu.memory_space<vmem>>
    %dma_start3A_51 = tpu.memref_squeeze %dma_start3A_50 : memref<1x1x80xi32, #tpu.memory_space<vmem>> -> memref<80xi32, #tpu.memory_space<vmem>>
    %dma_start3A_52 = tpu.memref_slice %arg4[%add3A_42] : memref<320000xi32, #tpu.memory_space<hbm>> -> memref<80xi32, #tpu.memory_space<hbm>>
    tpu.enqueue_dma source(%dma_start3A_52 : memref<80xi32, #tpu.memory_space<hbm>>) target(%dma_start3A_51 : memref<80xi32, #tpu.memory_space<vmem>>) target_semaphore(%arg18 : memref<!tpu.dma_semaphore, #tpu.memory_space<semaphore_mem>>)
    %mul3A_53 = arith.constant 20000 : i32
    %mul3A_54 = arith.muli %arg1, %mul3A_53 : i32
    %mul3A_55 = arith.constant 400 : i32
    %mul3A_56 = arith.muli %select_n3A_18, %mul3A_55 : i32
    %add3A_57 = arith.addi %mul3A_54, %mul3A_56 : i32
    %add3A_58 = arith.constant 160 : i32
    %add3A_59 = arith.addi %add3A_57, %add3A_58 : i32
    %dma_start3A_60 = arith.constant 0 : i32
    %dma_start3A_61 = arith.constant 2 : i32
    %dma_start3A_62 = arith.constant 0 : i32
    %dma_start3A_63 = tpu.memref_slice %arg10[%dma_start3A_60, %dma_start3A_61, %dma_start3A_62] : memref<2x5x80xi32, #tpu.memory_space<vmem>> -> memref<1x1x80xi32, #tpu.memory_space<vmem>>
    %dma_start3A_64 = tpu.memref_squeeze %dma_start3A_63 : memref<1x1x80xi32, #tpu.memory_space<vmem>> -> memref<80xi32, #tpu.memory_space<vmem>>
    %dma_start3A_65 = tpu.memref_slice %arg4[%add3A_59] : memref<320000xi32, #tpu.memory_space<hbm>> -> memref<80xi32, #tpu.memory_space<hbm>>
    %dma_start3A_66 = arith.constant 0 : i32
    %dma_start3A_67 = tpu.memref_slice %arg10[%dma_start3A_60, %dma_start3A_61, %dma_start3A_66] : memref<2x5x80xi32, #tpu.memory_space<vmem>> -> memref<1x1x80xi32, #tpu.memory_space<vmem>>
    %dma_start3A_68 = tpu.memref_squeeze %dma_start3A_67 : memref<1x1x80xi32, #tpu.memory_space<vmem>> -> memref<80xi32, #tpu.memory_space<vmem>>
    %dma_start3A_69 = tpu.memref_slice %arg4[%add3A_59] : memref<320000xi32, #tpu.memory_space<hbm>> -> memref<80xi32, #tpu.memory_space<hbm>>
    tpu.enqueue_dma source(%dma_start3A_69 : memref<80xi32, #tpu.memory_space<hbm>>) target(%dma_start3A_68 : memref<80xi32, #tpu.memory_space<vmem>>) target_semaphore(%arg18 : memref<!tpu.dma_semaphore, #tpu.memory_space<semaphore_mem>>)
    %mul3A_70 = arith.constant 20000 : i32
    %mul3A_71 = arith.muli %arg1, %mul3A_70 : i32
    %mul3A_72 = arith.constant 400 : i32
    %mul3A_73 = arith.muli %select_n3A_18, %mul3A_72 : i32
    %add3A_74 = arith.addi %mul3A_71, %mul3A_73 : i32
    %add3A_75 = arith.constant 240 : i32
    %add3A_76 = arith.addi %add3A_74, %add3A_75 : i32
    %dma_start3A_77 = arith.constant 0 : i32
    %dma_start3A_78 = arith.constant 3 : i32
    %dma_start3A_79 = arith.constant 0 : i32
    %dma_start3A_80 = tpu.memref_slice %arg10[%dma_start3A_77, %dma_start3A_78, %dma_start3A_79] : memref<2x5x80xi32, #tpu.memory_space<vmem>> -> memref<1x1x80xi32, #tpu.memory_space<vmem>>
    %dma_start3A_81 = tpu.memref_squeeze %dma_start3A_80 : memref<1x1x80xi32, #tpu.memory_space<vmem>> -> memref<80xi32, #tpu.memory_space<vmem>>
    %dma_start3A_82 = tpu.memref_slice %arg4[%add3A_76] : memref<320000xi32, #tpu.memory_space<hbm>> -> memref<80xi32, #tpu.memory_space<hbm>>
    %dma_start3A_83 = arith.constant 0 : i32
    %dma_start3A_84 = tpu.memref_slice %arg10[%dma_start3A_77, %dma_start3A_78, %dma_start3A_83] : memref<2x5x80xi32, #tpu.memory_space<vmem>> -> memref<1x1x80xi32, #tpu.memory_space<vmem>>
    %dma_start3A_85 = tpu.memref_squeeze %dma_start3A_84 : memref<1x1x80xi32, #tpu.memory_space<vmem>> -> memref<80xi32, #tpu.memory_space<vmem>>
    %dma_start3A_86 = tpu.memref_slice %arg4[%add3A_76] : memref<320000xi32, #tpu.memory_space<hbm>> -> memref<80xi32, #tpu.memory_space<hbm>>
    tpu.enqueue_dma source(%dma_start3A_86 : memref<80xi32, #tpu.memory_space<hbm>>) target(%dma_start3A_85 : memref<80xi32, #tpu.memory_space<vmem>>) target_semaphore(%arg18 : memref<!tpu.dma_semaphore, #tpu.memory_space<semaphore_mem>>)
    %mul3A_87 = arith.constant 20000 : i32
    %mul3A_88 = arith.muli %arg1, %mul3A_87 : i32
    %mul3A_89 = arith.constant 400 : i32
    %mul3A_90 = arith.muli %select_n3A_18, %mul3A_89 : i32
    %add3A_91 = arith.addi %mul3A_88, %mul3A_90 : i32
    %add3A_92 = arith.constant 320 : i32
    %add3A_93 = arith.addi %add3A_91, %add3A_92 : i32
    %dma_start3A_94 = arith.constant 0 : i32
    %dma_start3A_95 = arith.constant 4 : i32
    %dma_start3A_96 = arith.constant 0 : i32
    %dma_start3A_97 = tpu.memref_slice %arg10[%dma_start3A_94, %dma_start3A_95, %dma_start3A_96] : memref<2x5x80xi32, #tpu.memory_space<vmem>> -> memref<1x1x80xi32, #tpu.memory_space<vmem>>
    %dma_start3A_98 = tpu.memref_squeeze %dma_start3A_97 : memref<1x1x80xi32, #tpu.memory_space<vmem>> -> memref<80xi32, #tpu.memory_space<vmem>>
    %dma_start3A_99 = tpu.memref_slice %arg4[%add3A_93] : memref<320000xi32, #tpu.memory_space<hbm>> -> memref<80xi32, #tpu.memory_space<hbm>>
    %dma_start3A_100 = arith.constant 0 : i32
    %dma_start3A_101 = tpu.memref_slice %arg10[%dma_start3A_94, %dma_start3A_95, %dma_start3A_100] : memref<2x5x80xi32, #tpu.memory_space<vmem>> -> memref<1x1x80xi32, #tpu.memory_space<vmem>>
    %dma_start3A_102 = tpu.memref_squeeze %dma_start3A_101 : memref<1x1x80xi32, #tpu.memory_space<vmem>> -> memref<80xi32, #tpu.memory_space<vmem>>
    %dma_start3A_103 = tpu.memref_slice %arg4[%add3A_93] : memref<320000xi32, #tpu.memory_space<hbm>> -> memref<80xi32, #tpu.memory_space<hbm>>
    tpu.enqueue_dma source(%dma_start3A_103 : memref<80xi32, #tpu.memory_space<hbm>>) target(%dma_start3A_102 : memref<80xi32, #tpu.memory_space<vmem>>) target_semaphore(%arg18 : memref<!tpu.dma_semaphore, #tpu.memory_space<semaphore_mem>>)
    %jit3A_104 = arith.constant true
    %jit3A_105 = arith.constant 1 : i32
    %jit3A_106 = arith.constant 0 : i32
    %select_n3A_107 = arith.select %jit3A_104, %jit3A_105, %jit3A_106 : i32
    %mul3A_108 = arith.constant 20000 : i32
    %mul3A_109 = arith.muli %arg1, %mul3A_108 : i32
    %mul3A_110 = arith.constant 400 : i32
    %mul3A_111 = arith.muli %select_n3A_107, %mul3A_110 : i32
    %add3A_112 = arith.addi %mul3A_109, %mul3A_111 : i32
    %dma_start3A_113 = arith.constant 1 : i32
    %dma_start3A_114 = arith.constant 0 : i32
    %dma_start3A_115 = tpu.memref_slice %arg9[%dma_start3A_113, %dma_start3A_114] : memref<2x400xi32, #tpu.memory_space<vmem>> -> memref<1x400xi32, #tpu.memory_space<vmem>>
    %dma_start3A_116 = tpu.memref_squeeze %dma_start3A_115 : memref<1x400xi32, #tpu.memory_space<vmem>> -> memref<400xi32, #tpu.memory_space<vmem>>
    %dma_start3A_117 = tpu.memref_slice %arg3[%add3A_112] : memref<320000xi32, #tpu.memory_space<hbm>> -> memref<400xi32, #tpu.memory_space<hbm>>
    %dma_start3A_118 = arith.constant 0 : i32
    %dma_start3A_119 = tpu.memref_slice %arg9[%dma_start3A_113, %dma_start3A_118] : memref<2x400xi32, #tpu.memory_space<vmem>> -> memref<1x400xi32, #tpu.memory_space<vmem>>
    %dma_start3A_120 = tpu.memref_squeeze %dma_start3A_119 : memref<1x400xi32, #tpu.memory_space<vmem>> -> memref<400xi32, #tpu.memory_space<vmem>>
    %dma_start3A_121 = tpu.memref_slice %arg3[%add3A_112] : memref<320000xi32, #tpu.memory_space<hbm>> -> memref<400xi32, #tpu.memory_space<hbm>>
    tpu.enqueue_dma source(%dma_start3A_121 : memref<400xi32, #tpu.memory_space<hbm>>) target(%dma_start3A_120 : memref<400xi32, #tpu.memory_space<vmem>>) target_semaphore(%arg17 : memref<!tpu.dma_semaphore, #tpu.memory_space<semaphore_mem>>)
    %jit3A_122 = arith.constant true
    %jit3A_123 = arith.constant 1 : i32
    %jit3A_124 = arith.constant 0 : i32
    %select_n3A_125 = arith.select %jit3A_122, %jit3A_123, %jit3A_124 : i32
    %mul3A_126 = arith.constant 20000 : i32
    %mul3A_127 = arith.muli %arg1, %mul3A_126 : i32
    %mul3A_128 = arith.constant 400 : i32
    %mul3A_129 = arith.muli %select_n3A_125, %mul3A_128 : i32
    %add3A_130 = arith.addi %mul3A_127, %mul3A_129 : i32
    %add3A_131 = arith.constant 0 : i32
    %add3A_132 = arith.addi %add3A_130, %add3A_131 : i32
    %dma_start3A_133 = arith.constant 1 : i32
    %dma_start3A_134 = arith.constant 0 : i32
    %dma_start3A_135 = arith.constant 0 : i32
    %dma_start3A_136 = tpu.memref_slice %arg10[%dma_start3A_133, %dma_start3A_134, %dma_start3A_135] : memref<2x5x80xi32, #tpu.memory_space<vmem>> -> memref<1x1x80xi32, #tpu.memory_space<vmem>>
    %dma_start3A_137 = tpu.memref_squeeze %dma_start3A_136 : memref<1x1x80xi32, #tpu.memory_space<vmem>> -> memref<80xi32, #tpu.memory_space<vmem>>
    %dma_start3A_138 = tpu.memref_slice %arg4[%add3A_132] : memref<320000xi32, #tpu.memory_space<hbm>> -> memref<80xi32, #tpu.memory_space<hbm>>
    %dma_start3A_139 = arith.constant 0 : i32
    %dma_start3A_140 = tpu.memref_slice %arg10[%dma_start3A_133, %dma_start3A_134, %dma_start3A_139] : memref<2x5x80xi32, #tpu.memory_space<vmem>> -> memref<1x1x80xi32, #tpu.memory_space<vmem>>
    %dma_start3A_141 = tpu.memref_squeeze %dma_start3A_140 : memref<1x1x80xi32, #tpu.memory_space<vmem>> -> memref<80xi32, #tpu.memory_space<vmem>>
    %dma_start3A_142 = tpu.memref_slice %arg4[%add3A_132] : memref<320000xi32, #tpu.memory_space<hbm>> -> memref<80xi32, #tpu.memory_space<hbm>>
    tpu.enqueue_dma source(%dma_start3A_142 : memref<80xi32, #tpu.memory_space<hbm>>) target(%dma_start3A_141 : memref<80xi32, #tpu.memory_space<vmem>>) target_semaphore(%arg19 : memref<!tpu.dma_semaphore, #tpu.memory_space<semaphore_mem>>)
    %mul3A_143 = arith.constant 20000 : i32
    %mul3A_144 = arith.muli %arg1, %mul3A_143 : i32
    %mul3A_145 = arith.constant 400 : i32
    %mul3A_146 = arith.muli %select_n3A_125, %mul3A_145 : i32
    %add3A_147 = arith.addi %mul3A_144, %mul3A_146 : i32
    %add3A_148 = arith.constant 80 : i32
    %add3A_149 = arith.addi %add3A_147, %add3A_148 : i32
    %dma_start3A_150 = arith.constant 1 : i32
    %dma_start3A_151 = arith.constant 1 : i32
    %dma_start3A_152 = arith.constant 0 : i32
    %dma_start3A_153 = tpu.memref_slice %arg10[%dma_start3A_150, %dma_start3A_151, %dma_start3A_152] : memref<2x5x80xi32, #tpu.memory_space<vmem>> -> memref<1x1x80xi32, #tpu.memory_space<vmem>>
    %dma_start3A_154 = tpu.memref_squeeze %dma_start3A_153 : memref<1x1x80xi32, #tpu.memory_space<vmem>> -> memref<80xi32, #tpu.memory_space<vmem>>
    %dma_start3A_155 = tpu.memref_slice %arg4[%add3A_149] : memref<320000xi32, #tpu.memory_space<hbm>> -> memref<80xi32, #tpu.memory_space<hbm>>
    %dma_start3A_156 = arith.constant 0 : i32
    %dma_start3A_157 = tpu.memref_slice %arg10[%dma_start3A_150, %dma_start3A_151, %dma_start3A_156] : memref<2x5x80xi32, #tpu.memory_space<vmem>> -> memref<1x1x80xi32, #tpu.memory_space<vmem>>
    %dma_start3A_158 = tpu.memref_squeeze %dma_start3A_157 : memref<1x1x80xi32, #tpu.memory_space<vmem>> -> memref<80xi32, #tpu.memory_space<vmem>>
    %dma_start3A_159 = tpu.memref_slice %arg4[%add3A_149] : memref<320000xi32, #tpu.memory_space<hbm>> -> memref<80xi32, #tpu.memory_space<hbm>>
    tpu.enqueue_dma source(%dma_start3A_159 : memref<80xi32, #tpu.memory_space<hbm>>) target(%dma_start3A_158 : memref<80xi32, #tpu.memory_space<vmem>>) target_semaphore(%arg19 : memref<!tpu.dma_semaphore, #tpu.memory_space<semaphore_mem>>)
    %mul3A_160 = arith.constant 20000 : i32
    %mul3A_161 = arith.muli %arg1, %mul3A_160 : i32
    %mul3A_162 = arith.constant 400 : i32
    %mul3A_163 = arith.muli %select_n3A_125, %mul3A_162 : i32
    %add3A_164 = arith.addi %mul3A_161, %mul3A_163 : i32
    %add3A_165 = arith.constant 160 : i32
    %add3A_166 = arith.addi %add3A_164, %add3A_165 : i32
    %dma_start3A_167 = arith.constant 1 : i32
    %dma_start3A_168 = arith.constant 2 : i32
    %dma_start3A_169 = arith.constant 0 : i32
    %dma_start3A_170 = tpu.memref_slice %arg10[%dma_start3A_167, %dma_start3A_168, %dma_start3A_169] : memref<2x5x80xi32, #tpu.memory_space<vmem>> -> memref<1x1x80xi32, #tpu.memory_space<vmem>>
    %dma_start3A_171 = tpu.memref_squeeze %dma_start3A_170 : memref<1x1x80xi32, #tpu.memory_space<vmem>> -> memref<80xi32, #tpu.memory_space<vmem>>
    %dma_start3A_172 = tpu.memref_slice %arg4[%add3A_166] : memref<320000xi32, #tpu.memory_space<hbm>> -> memref<80xi32, #tpu.memory_space<hbm>>
    %dma_start3A_173 = arith.constant 0 : i32
    %dma_start3A_174 = tpu.memref_slice %arg10[%dma_start3A_167, %dma_start3A_168, %dma_start3A_173] : memref<2x5x80xi32, #tpu.memory_space<vmem>> -> memref<1x1x80xi32, #tpu.memory_space<vmem>>
    %dma_start3A_175 = tpu.memref_squeeze %dma_start3A_174 : memref<1x1x80xi32, #tpu.memory_space<vmem>> -> memref<80xi32, #tpu.memory_space<vmem>>
    %dma_start3A_176 = tpu.memref_slice %arg4[%add3A_166] : memref<320000xi32, #tpu.memory_space<hbm>> -> memref<80xi32, #tpu.memory_space<hbm>>
    tpu.enqueue_dma source(%dma_start3A_176 : memref<80xi32, #tpu.memory_space<hbm>>) target(%dma_start3A_175 : memref<80xi32, #tpu.memory_space<vmem>>) target_semaphore(%arg19 : memref<!tpu.dma_semaphore, #tpu.memory_space<semaphore_mem>>)
    %mul3A_177 = arith.constant 20000 : i32
    %mul3A_178 = arith.muli %arg1, %mul3A_177 : i32
    %mul3A_179 = arith.constant 400 : i32
    %mul3A_180 = arith.muli %select_n3A_125, %mul3A_179 : i32
    %add3A_181 = arith.addi %mul3A_178, %mul3A_180 : i32
    %add3A_182 = arith.constant 240 : i32
    %add3A_183 = arith.addi %add3A_181, %add3A_182 : i32
    %dma_start3A_184 = arith.constant 1 : i32
    %dma_start3A_185 = arith.constant 3 : i32
    %dma_start3A_186 = arith.constant 0 : i32
    %dma_start3A_187 = tpu.memref_slice %arg10[%dma_start3A_184, %dma_start3A_185, %dma_start3A_186] : memref<2x5x80xi32, #tpu.memory_space<vmem>> -> memref<1x1x80xi32, #tpu.memory_space<vmem>>
    %dma_start3A_188 = tpu.memref_squeeze %dma_start3A_187 : memref<1x1x80xi32, #tpu.memory_space<vmem>> -> memref<80xi32, #tpu.memory_space<vmem>>
    %dma_start3A_189 = tpu.memref_slice %arg4[%add3A_183] : memref<320000xi32, #tpu.memory_space<hbm>> -> memref<80xi32, #tpu.memory_space<hbm>>
    %dma_start3A_190 = arith.constant 0 : i32
    %dma_start3A_191 = tpu.memref_slice %arg10[%dma_start3A_184, %dma_start3A_185, %dma_start3A_190] : memref<2x5x80xi32, #tpu.memory_space<vmem>> -> memref<1x1x80xi32, #tpu.memory_space<vmem>>
    %dma_start3A_192 = tpu.memref_squeeze %dma_start3A_191 : memref<1x1x80xi32, #tpu.memory_space<vmem>> -> memref<80xi32, #tpu.memory_space<vmem>>
    %dma_start3A_193 = tpu.memref_slice %arg4[%add3A_183] : memref<320000xi32, #tpu.memory_space<hbm>> -> memref<80xi32, #tpu.memory_space<hbm>>
    tpu.enqueue_dma source(%dma_start3A_193 : memref<80xi32, #tpu.memory_space<hbm>>) target(%dma_start3A_192 : memref<80xi32, #tpu.memory_space<vmem>>) target_semaphore(%arg19 : memref<!tpu.dma_semaphore, #tpu.memory_space<semaphore_mem>>)
    %mul3A_194 = arith.constant 20000 : i32
    %mul3A_195 = arith.muli %arg1, %mul3A_194 : i32
    %mul3A_196 = arith.constant 400 : i32
    %mul3A_197 = arith.muli %select_n3A_125, %mul3A_196 : i32
    %add3A_198 = arith.addi %mul3A_195, %mul3A_197 : i32
    %add3A_199 = arith.constant 320 : i32
    %add3A_200 = arith.addi %add3A_198, %add3A_199 : i32
    %dma_start3A_201 = arith.constant 1 : i32
    %dma_start3A_202 = arith.constant 4 : i32
    %dma_start3A_203 = arith.constant 0 : i32
    %dma_start3A_204 = tpu.memref_slice %arg10[%dma_start3A_201, %dma_start3A_202, %dma_start3A_203] : memref<2x5x80xi32, #tpu.memory_space<vmem>> -> memref<1x1x80xi32, #tpu.memory_space<vmem>>
    %dma_start3A_205 = tpu.memref_squeeze %dma_start3A_204 : memref<1x1x80xi32, #tpu.memory_space<vmem>> -> memref<80xi32, #tpu.memory_space<vmem>>
    %dma_start3A_206 = tpu.memref_slice %arg4[%add3A_200] : memref<320000xi32, #tpu.memory_space<hbm>> -> memref<80xi32, #tpu.memory_space<hbm>>
    %dma_start3A_207 = arith.constant 0 : i32
    %dma_start3A_208 = tpu.memref_slice %arg10[%dma_start3A_201, %dma_start3A_202, %dma_start3A_207] : memref<2x5x80xi32, #tpu.memory_space<vmem>> -> memref<1x1x80xi32, #tpu.memory_space<vmem>>
    %dma_start3A_209 = tpu.memref_squeeze %dma_start3A_208 : memref<1x1x80xi32, #tpu.memory_space<vmem>> -> memref<80xi32, #tpu.memory_space<vmem>>
    %dma_start3A_210 = tpu.memref_slice %arg4[%add3A_200] : memref<320000xi32, #tpu.memory_space<hbm>> -> memref<80xi32, #tpu.memory_space<hbm>>
    tpu.enqueue_dma source(%dma_start3A_210 : memref<80xi32, #tpu.memory_space<hbm>>) target(%dma_start3A_209 : memref<80xi32, #tpu.memory_space<vmem>>) target_semaphore(%arg19 : memref<!tpu.dma_semaphore, #tpu.memory_space<semaphore_mem>>)
    %scan3A = arith.constant 0 : i32
    %scan3A_211 = arith.constant 0 : i32
    %scan3A_212 = arith.constant 400 : i32
    %scan3A_213 = arith.addi %scan3A_211, %scan3A_212 : i32
    %scan3A_214 = arith.constant 1 : i32
    scf.for %scan3A_419 = %scan3A_211 to %scan3A_213 step %scan3A_214  : i32 {
      %broadcast_in_dim3A = arith.constant 0.000000e+00 : f32
      %broadcast_in_dim3A_420 = vector.broadcast %broadcast_in_dim3A : f32 to vector<16xf32>
      %swap3A = arith.index_cast %scan3A_419 : i32 to index
      %swap3A_421 = arith.constant 0 : index
      %swap3A_422 = tpu.vector_load %arg7[%swap3A, %swap3A_421] {strides = array<i32>} : memref<400x64xf32, #tpu.memory_space<vmem>>, vector<1x16xf32>,
      %swap3A_423 = vector.shape_cast %swap3A_422 : vector<1x16xf32> to vector<16xf32>
      %swap3A_424 = vector.shape_cast %broadcast_in_dim3A_420 : vector<16xf32> to vector<1x16xf32>
      tpu.vector_store %arg7[%swap3A, %swap3A_421], %swap3A_424 {strides = array<i32>} : memref<400x64xf32, #tpu.memory_space<vmem>>, vector<1x16xf32>,
      %broadcast_in_dim3A_425 = arith.constant 0.000000e+00 : f32
      %broadcast_in_dim3A_426 = vector.broadcast %broadcast_in_dim3A_425 : f32 to vector<16xf32>
      %swap3A_427 = arith.index_cast %scan3A_419 : i32 to index
      %swap3A_428 = arith.constant 16 : index
      %swap3A_429 = tpu.vector_load %arg7[%swap3A_427, %swap3A_428] {strides = array<i32>} : memref<400x64xf32, #tpu.memory_space<vmem>>, vector<1x16xf32>,
      %swap3A_430 = vector.shape_cast %swap3A_429 : vector<1x16xf32> to vector<16xf32>
      %swap3A_431 = vector.shape_cast %broadcast_in_dim3A_426 : vector<16xf32> to vector<1x16xf32>
      tpu.vector_store %arg7[%swap3A_427, %swap3A_428], %swap3A_431 {strides = array<i32>} : memref<400x64xf32, #tpu.memory_space<vmem>>, vector<1x16xf32>,
      %broadcast_in_dim3A_432 = arith.constant 0.000000e+00 : f32
      %broadcast_in_dim3A_433 = vector.broadcast %broadcast_in_dim3A_432 : f32 to vector<16xf32>
      %swap3A_434 = arith.index_cast %scan3A_419 : i32 to index
      %swap3A_435 = arith.constant 32 : index
      %swap3A_436 = tpu.vector_load %arg7[%swap3A_434, %swap3A_435] {strides = array<i32>} : memref<400x64xf32, #tpu.memory_space<vmem>>, vector<1x16xf32>,
      %swap3A_437 = vector.shape_cast %swap3A_436 : vector<1x16xf32> to vector<16xf32>
      %swap3A_438 = vector.shape_cast %broadcast_in_dim3A_433 : vector<16xf32> to vector<1x16xf32>
      tpu.vector_store %arg7[%swap3A_434, %swap3A_435], %swap3A_438 {strides = array<i32>} : memref<400x64xf32, #tpu.memory_space<vmem>>, vector<1x16xf32>,
      %broadcast_in_dim3A_439 = arith.constant 0.000000e+00 : f32
      %broadcast_in_dim3A_440 = vector.broadcast %broadcast_in_dim3A_439 : f32 to vector<16xf32>
      %swap3A_441 = arith.index_cast %scan3A_419 : i32 to index
      %swap3A_442 = arith.constant 48 : index
      %swap3A_443 = tpu.vector_load %arg7[%swap3A_441, %swap3A_442] {strides = array<i32>} : memref<400x64xf32, #tpu.memory_space<vmem>>, vector<1x16xf32>,
      %swap3A_444 = vector.shape_cast %swap3A_443 : vector<1x16xf32> to vector<16xf32>
      %swap3A_445 = vector.shape_cast %broadcast_in_dim3A_440 : vector<16xf32> to vector<1x16xf32>
      tpu.vector_store %arg7[%swap3A_441, %swap3A_442], %swap3A_445 {strides = array<i32>} : memref<400x64xf32, #tpu.memory_space<vmem>>, vector<1x16xf32>,
    }
    %scan3A_215 = arith.constant 400 : i32
    "tpu.region"() ({
      %run_scoped3A = tpu.sem_alloc : memref<!tpu.dma_semaphore, #tpu.memory_space<semaphore_mem>>
      %dma_start3A_419 = arith.constant 0 : i32
      %dma_start3A_420 = tpu.memref_slice %arg12[%mul3A_0, %dma_start3A_419] : memref<10240x64xf32, #tpu.memory_space<vmem_shared>> -> memref<400x64xf32, #tpu.memory_space<vmem_shared>>
      %dma_start3A_421 = arith.constant 0 : i32
      %dma_start3A_422 = tpu.memref_slice %arg12[%mul3A_0, %dma_start3A_421] : memref<10240x64xf32, #tpu.memory_space<vmem_shared>> -> memref<400x64xf32, #tpu.memory_space<vmem_shared>>
      tpu.enqueue_dma source(%arg7 : memref<400x64xf32, #tpu.memory_space<vmem>>) target(%dma_start3A_422 : memref<400x64xf32, #tpu.memory_space<vmem_shared>>) target_semaphore(%run_scoped3A : memref<!tpu.dma_semaphore, #tpu.memory_space<semaphore_mem>>)
      %dma_wait3A_423 = arith.constant 0 : i32
      %dma_wait3A_424 = tpu.memref_slice %arg12[%mul3A_0, %dma_wait3A_423] : memref<10240x64xf32, #tpu.memory_space<vmem_shared>> -> memref<400x64xf32, #tpu.memory_space<vmem_shared>>
      %dma_wait3A_425 = arith.constant 0 : i32
      %dma_wait3A_426 = tpu.memref_slice %arg12[%mul3A_0, %dma_wait3A_425] : memref<10240x64xf32, #tpu.memory_space<vmem_shared>> -> memref<400x64xf32, #tpu.memory_space<vmem_shared>>
      tpu.wait_dma2 semaphore(%run_scoped3A : memref<!tpu.dma_semaphore, #tpu.memory_space<semaphore_mem>>) src(%arg7 : memref<400x64xf32, #tpu.memory_space<vmem>>) dst(%dma_wait3A_426 : memref<400x64xf32, #tpu.memory_space<vmem_shared>>)
      tpu.yield
    }) : () -> ()
    %add3A_216 = arith.constant 400 : i32
    %add3A_217 = arith.addi %mul3A_0, %add3A_216 : i32
    "tpu.region"() ({
      %run_scoped3A = tpu.sem_alloc : memref<!tpu.dma_semaphore, #tpu.memory_space<semaphore_mem>>
      %dma_start3A_419 = arith.constant 0 : i32
      %dma_start3A_420 = arith.constant 0 : i32
      %dma_start3A_421 = tpu.memref_slice %arg7[%dma_start3A_419, %dma_start3A_420] : memref<400x64xf32, #tpu.memory_space<vmem>> -> memref<240x64xf32, #tpu.memory_space<vmem>>
      %dma_start3A_422 = arith.constant 0 : i32
      %dma_start3A_423 = tpu.memref_slice %arg12[%add3A_217, %dma_start3A_422] : memref<10240x64xf32, #tpu.memory_space<vmem_shared>> -> memref<240x64xf32, #tpu.memory_space<vmem_shared>>
      %dma_start3A_424 = arith.constant 0 : i32
      %dma_start3A_425 = tpu.memref_slice %arg12[%add3A_217, %dma_start3A_424] : memref<10240x64xf32, #tpu.memory_space<vmem_shared>> -> memref<240x64xf32, #tpu.memory_space<vmem_shared>>
      %dma_start3A_426 = arith.constant 0 : i32
      %dma_start3A_427 = arith.constant 0 : i32
      %dma_start3A_428 = tpu.memref_slice %arg7[%dma_start3A_426, %dma_start3A_427] : memref<400x64xf32, #tpu.memory_space<vmem>> -> memref<240x64xf32, #tpu.memory_space<vmem>>
      tpu.enqueue_dma source(%dma_start3A_428 : memref<240x64xf32, #tpu.memory_space<vmem>>) target(%dma_start3A_425 : memref<240x64xf32, #tpu.memory_space<vmem_shared>>) target_semaphore(%run_scoped3A : memref<!tpu.dma_semaphore, #tpu.memory_space<semaphore_mem>>)
      %dma_wait3A_429 = arith.constant 0 : i32
      %dma_wait3A_430 = arith.constant 0 : i32
      %dma_wait3A_431 = tpu.memref_slice %arg7[%dma_wait3A_429, %dma_wait3A_430] : memref<400x64xf32, #tpu.memory_space<vmem>> -> memref<240x64xf32, #tpu.memory_space<vmem>>
      %dma_wait3A_432 = arith.constant 0 : i32
      %dma_wait3A_433 = tpu.memref_slice %arg12[%add3A_217, %dma_wait3A_432] : memref<10240x64xf32, #tpu.memory_space<vmem_shared>> -> memref<240x64xf32, #tpu.memory_space<vmem_shared>>
      %dma_wait3A_434 = arith.constant 0 : i32
      %dma_wait3A_435 = tpu.memref_slice %arg12[%add3A_217, %dma_wait3A_434] : memref<10240x64xf32, #tpu.memory_space<vmem_shared>> -> memref<240x64xf32, #tpu.memory_space<vmem_shared>>
      %dma_wait3A_436 = arith.constant 0 : i32
      %dma_wait3A_437 = arith.constant 0 : i32
      %dma_wait3A_438 = tpu.memref_slice %arg7[%dma_wait3A_436, %dma_wait3A_437] : memref<400x64xf32, #tpu.memory_space<vmem>> -> memref<240x64xf32, #tpu.memory_space<vmem>>
      tpu.wait_dma2 semaphore(%run_scoped3A : memref<!tpu.dma_semaphore, #tpu.memory_space<semaphore_mem>>) src(%dma_wait3A_438 : memref<240x64xf32, #tpu.memory_space<vmem>>) dst(%dma_wait3A_435 : memref<240x64xf32, #tpu.memory_space<vmem_shared>>)
      tpu.yield
    }) : () -> ()
    %scan3A_218 = arith.constant 0 : i32
    %scan3A_219 = arith.constant 0 : i32
    %scan3A_220 = arith.constant 80 : i32
    %scan3A_221 = arith.addi %scan3A_219, %scan3A_220 : i32
    %scan3A_222 = arith.constant 1 : i32
    scf.for %scan3A_419 = %scan3A_219 to %scan3A_221 step %scan3A_222  : i32 {
      %broadcast_in_dim3A = arith.constant 0.000000e+00 : f32
      %broadcast_in_dim3A_420 = vector.broadcast %broadcast_in_dim3A : f32 to vector<8xf32>
      %swap3A = arith.index_cast %scan3A_419 : i32 to index
      %swap3A_421 = arith.constant 0 : index
      %swap3A_422 = tpu.vector_load %arg11[%swap3A, %swap3A_421] {strides = array<i32>} : memref<80x8xf32, #tpu.memory_space<vmem>>, vector<1x8xf32>,
      %swap3A_423 = vector.shape_cast %swap3A_422 : vector<1x8xf32> to vector<8xf32>
      %swap3A_424 = vector.shape_cast %broadcast_in_dim3A_420 : vector<8xf32> to vector<1x8xf32>
      tpu.vector_store %arg11[%swap3A, %swap3A_421], %swap3A_424 {strides = array<i32>} : memref<80x8xf32, #tpu.memory_space<vmem>>, vector<1x8xf32>,
    }
    %scan3A_223 = arith.constant 80 : i32
    %add3A_224 = arith.constant 0 : i32
    %add3A_225 = arith.addi %mul3A_0, %add3A_224 : i32
    "tpu.region"() ({
      %run_scoped3A = tpu.sem_alloc : memref<!tpu.dma_semaphore, #tpu.memory_space<semaphore_mem>>
      %dma_start3A_419 = arith.constant 0 : i32
      %dma_start3A_420 = tpu.memref_slice %arg13[%add3A_225, %dma_start3A_419] : memref<10240x8xf32, #tpu.memory_space<vmem_shared>> -> memref<80x8xf32, #tpu.memory_space<vmem_shared>>
      %dma_start3A_421 = arith.constant 0 : i32
      %dma_start3A_422 = tpu.memref_slice %arg13[%add3A_225, %dma_start3A_421] : memref<10240x8xf32, #tpu.memory_space<vmem_shared>> -> memref<80x8xf32, #tpu.memory_space<vmem_shared>>
      tpu.enqueue_dma source(%arg11 : memref<80x8xf32, #tpu.memory_space<vmem>>) target(%dma_start3A_422 : memref<80x8xf32, #tpu.memory_space<vmem_shared>>) target_semaphore(%run_scoped3A : memref<!tpu.dma_semaphore, #tpu.memory_space<semaphore_mem>>)
      %dma_wait3A_423 = arith.constant 0 : i32
      %dma_wait3A_424 = tpu.memref_slice %arg13[%add3A_225, %dma_wait3A_423] : memref<10240x8xf32, #tpu.memory_space<vmem_shared>> -> memref<80x8xf32, #tpu.memory_space<vmem_shared>>
      %dma_wait3A_425 = arith.constant 0 : i32
      %dma_wait3A_426 = tpu.memref_slice %arg13[%add3A_225, %dma_wait3A_425] : memref<10240x8xf32, #tpu.memory_space<vmem_shared>> -> memref<80x8xf32, #tpu.memory_space<vmem_shared>>
      tpu.wait_dma2 semaphore(%run_scoped3A : memref<!tpu.dma_semaphore, #tpu.memory_space<semaphore_mem>>) src(%arg11 : memref<80x8xf32, #tpu.memory_space<vmem>>) dst(%dma_wait3A_426 : memref<80x8xf32, #tpu.memory_space<vmem_shared>>)
      tpu.yield
    }) : () -> ()
    %add3A_226 = arith.constant 80 : i32
    %add3A_227 = arith.addi %mul3A_0, %add3A_226 : i32
    "tpu.region"() ({
      %run_scoped3A = tpu.sem_alloc : memref<!tpu.dma_semaphore, #tpu.memory_space<semaphore_mem>>
      %dma_start3A_419 = arith.constant 0 : i32
      %dma_start3A_420 = tpu.memref_slice %arg13[%add3A_227, %dma_start3A_419] : memref<10240x8xf32, #tpu.memory_space<vmem_shared>> -> memref<80x8xf32, #tpu.memory_space<vmem_shared>>
      %dma_start3A_421 = arith.constant 0 : i32
      %dma_start3A_422 = tpu.memref_slice %arg13[%add3A_227, %dma_start3A_421] : memref<10240x8xf32, #tpu.memory_space<vmem_shared>> -> memref<80x8xf32, #tpu.memory_space<vmem_shared>>
      tpu.enqueue_dma source(%arg11 : memref<80x8xf32, #tpu.memory_space<vmem>>) target(%dma_start3A_422 : memref<80x8xf32, #tpu.memory_space<vmem_shared>>) target_semaphore(%run_scoped3A : memref<!tpu.dma_semaphore, #tpu.memory_space<semaphore_mem>>)
      %dma_wait3A_423 = arith.constant 0 : i32
      %dma_wait3A_424 = tpu.memref_slice %arg13[%add3A_227, %dma_wait3A_423] : memref<10240x8xf32, #tpu.memory_space<vmem_shared>> -> memref<80x8xf32, #tpu.memory_space<vmem_shared>>
      %dma_wait3A_425 = arith.constant 0 : i32
      %dma_wait3A_426 = tpu.memref_slice %arg13[%add3A_227, %dma_wait3A_425] : memref<10240x8xf32, #tpu.memory_space<vmem_shared>> -> memref<80x8xf32, #tpu.memory_space<vmem_shared>>
      tpu.wait_dma2 semaphore(%run_scoped3A : memref<!tpu.dma_semaphore, #tpu.memory_space<semaphore_mem>>) src(%arg11 : memref<80x8xf32, #tpu.memory_space<vmem>>) dst(%dma_wait3A_426 : memref<80x8xf32, #tpu.memory_space<vmem_shared>>)
      tpu.yield
    }) : () -> ()
    %add3A_228 = arith.constant 160 : i32
    %add3A_229 = arith.addi %mul3A_0, %add3A_228 : i32
    "tpu.region"() ({
      %run_scoped3A = tpu.sem_alloc : memref<!tpu.dma_semaphore, #tpu.memory_space<semaphore_mem>>
      %dma_start3A_419 = arith.constant 0 : i32
      %dma_start3A_420 = tpu.memref_slice %arg13[%add3A_229, %dma_start3A_419] : memref<10240x8xf32, #tpu.memory_space<vmem_shared>> -> memref<80x8xf32, #tpu.memory_space<vmem_shared>>
      %dma_start3A_421 = arith.constant 0 : i32
      %dma_start3A_422 = tpu.memref_slice %arg13[%add3A_229, %dma_start3A_421] : memref<10240x8xf32, #tpu.memory_space<vmem_shared>> -> memref<80x8xf32, #tpu.memory_space<vmem_shared>>
      tpu.enqueue_dma source(%arg11 : memref<80x8xf32, #tpu.memory_space<vmem>>) target(%dma_start3A_422 : memref<80x8xf32, #tpu.memory_space<vmem_shared>>) target_semaphore(%run_scoped3A : memref<!tpu.dma_semaphore, #tpu.memory_space<semaphore_mem>>)
      %dma_wait3A_423 = arith.constant 0 : i32
      %dma_wait3A_424 = tpu.memref_slice %arg13[%add3A_229, %dma_wait3A_423] : memref<10240x8xf32, #tpu.memory_space<vmem_shared>> -> memref<80x8xf32, #tpu.memory_space<vmem_shared>>
      %dma_wait3A_425 = arith.constant 0 : i32
      %dma_wait3A_426 = tpu.memref_slice %arg13[%add3A_229, %dma_wait3A_425] : memref<10240x8xf32, #tpu.memory_space<vmem_shared>> -> memref<80x8xf32, #tpu.memory_space<vmem_shared>>
      tpu.wait_dma2 semaphore(%run_scoped3A : memref<!tpu.dma_semaphore, #tpu.memory_space<semaphore_mem>>) src(%arg11 : memref<80x8xf32, #tpu.memory_space<vmem>>) dst(%dma_wait3A_426 : memref<80x8xf32, #tpu.memory_space<vmem_shared>>)
      tpu.yield
    }) : () -> ()
    %add3A_230 = arith.constant 240 : i32
    %add3A_231 = arith.addi %mul3A_0, %add3A_230 : i32
    "tpu.region"() ({
      %run_scoped3A = tpu.sem_alloc : memref<!tpu.dma_semaphore, #tpu.memory_space<semaphore_mem>>
      %dma_start3A_419 = arith.constant 0 : i32
      %dma_start3A_420 = tpu.memref_slice %arg13[%add3A_231, %dma_start3A_419] : memref<10240x8xf32, #tpu.memory_space<vmem_shared>> -> memref<80x8xf32, #tpu.memory_space<vmem_shared>>
      %dma_start3A_421 = arith.constant 0 : i32
      %dma_start3A_422 = tpu.memref_slice %arg13[%add3A_231, %dma_start3A_421] : memref<10240x8xf32, #tpu.memory_space<vmem_shared>> -> memref<80x8xf32, #tpu.memory_space<vmem_shared>>
      tpu.enqueue_dma source(%arg11 : memref<80x8xf32, #tpu.memory_space<vmem>>) target(%dma_start3A_422 : memref<80x8xf32, #tpu.memory_space<vmem_shared>>) target_semaphore(%run_scoped3A : memref<!tpu.dma_semaphore, #tpu.memory_space<semaphore_mem>>)
      %dma_wait3A_423 = arith.constant 0 : i32
      %dma_wait3A_424 = tpu.memref_slice %arg13[%add3A_231, %dma_wait3A_423] : memref<10240x8xf32, #tpu.memory_space<vmem_shared>> -> memref<80x8xf32, #tpu.memory_space<vmem_shared>>
      %dma_wait3A_425 = arith.constant 0 : i32
      %dma_wait3A_426 = tpu.memref_slice %arg13[%add3A_231, %dma_wait3A_425] : memref<10240x8xf32, #tpu.memory_space<vmem_shared>> -> memref<80x8xf32, #tpu.memory_space<vmem_shared>>
      tpu.wait_dma2 semaphore(%run_scoped3A : memref<!tpu.dma_semaphore, #tpu.memory_space<semaphore_mem>>) src(%arg11 : memref<80x8xf32, #tpu.memory_space<vmem>>) dst(%dma_wait3A_426 : memref<80x8xf32, #tpu.memory_space<vmem_shared>>)
      tpu.yield
    }) : () -> ()
    %add3A_232 = arith.constant 320 : i32
    %add3A_233 = arith.addi %mul3A_0, %add3A_232 : i32
    "tpu.region"() ({
      %run_scoped3A = tpu.sem_alloc : memref<!tpu.dma_semaphore, #tpu.memory_space<semaphore_mem>>
      %dma_start3A_419 = arith.constant 0 : i32
      %dma_start3A_420 = tpu.memref_slice %arg13[%add3A_233, %dma_start3A_419] : memref<10240x8xf32, #tpu.memory_space<vmem_shared>> -> memref<80x8xf32, #tpu.memory_space<vmem_shared>>
      %dma_start3A_421 = arith.constant 0 : i32
      %dma_start3A_422 = tpu.memref_slice %arg13[%add3A_233, %dma_start3A_421] : memref<10240x8xf32, #tpu.memory_space<vmem_shared>> -> memref<80x8xf32, #tpu.memory_space<vmem_shared>>
      tpu.enqueue_dma source(%arg11 : memref<80x8xf32, #tpu.memory_space<vmem>>) target(%dma_start3A_422 : memref<80x8xf32, #tpu.memory_space<vmem_shared>>) target_semaphore(%run_scoped3A : memref<!tpu.dma_semaphore, #tpu.memory_space<semaphore_mem>>)
      %dma_wait3A_423 = arith.constant 0 : i32
      %dma_wait3A_424 = tpu.memref_slice %arg13[%add3A_233, %dma_wait3A_423] : memref<10240x8xf32, #tpu.memory_space<vmem_shared>> -> memref<80x8xf32, #tpu.memory_space<vmem_shared>>
      %dma_wait3A_425 = arith.constant 0 : i32
      %dma_wait3A_426 = tpu.memref_slice %arg13[%add3A_233, %dma_wait3A_425] : memref<10240x8xf32, #tpu.memory_space<vmem_shared>> -> memref<80x8xf32, #tpu.memory_space<vmem_shared>>
      tpu.wait_dma2 semaphore(%run_scoped3A : memref<!tpu.dma_semaphore, #tpu.memory_space<semaphore_mem>>) src(%arg11 : memref<80x8xf32, #tpu.memory_space<vmem>>) dst(%dma_wait3A_426 : memref<80x8xf32, #tpu.memory_space<vmem_shared>>)
      tpu.yield
    }) : () -> ()
    %add3A_234 = arith.constant 400 : i32
    %add3A_235 = arith.addi %mul3A_0, %add3A_234 : i32
    "tpu.region"() ({
      %run_scoped3A = tpu.sem_alloc : memref<!tpu.dma_semaphore, #tpu.memory_space<semaphore_mem>>
      %dma_start3A_419 = arith.constant 0 : i32
      %dma_start3A_420 = tpu.memref_slice %arg13[%add3A_235, %dma_start3A_419] : memref<10240x8xf32, #tpu.memory_space<vmem_shared>> -> memref<80x8xf32, #tpu.memory_space<vmem_shared>>
      %dma_start3A_421 = arith.constant 0 : i32
      %dma_start3A_422 = tpu.memref_slice %arg13[%add3A_235, %dma_start3A_421] : memref<10240x8xf32, #tpu.memory_space<vmem_shared>> -> memref<80x8xf32, #tpu.memory_space<vmem_shared>>
      tpu.enqueue_dma source(%arg11 : memref<80x8xf32, #tpu.memory_space<vmem>>) target(%dma_start3A_422 : memref<80x8xf32, #tpu.memory_space<vmem_shared>>) target_semaphore(%run_scoped3A : memref<!tpu.dma_semaphore, #tpu.memory_space<semaphore_mem>>)
      %dma_wait3A_423 = arith.constant 0 : i32
      %dma_wait3A_424 = tpu.memref_slice %arg13[%add3A_235, %dma_wait3A_423] : memref<10240x8xf32, #tpu.memory_space<vmem_shared>> -> memref<80x8xf32, #tpu.memory_space<vmem_shared>>
      %dma_wait3A_425 = arith.constant 0 : i32
      %dma_wait3A_426 = tpu.memref_slice %arg13[%add3A_235, %dma_wait3A_425] : memref<10240x8xf32, #tpu.memory_space<vmem_shared>> -> memref<80x8xf32, #tpu.memory_space<vmem_shared>>
      tpu.wait_dma2 semaphore(%run_scoped3A : memref<!tpu.dma_semaphore, #tpu.memory_space<semaphore_mem>>) src(%arg11 : memref<80x8xf32, #tpu.memory_space<vmem>>) dst(%dma_wait3A_426 : memref<80x8xf32, #tpu.memory_space<vmem_shared>>)
      tpu.yield
    }) : () -> ()
    %add3A_236 = arith.constant 480 : i32
    %add3A_237 = arith.addi %mul3A_0, %add3A_236 : i32
    "tpu.region"() ({
      %run_scoped3A = tpu.sem_alloc : memref<!tpu.dma_semaphore, #tpu.memory_space<semaphore_mem>>
      %dma_start3A_419 = arith.constant 0 : i32
      %dma_start3A_420 = tpu.memref_slice %arg13[%add3A_237, %dma_start3A_419] : memref<10240x8xf32, #tpu.memory_space<vmem_shared>> -> memref<80x8xf32, #tpu.memory_space<vmem_shared>>
      %dma_start3A_421 = arith.constant 0 : i32
      %dma_start3A_422 = tpu.memref_slice %arg13[%add3A_237, %dma_start3A_421] : memref<10240x8xf32, #tpu.memory_space<vmem_shared>> -> memref<80x8xf32, #tpu.memory_space<vmem_shared>>
      tpu.enqueue_dma source(%arg11 : memref<80x8xf32, #tpu.memory_space<vmem>>) target(%dma_start3A_422 : memref<80x8xf32, #tpu.memory_space<vmem_shared>>) target_semaphore(%run_scoped3A : memref<!tpu.dma_semaphore, #tpu.memory_space<semaphore_mem>>)
      %dma_wait3A_423 = arith.constant 0 : i32
      %dma_wait3A_424 = tpu.memref_slice %arg13[%add3A_237, %dma_wait3A_423] : memref<10240x8xf32, #tpu.memory_space<vmem_shared>> -> memref<80x8xf32, #tpu.memory_space<vmem_shared>>
      %dma_wait3A_425 = arith.constant 0 : i32
      %dma_wait3A_426 = tpu.memref_slice %arg13[%add3A_237, %dma_wait3A_425] : memref<10240x8xf32, #tpu.memory_space<vmem_shared>> -> memref<80x8xf32, #tpu.memory_space<vmem_shared>>
      tpu.wait_dma2 semaphore(%run_scoped3A : memref<!tpu.dma_semaphore, #tpu.memory_space<semaphore_mem>>) src(%arg11 : memref<80x8xf32, #tpu.memory_space<vmem>>) dst(%dma_wait3A_426 : memref<80x8xf32, #tpu.memory_space<vmem_shared>>)
      tpu.yield
    }) : () -> ()
    %add3A_238 = arith.constant 560 : i32
    %add3A_239 = arith.addi %mul3A_0, %add3A_238 : i32
    "tpu.region"() ({
      %run_scoped3A = tpu.sem_alloc : memref<!tpu.dma_semaphore, #tpu.memory_space<semaphore_mem>>
      %dma_start3A_419 = arith.constant 0 : i32
      %dma_start3A_420 = tpu.memref_slice %arg13[%add3A_239, %dma_start3A_419] : memref<10240x8xf32, #tpu.memory_space<vmem_shared>> -> memref<80x8xf32, #tpu.memory_space<vmem_shared>>
      %dma_start3A_421 = arith.constant 0 : i32
      %dma_start3A_422 = tpu.memref_slice %arg13[%add3A_239, %dma_start3A_421] : memref<10240x8xf32, #tpu.memory_space<vmem_shared>> -> memref<80x8xf32, #tpu.memory_space<vmem_shared>>
      tpu.enqueue_dma source(%arg11 : memref<80x8xf32, #tpu.memory_space<vmem>>) target(%dma_start3A_422 : memref<80x8xf32, #tpu.memory_space<vmem_shared>>) target_semaphore(%run_scoped3A : memref<!tpu.dma_semaphore, #tpu.memory_space<semaphore_mem>>)
      %dma_wait3A_423 = arith.constant 0 : i32
      %dma_wait3A_424 = tpu.memref_slice %arg13[%add3A_239, %dma_wait3A_423] : memref<10240x8xf32, #tpu.memory_space<vmem_shared>> -> memref<80x8xf32, #tpu.memory_space<vmem_shared>>
      %dma_wait3A_425 = arith.constant 0 : i32
      %dma_wait3A_426 = tpu.memref_slice %arg13[%add3A_239, %dma_wait3A_425] : memref<10240x8xf32, #tpu.memory_space<vmem_shared>> -> memref<80x8xf32, #tpu.memory_space<vmem_shared>>
      tpu.wait_dma2 semaphore(%run_scoped3A : memref<!tpu.dma_semaphore, #tpu.memory_space<semaphore_mem>>) src(%arg11 : memref<80x8xf32, #tpu.memory_space<vmem>>) dst(%dma_wait3A_426 : memref<80x8xf32, #tpu.memory_space<vmem_shared>>)
      tpu.yield
    }) : () -> ()
    %scan3A_240 = arith.constant 0 : i32
    %scan3A_241 = arith.constant 0 : i32
    %scan3A_242 = arith.constant 80 : i32
    %scan3A_243 = arith.addi %scan3A_241, %scan3A_242 : i32
    %scan3A_244 = arith.constant 1 : i32
    scf.for %scan3A_419 = %scan3A_241 to %scan3A_243 step %scan3A_244  : i32 {
      %broadcast_in_dim3A = arith.constant 1.000000e+00 : f32
      %broadcast_in_dim3A_420 = vector.broadcast %broadcast_in_dim3A : f32 to vector<8xf32>
      %swap3A = arith.index_cast %scan3A_419 : i32 to index
      %swap3A_421 = arith.constant 0 : index
      %swap3A_422 = tpu.vector_load %arg11[%swap3A, %swap3A_421] {strides = array<i32>} : memref<80x8xf32, #tpu.memory_space<vmem>>, vector<1x8xf32>,
      %swap3A_423 = vector.shape_cast %swap3A_422 : vector<1x8xf32> to vector<8xf32>
      %swap3A_424 = vector.shape_cast %broadcast_in_dim3A_420 : vector<8xf32> to vector<1x8xf32>
      tpu.vector_store %arg11[%swap3A, %swap3A_421], %swap3A_424 {strides = array<i32>} : memref<80x8xf32, #tpu.memory_space<vmem>>, vector<1x8xf32>,
    }
    %scan3A_245 = arith.constant 80 : i32
    %barrier3A = arith.constant 0 : index
    tpu.barrier barrier_id(%barrier3A)
    %dma_wait3A = arith.constant 0 : i32
    %dma_wait3A_246 = arith.constant 0 : i32
    %dma_wait3A_247 = tpu.memref_slice %arg9[%dma_wait3A, %dma_wait3A_246] : memref<2x400xi32, #tpu.memory_space<vmem>> -> memref<1x400xi32, #tpu.memory_space<vmem>>
    %dma_wait3A_248 = tpu.memref_squeeze %dma_wait3A_247 : memref<1x400xi32, #tpu.memory_space<vmem>> -> memref<400xi32, #tpu.memory_space<vmem>>
    %dma_wait3A_249 = arith.constant 0 : i32
    %dma_wait3A_250 = tpu.memref_slice %arg3[%dma_wait3A_249] : memref<320000xi32, #tpu.memory_space<hbm>> -> memref<400xi32, #tpu.memory_space<hbm>>
    %dma_wait3A_251 = arith.constant 0 : i32
    %dma_wait3A_252 = tpu.memref_slice %arg9[%dma_wait3A, %dma_wait3A_251] : memref<2x400xi32, #tpu.memory_space<vmem>> -> memref<1x400xi32, #tpu.memory_space<vmem>>
    %dma_wait3A_253 = tpu.memref_squeeze %dma_wait3A_252 : memref<1x400xi32, #tpu.memory_space<vmem>> -> memref<400xi32, #tpu.memory_space<vmem>>
    %dma_wait3A_254 = arith.constant 0 : i32
    %dma_wait3A_255 = tpu.memref_slice %arg3[%dma_wait3A_254] : memref<320000xi32, #tpu.memory_space<hbm>> -> memref<400xi32, #tpu.memory_space<hbm>>
    tpu.wait_dma2 semaphore(%arg16 : memref<!tpu.dma_semaphore, #tpu.memory_space<semaphore_mem>>) src(%dma_wait3A_255 : memref<400xi32, #tpu.memory_space<hbm>>) dst(%dma_wait3A_253 : memref<400xi32, #tpu.memory_space<vmem>>)
    %dma_start3A_256 = arith.constant 0 : i32
    %dma_start3A_257 = arith.constant 0 : i32
    %dma_start3A_258 = tpu.memref_slice %arg9[%dma_start3A_256, %dma_start3A_257] : memref<2x400xi32, #tpu.memory_space<vmem>> -> memref<1x400xi32, #tpu.memory_space<vmem>>
    %dma_start3A_259 = tpu.memref_squeeze %dma_start3A_258 : memref<1x400xi32, #tpu.memory_space<vmem>> -> memref<400xi32, #tpu.memory_space<vmem>>
    %dma_start3A_260 = arith.constant 0 : i32
    %dma_start3A_261 = arith.constant 0 : i32
    %dma_start3A_262 = tpu.memref_slice %arg2[%arg0, %dma_start3A_260, %dma_start3A_261] : memref<2x10000x64xf32, #tpu.memory_space<hbm>> -> memref<1x10000x64xf32, #tpu.memory_space<hbm>>
    %dma_start3A_263 = tpu.memref_squeeze %dma_start3A_262 : memref<1x10000x64xf32, #tpu.memory_space<hbm>> -> memref<10000x64xf32, #tpu.memory_space<hbm>>
    %dma_start3A_264 = arith.constant 0 : i32
    %dma_start3A_265 = arith.constant 0 : i32
    %dma_start3A_266 = tpu.memref_slice %dma_start3A_263[%dma_start3A_264, %dma_start3A_265] : memref<10000x64xf32, #tpu.memory_space<hbm>> -> memref<10000x64xf32, #tpu.memory_space<hbm>>
    tpu.enqueue_indirect_dma source(%dma_start3A_266 : memref<10000x64xf32, #tpu.memory_space<hbm>>) target(%arg7 : memref<400x64xf32, #tpu.memory_space<vmem>>) offsets(%dma_start3A_259 : memref<400xi32, #tpu.memory_space<vmem>>) semaphore(%arg14 : memref<!tpu.dma_semaphore, #tpu.memory_space<semaphore_mem>>)
    %scan3A_267 = arith.constant 0 : i32
    %scan3A_268 = arith.constant 0 : i32
    %scan3A_269 = arith.constant 25 : i32
    %scan3A_270 = arith.addi %scan3A_268, %scan3A_269 : i32
    %scan3A_271 = arith.constant 1 : i32
    scf.for %scan3A_419 = %scan3A_268 to %scan3A_270 step %scan3A_271  : i32 {
      %mul3A_420 = arith.constant 2 : i32
      %mul3A_421 = arith.muli %mul3A_420, %scan3A_419 : i32
      %dma_wait3A_422 = arith.constant 1 : i32
      %dma_wait3A_423 = arith.constant 0 : i32
      %dma_wait3A_424 = tpu.memref_slice %arg9[%dma_wait3A_422, %dma_wait3A_423] : memref<2x400xi32, #tpu.memory_space<vmem>> -> memref<1x400xi32, #tpu.memory_space<vmem>>
      %dma_wait3A_425 = tpu.memref_squeeze %dma_wait3A_424 : memref<1x400xi32, #tpu.memory_space<vmem>> -> memref<400xi32, #tpu.memory_space<vmem>>
      %dma_wait3A_426 = arith.constant 0 : i32
      %dma_wait3A_427 = tpu.memref_slice %arg3[%dma_wait3A_426] : memref<320000xi32, #tpu.memory_space<hbm>> -> memref<400xi32, #tpu.memory_space<hbm>>
      %dma_wait3A_428 = arith.constant 0 : i32
      %dma_wait3A_429 = tpu.memref_slice %arg9[%dma_wait3A_422, %dma_wait3A_428] : memref<2x400xi32, #tpu.memory_space<vmem>> -> memref<1x400xi32, #tpu.memory_space<vmem>>
      %dma_wait3A_430 = tpu.memref_squeeze %dma_wait3A_429 : memref<1x400xi32, #tpu.memory_space<vmem>> -> memref<400xi32, #tpu.memory_space<vmem>>
      %dma_wait3A_431 = arith.constant 0 : i32
      %dma_wait3A_432 = tpu.memref_slice %arg3[%dma_wait3A_431] : memref<320000xi32, #tpu.memory_space<hbm>> -> memref<400xi32, #tpu.memory_space<hbm>>
      tpu.wait_dma2 semaphore(%arg17 : memref<!tpu.dma_semaphore, #tpu.memory_space<semaphore_mem>>) src(%dma_wait3A_432 : memref<400xi32, #tpu.memory_space<hbm>>) dst(%dma_wait3A_430 : memref<400xi32, #tpu.memory_space<vmem>>)
      %dma_start3A_433 = arith.constant 1 : i32
      %dma_start3A_434 = arith.constant 0 : i32
      %dma_start3A_435 = tpu.memref_slice %arg9[%dma_start3A_433, %dma_start3A_434] : memref<2x400xi32, #tpu.memory_space<vmem>> -> memref<1x400xi32, #tpu.memory_space<vmem>>
      %dma_start3A_436 = tpu.memref_squeeze %dma_start3A_435 : memref<1x400xi32, #tpu.memory_space<vmem>> -> memref<400xi32, #tpu.memory_space<vmem>>
      %dma_start3A_437 = arith.constant 0 : i32
      %dma_start3A_438 = arith.constant 0 : i32
      %dma_start3A_439 = tpu.memref_slice %arg2[%arg0, %dma_start3A_437, %dma_start3A_438] : memref<2x10000x64xf32, #tpu.memory_space<hbm>> -> memref<1x10000x64xf32, #tpu.memory_space<hbm>>
      %dma_start3A_440 = tpu.memref_squeeze %dma_start3A_439 : memref<1x10000x64xf32, #tpu.memory_space<hbm>> -> memref<10000x64xf32, #tpu.memory_space<hbm>>
      %dma_start3A_441 = arith.constant 0 : i32
      %dma_start3A_442 = arith.constant 0 : i32
      %dma_start3A_443 = tpu.memref_slice %dma_start3A_440[%dma_start3A_441, %dma_start3A_442] : memref<10000x64xf32, #tpu.memory_space<hbm>> -> memref<10000x64xf32, #tpu.memory_space<hbm>>
      tpu.enqueue_indirect_dma source(%dma_start3A_443 : memref<10000x64xf32, #tpu.memory_space<hbm>>) target(%arg8 : memref<400x64xf32, #tpu.memory_space<vmem>>) offsets(%dma_start3A_436 : memref<400xi32, #tpu.memory_space<vmem>>) semaphore(%arg15 : memref<!tpu.dma_semaphore, #tpu.memory_space<semaphore_mem>>)
      %dma_wait3A_444 = arith.constant 0 : i32
      %dma_wait3A_445 = arith.constant 0 : i32
      %dma_wait3A_446 = tpu.memref_slice %arg2[%arg0, %dma_wait3A_444, %dma_wait3A_445] : memref<2x10000x64xf32, #tpu.memory_space<hbm>> -> memref<1x10000x64xf32, #tpu.memory_space<hbm>>
      %dma_wait3A_447 = tpu.memref_squeeze %dma_wait3A_446 : memref<1x10000x64xf32, #tpu.memory_space<hbm>> -> memref<10000x64xf32, #tpu.memory_space<hbm>>
      %dma_wait3A_448 = arith.constant 0 : i32
      %dma_wait3A_449 = arith.constant 0 : i32
      %dma_wait3A_450 = tpu.memref_slice %dma_wait3A_447[%dma_wait3A_448, %dma_wait3A_449] : memref<10000x64xf32, #tpu.memory_space<hbm>> -> memref<400x64xf32, #tpu.memory_space<hbm>>
      %dma_wait3A_451 = arith.constant 0 : i32
      %dma_wait3A_452 = arith.constant 0 : i32
      %dma_wait3A_453 = tpu.memref_slice %arg2[%arg0, %dma_wait3A_451, %dma_wait3A_452] : memref<2x10000x64xf32, #tpu.memory_space<hbm>> -> memref<1x10000x64xf32, #tpu.memory_space<hbm>>
      %dma_wait3A_454 = tpu.memref_squeeze %dma_wait3A_453 : memref<1x10000x64xf32, #tpu.memory_space<hbm>> -> memref<10000x64xf32, #tpu.memory_space<hbm>>
      %dma_wait3A_455 = arith.constant 0 : i32
      %dma_wait3A_456 = arith.constant 0 : i32
      %dma_wait3A_457 = tpu.memref_slice %dma_wait3A_454[%dma_wait3A_455, %dma_wait3A_456] : memref<10000x64xf32, #tpu.memory_space<hbm>> -> memref<400x64xf32, #tpu.memory_space<hbm>>
      tpu.wait_dma2 semaphore(%arg14 : memref<!tpu.dma_semaphore, #tpu.memory_space<semaphore_mem>>) src(%dma_wait3A_457 : memref<400x64xf32, #tpu.memory_space<hbm>>) dst(%arg7 : memref<400x64xf32, #tpu.memory_space<vmem>>)
      %add3A_458 = arith.constant 2 : i32
      %add3A_459 = arith.addi %mul3A_421, %add3A_458 : i32
      %lt3A = arith.constant 50 : i32
      %lt3A_460 = arith.cmpi slt, %add3A_459, %lt3A : i32
      %jit3A_461 = arith.constant 0 : i32
      %select_n3A_462 = arith.select %lt3A_460, %add3A_459, %jit3A_461 : i32
      %mul3A_463 = arith.constant 20000 : i32
      %mul3A_464 = arith.muli %arg1, %mul3A_463 : i32
      %mul3A_465 = arith.constant 400 : i32
      %mul3A_466 = arith.muli %select_n3A_462, %mul3A_465 : i32
      %add3A_467 = arith.addi %mul3A_464, %mul3A_466 : i32
      %dma_start3A_468 = arith.constant 0 : i32
      %dma_start3A_469 = arith.constant 0 : i32
      %dma_start3A_470 = tpu.memref_slice %arg9[%dma_start3A_468, %dma_start3A_469] : memref<2x400xi32, #tpu.memory_space<vmem>> -> memref<1x400xi32, #tpu.memory_space<vmem>>
      %dma_start3A_471 = tpu.memref_squeeze %dma_start3A_470 : memref<1x400xi32, #tpu.memory_space<vmem>> -> memref<400xi32, #tpu.memory_space<vmem>>
      %dma_start3A_472 = tpu.memref_slice %arg3[%add3A_467] : memref<320000xi32, #tpu.memory_space<hbm>> -> memref<400xi32, #tpu.memory_space<hbm>>
      %dma_start3A_473 = arith.constant 0 : i32
      %dma_start3A_474 = tpu.memref_slice %arg9[%dma_start3A_468, %dma_start3A_473] : memref<2x400xi32, #tpu.memory_space<vmem>> -> memref<1x400xi32, #tpu.memory_space<vmem>>
      %dma_start3A_475 = tpu.memref_squeeze %dma_start3A_474 : memref<1x400xi32, #tpu.memory_space<vmem>> -> memref<400xi32, #tpu.memory_space<vmem>>
      %dma_start3A_476 = tpu.memref_slice %arg3[%add3A_467] : memref<320000xi32, #tpu.memory_space<hbm>> -> memref<400xi32, #tpu.memory_space<hbm>>
      tpu.enqueue_dma source(%dma_start3A_476 : memref<400xi32, #tpu.memory_space<hbm>>) target(%dma_start3A_475 : memref<400xi32, #tpu.memory_space<vmem>>) target_semaphore(%arg16 : memref<!tpu.dma_semaphore, #tpu.memory_space<semaphore_mem>>)
      %dma_wait3A_477 = arith.constant 0 : i32
      %dma_wait3A_478 = arith.constant 0 : i32
      %dma_wait3A_479 = arith.constant 0 : i32
      %dma_wait3A_480 = tpu.memref_slice %arg10[%dma_wait3A_477, %dma_wait3A_478, %dma_wait3A_479] : memref<2x5x80xi32, #tpu.memory_space<vmem>> -> memref<1x1x80xi32, #tpu.memory_space<vmem>>
      %dma_wait3A_481 = tpu.memref_squeeze %dma_wait3A_480 : memref<1x1x80xi32, #tpu.memory_space<vmem>> -> memref<80xi32, #tpu.memory_space<vmem>>
      %dma_wait3A_482 = arith.constant 0 : i32
      %dma_wait3A_483 = tpu.memref_slice %arg4[%dma_wait3A_482] : memref<320000xi32, #tpu.memory_space<hbm>> -> memref<80xi32, #tpu.memory_space<hbm>>
      %dma_wait3A_484 = arith.constant 0 : i32
      %dma_wait3A_485 = tpu.memref_slice %arg10[%dma_wait3A_477, %dma_wait3A_478, %dma_wait3A_484] : memref<2x5x80xi32, #tpu.memory_space<vmem>> -> memref<1x1x80xi32, #tpu.memory_space<vmem>>
      %dma_wait3A_486 = tpu.memref_squeeze %dma_wait3A_485 : memref<1x1x80xi32, #tpu.memory_space<vmem>> -> memref<80xi32, #tpu.memory_space<vmem>>
      %dma_wait3A_487 = arith.constant 0 : i32
      %dma_wait3A_488 = tpu.memref_slice %arg4[%dma_wait3A_487] : memref<320000xi32, #tpu.memory_space<hbm>> -> memref<80xi32, #tpu.memory_space<hbm>>
      tpu.wait_dma2 semaphore(%arg18 : memref<!tpu.dma_semaphore, #tpu.memory_space<semaphore_mem>>) src(%dma_wait3A_488 : memref<80xi32, #tpu.memory_space<hbm>>) dst(%dma_wait3A_486 : memref<80xi32, #tpu.memory_space<vmem>>)
      %dma_wait3A_489 = arith.constant 0 : i32
      %dma_wait3A_490 = arith.constant 1 : i32
      %dma_wait3A_491 = arith.constant 0 : i32
      %dma_wait3A_492 = tpu.memref_slice %arg10[%dma_wait3A_489, %dma_wait3A_490, %dma_wait3A_491] : memref<2x5x80xi32, #tpu.memory_space<vmem>> -> memref<1x1x80xi32, #tpu.memory_space<vmem>>
      %dma_wait3A_493 = tpu.memref_squeeze %dma_wait3A_492 : memref<1x1x80xi32, #tpu.memory_space<vmem>> -> memref<80xi32, #tpu.memory_space<vmem>>
      %dma_wait3A_494 = arith.constant 0 : i32
      %dma_wait3A_495 = tpu.memref_slice %arg4[%dma_wait3A_494] : memref<320000xi32, #tpu.memory_space<hbm>> -> memref<80xi32, #tpu.memory_space<hbm>>
      %dma_wait3A_496 = arith.constant 0 : i32
      %dma_wait3A_497 = tpu.memref_slice %arg10[%dma_wait3A_489, %dma_wait3A_490, %dma_wait3A_496] : memref<2x5x80xi32, #tpu.memory_space<vmem>> -> memref<1x1x80xi32, #tpu.memory_space<vmem>>
      %dma_wait3A_498 = tpu.memref_squeeze %dma_wait3A_497 : memref<1x1x80xi32, #tpu.memory_space<vmem>> -> memref<80xi32, #tpu.memory_space<vmem>>
      %dma_wait3A_499 = arith.constant 0 : i32
      %dma_wait3A_500 = tpu.memref_slice %arg4[%dma_wait3A_499] : memref<320000xi32, #tpu.memory_space<hbm>> -> memref<80xi32, #tpu.memory_space<hbm>>
      tpu.wait_dma2 semaphore(%arg18 : memref<!tpu.dma_semaphore, #tpu.memory_space<semaphore_mem>>) src(%dma_wait3A_500 : memref<80xi32, #tpu.memory_space<hbm>>) dst(%dma_wait3A_498 : memref<80xi32, #tpu.memory_space<vmem>>)
      %dma_wait3A_501 = arith.constant 0 : i32
      %dma_wait3A_502 = arith.constant 2 : i32
      %dma_wait3A_503 = arith.constant 0 : i32
      %dma_wait3A_504 = tpu.memref_slice %arg10[%dma_wait3A_501, %dma_wait3A_502, %dma_wait3A_503] : memref<2x5x80xi32, #tpu.memory_space<vmem>> -> memref<1x1x80xi32, #tpu.memory_space<vmem>>
      %dma_wait3A_505 = tpu.memref_squeeze %dma_wait3A_504 : memref<1x1x80xi32, #tpu.memory_space<vmem>> -> memref<80xi32, #tpu.memory_space<vmem>>
      %dma_wait3A_506 = arith.constant 0 : i32
      %dma_wait3A_507 = tpu.memref_slice %arg4[%dma_wait3A_506] : memref<320000xi32, #tpu.memory_space<hbm>> -> memref<80xi32, #tpu.memory_space<hbm>>
      %dma_wait3A_508 = arith.constant 0 : i32
      %dma_wait3A_509 = tpu.memref_slice %arg10[%dma_wait3A_501, %dma_wait3A_502, %dma_wait3A_508] : memref<2x5x80xi32, #tpu.memory_space<vmem>> -> memref<1x1x80xi32, #tpu.memory_space<vmem>>
      %dma_wait3A_510 = tpu.memref_squeeze %dma_wait3A_509 : memref<1x1x80xi32, #tpu.memory_space<vmem>> -> memref<80xi32, #tpu.memory_space<vmem>>
      %dma_wait3A_511 = arith.constant 0 : i32
      %dma_wait3A_512 = tpu.memref_slice %arg4[%dma_wait3A_511] : memref<320000xi32, #tpu.memory_space<hbm>> -> memref<80xi32, #tpu.memory_space<hbm>>
      tpu.wait_dma2 semaphore(%arg18 : memref<!tpu.dma_semaphore, #tpu.memory_space<semaphore_mem>>) src(%dma_wait3A_512 : memref<80xi32, #tpu.memory_space<hbm>>) dst(%dma_wait3A_510 : memref<80xi32, #tpu.memory_space<vmem>>)
      %dma_wait3A_513 = arith.constant 0 : i32
      %dma_wait3A_514 = arith.constant 3 : i32
      %dma_wait3A_515 = arith.constant 0 : i32
      %dma_wait3A_516 = tpu.memref_slice %arg10[%dma_wait3A_513, %dma_wait3A_514, %dma_wait3A_515] : memref<2x5x80xi32, #tpu.memory_space<vmem>> -> memref<1x1x80xi32, #tpu.memory_space<vmem>>
      %dma_wait3A_517 = tpu.memref_squeeze %dma_wait3A_516 : memref<1x1x80xi32, #tpu.memory_space<vmem>> -> memref<80xi32, #tpu.memory_space<vmem>>
      %dma_wait3A_518 = arith.constant 0 : i32
      %dma_wait3A_519 = tpu.memref_slice %arg4[%dma_wait3A_518] : memref<320000xi32, #tpu.memory_space<hbm>> -> memref<80xi32, #tpu.memory_space<hbm>>
      %dma_wait3A_520 = arith.constant 0 : i32
      %dma_wait3A_521 = tpu.memref_slice %arg10[%dma_wait3A_513, %dma_wait3A_514, %dma_wait3A_520] : memref<2x5x80xi32, #tpu.memory_space<vmem>> -> memref<1x1x80xi32, #tpu.memory_space<vmem>>
      %dma_wait3A_522 = tpu.memref_squeeze %dma_wait3A_521 : memref<1x1x80xi32, #tpu.memory_space<vmem>> -> memref<80xi32, #tpu.memory_space<vmem>>
      %dma_wait3A_523 = arith.constant 0 : i32
      %dma_wait3A_524 = tpu.memref_slice %arg4[%dma_wait3A_523] : memref<320000xi32, #tpu.memory_space<hbm>> -> memref<80xi32, #tpu.memory_space<hbm>>
      tpu.wait_dma2 semaphore(%arg18 : memref<!tpu.dma_semaphore, #tpu.memory_space<semaphore_mem>>) src(%dma_wait3A_524 : memref<80xi32, #tpu.memory_space<hbm>>) dst(%dma_wait3A_522 : memref<80xi32, #tpu.memory_space<vmem>>)
      %dma_wait3A_525 = arith.constant 0 : i32
      %dma_wait3A_526 = arith.constant 4 : i32
      %dma_wait3A_527 = arith.constant 0 : i32
      %dma_wait3A_528 = tpu.memref_slice %arg10[%dma_wait3A_525, %dma_wait3A_526, %dma_wait3A_527] : memref<2x5x80xi32, #tpu.memory_space<vmem>> -> memref<1x1x80xi32, #tpu.memory_space<vmem>>
      %dma_wait3A_529 = tpu.memref_squeeze %dma_wait3A_528 : memref<1x1x80xi32, #tpu.memory_space<vmem>> -> memref<80xi32, #tpu.memory_space<vmem>>
      %dma_wait3A_530 = arith.constant 0 : i32
      %dma_wait3A_531 = tpu.memref_slice %arg4[%dma_wait3A_530] : memref<320000xi32, #tpu.memory_space<hbm>> -> memref<80xi32, #tpu.memory_space<hbm>>
      %dma_wait3A_532 = arith.constant 0 : i32
      %dma_wait3A_533 = tpu.memref_slice %arg10[%dma_wait3A_525, %dma_wait3A_526, %dma_wait3A_532] : memref<2x5x80xi32, #tpu.memory_space<vmem>> -> memref<1x1x80xi32, #tpu.memory_space<vmem>>
      %dma_wait3A_534 = tpu.memref_squeeze %dma_wait3A_533 : memref<1x1x80xi32, #tpu.memory_space<vmem>> -> memref<80xi32, #tpu.memory_space<vmem>>
      %dma_wait3A_535 = arith.constant 0 : i32
      %dma_wait3A_536 = tpu.memref_slice %arg4[%dma_wait3A_535] : memref<320000xi32, #tpu.memory_space<hbm>> -> memref<80xi32, #tpu.memory_space<hbm>>
      tpu.wait_dma2 semaphore(%arg18 : memref<!tpu.dma_semaphore, #tpu.memory_space<semaphore_mem>>) src(%dma_wait3A_536 : memref<80xi32, #tpu.memory_space<hbm>>) dst(%dma_wait3A_534 : memref<80xi32, #tpu.memory_space<vmem>>)
      %run_scoped3A = arith.constant 0 : i32
      %run_scoped3A_537 = arith.constant 0 : i32
      "tpu.region"() ({
        %run_scoped3A_861 = tpu.sem_alloc : memref<!tpu.dma_semaphore, #tpu.memory_space<semaphore_mem>>
        %dma_start3A_862 = arith.constant 0 : i32
        %dma_start3A_863 = arith.constant 0 : i32
        %dma_start3A_864 = tpu.memref_slice %arg7[%dma_start3A_862, %dma_start3A_863] : memref<400x64xf32, #tpu.memory_space<vmem>> -> memref<80x64xf32, #tpu.memory_space<vmem>>
        %dma_start3A_865 = arith.constant 0 : i32
        %dma_start3A_866 = tpu.memref_slice %arg10[%run_scoped3A, %run_scoped3A_537, %dma_start3A_865] : memref<2x5x80xi32, #tpu.memory_space<vmem>> -> memref<1x1x80xi32, #tpu.memory_space<vmem>>
        %dma_start3A_867 = tpu.memref_squeeze %dma_start3A_866 : memref<1x1x80xi32, #tpu.memory_space<vmem>> -> memref<80xi32, #tpu.memory_space<vmem>>
        %dma_start3A_868 = arith.constant 0 : i32
        %dma_start3A_869 = arith.constant 0 : i32
        %dma_start3A_870 = tpu.memref_slice %arg12[%dma_start3A_868, %dma_start3A_869] : memref<10240x64xf32, #tpu.memory_space<vmem_shared>> -> memref<10240x64xf32, #tpu.memory_space<vmem_shared>>
        tpu.enqueue_indirect_dma source(%dma_start3A_864 : memref<80x64xf32, #tpu.memory_space<vmem>>) target(%dma_start3A_870 : memref<10240x64xf32, #tpu.memory_space<vmem_shared>>) offsets(%dma_start3A_867 : memref<80xi32, #tpu.memory_space<vmem>>) semaphore(%run_scoped3A_861 : memref<!tpu.dma_semaphore, #tpu.memory_space<semaphore_mem>>) {add = true}
        %dma_wait3A_871 = arith.constant 0 : i32
        %dma_wait3A_872 = arith.constant 0 : i32
        %dma_wait3A_873 = tpu.memref_slice %arg7[%dma_wait3A_871, %dma_wait3A_872] : memref<400x64xf32, #tpu.memory_space<vmem>> -> memref<80x64xf32, #tpu.memory_space<vmem>>
        %dma_wait3A_874 = arith.constant 0 : i32
        %dma_wait3A_875 = tpu.memref_slice %arg10[%run_scoped3A, %run_scoped3A_537, %dma_wait3A_874] : memref<2x5x80xi32, #tpu.memory_space<vmem>> -> memref<1x1x80xi32, #tpu.memory_space<vmem>>
        %dma_wait3A_876 = tpu.memref_squeeze %dma_wait3A_875 : memref<1x1x80xi32, #tpu.memory_space<vmem>> -> memref<80xi32, #tpu.memory_space<vmem>>
        %dma_wait3A_877 = arith.constant 0 : i32
        %dma_wait3A_878 = arith.constant 0 : i32
        %dma_wait3A_879 = tpu.memref_slice %arg12[%dma_wait3A_877, %dma_wait3A_878] : memref<10240x64xf32, #tpu.memory_space<vmem_shared>> -> memref<10240x64xf32, #tpu.memory_space<vmem_shared>>
        tpu.wait_indirect_dma semaphore(%run_scoped3A_861 : memref<!tpu.dma_semaphore, #tpu.memory_space<semaphore_mem>>) src(%dma_wait3A_873 : memref<80x64xf32, #tpu.memory_space<vmem>>) dst(%dma_wait3A_879 : memref<10240x64xf32, #tpu.memory_space<vmem_shared>>)
        tpu.yield
      }) : () -> ()
      %run_scoped3A_538 = arith.constant 0 : i32
      %run_scoped3A_539 = arith.constant 1 : i32
      "tpu.region"() ({
        %run_scoped3A_861 = tpu.sem_alloc : memref<!tpu.dma_semaphore, #tpu.memory_space<semaphore_mem>>
        %dma_start3A_862 = arith.constant 80 : i32
        %dma_start3A_863 = arith.constant 0 : i32
        %dma_start3A_864 = tpu.memref_slice %arg7[%dma_start3A_862, %dma_start3A_863] : memref<400x64xf32, #tpu.memory_space<vmem>> -> memref<80x64xf32, #tpu.memory_space<vmem>>
        %dma_start3A_865 = arith.constant 0 : i32
        %dma_start3A_866 = tpu.memref_slice %arg10[%run_scoped3A_538, %run_scoped3A_539, %dma_start3A_865] : memref<2x5x80xi32, #tpu.memory_space<vmem>> -> memref<1x1x80xi32, #tpu.memory_space<vmem>>
        %dma_start3A_867 = tpu.memref_squeeze %dma_start3A_866 : memref<1x1x80xi32, #tpu.memory_space<vmem>> -> memref<80xi32, #tpu.memory_space<vmem>>
        %dma_start3A_868 = arith.constant 0 : i32
        %dma_start3A_869 = arith.constant 0 : i32
        %dma_start3A_870 = tpu.memref_slice %arg12[%dma_start3A_868, %dma_start3A_869] : memref<10240x64xf32, #tpu.memory_space<vmem_shared>> -> memref<10240x64xf32, #tpu.memory_space<vmem_shared>>
        tpu.enqueue_indirect_dma source(%dma_start3A_864 : memref<80x64xf32, #tpu.memory_space<vmem>>) target(%dma_start3A_870 : memref<10240x64xf32, #tpu.memory_space<vmem_shared>>) offsets(%dma_start3A_867 : memref<80xi32, #tpu.memory_space<vmem>>) semaphore(%run_scoped3A_861 : memref<!tpu.dma_semaphore, #tpu.memory_space<semaphore_mem>>) {add = true}
        %dma_wait3A_871 = arith.constant 80 : i32
        %dma_wait3A_872 = arith.constant 0 : i32
        %dma_wait3A_873 = tpu.memref_slice %arg7[%dma_wait3A_871, %dma_wait3A_872] : memref<400x64xf32, #tpu.memory_space<vmem>> -> memref<80x64xf32, #tpu.memory_space<vmem>>
        %dma_wait3A_874 = arith.constant 0 : i32
        %dma_wait3A_875 = tpu.memref_slice %arg10[%run_scoped3A_538, %run_scoped3A_539, %dma_wait3A_874] : memref<2x5x80xi32, #tpu.memory_space<vmem>> -> memref<1x1x80xi32, #tpu.memory_space<vmem>>
        %dma_wait3A_876 = tpu.memref_squeeze %dma_wait3A_875 : memref<1x1x80xi32, #tpu.memory_space<vmem>> -> memref<80xi32, #tpu.memory_space<vmem>>
        %dma_wait3A_877 = arith.constant 0 : i32
        %dma_wait3A_878 = arith.constant 0 : i32
        %dma_wait3A_879 = tpu.memref_slice %arg12[%dma_wait3A_877, %dma_wait3A_878] : memref<10240x64xf32, #tpu.memory_space<vmem_shared>> -> memref<10240x64xf32, #tpu.memory_space<vmem_shared>>
        tpu.wait_indirect_dma semaphore(%run_scoped3A_861 : memref<!tpu.dma_semaphore, #tpu.memory_space<semaphore_mem>>) src(%dma_wait3A_873 : memref<80x64xf32, #tpu.memory_space<vmem>>) dst(%dma_wait3A_879 : memref<10240x64xf32, #tpu.memory_space<vmem_shared>>)
        tpu.yield
      }) : () -> ()
      %run_scoped3A_540 = arith.constant 0 : i32
      %run_scoped3A_541 = arith.constant 2 : i32
      "tpu.region"() ({
        %run_scoped3A_861 = tpu.sem_alloc : memref<!tpu.dma_semaphore, #tpu.memory_space<semaphore_mem>>
        %dma_start3A_862 = arith.constant 160 : i32
        %dma_start3A_863 = arith.constant 0 : i32
        %dma_start3A_864 = tpu.memref_slice %arg7[%dma_start3A_862, %dma_start3A_863] : memref<400x64xf32, #tpu.memory_space<vmem>> -> memref<80x64xf32, #tpu.memory_space<vmem>>
        %dma_start3A_865 = arith.constant 0 : i32
        %dma_start3A_866 = tpu.memref_slice %arg10[%run_scoped3A_540, %run_scoped3A_541, %dma_start3A_865] : memref<2x5x80xi32, #tpu.memory_space<vmem>> -> memref<1x1x80xi32, #tpu.memory_space<vmem>>
        %dma_start3A_867 = tpu.memref_squeeze %dma_start3A_866 : memref<1x1x80xi32, #tpu.memory_space<vmem>> -> memref<80xi32, #tpu.memory_space<vmem>>
        %dma_start3A_868 = arith.constant 0 : i32
        %dma_start3A_869 = arith.constant 0 : i32
        %dma_start3A_870 = tpu.memref_slice %arg12[%dma_start3A_868, %dma_start3A_869] : memref<10240x64xf32, #tpu.memory_space<vmem_shared>> -> memref<10240x64xf32, #tpu.memory_space<vmem_shared>>
        tpu.enqueue_indirect_dma source(%dma_start3A_864 : memref<80x64xf32, #tpu.memory_space<vmem>>) target(%dma_start3A_870 : memref<10240x64xf32, #tpu.memory_space<vmem_shared>>) offsets(%dma_start3A_867 : memref<80xi32, #tpu.memory_space<vmem>>) semaphore(%run_scoped3A_861 : memref<!tpu.dma_semaphore, #tpu.memory_space<semaphore_mem>>) {add = true}
        %dma_wait3A_871 = arith.constant 160 : i32
        %dma_wait3A_872 = arith.constant 0 : i32
        %dma_wait3A_873 = tpu.memref_slice %arg7[%dma_wait3A_871, %dma_wait3A_872] : memref<400x64xf32, #tpu.memory_space<vmem>> -> memref<80x64xf32, #tpu.memory_space<vmem>>
        %dma_wait3A_874 = arith.constant 0 : i32
        %dma_wait3A_875 = tpu.memref_slice %arg10[%run_scoped3A_540, %run_scoped3A_541, %dma_wait3A_874] : memref<2x5x80xi32, #tpu.memory_space<vmem>> -> memref<1x1x80xi32, #tpu.memory_space<vmem>>
        %dma_wait3A_876 = tpu.memref_squeeze %dma_wait3A_875 : memref<1x1x80xi32, #tpu.memory_space<vmem>> -> memref<80xi32, #tpu.memory_space<vmem>>
        %dma_wait3A_877 = arith.constant 0 : i32
        %dma_wait3A_878 = arith.constant 0 : i32
        %dma_wait3A_879 = tpu.memref_slice %arg12[%dma_wait3A_877, %dma_wait3A_878] : memref<10240x64xf32, #tpu.memory_space<vmem_shared>> -> memref<10240x64xf32, #tpu.memory_space<vmem_shared>>
        tpu.wait_indirect_dma semaphore(%run_scoped3A_861 : memref<!tpu.dma_semaphore, #tpu.memory_space<semaphore_mem>>) src(%dma_wait3A_873 : memref<80x64xf32, #tpu.memory_space<vmem>>) dst(%dma_wait3A_879 : memref<10240x64xf32, #tpu.memory_space<vmem_shared>>)
        tpu.yield
      }) : () -> ()
      %run_scoped3A_542 = arith.constant 0 : i32
      %run_scoped3A_543 = arith.constant 3 : i32
      "tpu.region"() ({
        %run_scoped3A_861 = tpu.sem_alloc : memref<!tpu.dma_semaphore, #tpu.memory_space<semaphore_mem>>
        %dma_start3A_862 = arith.constant 240 : i32
        %dma_start3A_863 = arith.constant 0 : i32
        %dma_start3A_864 = tpu.memref_slice %arg7[%dma_start3A_862, %dma_start3A_863] : memref<400x64xf32, #tpu.memory_space<vmem>> -> memref<80x64xf32, #tpu.memory_space<vmem>>
        %dma_start3A_865 = arith.constant 0 : i32
        %dma_start3A_866 = tpu.memref_slice %arg10[%run_scoped3A_542, %run_scoped3A_543, %dma_start3A_865] : memref<2x5x80xi32, #tpu.memory_space<vmem>> -> memref<1x1x80xi32, #tpu.memory_space<vmem>>
        %dma_start3A_867 = tpu.memref_squeeze %dma_start3A_866 : memref<1x1x80xi32, #tpu.memory_space<vmem>> -> memref<80xi32, #tpu.memory_space<vmem>>
        %dma_start3A_868 = arith.constant 0 : i32
        %dma_start3A_869 = arith.constant 0 : i32
        %dma_start3A_870 = tpu.memref_slice %arg12[%dma_start3A_868, %dma_start3A_869] : memref<10240x64xf32, #tpu.memory_space<vmem_shared>> -> memref<10240x64xf32, #tpu.memory_space<vmem_shared>>
        tpu.enqueue_indirect_dma source(%dma_start3A_864 : memref<80x64xf32, #tpu.memory_space<vmem>>) target(%dma_start3A_870 : memref<10240x64xf32, #tpu.memory_space<vmem_shared>>) offsets(%dma_start3A_867 : memref<80xi32, #tpu.memory_space<vmem>>) semaphore(%run_scoped3A_861 : memref<!tpu.dma_semaphore, #tpu.memory_space<semaphore_mem>>) {add = true}
        %dma_wait3A_871 = arith.constant 240 : i32
        %dma_wait3A_872 = arith.constant 0 : i32
        %dma_wait3A_873 = tpu.memref_slice %arg7[%dma_wait3A_871, %dma_wait3A_872] : memref<400x64xf32, #tpu.memory_space<vmem>> -> memref<80x64xf32, #tpu.memory_space<vmem>>
        %dma_wait3A_874 = arith.constant 0 : i32
        %dma_wait3A_875 = tpu.memref_slice %arg10[%run_scoped3A_542, %run_scoped3A_543, %dma_wait3A_874] : memref<2x5x80xi32, #tpu.memory_space<vmem>> -> memref<1x1x80xi32, #tpu.memory_space<vmem>>
        %dma_wait3A_876 = tpu.memref_squeeze %dma_wait3A_875 : memref<1x1x80xi32, #tpu.memory_space<vmem>> -> memref<80xi32, #tpu.memory_space<vmem>>
        %dma_wait3A_877 = arith.constant 0 : i32
        %dma_wait3A_878 = arith.constant 0 : i32
        %dma_wait3A_879 = tpu.memref_slice %arg12[%dma_wait3A_877, %dma_wait3A_878] : memref<10240x64xf32, #tpu.memory_space<vmem_shared>> -> memref<10240x64xf32, #tpu.memory_space<vmem_shared>>
        tpu.wait_indirect_dma semaphore(%run_scoped3A_861 : memref<!tpu.dma_semaphore, #tpu.memory_space<semaphore_mem>>) src(%dma_wait3A_873 : memref<80x64xf32, #tpu.memory_space<vmem>>) dst(%dma_wait3A_879 : memref<10240x64xf32, #tpu.memory_space<vmem_shared>>)
        tpu.yield
      }) : () -> ()
      %run_scoped3A_544 = arith.constant 0 : i32
      %run_scoped3A_545 = arith.constant 4 : i32
      "tpu.region"() ({
        %run_scoped3A_861 = tpu.sem_alloc : memref<!tpu.dma_semaphore, #tpu.memory_space<semaphore_mem>>
        %dma_start3A_862 = arith.constant 320 : i32
        %dma_start3A_863 = arith.constant 0 : i32
        %dma_start3A_864 = tpu.memref_slice %arg7[%dma_start3A_862, %dma_start3A_863] : memref<400x64xf32, #tpu.memory_space<vmem>> -> memref<80x64xf32, #tpu.memory_space<vmem>>
        %dma_start3A_865 = arith.constant 0 : i32
        %dma_start3A_866 = tpu.memref_slice %arg10[%run_scoped3A_544, %run_scoped3A_545, %dma_start3A_865] : memref<2x5x80xi32, #tpu.memory_space<vmem>> -> memref<1x1x80xi32, #tpu.memory_space<vmem>>
        %dma_start3A_867 = tpu.memref_squeeze %dma_start3A_866 : memref<1x1x80xi32, #tpu.memory_space<vmem>> -> memref<80xi32, #tpu.memory_space<vmem>>
        %dma_start3A_868 = arith.constant 0 : i32
        %dma_start3A_869 = arith.constant 0 : i32
        %dma_start3A_870 = tpu.memref_slice %arg12[%dma_start3A_868, %dma_start3A_869] : memref<10240x64xf32, #tpu.memory_space<vmem_shared>> -> memref<10240x64xf32, #tpu.memory_space<vmem_shared>>
        tpu.enqueue_indirect_dma source(%dma_start3A_864 : memref<80x64xf32, #tpu.memory_space<vmem>>) target(%dma_start3A_870 : memref<10240x64xf32, #tpu.memory_space<vmem_shared>>) offsets(%dma_start3A_867 : memref<80xi32, #tpu.memory_space<vmem>>) semaphore(%run_scoped3A_861 : memref<!tpu.dma_semaphore, #tpu.memory_space<semaphore_mem>>) {add = true}
        %dma_wait3A_871 = arith.constant 320 : i32
        %dma_wait3A_872 = arith.constant 0 : i32
        %dma_wait3A_873 = tpu.memref_slice %arg7[%dma_wait3A_871, %dma_wait3A_872] : memref<400x64xf32, #tpu.memory_space<vmem>> -> memref<80x64xf32, #tpu.memory_space<vmem>>
        %dma_wait3A_874 = arith.constant 0 : i32
        %dma_wait3A_875 = tpu.memref_slice %arg10[%run_scoped3A_544, %run_scoped3A_545, %dma_wait3A_874] : memref<2x5x80xi32, #tpu.memory_space<vmem>> -> memref<1x1x80xi32, #tpu.memory_space<vmem>>
        %dma_wait3A_876 = tpu.memref_squeeze %dma_wait3A_875 : memref<1x1x80xi32, #tpu.memory_space<vmem>> -> memref<80xi32, #tpu.memory_space<vmem>>
        %dma_wait3A_877 = arith.constant 0 : i32
        %dma_wait3A_878 = arith.constant 0 : i32
        %dma_wait3A_879 = tpu.memref_slice %arg12[%dma_wait3A_877, %dma_wait3A_878] : memref<10240x64xf32, #tpu.memory_space<vmem_shared>> -> memref<10240x64xf32, #tpu.memory_space<vmem_shared>>
        tpu.wait_indirect_dma semaphore(%run_scoped3A_861 : memref<!tpu.dma_semaphore, #tpu.memory_space<semaphore_mem>>) src(%dma_wait3A_873 : memref<80x64xf32, #tpu.memory_space<vmem>>) dst(%dma_wait3A_879 : memref<10240x64xf32, #tpu.memory_space<vmem_shared>>)
        tpu.yield
      }) : () -> ()
      %eq3A = arith.constant 0 : i32
      %eq3A_546 = arith.cmpi eq, %arg0, %eq3A : i32
      %convert_element_type3A = arith.extui %eq3A_546 : i1 to i32
      %cond3A = arith.constant 0 : i32
      %cond3A_547 = arith.cmpi ne, %convert_element_type3A, %cond3A : i32
      scf.if %cond3A_547 {
        %run_scoped3A_861 = arith.constant 0 : i32
        %run_scoped3A_862 = arith.constant 0 : i32
        "tpu.region"() ({
          %run_scoped3A_871 = tpu.sem_alloc : memref<!tpu.dma_semaphore, #tpu.memory_space<semaphore_mem>>
          %dma_start3A_872 = arith.constant 0 : i32
          %dma_start3A_873 = arith.constant 0 : i32
          %dma_start3A_874 = tpu.memref_slice %arg11[%dma_start3A_872, %dma_start3A_873] : memref<80x8xf32, #tpu.memory_space<vmem>> -> memref<80x8xf32, #tpu.memory_space<vmem>>
          %dma_start3A_875 = arith.constant 0 : i32
          %dma_start3A_876 = tpu.memref_slice %arg10[%run_scoped3A_861, %run_scoped3A_862, %dma_start3A_875] : memref<2x5x80xi32, #tpu.memory_space<vmem>> -> memref<1x1x80xi32, #tpu.memory_space<vmem>>
          %dma_start3A_877 = tpu.memref_squeeze %dma_start3A_876 : memref<1x1x80xi32, #tpu.memory_space<vmem>> -> memref<80xi32, #tpu.memory_space<vmem>>
          %dma_start3A_878 = arith.constant 0 : i32
          %dma_start3A_879 = arith.constant 0 : i32
          %dma_start3A_880 = tpu.memref_slice %arg13[%dma_start3A_878, %dma_start3A_879] : memref<10240x8xf32, #tpu.memory_space<vmem_shared>> -> memref<10240x8xf32, #tpu.memory_space<vmem_shared>>
          tpu.enqueue_indirect_dma source(%dma_start3A_874 : memref<80x8xf32, #tpu.memory_space<vmem>>) target(%dma_start3A_880 : memref<10240x8xf32, #tpu.memory_space<vmem_shared>>) offsets(%dma_start3A_877 : memref<80xi32, #tpu.memory_space<vmem>>) semaphore(%run_scoped3A_871 : memref<!tpu.dma_semaphore, #tpu.memory_space<semaphore_mem>>) {add = true}
          %dma_wait3A_881 = arith.constant 0 : i32
          %dma_wait3A_882 = arith.constant 0 : i32
          %dma_wait3A_883 = tpu.memref_slice %arg11[%dma_wait3A_881, %dma_wait3A_882] : memref<80x8xf32, #tpu.memory_space<vmem>> -> memref<80x8xf32, #tpu.memory_space<vmem>>
          %dma_wait3A_884 = arith.constant 0 : i32
          %dma_wait3A_885 = tpu.memref_slice %arg10[%run_scoped3A_861, %run_scoped3A_862, %dma_wait3A_884] : memref<2x5x80xi32, #tpu.memory_space<vmem>> -> memref<1x1x80xi32, #tpu.memory_space<vmem>>
          %dma_wait3A_886 = tpu.memref_squeeze %dma_wait3A_885 : memref<1x1x80xi32, #tpu.memory_space<vmem>> -> memref<80xi32, #tpu.memory_space<vmem>>
          %dma_wait3A_887 = arith.constant 0 : i32
          %dma_wait3A_888 = arith.constant 0 : i32
          %dma_wait3A_889 = tpu.memref_slice %arg13[%dma_wait3A_887, %dma_wait3A_888] : memref<10240x8xf32, #tpu.memory_space<vmem_shared>> -> memref<10240x8xf32, #tpu.memory_space<vmem_shared>>
          tpu.wait_indirect_dma semaphore(%run_scoped3A_871 : memref<!tpu.dma_semaphore, #tpu.memory_space<semaphore_mem>>) src(%dma_wait3A_883 : memref<80x8xf32, #tpu.memory_space<vmem>>) dst(%dma_wait3A_889 : memref<10240x8xf32, #tpu.memory_space<vmem_shared>>)
          tpu.yield
        }) : () -> ()
        %run_scoped3A_863 = arith.constant 0 : i32
        %run_scoped3A_864 = arith.constant 1 : i32
        "tpu.region"() ({
          %run_scoped3A_871 = tpu.sem_alloc : memref<!tpu.dma_semaphore, #tpu.memory_space<semaphore_mem>>
          %dma_start3A_872 = arith.constant 0 : i32
          %dma_start3A_873 = arith.constant 0 : i32
          %dma_start3A_874 = tpu.memref_slice %arg11[%dma_start3A_872, %dma_start3A_873] : memref<80x8xf32, #tpu.memory_space<vmem>> -> memref<80x8xf32, #tpu.memory_space<vmem>>
          %dma_start3A_875 = arith.constant 0 : i32
          %dma_start3A_876 = tpu.memref_slice %arg10[%run_scoped3A_863, %run_scoped3A_864, %dma_start3A_875] : memref<2x5x80xi32, #tpu.memory_space<vmem>> -> memref<1x1x80xi32, #tpu.memory_space<vmem>>
          %dma_start3A_877 = tpu.memref_squeeze %dma_start3A_876 : memref<1x1x80xi32, #tpu.memory_space<vmem>> -> memref<80xi32, #tpu.memory_space<vmem>>
          %dma_start3A_878 = arith.constant 0 : i32
          %dma_start3A_879 = arith.constant 0 : i32
          %dma_start3A_880 = tpu.memref_slice %arg13[%dma_start3A_878, %dma_start3A_879] : memref<10240x8xf32, #tpu.memory_space<vmem_shared>> -> memref<10240x8xf32, #tpu.memory_space<vmem_shared>>
          tpu.enqueue_indirect_dma source(%dma_start3A_874 : memref<80x8xf32, #tpu.memory_space<vmem>>) target(%dma_start3A_880 : memref<10240x8xf32, #tpu.memory_space<vmem_shared>>) offsets(%dma_start3A_877 : memref<80xi32, #tpu.memory_space<vmem>>) semaphore(%run_scoped3A_871 : memref<!tpu.dma_semaphore, #tpu.memory_space<semaphore_mem>>) {add = true}
          %dma_wait3A_881 = arith.constant 0 : i32
          %dma_wait3A_882 = arith.constant 0 : i32
          %dma_wait3A_883 = tpu.memref_slice %arg11[%dma_wait3A_881, %dma_wait3A_882] : memref<80x8xf32, #tpu.memory_space<vmem>> -> memref<80x8xf32, #tpu.memory_space<vmem>>
          %dma_wait3A_884 = arith.constant 0 : i32
          %dma_wait3A_885 = tpu.memref_slice %arg10[%run_scoped3A_863, %run_scoped3A_864, %dma_wait3A_884] : memref<2x5x80xi32, #tpu.memory_space<vmem>> -> memref<1x1x80xi32, #tpu.memory_space<vmem>>
          %dma_wait3A_886 = tpu.memref_squeeze %dma_wait3A_885 : memref<1x1x80xi32, #tpu.memory_space<vmem>> -> memref<80xi32, #tpu.memory_space<vmem>>
          %dma_wait3A_887 = arith.constant 0 : i32
          %dma_wait3A_888 = arith.constant 0 : i32
          %dma_wait3A_889 = tpu.memref_slice %arg13[%dma_wait3A_887, %dma_wait3A_888] : memref<10240x8xf32, #tpu.memory_space<vmem_shared>> -> memref<10240x8xf32, #tpu.memory_space<vmem_shared>>
          tpu.wait_indirect_dma semaphore(%run_scoped3A_871 : memref<!tpu.dma_semaphore, #tpu.memory_space<semaphore_mem>>) src(%dma_wait3A_883 : memref<80x8xf32, #tpu.memory_space<vmem>>) dst(%dma_wait3A_889 : memref<10240x8xf32, #tpu.memory_space<vmem_shared>>)
          tpu.yield
        }) : () -> ()
        %run_scoped3A_865 = arith.constant 0 : i32
        %run_scoped3A_866 = arith.constant 2 : i32
        "tpu.region"() ({
          %run_scoped3A_871 = tpu.sem_alloc : memref<!tpu.dma_semaphore, #tpu.memory_space<semaphore_mem>>
          %dma_start3A_872 = arith.constant 0 : i32
          %dma_start3A_873 = arith.constant 0 : i32
          %dma_start3A_874 = tpu.memref_slice %arg11[%dma_start3A_872, %dma_start3A_873] : memref<80x8xf32, #tpu.memory_space<vmem>> -> memref<80x8xf32, #tpu.memory_space<vmem>>
          %dma_start3A_875 = arith.constant 0 : i32
          %dma_start3A_876 = tpu.memref_slice %arg10[%run_scoped3A_865, %run_scoped3A_866, %dma_start3A_875] : memref<2x5x80xi32, #tpu.memory_space<vmem>> -> memref<1x1x80xi32, #tpu.memory_space<vmem>>
          %dma_start3A_877 = tpu.memref_squeeze %dma_start3A_876 : memref<1x1x80xi32, #tpu.memory_space<vmem>> -> memref<80xi32, #tpu.memory_space<vmem>>
          %dma_start3A_878 = arith.constant 0 : i32
          %dma_start3A_879 = arith.constant 0 : i32
          %dma_start3A_880 = tpu.memref_slice %arg13[%dma_start3A_878, %dma_start3A_879] : memref<10240x8xf32, #tpu.memory_space<vmem_shared>> -> memref<10240x8xf32, #tpu.memory_space<vmem_shared>>
          tpu.enqueue_indirect_dma source(%dma_start3A_874 : memref<80x8xf32, #tpu.memory_space<vmem>>) target(%dma_start3A_880 : memref<10240x8xf32, #tpu.memory_space<vmem_shared>>) offsets(%dma_start3A_877 : memref<80xi32, #tpu.memory_space<vmem>>) semaphore(%run_scoped3A_871 : memref<!tpu.dma_semaphore, #tpu.memory_space<semaphore_mem>>) {add = true}
          %dma_wait3A_881 = arith.constant 0 : i32
          %dma_wait3A_882 = arith.constant 0 : i32
          %dma_wait3A_883 = tpu.memref_slice %arg11[%dma_wait3A_881, %dma_wait3A_882] : memref<80x8xf32, #tpu.memory_space<vmem>> -> memref<80x8xf32, #tpu.memory_space<vmem>>
          %dma_wait3A_884 = arith.constant 0 : i32
          %dma_wait3A_885 = tpu.memref_slice %arg10[%run_scoped3A_865, %run_scoped3A_866, %dma_wait3A_884] : memref<2x5x80xi32, #tpu.memory_space<vmem>> -> memref<1x1x80xi32, #tpu.memory_space<vmem>>
          %dma_wait3A_886 = tpu.memref_squeeze %dma_wait3A_885 : memref<1x1x80xi32, #tpu.memory_space<vmem>> -> memref<80xi32, #tpu.memory_space<vmem>>
          %dma_wait3A_887 = arith.constant 0 : i32
          %dma_wait3A_888 = arith.constant 0 : i32
          %dma_wait3A_889 = tpu.memref_slice %arg13[%dma_wait3A_887, %dma_wait3A_888] : memref<10240x8xf32, #tpu.memory_space<vmem_shared>> -> memref<10240x8xf32, #tpu.memory_space<vmem_shared>>
          tpu.wait_indirect_dma semaphore(%run_scoped3A_871 : memref<!tpu.dma_semaphore, #tpu.memory_space<semaphore_mem>>) src(%dma_wait3A_883 : memref<80x8xf32, #tpu.memory_space<vmem>>) dst(%dma_wait3A_889 : memref<10240x8xf32, #tpu.memory_space<vmem_shared>>)
          tpu.yield
        }) : () -> ()
        %run_scoped3A_867 = arith.constant 0 : i32
        %run_scoped3A_868 = arith.constant 3 : i32
        "tpu.region"() ({
          %run_scoped3A_871 = tpu.sem_alloc : memref<!tpu.dma_semaphore, #tpu.memory_space<semaphore_mem>>
          %dma_start3A_872 = arith.constant 0 : i32
          %dma_start3A_873 = arith.constant 0 : i32
          %dma_start3A_874 = tpu.memref_slice %arg11[%dma_start3A_872, %dma_start3A_873] : memref<80x8xf32, #tpu.memory_space<vmem>> -> memref<80x8xf32, #tpu.memory_space<vmem>>
          %dma_start3A_875 = arith.constant 0 : i32
          %dma_start3A_876 = tpu.memref_slice %arg10[%run_scoped3A_867, %run_scoped3A_868, %dma_start3A_875] : memref<2x5x80xi32, #tpu.memory_space<vmem>> -> memref<1x1x80xi32, #tpu.memory_space<vmem>>
          %dma_start3A_877 = tpu.memref_squeeze %dma_start3A_876 : memref<1x1x80xi32, #tpu.memory_space<vmem>> -> memref<80xi32, #tpu.memory_space<vmem>>
          %dma_start3A_878 = arith.constant 0 : i32
          %dma_start3A_879 = arith.constant 0 : i32
          %dma_start3A_880 = tpu.memref_slice %arg13[%dma_start3A_878, %dma_start3A_879] : memref<10240x8xf32, #tpu.memory_space<vmem_shared>> -> memref<10240x8xf32, #tpu.memory_space<vmem_shared>>
          tpu.enqueue_indirect_dma source(%dma_start3A_874 : memref<80x8xf32, #tpu.memory_space<vmem>>) target(%dma_start3A_880 : memref<10240x8xf32, #tpu.memory_space<vmem_shared>>) offsets(%dma_start3A_877 : memref<80xi32, #tpu.memory_space<vmem>>) semaphore(%run_scoped3A_871 : memref<!tpu.dma_semaphore, #tpu.memory_space<semaphore_mem>>) {add = true}
          %dma_wait3A_881 = arith.constant 0 : i32
          %dma_wait3A_882 = arith.constant 0 : i32
          %dma_wait3A_883 = tpu.memref_slice %arg11[%dma_wait3A_881, %dma_wait3A_882] : memref<80x8xf32, #tpu.memory_space<vmem>> -> memref<80x8xf32, #tpu.memory_space<vmem>>
          %dma_wait3A_884 = arith.constant 0 : i32
          %dma_wait3A_885 = tpu.memref_slice %arg10[%run_scoped3A_867, %run_scoped3A_868, %dma_wait3A_884] : memref<2x5x80xi32, #tpu.memory_space<vmem>> -> memref<1x1x80xi32, #tpu.memory_space<vmem>>
          %dma_wait3A_886 = tpu.memref_squeeze %dma_wait3A_885 : memref<1x1x80xi32, #tpu.memory_space<vmem>> -> memref<80xi32, #tpu.memory_space<vmem>>
          %dma_wait3A_887 = arith.constant 0 : i32
          %dma_wait3A_888 = arith.constant 0 : i32
          %dma_wait3A_889 = tpu.memref_slice %arg13[%dma_wait3A_887, %dma_wait3A_888] : memref<10240x8xf32, #tpu.memory_space<vmem_shared>> -> memref<10240x8xf32, #tpu.memory_space<vmem_shared>>
          tpu.wait_indirect_dma semaphore(%run_scoped3A_871 : memref<!tpu.dma_semaphore, #tpu.memory_space<semaphore_mem>>) src(%dma_wait3A_883 : memref<80x8xf32, #tpu.memory_space<vmem>>) dst(%dma_wait3A_889 : memref<10240x8xf32, #tpu.memory_space<vmem_shared>>)
          tpu.yield
        }) : () -> ()
        %run_scoped3A_869 = arith.constant 0 : i32
        %run_scoped3A_870 = arith.constant 4 : i32
        "tpu.region"() ({
          %run_scoped3A_871 = tpu.sem_alloc : memref<!tpu.dma_semaphore, #tpu.memory_space<semaphore_mem>>
          %dma_start3A_872 = arith.constant 0 : i32
          %dma_start3A_873 = arith.constant 0 : i32
          %dma_start3A_874 = tpu.memref_slice %arg11[%dma_start3A_872, %dma_start3A_873] : memref<80x8xf32, #tpu.memory_space<vmem>> -> memref<80x8xf32, #tpu.memory_space<vmem>>
          %dma_start3A_875 = arith.constant 0 : i32
          %dma_start3A_876 = tpu.memref_slice %arg10[%run_scoped3A_869, %run_scoped3A_870, %dma_start3A_875] : memref<2x5x80xi32, #tpu.memory_space<vmem>> -> memref<1x1x80xi32, #tpu.memory_space<vmem>>
          %dma_start3A_877 = tpu.memref_squeeze %dma_start3A_876 : memref<1x1x80xi32, #tpu.memory_space<vmem>> -> memref<80xi32, #tpu.memory_space<vmem>>
          %dma_start3A_878 = arith.constant 0 : i32
          %dma_start3A_879 = arith.constant 0 : i32
          %dma_start3A_880 = tpu.memref_slice %arg13[%dma_start3A_878, %dma_start3A_879] : memref<10240x8xf32, #tpu.memory_space<vmem_shared>> -> memref<10240x8xf32, #tpu.memory_space<vmem_shared>>
          tpu.enqueue_indirect_dma source(%dma_start3A_874 : memref<80x8xf32, #tpu.memory_space<vmem>>) target(%dma_start3A_880 : memref<10240x8xf32, #tpu.memory_space<vmem_shared>>) offsets(%dma_start3A_877 : memref<80xi32, #tpu.memory_space<vmem>>) semaphore(%run_scoped3A_871 : memref<!tpu.dma_semaphore, #tpu.memory_space<semaphore_mem>>) {add = true}
          %dma_wait3A_881 = arith.constant 0 : i32
          %dma_wait3A_882 = arith.constant 0 : i32
          %dma_wait3A_883 = tpu.memref_slice %arg11[%dma_wait3A_881, %dma_wait3A_882] : memref<80x8xf32, #tpu.memory_space<vmem>> -> memref<80x8xf32, #tpu.memory_space<vmem>>
          %dma_wait3A_884 = arith.constant 0 : i32
          %dma_wait3A_885 = tpu.memref_slice %arg10[%run_scoped3A_869, %run_scoped3A_870, %dma_wait3A_884] : memref<2x5x80xi32, #tpu.memory_space<vmem>> -> memref<1x1x80xi32, #tpu.memory_space<vmem>>
          %dma_wait3A_886 = tpu.memref_squeeze %dma_wait3A_885 : memref<1x1x80xi32, #tpu.memory_space<vmem>> -> memref<80xi32, #tpu.memory_space<vmem>>
          %dma_wait3A_887 = arith.constant 0 : i32
          %dma_wait3A_888 = arith.constant 0 : i32
          %dma_wait3A_889 = tpu.memref_slice %arg13[%dma_wait3A_887, %dma_wait3A_888] : memref<10240x8xf32, #tpu.memory_space<vmem_shared>> -> memref<10240x8xf32, #tpu.memory_space<vmem_shared>>
          tpu.wait_indirect_dma semaphore(%run_scoped3A_871 : memref<!tpu.dma_semaphore, #tpu.memory_space<semaphore_mem>>) src(%dma_wait3A_883 : memref<80x8xf32, #tpu.memory_space<vmem>>) dst(%dma_wait3A_889 : memref<10240x8xf32, #tpu.memory_space<vmem_shared>>)
          tpu.yield
        }) : () -> ()
      } else {
      }
      %add3A_548 = arith.constant 2 : i32
      %add3A_549 = arith.addi %mul3A_421, %add3A_548 : i32
      %lt3A_550 = arith.constant 50 : i32
      %lt3A_551 = arith.cmpi slt, %add3A_549, %lt3A_550 : i32
      %jit3A_552 = arith.constant 0 : i32
      %select_n3A_553 = arith.select %lt3A_551, %add3A_549, %jit3A_552 : i32
      %mul3A_554 = arith.constant 20000 : i32
      %mul3A_555 = arith.muli %arg1, %mul3A_554 : i32
      %mul3A_556 = arith.constant 400 : i32
      %mul3A_557 = arith.muli %select_n3A_553, %mul3A_556 : i32
      %add3A_558 = arith.addi %mul3A_555, %mul3A_557 : i32
      %add3A_559 = arith.constant 0 : i32
      %add3A_560 = arith.addi %add3A_558, %add3A_559 : i32
      %dma_start3A_561 = arith.constant 0 : i32
      %dma_start3A_562 = arith.constant 0 : i32
      %dma_start3A_563 = arith.constant 0 : i32
      %dma_start3A_564 = tpu.memref_slice %arg10[%dma_start3A_561, %dma_start3A_562, %dma_start3A_563] : memref<2x5x80xi32, #tpu.memory_space<vmem>> -> memref<1x1x80xi32, #tpu.memory_space<vmem>>
      %dma_start3A_565 = tpu.memref_squeeze %dma_start3A_564 : memref<1x1x80xi32, #tpu.memory_space<vmem>> -> memref<80xi32, #tpu.memory_space<vmem>>
      %dma_start3A_566 = tpu.memref_slice %arg4[%add3A_560] : memref<320000xi32, #tpu.memory_space<hbm>> -> memref<80xi32, #tpu.memory_space<hbm>>
      %dma_start3A_567 = arith.constant 0 : i32
      %dma_start3A_568 = tpu.memref_slice %arg10[%dma_start3A_561, %dma_start3A_562, %dma_start3A_567] : memref<2x5x80xi32, #tpu.memory_space<vmem>> -> memref<1x1x80xi32, #tpu.memory_space<vmem>>
      %dma_start3A_569 = tpu.memref_squeeze %dma_start3A_568 : memref<1x1x80xi32, #tpu.memory_space<vmem>> -> memref<80xi32, #tpu.memory_space<vmem>>
      %dma_start3A_570 = tpu.memref_slice %arg4[%add3A_560] : memref<320000xi32, #tpu.memory_space<hbm>> -> memref<80xi32, #tpu.memory_space<hbm>>
      tpu.enqueue_dma source(%dma_start3A_570 : memref<80xi32, #tpu.memory_space<hbm>>) target(%dma_start3A_569 : memref<80xi32, #tpu.memory_space<vmem>>) target_semaphore(%arg18 : memref<!tpu.dma_semaphore, #tpu.memory_space<semaphore_mem>>)
      %mul3A_571 = arith.constant 20000 : i32
      %mul3A_572 = arith.muli %arg1, %mul3A_571 : i32
      %mul3A_573 = arith.constant 400 : i32
      %mul3A_574 = arith.muli %select_n3A_553, %mul3A_573 : i32
      %add3A_575 = arith.addi %mul3A_572, %mul3A_574 : i32
      %add3A_576 = arith.constant 80 : i32
      %add3A_577 = arith.addi %add3A_575, %add3A_576 : i32
      %dma_start3A_578 = arith.constant 0 : i32
      %dma_start3A_579 = arith.constant 1 : i32
      %dma_start3A_580 = arith.constant 0 : i32
      %dma_start3A_581 = tpu.memref_slice %arg10[%dma_start3A_578, %dma_start3A_579, %dma_start3A_580] : memref<2x5x80xi32, #tpu.memory_space<vmem>> -> memref<1x1x80xi32, #tpu.memory_space<vmem>>
      %dma_start3A_582 = tpu.memref_squeeze %dma_start3A_581 : memref<1x1x80xi32, #tpu.memory_space<vmem>> -> memref<80xi32, #tpu.memory_space<vmem>>
      %dma_start3A_583 = tpu.memref_slice %arg4[%add3A_577] : memref<320000xi32, #tpu.memory_space<hbm>> -> memref<80xi32, #tpu.memory_space<hbm>>
      %dma_start3A_584 = arith.constant 0 : i32
      %dma_start3A_585 = tpu.memref_slice %arg10[%dma_start3A_578, %dma_start3A_579, %dma_start3A_584] : memref<2x5x80xi32, #tpu.memory_space<vmem>> -> memref<1x1x80xi32, #tpu.memory_space<vmem>>
      %dma_start3A_586 = tpu.memref_squeeze %dma_start3A_585 : memref<1x1x80xi32, #tpu.memory_space<vmem>> -> memref<80xi32, #tpu.memory_space<vmem>>
      %dma_start3A_587 = tpu.memref_slice %arg4[%add3A_577] : memref<320000xi32, #tpu.memory_space<hbm>> -> memref<80xi32, #tpu.memory_space<hbm>>
      tpu.enqueue_dma source(%dma_start3A_587 : memref<80xi32, #tpu.memory_space<hbm>>) target(%dma_start3A_586 : memref<80xi32, #tpu.memory_space<vmem>>) target_semaphore(%arg18 : memref<!tpu.dma_semaphore, #tpu.memory_space<semaphore_mem>>)
      %mul3A_588 = arith.constant 20000 : i32
      %mul3A_589 = arith.muli %arg1, %mul3A_588 : i32
      %mul3A_590 = arith.constant 400 : i32
      %mul3A_591 = arith.muli %select_n3A_553, %mul3A_590 : i32
      %add3A_592 = arith.addi %mul3A_589, %mul3A_591 : i32
      %add3A_593 = arith.constant 160 : i32
      %add3A_594 = arith.addi %add3A_592, %add3A_593 : i32
      %dma_start3A_595 = arith.constant 0 : i32
      %dma_start3A_596 = arith.constant 2 : i32
      %dma_start3A_597 = arith.constant 0 : i32
      %dma_start3A_598 = tpu.memref_slice %arg10[%dma_start3A_595, %dma_start3A_596, %dma_start3A_597] : memref<2x5x80xi32, #tpu.memory_space<vmem>> -> memref<1x1x80xi32, #tpu.memory_space<vmem>>
      %dma_start3A_599 = tpu.memref_squeeze %dma_start3A_598 : memref<1x1x80xi32, #tpu.memory_space<vmem>> -> memref<80xi32, #tpu.memory_space<vmem>>
      %dma_start3A_600 = tpu.memref_slice %arg4[%add3A_594] : memref<320000xi32, #tpu.memory_space<hbm>> -> memref<80xi32, #tpu.memory_space<hbm>>
      %dma_start3A_601 = arith.constant 0 : i32
      %dma_start3A_602 = tpu.memref_slice %arg10[%dma_start3A_595, %dma_start3A_596, %dma_start3A_601] : memref<2x5x80xi32, #tpu.memory_space<vmem>> -> memref<1x1x80xi32, #tpu.memory_space<vmem>>
      %dma_start3A_603 = tpu.memref_squeeze %dma_start3A_602 : memref<1x1x80xi32, #tpu.memory_space<vmem>> -> memref<80xi32, #tpu.memory_space<vmem>>
      %dma_start3A_604 = tpu.memref_slice %arg4[%add3A_594] : memref<320000xi32, #tpu.memory_space<hbm>> -> memref<80xi32, #tpu.memory_space<hbm>>
      tpu.enqueue_dma source(%dma_start3A_604 : memref<80xi32, #tpu.memory_space<hbm>>) target(%dma_start3A_603 : memref<80xi32, #tpu.memory_space<vmem>>) target_semaphore(%arg18 : memref<!tpu.dma_semaphore, #tpu.memory_space<semaphore_mem>>)
      %mul3A_605 = arith.constant 20000 : i32
      %mul3A_606 = arith.muli %arg1, %mul3A_605 : i32
      %mul3A_607 = arith.constant 400 : i32
      %mul3A_608 = arith.muli %select_n3A_553, %mul3A_607 : i32
      %add3A_609 = arith.addi %mul3A_606, %mul3A_608 : i32
      %add3A_610 = arith.constant 240 : i32
      %add3A_611 = arith.addi %add3A_609, %add3A_610 : i32
      %dma_start3A_612 = arith.constant 0 : i32
      %dma_start3A_613 = arith.constant 3 : i32
      %dma_start3A_614 = arith.constant 0 : i32
      %dma_start3A_615 = tpu.memref_slice %arg10[%dma_start3A_612, %dma_start3A_613, %dma_start3A_614] : memref<2x5x80xi32, #tpu.memory_space<vmem>> -> memref<1x1x80xi32, #tpu.memory_space<vmem>>
      %dma_start3A_616 = tpu.memref_squeeze %dma_start3A_615 : memref<1x1x80xi32, #tpu.memory_space<vmem>> -> memref<80xi32, #tpu.memory_space<vmem>>
      %dma_start3A_617 = tpu.memref_slice %arg4[%add3A_611] : memref<320000xi32, #tpu.memory_space<hbm>> -> memref<80xi32, #tpu.memory_space<hbm>>
      %dma_start3A_618 = arith.constant 0 : i32
      %dma_start3A_619 = tpu.memref_slice %arg10[%dma_start3A_612, %dma_start3A_613, %dma_start3A_618] : memref<2x5x80xi32, #tpu.memory_space<vmem>> -> memref<1x1x80xi32, #tpu.memory_space<vmem>>
      %dma_start3A_620 = tpu.memref_squeeze %dma_start3A_619 : memref<1x1x80xi32, #tpu.memory_space<vmem>> -> memref<80xi32, #tpu.memory_space<vmem>>
      %dma_start3A_621 = tpu.memref_slice %arg4[%add3A_611] : memref<320000xi32, #tpu.memory_space<hbm>> -> memref<80xi32, #tpu.memory_space<hbm>>
      tpu.enqueue_dma source(%dma_start3A_621 : memref<80xi32, #tpu.memory_space<hbm>>) target(%dma_start3A_620 : memref<80xi32, #tpu.memory_space<vmem>>) target_semaphore(%arg18 : memref<!tpu.dma_semaphore, #tpu.memory_space<semaphore_mem>>)
      %mul3A_622 = arith.constant 20000 : i32
      %mul3A_623 = arith.muli %arg1, %mul3A_622 : i32
      %mul3A_624 = arith.constant 400 : i32
      %mul3A_625 = arith.muli %select_n3A_553, %mul3A_624 : i32
      %add3A_626 = arith.addi %mul3A_623, %mul3A_625 : i32
      %add3A_627 = arith.constant 320 : i32
      %add3A_628 = arith.addi %add3A_626, %add3A_627 : i32
      %dma_start3A_629 = arith.constant 0 : i32
      %dma_start3A_630 = arith.constant 4 : i32
      %dma_start3A_631 = arith.constant 0 : i32
      %dma_start3A_632 = tpu.memref_slice %arg10[%dma_start3A_629, %dma_start3A_630, %dma_start3A_631] : memref<2x5x80xi32, #tpu.memory_space<vmem>> -> memref<1x1x80xi32, #tpu.memory_space<vmem>>
      %dma_start3A_633 = tpu.memref_squeeze %dma_start3A_632 : memref<1x1x80xi32, #tpu.memory_space<vmem>> -> memref<80xi32, #tpu.memory_space<vmem>>
      %dma_start3A_634 = tpu.memref_slice %arg4[%add3A_628] : memref<320000xi32, #tpu.memory_space<hbm>> -> memref<80xi32, #tpu.memory_space<hbm>>
      %dma_start3A_635 = arith.constant 0 : i32
      %dma_start3A_636 = tpu.memref_slice %arg10[%dma_start3A_629, %dma_start3A_630, %dma_start3A_635] : memref<2x5x80xi32, #tpu.memory_space<vmem>> -> memref<1x1x80xi32, #tpu.memory_space<vmem>>
      %dma_start3A_637 = tpu.memref_squeeze %dma_start3A_636 : memref<1x1x80xi32, #tpu.memory_space<vmem>> -> memref<80xi32, #tpu.memory_space<vmem>>
      %dma_start3A_638 = tpu.memref_slice %arg4[%add3A_628] : memref<320000xi32, #tpu.memory_space<hbm>> -> memref<80xi32, #tpu.memory_space<hbm>>
      tpu.enqueue_dma source(%dma_start3A_638 : memref<80xi32, #tpu.memory_space<hbm>>) target(%dma_start3A_637 : memref<80xi32, #tpu.memory_space<vmem>>) target_semaphore(%arg18 : memref<!tpu.dma_semaphore, #tpu.memory_space<semaphore_mem>>)
      %dma_wait3A_639 = arith.constant 0 : i32
      %dma_wait3A_640 = arith.constant 0 : i32
      %dma_wait3A_641 = tpu.memref_slice %arg9[%dma_wait3A_639, %dma_wait3A_640] : memref<2x400xi32, #tpu.memory_space<vmem>> -> memref<1x400xi32, #tpu.memory_space<vmem>>
      %dma_wait3A_642 = tpu.memref_squeeze %dma_wait3A_641 : memref<1x400xi32, #tpu.memory_space<vmem>> -> memref<400xi32, #tpu.memory_space<vmem>>
      %dma_wait3A_643 = arith.constant 0 : i32
      %dma_wait3A_644 = tpu.memref_slice %arg3[%dma_wait3A_643] : memref<320000xi32, #tpu.memory_space<hbm>> -> memref<400xi32, #tpu.memory_space<hbm>>
      %dma_wait3A_645 = arith.constant 0 : i32
      %dma_wait3A_646 = tpu.memref_slice %arg9[%dma_wait3A_639, %dma_wait3A_645] : memref<2x400xi32, #tpu.memory_space<vmem>> -> memref<1x400xi32, #tpu.memory_space<vmem>>
      %dma_wait3A_647 = tpu.memref_squeeze %dma_wait3A_646 : memref<1x400xi32, #tpu.memory_space<vmem>> -> memref<400xi32, #tpu.memory_space<vmem>>
      %dma_wait3A_648 = arith.constant 0 : i32
      %dma_wait3A_649 = tpu.memref_slice %arg3[%dma_wait3A_648] : memref<320000xi32, #tpu.memory_space<hbm>> -> memref<400xi32, #tpu.memory_space<hbm>>
      tpu.wait_dma2 semaphore(%arg16 : memref<!tpu.dma_semaphore, #tpu.memory_space<semaphore_mem>>) src(%dma_wait3A_649 : memref<400xi32, #tpu.memory_space<hbm>>) dst(%dma_wait3A_647 : memref<400xi32, #tpu.memory_space<vmem>>)
      %dma_start3A_650 = arith.constant 0 : i32
      %dma_start3A_651 = arith.constant 0 : i32
      %dma_start3A_652 = tpu.memref_slice %arg9[%dma_start3A_650, %dma_start3A_651] : memref<2x400xi32, #tpu.memory_space<vmem>> -> memref<1x400xi32, #tpu.memory_space<vmem>>
      %dma_start3A_653 = tpu.memref_squeeze %dma_start3A_652 : memref<1x400xi32, #tpu.memory_space<vmem>> -> memref<400xi32, #tpu.memory_space<vmem>>
      %dma_start3A_654 = arith.constant 0 : i32
      %dma_start3A_655 = arith.constant 0 : i32
      %dma_start3A_656 = tpu.memref_slice %arg2[%arg0, %dma_start3A_654, %dma_start3A_655] : memref<2x10000x64xf32, #tpu.memory_space<hbm>> -> memref<1x10000x64xf32, #tpu.memory_space<hbm>>
      %dma_start3A_657 = tpu.memref_squeeze %dma_start3A_656 : memref<1x10000x64xf32, #tpu.memory_space<hbm>> -> memref<10000x64xf32, #tpu.memory_space<hbm>>
      %dma_start3A_658 = arith.constant 0 : i32
      %dma_start3A_659 = arith.constant 0 : i32
      %dma_start3A_660 = tpu.memref_slice %dma_start3A_657[%dma_start3A_658, %dma_start3A_659] : memref<10000x64xf32, #tpu.memory_space<hbm>> -> memref<10000x64xf32, #tpu.memory_space<hbm>>
      tpu.enqueue_indirect_dma source(%dma_start3A_660 : memref<10000x64xf32, #tpu.memory_space<hbm>>) target(%arg7 : memref<400x64xf32, #tpu.memory_space<vmem>>) offsets(%dma_start3A_653 : memref<400xi32, #tpu.memory_space<vmem>>) semaphore(%arg14 : memref<!tpu.dma_semaphore, #tpu.memory_space<semaphore_mem>>)
      %dma_wait3A_661 = arith.constant 0 : i32
      %dma_wait3A_662 = arith.constant 0 : i32
      %dma_wait3A_663 = tpu.memref_slice %arg2[%arg0, %dma_wait3A_661, %dma_wait3A_662] : memref<2x10000x64xf32, #tpu.memory_space<hbm>> -> memref<1x10000x64xf32, #tpu.memory_space<hbm>>
      %dma_wait3A_664 = tpu.memref_squeeze %dma_wait3A_663 : memref<1x10000x64xf32, #tpu.memory_space<hbm>> -> memref<10000x64xf32, #tpu.memory_space<hbm>>
      %dma_wait3A_665 = arith.constant 0 : i32
      %dma_wait3A_666 = arith.constant 0 : i32
      %dma_wait3A_667 = tpu.memref_slice %dma_wait3A_664[%dma_wait3A_665, %dma_wait3A_666] : memref<10000x64xf32, #tpu.memory_space<hbm>> -> memref<400x64xf32, #tpu.memory_space<hbm>>
      %dma_wait3A_668 = arith.constant 0 : i32
      %dma_wait3A_669 = arith.constant 0 : i32
      %dma_wait3A_670 = tpu.memref_slice %arg2[%arg0, %dma_wait3A_668, %dma_wait3A_669] : memref<2x10000x64xf32, #tpu.memory_space<hbm>> -> memref<1x10000x64xf32, #tpu.memory_space<hbm>>
      %dma_wait3A_671 = tpu.memref_squeeze %dma_wait3A_670 : memref<1x10000x64xf32, #tpu.memory_space<hbm>> -> memref<10000x64xf32, #tpu.memory_space<hbm>>
      %dma_wait3A_672 = arith.constant 0 : i32
      %dma_wait3A_673 = arith.constant 0 : i32
      %dma_wait3A_674 = tpu.memref_slice %dma_wait3A_671[%dma_wait3A_672, %dma_wait3A_673] : memref<10000x64xf32, #tpu.memory_space<hbm>> -> memref<400x64xf32, #tpu.memory_space<hbm>>
      tpu.wait_dma2 semaphore(%arg15 : memref<!tpu.dma_semaphore, #tpu.memory_space<semaphore_mem>>) src(%dma_wait3A_674 : memref<400x64xf32, #tpu.memory_space<hbm>>) dst(%arg8 : memref<400x64xf32, #tpu.memory_space<vmem>>)
      %add3A_675 = arith.constant 3 : i32
      %add3A_676 = arith.addi %mul3A_421, %add3A_675 : i32
      %lt3A_677 = arith.constant 50 : i32
      %lt3A_678 = arith.cmpi slt, %add3A_676, %lt3A_677 : i32
      %jit3A_679 = arith.constant 0 : i32
      %select_n3A_680 = arith.select %lt3A_678, %add3A_676, %jit3A_679 : i32
      %mul3A_681 = arith.constant 20000 : i32
      %mul3A_682 = arith.muli %arg1, %mul3A_681 : i32
      %mul3A_683 = arith.constant 400 : i32
      %mul3A_684 = arith.muli %select_n3A_680, %mul3A_683 : i32
      %add3A_685 = arith.addi %mul3A_682, %mul3A_684 : i32
      %dma_start3A_686 = arith.constant 1 : i32
      %dma_start3A_687 = arith.constant 0 : i32
      %dma_start3A_688 = tpu.memref_slice %arg9[%dma_start3A_686, %dma_start3A_687] : memref<2x400xi32, #tpu.memory_space<vmem>> -> memref<1x400xi32, #tpu.memory_space<vmem>>
      %dma_start3A_689 = tpu.memref_squeeze %dma_start3A_688 : memref<1x400xi32, #tpu.memory_space<vmem>> -> memref<400xi32, #tpu.memory_space<vmem>>
      %dma_start3A_690 = tpu.memref_slice %arg3[%add3A_685] : memref<320000xi32, #tpu.memory_space<hbm>> -> memref<400xi32, #tpu.memory_space<hbm>>
      %dma_start3A_691 = arith.constant 0 : i32
      %dma_start3A_692 = tpu.memref_slice %arg9[%dma_start3A_686, %dma_start3A_691] : memref<2x400xi32, #tpu.memory_space<vmem>> -> memref<1x400xi32, #tpu.memory_space<vmem>>
      %dma_start3A_693 = tpu.memref_squeeze %dma_start3A_692 : memref<1x400xi32, #tpu.memory_space<vmem>> -> memref<400xi32, #tpu.memory_space<vmem>>
      %dma_start3A_694 = tpu.memref_slice %arg3[%add3A_685] : memref<320000xi32, #tpu.memory_space<hbm>> -> memref<400xi32, #tpu.memory_space<hbm>>
      tpu.enqueue_dma source(%dma_start3A_694 : memref<400xi32, #tpu.memory_space<hbm>>) target(%dma_start3A_693 : memref<400xi32, #tpu.memory_space<vmem>>) target_semaphore(%arg17 : memref<!tpu.dma_semaphore, #tpu.memory_space<semaphore_mem>>)
      %dma_wait3A_695 = arith.constant 1 : i32
      %dma_wait3A_696 = arith.constant 0 : i32
      %dma_wait3A_697 = arith.constant 0 : i32
      %dma_wait3A_698 = tpu.memref_slice %arg10[%dma_wait3A_695, %dma_wait3A_696, %dma_wait3A_697] : memref<2x5x80xi32, #tpu.memory_space<vmem>> -> memref<1x1x80xi32, #tpu.memory_space<vmem>>
      %dma_wait3A_699 = tpu.memref_squeeze %dma_wait3A_698 : memref<1x1x80xi32, #tpu.memory_space<vmem>> -> memref<80xi32, #tpu.memory_space<vmem>>
      %dma_wait3A_700 = arith.constant 0 : i32
      %dma_wait3A_701 = tpu.memref_slice %arg4[%dma_wait3A_700] : memref<320000xi32, #tpu.memory_space<hbm>> -> memref<80xi32, #tpu.memory_space<hbm>>
      %dma_wait3A_702 = arith.constant 0 : i32
      %dma_wait3A_703 = tpu.memref_slice %arg10[%dma_wait3A_695, %dma_wait3A_696, %dma_wait3A_702] : memref<2x5x80xi32, #tpu.memory_space<vmem>> -> memref<1x1x80xi32, #tpu.memory_space<vmem>>
      %dma_wait3A_704 = tpu.memref_squeeze %dma_wait3A_703 : memref<1x1x80xi32, #tpu.memory_space<vmem>> -> memref<80xi32, #tpu.memory_space<vmem>>
      %dma_wait3A_705 = arith.constant 0 : i32
      %dma_wait3A_706 = tpu.memref_slice %arg4[%dma_wait3A_705] : memref<320000xi32, #tpu.memory_space<hbm>> -> memref<80xi32, #tpu.memory_space<hbm>>
      tpu.wait_dma2 semaphore(%arg19 : memref<!tpu.dma_semaphore, #tpu.memory_space<semaphore_mem>>) src(%dma_wait3A_706 : memref<80xi32, #tpu.memory_space<hbm>>) dst(%dma_wait3A_704 : memref<80xi32, #tpu.memory_space<vmem>>)
      %dma_wait3A_707 = arith.constant 1 : i32
      %dma_wait3A_708 = arith.constant 1 : i32
      %dma_wait3A_709 = arith.constant 0 : i32
      %dma_wait3A_710 = tpu.memref_slice %arg10[%dma_wait3A_707, %dma_wait3A_708, %dma_wait3A_709] : memref<2x5x80xi32, #tpu.memory_space<vmem>> -> memref<1x1x80xi32, #tpu.memory_space<vmem>>
      %dma_wait3A_711 = tpu.memref_squeeze %dma_wait3A_710 : memref<1x1x80xi32, #tpu.memory_space<vmem>> -> memref<80xi32, #tpu.memory_space<vmem>>
      %dma_wait3A_712 = arith.constant 0 : i32
      %dma_wait3A_713 = tpu.memref_slice %arg4[%dma_wait3A_712] : memref<320000xi32, #tpu.memory_space<hbm>> -> memref<80xi32, #tpu.memory_space<hbm>>
      %dma_wait3A_714 = arith.constant 0 : i32
      %dma_wait3A_715 = tpu.memref_slice %arg10[%dma_wait3A_707, %dma_wait3A_708, %dma_wait3A_714] : memref<2x5x80xi32, #tpu.memory_space<vmem>> -> memref<1x1x80xi32, #tpu.memory_space<vmem>>
      %dma_wait3A_716 = tpu.memref_squeeze %dma_wait3A_715 : memref<1x1x80xi32, #tpu.memory_space<vmem>> -> memref<80xi32, #tpu.memory_space<vmem>>
      %dma_wait3A_717 = arith.constant 0 : i32
      %dma_wait3A_718 = tpu.memref_slice %arg4[%dma_wait3A_717] : memref<320000xi32, #tpu.memory_space<hbm>> -> memref<80xi32, #tpu.memory_space<hbm>>
      tpu.wait_dma2 semaphore(%arg19 : memref<!tpu.dma_semaphore, #tpu.memory_space<semaphore_mem>>) src(%dma_wait3A_718 : memref<80xi32, #tpu.memory_space<hbm>>) dst(%dma_wait3A_716 : memref<80xi32, #tpu.memory_space<vmem>>)
      %dma_wait3A_719 = arith.constant 1 : i32
      %dma_wait3A_720 = arith.constant 2 : i32
      %dma_wait3A_721 = arith.constant 0 : i32
      %dma_wait3A_722 = tpu.memref_slice %arg10[%dma_wait3A_719, %dma_wait3A_720, %dma_wait3A_721] : memref<2x5x80xi32, #tpu.memory_space<vmem>> -> memref<1x1x80xi32, #tpu.memory_space<vmem>>
      %dma_wait3A_723 = tpu.memref_squeeze %dma_wait3A_722 : memref<1x1x80xi32, #tpu.memory_space<vmem>> -> memref<80xi32, #tpu.memory_space<vmem>>
      %dma_wait3A_724 = arith.constant 0 : i32
      %dma_wait3A_725 = tpu.memref_slice %arg4[%dma_wait3A_724] : memref<320000xi32, #tpu.memory_space<hbm>> -> memref<80xi32, #tpu.memory_space<hbm>>
      %dma_wait3A_726 = arith.constant 0 : i32
      %dma_wait3A_727 = tpu.memref_slice %arg10[%dma_wait3A_719, %dma_wait3A_720, %dma_wait3A_726] : memref<2x5x80xi32, #tpu.memory_space<vmem>> -> memref<1x1x80xi32, #tpu.memory_space<vmem>>
      %dma_wait3A_728 = tpu.memref_squeeze %dma_wait3A_727 : memref<1x1x80xi32, #tpu.memory_space<vmem>> -> memref<80xi32, #tpu.memory_space<vmem>>
      %dma_wait3A_729 = arith.constant 0 : i32
      %dma_wait3A_730 = tpu.memref_slice %arg4[%dma_wait3A_729] : memref<320000xi32, #tpu.memory_space<hbm>> -> memref<80xi32, #tpu.memory_space<hbm>>
      tpu.wait_dma2 semaphore(%arg19 : memref<!tpu.dma_semaphore, #tpu.memory_space<semaphore_mem>>) src(%dma_wait3A_730 : memref<80xi32, #tpu.memory_space<hbm>>) dst(%dma_wait3A_728 : memref<80xi32, #tpu.memory_space<vmem>>)
      %dma_wait3A_731 = arith.constant 1 : i32
      %dma_wait3A_732 = arith.constant 3 : i32
      %dma_wait3A_733 = arith.constant 0 : i32
      %dma_wait3A_734 = tpu.memref_slice %arg10[%dma_wait3A_731, %dma_wait3A_732, %dma_wait3A_733] : memref<2x5x80xi32, #tpu.memory_space<vmem>> -> memref<1x1x80xi32, #tpu.memory_space<vmem>>
      %dma_wait3A_735 = tpu.memref_squeeze %dma_wait3A_734 : memref<1x1x80xi32, #tpu.memory_space<vmem>> -> memref<80xi32, #tpu.memory_space<vmem>>
      %dma_wait3A_736 = arith.constant 0 : i32
      %dma_wait3A_737 = tpu.memref_slice %arg4[%dma_wait3A_736] : memref<320000xi32, #tpu.memory_space<hbm>> -> memref<80xi32, #tpu.memory_space<hbm>>
      %dma_wait3A_738 = arith.constant 0 : i32
      %dma_wait3A_739 = tpu.memref_slice %arg10[%dma_wait3A_731, %dma_wait3A_732, %dma_wait3A_738] : memref<2x5x80xi32, #tpu.memory_space<vmem>> -> memref<1x1x80xi32, #tpu.memory_space<vmem>>
      %dma_wait3A_740 = tpu.memref_squeeze %dma_wait3A_739 : memref<1x1x80xi32, #tpu.memory_space<vmem>> -> memref<80xi32, #tpu.memory_space<vmem>>
      %dma_wait3A_741 = arith.constant 0 : i32
      %dma_wait3A_742 = tpu.memref_slice %arg4[%dma_wait3A_741] : memref<320000xi32, #tpu.memory_space<hbm>> -> memref<80xi32, #tpu.memory_space<hbm>>
      tpu.wait_dma2 semaphore(%arg19 : memref<!tpu.dma_semaphore, #tpu.memory_space<semaphore_mem>>) src(%dma_wait3A_742 : memref<80xi32, #tpu.memory_space<hbm>>) dst(%dma_wait3A_740 : memref<80xi32, #tpu.memory_space<vmem>>)
      %dma_wait3A_743 = arith.constant 1 : i32
      %dma_wait3A_744 = arith.constant 4 : i32
      %dma_wait3A_745 = arith.constant 0 : i32
      %dma_wait3A_746 = tpu.memref_slice %arg10[%dma_wait3A_743, %dma_wait3A_744, %dma_wait3A_745] : memref<2x5x80xi32, #tpu.memory_space<vmem>> -> memref<1x1x80xi32, #tpu.memory_space<vmem>>
      %dma_wait3A_747 = tpu.memref_squeeze %dma_wait3A_746 : memref<1x1x80xi32, #tpu.memory_space<vmem>> -> memref<80xi32, #tpu.memory_space<vmem>>
      %dma_wait3A_748 = arith.constant 0 : i32
      %dma_wait3A_749 = tpu.memref_slice %arg4[%dma_wait3A_748] : memref<320000xi32, #tpu.memory_space<hbm>> -> memref<80xi32, #tpu.memory_space<hbm>>
      %dma_wait3A_750 = arith.constant 0 : i32
      %dma_wait3A_751 = tpu.memref_slice %arg10[%dma_wait3A_743, %dma_wait3A_744, %dma_wait3A_750] : memref<2x5x80xi32, #tpu.memory_space<vmem>> -> memref<1x1x80xi32, #tpu.memory_space<vmem>>
      %dma_wait3A_752 = tpu.memref_squeeze %dma_wait3A_751 : memref<1x1x80xi32, #tpu.memory_space<vmem>> -> memref<80xi32, #tpu.memory_space<vmem>>
      %dma_wait3A_753 = arith.constant 0 : i32
      %dma_wait3A_754 = tpu.memref_slice %arg4[%dma_wait3A_753] : memref<320000xi32, #tpu.memory_space<hbm>> -> memref<80xi32, #tpu.memory_space<hbm>>
      tpu.wait_dma2 semaphore(%arg19 : memref<!tpu.dma_semaphore, #tpu.memory_space<semaphore_mem>>) src(%dma_wait3A_754 : memref<80xi32, #tpu.memory_space<hbm>>) dst(%dma_wait3A_752 : memref<80xi32, #tpu.memory_space<vmem>>)
      %run_scoped3A_755 = arith.constant 1 : i32
      %run_scoped3A_756 = arith.constant 0 : i32
      "tpu.region"() ({
        %run_scoped3A_861 = tpu.sem_alloc : memref<!tpu.dma_semaphore, #tpu.memory_space<semaphore_mem>>
        %dma_start3A_862 = arith.constant 0 : i32
        %dma_start3A_863 = arith.constant 0 : i32
        %dma_start3A_864 = tpu.memref_slice %arg8[%dma_start3A_862, %dma_start3A_863] : memref<400x64xf32, #tpu.memory_space<vmem>> -> memref<80x64xf32, #tpu.memory_space<vmem>>
        %dma_start3A_865 = arith.constant 0 : i32
        %dma_start3A_866 = tpu.memref_slice %arg10[%run_scoped3A_755, %run_scoped3A_756, %dma_start3A_865] : memref<2x5x80xi32, #tpu.memory_space<vmem>> -> memref<1x1x80xi32, #tpu.memory_space<vmem>>
        %dma_start3A_867 = tpu.memref_squeeze %dma_start3A_866 : memref<1x1x80xi32, #tpu.memory_space<vmem>> -> memref<80xi32, #tpu.memory_space<vmem>>
        %dma_start3A_868 = arith.constant 0 : i32
        %dma_start3A_869 = arith.constant 0 : i32
        %dma_start3A_870 = tpu.memref_slice %arg12[%dma_start3A_868, %dma_start3A_869] : memref<10240x64xf32, #tpu.memory_space<vmem_shared>> -> memref<10240x64xf32, #tpu.memory_space<vmem_shared>>
        tpu.enqueue_indirect_dma source(%dma_start3A_864 : memref<80x64xf32, #tpu.memory_space<vmem>>) target(%dma_start3A_870 : memref<10240x64xf32, #tpu.memory_space<vmem_shared>>) offsets(%dma_start3A_867 : memref<80xi32, #tpu.memory_space<vmem>>) semaphore(%run_scoped3A_861 : memref<!tpu.dma_semaphore, #tpu.memory_space<semaphore_mem>>) {add = true}
        %dma_wait3A_871 = arith.constant 0 : i32
        %dma_wait3A_872 = arith.constant 0 : i32
        %dma_wait3A_873 = tpu.memref_slice %arg8[%dma_wait3A_871, %dma_wait3A_872] : memref<400x64xf32, #tpu.memory_space<vmem>> -> memref<80x64xf32, #tpu.memory_space<vmem>>
        %dma_wait3A_874 = arith.constant 0 : i32
        %dma_wait3A_875 = tpu.memref_slice %arg10[%run_scoped3A_755, %run_scoped3A_756, %dma_wait3A_874] : memref<2x5x80xi32, #tpu.memory_space<vmem>> -> memref<1x1x80xi32, #tpu.memory_space<vmem>>
        %dma_wait3A_876 = tpu.memref_squeeze %dma_wait3A_875 : memref<1x1x80xi32, #tpu.memory_space<vmem>> -> memref<80xi32, #tpu.memory_space<vmem>>
        %dma_wait3A_877 = arith.constant 0 : i32
        %dma_wait3A_878 = arith.constant 0 : i32
        %dma_wait3A_879 = tpu.memref_slice %arg12[%dma_wait3A_877, %dma_wait3A_878] : memref<10240x64xf32, #tpu.memory_space<vmem_shared>> -> memref<10240x64xf32, #tpu.memory_space<vmem_shared>>
        tpu.wait_indirect_dma semaphore(%run_scoped3A_861 : memref<!tpu.dma_semaphore, #tpu.memory_space<semaphore_mem>>) src(%dma_wait3A_873 : memref<80x64xf32, #tpu.memory_space<vmem>>) dst(%dma_wait3A_879 : memref<10240x64xf32, #tpu.memory_space<vmem_shared>>)
        tpu.yield
      }) : () -> ()
      %run_scoped3A_757 = arith.constant 1 : i32
      %run_scoped3A_758 = arith.constant 1 : i32
      "tpu.region"() ({
        %run_scoped3A_861 = tpu.sem_alloc : memref<!tpu.dma_semaphore, #tpu.memory_space<semaphore_mem>>
        %dma_start3A_862 = arith.constant 80 : i32
        %dma_start3A_863 = arith.constant 0 : i32
        %dma_start3A_864 = tpu.memref_slice %arg8[%dma_start3A_862, %dma_start3A_863] : memref<400x64xf32, #tpu.memory_space<vmem>> -> memref<80x64xf32, #tpu.memory_space<vmem>>
        %dma_start3A_865 = arith.constant 0 : i32
        %dma_start3A_866 = tpu.memref_slice %arg10[%run_scoped3A_757, %run_scoped3A_758, %dma_start3A_865] : memref<2x5x80xi32, #tpu.memory_space<vmem>> -> memref<1x1x80xi32, #tpu.memory_space<vmem>>
        %dma_start3A_867 = tpu.memref_squeeze %dma_start3A_866 : memref<1x1x80xi32, #tpu.memory_space<vmem>> -> memref<80xi32, #tpu.memory_space<vmem>>
        %dma_start3A_868 = arith.constant 0 : i32
        %dma_start3A_869 = arith.constant 0 : i32
        %dma_start3A_870 = tpu.memref_slice %arg12[%dma_start3A_868, %dma_start3A_869] : memref<10240x64xf32, #tpu.memory_space<vmem_shared>> -> memref<10240x64xf32, #tpu.memory_space<vmem_shared>>
        tpu.enqueue_indirect_dma source(%dma_start3A_864 : memref<80x64xf32, #tpu.memory_space<vmem>>) target(%dma_start3A_870 : memref<10240x64xf32, #tpu.memory_space<vmem_shared>>) offsets(%dma_start3A_867 : memref<80xi32, #tpu.memory_space<vmem>>) semaphore(%run_scoped3A_861 : memref<!tpu.dma_semaphore, #tpu.memory_space<semaphore_mem>>) {add = true}
        %dma_wait3A_871 = arith.constant 80 : i32
        %dma_wait3A_872 = arith.constant 0 : i32
        %dma_wait3A_873 = tpu.memref_slice %arg8[%dma_wait3A_871, %dma_wait3A_872] : memref<400x64xf32, #tpu.memory_space<vmem>> -> memref<80x64xf32, #tpu.memory_space<vmem>>
        %dma_wait3A_874 = arith.constant 0 : i32
        %dma_wait3A_875 = tpu.memref_slice %arg10[%run_scoped3A_757, %run_scoped3A_758, %dma_wait3A_874] : memref<2x5x80xi32, #tpu.memory_space<vmem>> -> memref<1x1x80xi32, #tpu.memory_space<vmem>>
        %dma_wait3A_876 = tpu.memref_squeeze %dma_wait3A_875 : memref<1x1x80xi32, #tpu.memory_space<vmem>> -> memref<80xi32, #tpu.memory_space<vmem>>
        %dma_wait3A_877 = arith.constant 0 : i32
        %dma_wait3A_878 = arith.constant 0 : i32
        %dma_wait3A_879 = tpu.memref_slice %arg12[%dma_wait3A_877, %dma_wait3A_878] : memref<10240x64xf32, #tpu.memory_space<vmem_shared>> -> memref<10240x64xf32, #tpu.memory_space<vmem_shared>>
        tpu.wait_indirect_dma semaphore(%run_scoped3A_861 : memref<!tpu.dma_semaphore, #tpu.memory_space<semaphore_mem>>) src(%dma_wait3A_873 : memref<80x64xf32, #tpu.memory_space<vmem>>) dst(%dma_wait3A_879 : memref<10240x64xf32, #tpu.memory_space<vmem_shared>>)
        tpu.yield
      }) : () -> ()
      %run_scoped3A_759 = arith.constant 1 : i32
      %run_scoped3A_760 = arith.constant 2 : i32
      "tpu.region"() ({
        %run_scoped3A_861 = tpu.sem_alloc : memref<!tpu.dma_semaphore, #tpu.memory_space<semaphore_mem>>
        %dma_start3A_862 = arith.constant 160 : i32
        %dma_start3A_863 = arith.constant 0 : i32
        %dma_start3A_864 = tpu.memref_slice %arg8[%dma_start3A_862, %dma_start3A_863] : memref<400x64xf32, #tpu.memory_space<vmem>> -> memref<80x64xf32, #tpu.memory_space<vmem>>
        %dma_start3A_865 = arith.constant 0 : i32
        %dma_start3A_866 = tpu.memref_slice %arg10[%run_scoped3A_759, %run_scoped3A_760, %dma_start3A_865] : memref<2x5x80xi32, #tpu.memory_space<vmem>> -> memref<1x1x80xi32, #tpu.memory_space<vmem>>
        %dma_start3A_867 = tpu.memref_squeeze %dma_start3A_866 : memref<1x1x80xi32, #tpu.memory_space<vmem>> -> memref<80xi32, #tpu.memory_space<vmem>>
        %dma_start3A_868 = arith.constant 0 : i32
        %dma_start3A_869 = arith.constant 0 : i32
        %dma_start3A_870 = tpu.memref_slice %arg12[%dma_start3A_868, %dma_start3A_869] : memref<10240x64xf32, #tpu.memory_space<vmem_shared>> -> memref<10240x64xf32, #tpu.memory_space<vmem_shared>>
        tpu.enqueue_indirect_dma source(%dma_start3A_864 : memref<80x64xf32, #tpu.memory_space<vmem>>) target(%dma_start3A_870 : memref<10240x64xf32, #tpu.memory_space<vmem_shared>>) offsets(%dma_start3A_867 : memref<80xi32, #tpu.memory_space<vmem>>) semaphore(%run_scoped3A_861 : memref<!tpu.dma_semaphore, #tpu.memory_space<semaphore_mem>>) {add = true}
        %dma_wait3A_871 = arith.constant 160 : i32
        %dma_wait3A_872 = arith.constant 0 : i32
        %dma_wait3A_873 = tpu.memref_slice %arg8[%dma_wait3A_871, %dma_wait3A_872] : memref<400x64xf32, #tpu.memory_space<vmem>> -> memref<80x64xf32, #tpu.memory_space<vmem>>
        %dma_wait3A_874 = arith.constant 0 : i32
        %dma_wait3A_875 = tpu.memref_slice %arg10[%run_scoped3A_759, %run_scoped3A_760, %dma_wait3A_874] : memref<2x5x80xi32, #tpu.memory_space<vmem>> -> memref<1x1x80xi32, #tpu.memory_space<vmem>>
        %dma_wait3A_876 = tpu.memref_squeeze %dma_wait3A_875 : memref<1x1x80xi32, #tpu.memory_space<vmem>> -> memref<80xi32, #tpu.memory_space<vmem>>
        %dma_wait3A_877 = arith.constant 0 : i32
        %dma_wait3A_878 = arith.constant 0 : i32
        %dma_wait3A_879 = tpu.memref_slice %arg12[%dma_wait3A_877, %dma_wait3A_878] : memref<10240x64xf32, #tpu.memory_space<vmem_shared>> -> memref<10240x64xf32, #tpu.memory_space<vmem_shared>>
        tpu.wait_indirect_dma semaphore(%run_scoped3A_861 : memref<!tpu.dma_semaphore, #tpu.memory_space<semaphore_mem>>) src(%dma_wait3A_873 : memref<80x64xf32, #tpu.memory_space<vmem>>) dst(%dma_wait3A_879 : memref<10240x64xf32, #tpu.memory_space<vmem_shared>>)
        tpu.yield
      }) : () -> ()
      %run_scoped3A_761 = arith.constant 1 : i32
      %run_scoped3A_762 = arith.constant 3 : i32
      "tpu.region"() ({
        %run_scoped3A_861 = tpu.sem_alloc : memref<!tpu.dma_semaphore, #tpu.memory_space<semaphore_mem>>
        %dma_start3A_862 = arith.constant 240 : i32
        %dma_start3A_863 = arith.constant 0 : i32
        %dma_start3A_864 = tpu.memref_slice %arg8[%dma_start3A_862, %dma_start3A_863] : memref<400x64xf32, #tpu.memory_space<vmem>> -> memref<80x64xf32, #tpu.memory_space<vmem>>
        %dma_start3A_865 = arith.constant 0 : i32
        %dma_start3A_866 = tpu.memref_slice %arg10[%run_scoped3A_761, %run_scoped3A_762, %dma_start3A_865] : memref<2x5x80xi32, #tpu.memory_space<vmem>> -> memref<1x1x80xi32, #tpu.memory_space<vmem>>
        %dma_start3A_867 = tpu.memref_squeeze %dma_start3A_866 : memref<1x1x80xi32, #tpu.memory_space<vmem>> -> memref<80xi32, #tpu.memory_space<vmem>>
        %dma_start3A_868 = arith.constant 0 : i32
        %dma_start3A_869 = arith.constant 0 : i32
        %dma_start3A_870 = tpu.memref_slice %arg12[%dma_start3A_868, %dma_start3A_869] : memref<10240x64xf32, #tpu.memory_space<vmem_shared>> -> memref<10240x64xf32, #tpu.memory_space<vmem_shared>>
        tpu.enqueue_indirect_dma source(%dma_start3A_864 : memref<80x64xf32, #tpu.memory_space<vmem>>) target(%dma_start3A_870 : memref<10240x64xf32, #tpu.memory_space<vmem_shared>>) offsets(%dma_start3A_867 : memref<80xi32, #tpu.memory_space<vmem>>) semaphore(%run_scoped3A_861 : memref<!tpu.dma_semaphore, #tpu.memory_space<semaphore_mem>>) {add = true}
        %dma_wait3A_871 = arith.constant 240 : i32
        %dma_wait3A_872 = arith.constant 0 : i32
        %dma_wait3A_873 = tpu.memref_slice %arg8[%dma_wait3A_871, %dma_wait3A_872] : memref<400x64xf32, #tpu.memory_space<vmem>> -> memref<80x64xf32, #tpu.memory_space<vmem>>
        %dma_wait3A_874 = arith.constant 0 : i32
        %dma_wait3A_875 = tpu.memref_slice %arg10[%run_scoped3A_761, %run_scoped3A_762, %dma_wait3A_874] : memref<2x5x80xi32, #tpu.memory_space<vmem>> -> memref<1x1x80xi32, #tpu.memory_space<vmem>>
        %dma_wait3A_876 = tpu.memref_squeeze %dma_wait3A_875 : memref<1x1x80xi32, #tpu.memory_space<vmem>> -> memref<80xi32, #tpu.memory_space<vmem>>
        %dma_wait3A_877 = arith.constant 0 : i32
        %dma_wait3A_878 = arith.constant 0 : i32
        %dma_wait3A_879 = tpu.memref_slice %arg12[%dma_wait3A_877, %dma_wait3A_878] : memref<10240x64xf32, #tpu.memory_space<vmem_shared>> -> memref<10240x64xf32, #tpu.memory_space<vmem_shared>>
        tpu.wait_indirect_dma semaphore(%run_scoped3A_861 : memref<!tpu.dma_semaphore, #tpu.memory_space<semaphore_mem>>) src(%dma_wait3A_873 : memref<80x64xf32, #tpu.memory_space<vmem>>) dst(%dma_wait3A_879 : memref<10240x64xf32, #tpu.memory_space<vmem_shared>>)
        tpu.yield
      }) : () -> ()
      %run_scoped3A_763 = arith.constant 1 : i32
      %run_scoped3A_764 = arith.constant 4 : i32
      "tpu.region"() ({
        %run_scoped3A_861 = tpu.sem_alloc : memref<!tpu.dma_semaphore, #tpu.memory_space<semaphore_mem>>
        %dma_start3A_862 = arith.constant 320 : i32
        %dma_start3A_863 = arith.constant 0 : i32
        %dma_start3A_864 = tpu.memref_slice %arg8[%dma_start3A_862, %dma_start3A_863] : memref<400x64xf32, #tpu.memory_space<vmem>> -> memref<80x64xf32, #tpu.memory_space<vmem>>
        %dma_start3A_865 = arith.constant 0 : i32
        %dma_start3A_866 = tpu.memref_slice %arg10[%run_scoped3A_763, %run_scoped3A_764, %dma_start3A_865] : memref<2x5x80xi32, #tpu.memory_space<vmem>> -> memref<1x1x80xi32, #tpu.memory_space<vmem>>
        %dma_start3A_867 = tpu.memref_squeeze %dma_start3A_866 : memref<1x1x80xi32, #tpu.memory_space<vmem>> -> memref<80xi32, #tpu.memory_space<vmem>>
        %dma_start3A_868 = arith.constant 0 : i32
        %dma_start3A_869 = arith.constant 0 : i32
        %dma_start3A_870 = tpu.memref_slice %arg12[%dma_start3A_868, %dma_start3A_869] : memref<10240x64xf32, #tpu.memory_space<vmem_shared>> -> memref<10240x64xf32, #tpu.memory_space<vmem_shared>>
        tpu.enqueue_indirect_dma source(%dma_start3A_864 : memref<80x64xf32, #tpu.memory_space<vmem>>) target(%dma_start3A_870 : memref<10240x64xf32, #tpu.memory_space<vmem_shared>>) offsets(%dma_start3A_867 : memref<80xi32, #tpu.memory_space<vmem>>) semaphore(%run_scoped3A_861 : memref<!tpu.dma_semaphore, #tpu.memory_space<semaphore_mem>>) {add = true}
        %dma_wait3A_871 = arith.constant 320 : i32
        %dma_wait3A_872 = arith.constant 0 : i32
        %dma_wait3A_873 = tpu.memref_slice %arg8[%dma_wait3A_871, %dma_wait3A_872] : memref<400x64xf32, #tpu.memory_space<vmem>> -> memref<80x64xf32, #tpu.memory_space<vmem>>
        %dma_wait3A_874 = arith.constant 0 : i32
        %dma_wait3A_875 = tpu.memref_slice %arg10[%run_scoped3A_763, %run_scoped3A_764, %dma_wait3A_874] : memref<2x5x80xi32, #tpu.memory_space<vmem>> -> memref<1x1x80xi32, #tpu.memory_space<vmem>>
        %dma_wait3A_876 = tpu.memref_squeeze %dma_wait3A_875 : memref<1x1x80xi32, #tpu.memory_space<vmem>> -> memref<80xi32, #tpu.memory_space<vmem>>
        %dma_wait3A_877 = arith.constant 0 : i32
        %dma_wait3A_878 = arith.constant 0 : i32
        %dma_wait3A_879 = tpu.memref_slice %arg12[%dma_wait3A_877, %dma_wait3A_878] : memref<10240x64xf32, #tpu.memory_space<vmem_shared>> -> memref<10240x64xf32, #tpu.memory_space<vmem_shared>>
        tpu.wait_indirect_dma semaphore(%run_scoped3A_861 : memref<!tpu.dma_semaphore, #tpu.memory_space<semaphore_mem>>) src(%dma_wait3A_873 : memref<80x64xf32, #tpu.memory_space<vmem>>) dst(%dma_wait3A_879 : memref<10240x64xf32, #tpu.memory_space<vmem_shared>>)
        tpu.yield
      }) : () -> ()
      %eq3A_765 = arith.constant 1 : i32
      %eq3A_766 = arith.cmpi eq, %arg0, %eq3A_765 : i32
      %convert_element_type3A_767 = arith.extui %eq3A_766 : i1 to i32
      %cond3A_768 = arith.constant 0 : i32
      %cond3A_769 = arith.cmpi ne, %convert_element_type3A_767, %cond3A_768 : i32
      scf.if %cond3A_769 {
        %run_scoped3A_861 = arith.constant 1 : i32
        %run_scoped3A_862 = arith.constant 0 : i32
        "tpu.region"() ({
          %run_scoped3A_871 = tpu.sem_alloc : memref<!tpu.dma_semaphore, #tpu.memory_space<semaphore_mem>>
          %dma_start3A_872 = arith.constant 0 : i32
          %dma_start3A_873 = arith.constant 0 : i32
          %dma_start3A_874 = tpu.memref_slice %arg11[%dma_start3A_872, %dma_start3A_873] : memref<80x8xf32, #tpu.memory_space<vmem>> -> memref<80x8xf32, #tpu.memory_space<vmem>>
          %dma_start3A_875 = arith.constant 0 : i32
          %dma_start3A_876 = tpu.memref_slice %arg10[%run_scoped3A_861, %run_scoped3A_862, %dma_start3A_875] : memref<2x5x80xi32, #tpu.memory_space<vmem>> -> memref<1x1x80xi32, #tpu.memory_space<vmem>>
          %dma_start3A_877 = tpu.memref_squeeze %dma_start3A_876 : memref<1x1x80xi32, #tpu.memory_space<vmem>> -> memref<80xi32, #tpu.memory_space<vmem>>
          %dma_start3A_878 = arith.constant 0 : i32
          %dma_start3A_879 = arith.constant 0 : i32
          %dma_start3A_880 = tpu.memref_slice %arg13[%dma_start3A_878, %dma_start3A_879] : memref<10240x8xf32, #tpu.memory_space<vmem_shared>> -> memref<10240x8xf32, #tpu.memory_space<vmem_shared>>
          tpu.enqueue_indirect_dma source(%dma_start3A_874 : memref<80x8xf32, #tpu.memory_space<vmem>>) target(%dma_start3A_880 : memref<10240x8xf32, #tpu.memory_space<vmem_shared>>) offsets(%dma_start3A_877 : memref<80xi32, #tpu.memory_space<vmem>>) semaphore(%run_scoped3A_871 : memref<!tpu.dma_semaphore, #tpu.memory_space<semaphore_mem>>) {add = true}
          %dma_wait3A_881 = arith.constant 0 : i32
          %dma_wait3A_882 = arith.constant 0 : i32
          %dma_wait3A_883 = tpu.memref_slice %arg11[%dma_wait3A_881, %dma_wait3A_882] : memref<80x8xf32, #tpu.memory_space<vmem>> -> memref<80x8xf32, #tpu.memory_space<vmem>>
          %dma_wait3A_884 = arith.constant 0 : i32
          %dma_wait3A_885 = tpu.memref_slice %arg10[%run_scoped3A_861, %run_scoped3A_862, %dma_wait3A_884] : memref<2x5x80xi32, #tpu.memory_space<vmem>> -> memref<1x1x80xi32, #tpu.memory_space<vmem>>
          %dma_wait3A_886 = tpu.memref_squeeze %dma_wait3A_885 : memref<1x1x80xi32, #tpu.memory_space<vmem>> -> memref<80xi32, #tpu.memory_space<vmem>>
          %dma_wait3A_887 = arith.constant 0 : i32
          %dma_wait3A_888 = arith.constant 0 : i32
          %dma_wait3A_889 = tpu.memref_slice %arg13[%dma_wait3A_887, %dma_wait3A_888] : memref<10240x8xf32, #tpu.memory_space<vmem_shared>> -> memref<10240x8xf32, #tpu.memory_space<vmem_shared>>
          tpu.wait_indirect_dma semaphore(%run_scoped3A_871 : memref<!tpu.dma_semaphore, #tpu.memory_space<semaphore_mem>>) src(%dma_wait3A_883 : memref<80x8xf32, #tpu.memory_space<vmem>>) dst(%dma_wait3A_889 : memref<10240x8xf32, #tpu.memory_space<vmem_shared>>)
          tpu.yield
        }) : () -> ()
        %run_scoped3A_863 = arith.constant 1 : i32
        %run_scoped3A_864 = arith.constant 1 : i32
        "tpu.region"() ({
          %run_scoped3A_871 = tpu.sem_alloc : memref<!tpu.dma_semaphore, #tpu.memory_space<semaphore_mem>>
          %dma_start3A_872 = arith.constant 0 : i32
          %dma_start3A_873 = arith.constant 0 : i32
          %dma_start3A_874 = tpu.memref_slice %arg11[%dma_start3A_872, %dma_start3A_873] : memref<80x8xf32, #tpu.memory_space<vmem>> -> memref<80x8xf32, #tpu.memory_space<vmem>>
          %dma_start3A_875 = arith.constant 0 : i32
          %dma_start3A_876 = tpu.memref_slice %arg10[%run_scoped3A_863, %run_scoped3A_864, %dma_start3A_875] : memref<2x5x80xi32, #tpu.memory_space<vmem>> -> memref<1x1x80xi32, #tpu.memory_space<vmem>>
          %dma_start3A_877 = tpu.memref_squeeze %dma_start3A_876 : memref<1x1x80xi32, #tpu.memory_space<vmem>> -> memref<80xi32, #tpu.memory_space<vmem>>
          %dma_start3A_878 = arith.constant 0 : i32
          %dma_start3A_879 = arith.constant 0 : i32
          %dma_start3A_880 = tpu.memref_slice %arg13[%dma_start3A_878, %dma_start3A_879] : memref<10240x8xf32, #tpu.memory_space<vmem_shared>> -> memref<10240x8xf32, #tpu.memory_space<vmem_shared>>
          tpu.enqueue_indirect_dma source(%dma_start3A_874 : memref<80x8xf32, #tpu.memory_space<vmem>>) target(%dma_start3A_880 : memref<10240x8xf32, #tpu.memory_space<vmem_shared>>) offsets(%dma_start3A_877 : memref<80xi32, #tpu.memory_space<vmem>>) semaphore(%run_scoped3A_871 : memref<!tpu.dma_semaphore, #tpu.memory_space<semaphore_mem>>) {add = true}
          %dma_wait3A_881 = arith.constant 0 : i32
          %dma_wait3A_882 = arith.constant 0 : i32
          %dma_wait3A_883 = tpu.memref_slice %arg11[%dma_wait3A_881, %dma_wait3A_882] : memref<80x8xf32, #tpu.memory_space<vmem>> -> memref<80x8xf32, #tpu.memory_space<vmem>>
          %dma_wait3A_884 = arith.constant 0 : i32
          %dma_wait3A_885 = tpu.memref_slice %arg10[%run_scoped3A_863, %run_scoped3A_864, %dma_wait3A_884] : memref<2x5x80xi32, #tpu.memory_space<vmem>> -> memref<1x1x80xi32, #tpu.memory_space<vmem>>
          %dma_wait3A_886 = tpu.memref_squeeze %dma_wait3A_885 : memref<1x1x80xi32, #tpu.memory_space<vmem>> -> memref<80xi32, #tpu.memory_space<vmem>>
          %dma_wait3A_887 = arith.constant 0 : i32
          %dma_wait3A_888 = arith.constant 0 : i32
          %dma_wait3A_889 = tpu.memref_slice %arg13[%dma_wait3A_887, %dma_wait3A_888] : memref<10240x8xf32, #tpu.memory_space<vmem_shared>> -> memref<10240x8xf32, #tpu.memory_space<vmem_shared>>
          tpu.wait_indirect_dma semaphore(%run_scoped3A_871 : memref<!tpu.dma_semaphore, #tpu.memory_space<semaphore_mem>>) src(%dma_wait3A_883 : memref<80x8xf32, #tpu.memory_space<vmem>>) dst(%dma_wait3A_889 : memref<10240x8xf32, #tpu.memory_space<vmem_shared>>)
          tpu.yield
        }) : () -> ()
        %run_scoped3A_865 = arith.constant 1 : i32
        %run_scoped3A_866 = arith.constant 2 : i32
        "tpu.region"() ({
          %run_scoped3A_871 = tpu.sem_alloc : memref<!tpu.dma_semaphore, #tpu.memory_space<semaphore_mem>>
          %dma_start3A_872 = arith.constant 0 : i32
          %dma_start3A_873 = arith.constant 0 : i32
          %dma_start3A_874 = tpu.memref_slice %arg11[%dma_start3A_872, %dma_start3A_873] : memref<80x8xf32, #tpu.memory_space<vmem>> -> memref<80x8xf32, #tpu.memory_space<vmem>>
          %dma_start3A_875 = arith.constant 0 : i32
          %dma_start3A_876 = tpu.memref_slice %arg10[%run_scoped3A_865, %run_scoped3A_866, %dma_start3A_875] : memref<2x5x80xi32, #tpu.memory_space<vmem>> -> memref<1x1x80xi32, #tpu.memory_space<vmem>>
          %dma_start3A_877 = tpu.memref_squeeze %dma_start3A_876 : memref<1x1x80xi32, #tpu.memory_space<vmem>> -> memref<80xi32, #tpu.memory_space<vmem>>
          %dma_start3A_878 = arith.constant 0 : i32
          %dma_start3A_879 = arith.constant 0 : i32
          %dma_start3A_880 = tpu.memref_slice %arg13[%dma_start3A_878, %dma_start3A_879] : memref<10240x8xf32, #tpu.memory_space<vmem_shared>> -> memref<10240x8xf32, #tpu.memory_space<vmem_shared>>
          tpu.enqueue_indirect_dma source(%dma_start3A_874 : memref<80x8xf32, #tpu.memory_space<vmem>>) target(%dma_start3A_880 : memref<10240x8xf32, #tpu.memory_space<vmem_shared>>) offsets(%dma_start3A_877 : memref<80xi32, #tpu.memory_space<vmem>>) semaphore(%run_scoped3A_871 : memref<!tpu.dma_semaphore, #tpu.memory_space<semaphore_mem>>) {add = true}
          %dma_wait3A_881 = arith.constant 0 : i32
          %dma_wait3A_882 = arith.constant 0 : i32
          %dma_wait3A_883 = tpu.memref_slice %arg11[%dma_wait3A_881, %dma_wait3A_882] : memref<80x8xf32, #tpu.memory_space<vmem>> -> memref<80x8xf32, #tpu.memory_space<vmem>>
          %dma_wait3A_884 = arith.constant 0 : i32
          %dma_wait3A_885 = tpu.memref_slice %arg10[%run_scoped3A_865, %run_scoped3A_866, %dma_wait3A_884] : memref<2x5x80xi32, #tpu.memory_space<vmem>> -> memref<1x1x80xi32, #tpu.memory_space<vmem>>
          %dma_wait3A_886 = tpu.memref_squeeze %dma_wait3A_885 : memref<1x1x80xi32, #tpu.memory_space<vmem>> -> memref<80xi32, #tpu.memory_space<vmem>>
          %dma_wait3A_887 = arith.constant 0 : i32
          %dma_wait3A_888 = arith.constant 0 : i32
          %dma_wait3A_889 = tpu.memref_slice %arg13[%dma_wait3A_887, %dma_wait3A_888] : memref<10240x8xf32, #tpu.memory_space<vmem_shared>> -> memref<10240x8xf32, #tpu.memory_space<vmem_shared>>
          tpu.wait_indirect_dma semaphore(%run_scoped3A_871 : memref<!tpu.dma_semaphore, #tpu.memory_space<semaphore_mem>>) src(%dma_wait3A_883 : memref<80x8xf32, #tpu.memory_space<vmem>>) dst(%dma_wait3A_889 : memref<10240x8xf32, #tpu.memory_space<vmem_shared>>)
          tpu.yield
        }) : () -> ()
        %run_scoped3A_867 = arith.constant 1 : i32
        %run_scoped3A_868 = arith.constant 3 : i32
        "tpu.region"() ({
          %run_scoped3A_871 = tpu.sem_alloc : memref<!tpu.dma_semaphore, #tpu.memory_space<semaphore_mem>>
          %dma_start3A_872 = arith.constant 0 : i32
          %dma_start3A_873 = arith.constant 0 : i32
          %dma_start3A_874 = tpu.memref_slice %arg11[%dma_start3A_872, %dma_start3A_873] : memref<80x8xf32, #tpu.memory_space<vmem>> -> memref<80x8xf32, #tpu.memory_space<vmem>>
          %dma_start3A_875 = arith.constant 0 : i32
          %dma_start3A_876 = tpu.memref_slice %arg10[%run_scoped3A_867, %run_scoped3A_868, %dma_start3A_875] : memref<2x5x80xi32, #tpu.memory_space<vmem>> -> memref<1x1x80xi32, #tpu.memory_space<vmem>>
          %dma_start3A_877 = tpu.memref_squeeze %dma_start3A_876 : memref<1x1x80xi32, #tpu.memory_space<vmem>> -> memref<80xi32, #tpu.memory_space<vmem>>
          %dma_start3A_878 = arith.constant 0 : i32
          %dma_start3A_879 = arith.constant 0 : i32
          %dma_start3A_880 = tpu.memref_slice %arg13[%dma_start3A_878, %dma_start3A_879] : memref<10240x8xf32, #tpu.memory_space<vmem_shared>> -> memref<10240x8xf32, #tpu.memory_space<vmem_shared>>
          tpu.enqueue_indirect_dma source(%dma_start3A_874 : memref<80x8xf32, #tpu.memory_space<vmem>>) target(%dma_start3A_880 : memref<10240x8xf32, #tpu.memory_space<vmem_shared>>) offsets(%dma_start3A_877 : memref<80xi32, #tpu.memory_space<vmem>>) semaphore(%run_scoped3A_871 : memref<!tpu.dma_semaphore, #tpu.memory_space<semaphore_mem>>) {add = true}
          %dma_wait3A_881 = arith.constant 0 : i32
          %dma_wait3A_882 = arith.constant 0 : i32
          %dma_wait3A_883 = tpu.memref_slice %arg11[%dma_wait3A_881, %dma_wait3A_882] : memref<80x8xf32, #tpu.memory_space<vmem>> -> memref<80x8xf32, #tpu.memory_space<vmem>>
          %dma_wait3A_884 = arith.constant 0 : i32
          %dma_wait3A_885 = tpu.memref_slice %arg10[%run_scoped3A_867, %run_scoped3A_868, %dma_wait3A_884] : memref<2x5x80xi32, #tpu.memory_space<vmem>> -> memref<1x1x80xi32, #tpu.memory_space<vmem>>
          %dma_wait3A_886 = tpu.memref_squeeze %dma_wait3A_885 : memref<1x1x80xi32, #tpu.memory_space<vmem>> -> memref<80xi32, #tpu.memory_space<vmem>>
          %dma_wait3A_887 = arith.constant 0 : i32
          %dma_wait3A_888 = arith.constant 0 : i32
          %dma_wait3A_889 = tpu.memref_slice %arg13[%dma_wait3A_887, %dma_wait3A_888] : memref<10240x8xf32, #tpu.memory_space<vmem_shared>> -> memref<10240x8xf32, #tpu.memory_space<vmem_shared>>
          tpu.wait_indirect_dma semaphore(%run_scoped3A_871 : memref<!tpu.dma_semaphore, #tpu.memory_space<semaphore_mem>>) src(%dma_wait3A_883 : memref<80x8xf32, #tpu.memory_space<vmem>>) dst(%dma_wait3A_889 : memref<10240x8xf32, #tpu.memory_space<vmem_shared>>)
          tpu.yield
        }) : () -> ()
        %run_scoped3A_869 = arith.constant 1 : i32
        %run_scoped3A_870 = arith.constant 4 : i32
        "tpu.region"() ({
          %run_scoped3A_871 = tpu.sem_alloc : memref<!tpu.dma_semaphore, #tpu.memory_space<semaphore_mem>>
          %dma_start3A_872 = arith.constant 0 : i32
          %dma_start3A_873 = arith.constant 0 : i32
          %dma_start3A_874 = tpu.memref_slice %arg11[%dma_start3A_872, %dma_start3A_873] : memref<80x8xf32, #tpu.memory_space<vmem>> -> memref<80x8xf32, #tpu.memory_space<vmem>>
          %dma_start3A_875 = arith.constant 0 : i32
          %dma_start3A_876 = tpu.memref_slice %arg10[%run_scoped3A_869, %run_scoped3A_870, %dma_start3A_875] : memref<2x5x80xi32, #tpu.memory_space<vmem>> -> memref<1x1x80xi32, #tpu.memory_space<vmem>>
          %dma_start3A_877 = tpu.memref_squeeze %dma_start3A_876 : memref<1x1x80xi32, #tpu.memory_space<vmem>> -> memref<80xi32, #tpu.memory_space<vmem>>
          %dma_start3A_878 = arith.constant 0 : i32
          %dma_start3A_879 = arith.constant 0 : i32
          %dma_start3A_880 = tpu.memref_slice %arg13[%dma_start3A_878, %dma_start3A_879] : memref<10240x8xf32, #tpu.memory_space<vmem_shared>> -> memref<10240x8xf32, #tpu.memory_space<vmem_shared>>
          tpu.enqueue_indirect_dma source(%dma_start3A_874 : memref<80x8xf32, #tpu.memory_space<vmem>>) target(%dma_start3A_880 : memref<10240x8xf32, #tpu.memory_space<vmem_shared>>) offsets(%dma_start3A_877 : memref<80xi32, #tpu.memory_space<vmem>>) semaphore(%run_scoped3A_871 : memref<!tpu.dma_semaphore, #tpu.memory_space<semaphore_mem>>) {add = true}
          %dma_wait3A_881 = arith.constant 0 : i32
          %dma_wait3A_882 = arith.constant 0 : i32
          %dma_wait3A_883 = tpu.memref_slice %arg11[%dma_wait3A_881, %dma_wait3A_882] : memref<80x8xf32, #tpu.memory_space<vmem>> -> memref<80x8xf32, #tpu.memory_space<vmem>>
          %dma_wait3A_884 = arith.constant 0 : i32
          %dma_wait3A_885 = tpu.memref_slice %arg10[%run_scoped3A_869, %run_scoped3A_870, %dma_wait3A_884] : memref<2x5x80xi32, #tpu.memory_space<vmem>> -> memref<1x1x80xi32, #tpu.memory_space<vmem>>
          %dma_wait3A_886 = tpu.memref_squeeze %dma_wait3A_885 : memref<1x1x80xi32, #tpu.memory_space<vmem>> -> memref<80xi32, #tpu.memory_space<vmem>>
          %dma_wait3A_887 = arith.constant 0 : i32
          %dma_wait3A_888 = arith.constant 0 : i32
          %dma_wait3A_889 = tpu.memref_slice %arg13[%dma_wait3A_887, %dma_wait3A_888] : memref<10240x8xf32, #tpu.memory_space<vmem_shared>> -> memref<10240x8xf32, #tpu.memory_space<vmem_shared>>
          tpu.wait_indirect_dma semaphore(%run_scoped3A_871 : memref<!tpu.dma_semaphore, #tpu.memory_space<semaphore_mem>>) src(%dma_wait3A_883 : memref<80x8xf32, #tpu.memory_space<vmem>>) dst(%dma_wait3A_889 : memref<10240x8xf32, #tpu.memory_space<vmem_shared>>)
          tpu.yield
        }) : () -> ()
      } else {
      }
      %add3A_770 = arith.constant 3 : i32
      %add3A_771 = arith.addi %mul3A_421, %add3A_770 : i32
      %lt3A_772 = arith.constant 50 : i32
      %lt3A_773 = arith.cmpi slt, %add3A_771, %lt3A_772 : i32
      %jit3A_774 = arith.constant 0 : i32
      %select_n3A_775 = arith.select %lt3A_773, %add3A_771, %jit3A_774 : i32
      %mul3A_776 = arith.constant 20000 : i32
      %mul3A_777 = arith.muli %arg1, %mul3A_776 : i32
      %mul3A_778 = arith.constant 400 : i32
      %mul3A_779 = arith.muli %select_n3A_775, %mul3A_778 : i32
      %add3A_780 = arith.addi %mul3A_777, %mul3A_779 : i32
      %add3A_781 = arith.constant 0 : i32
      %add3A_782 = arith.addi %add3A_780, %add3A_781 : i32
      %dma_start3A_783 = arith.constant 1 : i32
      %dma_start3A_784 = arith.constant 0 : i32
      %dma_start3A_785 = arith.constant 0 : i32
      %dma_start3A_786 = tpu.memref_slice %arg10[%dma_start3A_783, %dma_start3A_784, %dma_start3A_785] : memref<2x5x80xi32, #tpu.memory_space<vmem>> -> memref<1x1x80xi32, #tpu.memory_space<vmem>>
      %dma_start3A_787 = tpu.memref_squeeze %dma_start3A_786 : memref<1x1x80xi32, #tpu.memory_space<vmem>> -> memref<80xi32, #tpu.memory_space<vmem>>
      %dma_start3A_788 = tpu.memref_slice %arg4[%add3A_782] : memref<320000xi32, #tpu.memory_space<hbm>> -> memref<80xi32, #tpu.memory_space<hbm>>
      %dma_start3A_789 = arith.constant 0 : i32
      %dma_start3A_790 = tpu.memref_slice %arg10[%dma_start3A_783, %dma_start3A_784, %dma_start3A_789] : memref<2x5x80xi32, #tpu.memory_space<vmem>> -> memref<1x1x80xi32, #tpu.memory_space<vmem>>
      %dma_start3A_791 = tpu.memref_squeeze %dma_start3A_790 : memref<1x1x80xi32, #tpu.memory_space<vmem>> -> memref<80xi32, #tpu.memory_space<vmem>>
      %dma_start3A_792 = tpu.memref_slice %arg4[%add3A_782] : memref<320000xi32, #tpu.memory_space<hbm>> -> memref<80xi32, #tpu.memory_space<hbm>>
      tpu.enqueue_dma source(%dma_start3A_792 : memref<80xi32, #tpu.memory_space<hbm>>) target(%dma_start3A_791 : memref<80xi32, #tpu.memory_space<vmem>>) target_semaphore(%arg19 : memref<!tpu.dma_semaphore, #tpu.memory_space<semaphore_mem>>)
      %mul3A_793 = arith.constant 20000 : i32
      %mul3A_794 = arith.muli %arg1, %mul3A_793 : i32
      %mul3A_795 = arith.constant 400 : i32
      %mul3A_796 = arith.muli %select_n3A_775, %mul3A_795 : i32
      %add3A_797 = arith.addi %mul3A_794, %mul3A_796 : i32
      %add3A_798 = arith.constant 80 : i32
      %add3A_799 = arith.addi %add3A_797, %add3A_798 : i32
      %dma_start3A_800 = arith.constant 1 : i32
      %dma_start3A_801 = arith.constant 1 : i32
      %dma_start3A_802 = arith.constant 0 : i32
      %dma_start3A_803 = tpu.memref_slice %arg10[%dma_start3A_800, %dma_start3A_801, %dma_start3A_802] : memref<2x5x80xi32, #tpu.memory_space<vmem>> -> memref<1x1x80xi32, #tpu.memory_space<vmem>>
      %dma_start3A_804 = tpu.memref_squeeze %dma_start3A_803 : memref<1x1x80xi32, #tpu.memory_space<vmem>> -> memref<80xi32, #tpu.memory_space<vmem>>
      %dma_start3A_805 = tpu.memref_slice %arg4[%add3A_799] : memref<320000xi32, #tpu.memory_space<hbm>> -> memref<80xi32, #tpu.memory_space<hbm>>
      %dma_start3A_806 = arith.constant 0 : i32
      %dma_start3A_807 = tpu.memref_slice %arg10[%dma_start3A_800, %dma_start3A_801, %dma_start3A_806] : memref<2x5x80xi32, #tpu.memory_space<vmem>> -> memref<1x1x80xi32, #tpu.memory_space<vmem>>
      %dma_start3A_808 = tpu.memref_squeeze %dma_start3A_807 : memref<1x1x80xi32, #tpu.memory_space<vmem>> -> memref<80xi32, #tpu.memory_space<vmem>>
      %dma_start3A_809 = tpu.memref_slice %arg4[%add3A_799] : memref<320000xi32, #tpu.memory_space<hbm>> -> memref<80xi32, #tpu.memory_space<hbm>>
      tpu.enqueue_dma source(%dma_start3A_809 : memref<80xi32, #tpu.memory_space<hbm>>) target(%dma_start3A_808 : memref<80xi32, #tpu.memory_space<vmem>>) target_semaphore(%arg19 : memref<!tpu.dma_semaphore, #tpu.memory_space<semaphore_mem>>)
      %mul3A_810 = arith.constant 20000 : i32
      %mul3A_811 = arith.muli %arg1, %mul3A_810 : i32
      %mul3A_812 = arith.constant 400 : i32
      %mul3A_813 = arith.muli %select_n3A_775, %mul3A_812 : i32
      %add3A_814 = arith.addi %mul3A_811, %mul3A_813 : i32
      %add3A_815 = arith.constant 160 : i32
      %add3A_816 = arith.addi %add3A_814, %add3A_815 : i32
      %dma_start3A_817 = arith.constant 1 : i32
      %dma_start3A_818 = arith.constant 2 : i32
      %dma_start3A_819 = arith.constant 0 : i32
      %dma_start3A_820 = tpu.memref_slice %arg10[%dma_start3A_817, %dma_start3A_818, %dma_start3A_819] : memref<2x5x80xi32, #tpu.memory_space<vmem>> -> memref<1x1x80xi32, #tpu.memory_space<vmem>>
      %dma_start3A_821 = tpu.memref_squeeze %dma_start3A_820 : memref<1x1x80xi32, #tpu.memory_space<vmem>> -> memref<80xi32, #tpu.memory_space<vmem>>
      %dma_start3A_822 = tpu.memref_slice %arg4[%add3A_816] : memref<320000xi32, #tpu.memory_space<hbm>> -> memref<80xi32, #tpu.memory_space<hbm>>
      %dma_start3A_823 = arith.constant 0 : i32
      %dma_start3A_824 = tpu.memref_slice %arg10[%dma_start3A_817, %dma_start3A_818, %dma_start3A_823] : memref<2x5x80xi32, #tpu.memory_space<vmem>> -> memref<1x1x80xi32, #tpu.memory_space<vmem>>
      %dma_start3A_825 = tpu.memref_squeeze %dma_start3A_824 : memref<1x1x80xi32, #tpu.memory_space<vmem>> -> memref<80xi32, #tpu.memory_space<vmem>>
      %dma_start3A_826 = tpu.memref_slice %arg4[%add3A_816] : memref<320000xi32, #tpu.memory_space<hbm>> -> memref<80xi32, #tpu.memory_space<hbm>>
      tpu.enqueue_dma source(%dma_start3A_826 : memref<80xi32, #tpu.memory_space<hbm>>) target(%dma_start3A_825 : memref<80xi32, #tpu.memory_space<vmem>>) target_semaphore(%arg19 : memref<!tpu.dma_semaphore, #tpu.memory_space<semaphore_mem>>)
      %mul3A_827 = arith.constant 20000 : i32
      %mul3A_828 = arith.muli %arg1, %mul3A_827 : i32
      %mul3A_829 = arith.constant 400 : i32
      %mul3A_830 = arith.muli %select_n3A_775, %mul3A_829 : i32
      %add3A_831 = arith.addi %mul3A_828, %mul3A_830 : i32
      %add3A_832 = arith.constant 240 : i32
      %add3A_833 = arith.addi %add3A_831, %add3A_832 : i32
      %dma_start3A_834 = arith.constant 1 : i32
      %dma_start3A_835 = arith.constant 3 : i32
      %dma_start3A_836 = arith.constant 0 : i32
      %dma_start3A_837 = tpu.memref_slice %arg10[%dma_start3A_834, %dma_start3A_835, %dma_start3A_836] : memref<2x5x80xi32, #tpu.memory_space<vmem>> -> memref<1x1x80xi32, #tpu.memory_space<vmem>>
      %dma_start3A_838 = tpu.memref_squeeze %dma_start3A_837 : memref<1x1x80xi32, #tpu.memory_space<vmem>> -> memref<80xi32, #tpu.memory_space<vmem>>
      %dma_start3A_839 = tpu.memref_slice %arg4[%add3A_833] : memref<320000xi32, #tpu.memory_space<hbm>> -> memref<80xi32, #tpu.memory_space<hbm>>
      %dma_start3A_840 = arith.constant 0 : i32
      %dma_start3A_841 = tpu.memref_slice %arg10[%dma_start3A_834, %dma_start3A_835, %dma_start3A_840] : memref<2x5x80xi32, #tpu.memory_space<vmem>> -> memref<1x1x80xi32, #tpu.memory_space<vmem>>
      %dma_start3A_842 = tpu.memref_squeeze %dma_start3A_841 : memref<1x1x80xi32, #tpu.memory_space<vmem>> -> memref<80xi32, #tpu.memory_space<vmem>>
      %dma_start3A_843 = tpu.memref_slice %arg4[%add3A_833] : memref<320000xi32, #tpu.memory_space<hbm>> -> memref<80xi32, #tpu.memory_space<hbm>>
      tpu.enqueue_dma source(%dma_start3A_843 : memref<80xi32, #tpu.memory_space<hbm>>) target(%dma_start3A_842 : memref<80xi32, #tpu.memory_space<vmem>>) target_semaphore(%arg19 : memref<!tpu.dma_semaphore, #tpu.memory_space<semaphore_mem>>)
      %mul3A_844 = arith.constant 20000 : i32
      %mul3A_845 = arith.muli %arg1, %mul3A_844 : i32
      %mul3A_846 = arith.constant 400 : i32
      %mul3A_847 = arith.muli %select_n3A_775, %mul3A_846 : i32
      %add3A_848 = arith.addi %mul3A_845, %mul3A_847 : i32
      %add3A_849 = arith.constant 320 : i32
      %add3A_850 = arith.addi %add3A_848, %add3A_849 : i32
      %dma_start3A_851 = arith.constant 1 : i32
      %dma_start3A_852 = arith.constant 4 : i32
      %dma_start3A_853 = arith.constant 0 : i32
      %dma_start3A_854 = tpu.memref_slice %arg10[%dma_start3A_851, %dma_start3A_852, %dma_start3A_853] : memref<2x5x80xi32, #tpu.memory_space<vmem>> -> memref<1x1x80xi32, #tpu.memory_space<vmem>>
      %dma_start3A_855 = tpu.memref_squeeze %dma_start3A_854 : memref<1x1x80xi32, #tpu.memory_space<vmem>> -> memref<80xi32, #tpu.memory_space<vmem>>
      %dma_start3A_856 = tpu.memref_slice %arg4[%add3A_850] : memref<320000xi32, #tpu.memory_space<hbm>> -> memref<80xi32, #tpu.memory_space<hbm>>
      %dma_start3A_857 = arith.constant 0 : i32
      %dma_start3A_858 = tpu.memref_slice %arg10[%dma_start3A_851, %dma_start3A_852, %dma_start3A_857] : memref<2x5x80xi32, #tpu.memory_space<vmem>> -> memref<1x1x80xi32, #tpu.memory_space<vmem>>
      %dma_start3A_859 = tpu.memref_squeeze %dma_start3A_858 : memref<1x1x80xi32, #tpu.memory_space<vmem>> -> memref<80xi32, #tpu.memory_space<vmem>>
      %dma_start3A_860 = tpu.memref_slice %arg4[%add3A_850] : memref<320000xi32, #tpu.memory_space<hbm>> -> memref<80xi32, #tpu.memory_space<hbm>>
      tpu.enqueue_dma source(%dma_start3A_860 : memref<80xi32, #tpu.memory_space<hbm>>) target(%dma_start3A_859 : memref<80xi32, #tpu.memory_space<vmem>>) target_semaphore(%arg19 : memref<!tpu.dma_semaphore, #tpu.memory_space<semaphore_mem>>)
    }
    %scan3A_272 = arith.constant 25 : i32
    %dma_wait3A_273 = arith.constant 1 : i32
    %dma_wait3A_274 = arith.constant 0 : i32
    %dma_wait3A_275 = tpu.memref_slice %arg9[%dma_wait3A_273, %dma_wait3A_274] : memref<2x400xi32, #tpu.memory_space<vmem>> -> memref<1x400xi32, #tpu.memory_space<vmem>>
    %dma_wait3A_276 = tpu.memref_squeeze %dma_wait3A_275 : memref<1x400xi32, #tpu.memory_space<vmem>> -> memref<400xi32, #tpu.memory_space<vmem>>
    %dma_wait3A_277 = arith.constant 0 : i32
    %dma_wait3A_278 = tpu.memref_slice %arg3[%dma_wait3A_277] : memref<320000xi32, #tpu.memory_space<hbm>> -> memref<400xi32, #tpu.memory_space<hbm>>
    %dma_wait3A_279 = arith.constant 0 : i32
    %dma_wait3A_280 = tpu.memref_slice %arg9[%dma_wait3A_273, %dma_wait3A_279] : memref<2x400xi32, #tpu.memory_space<vmem>> -> memref<1x400xi32, #tpu.memory_space<vmem>>
    %dma_wait3A_281 = tpu.memref_squeeze %dma_wait3A_280 : memref<1x400xi32, #tpu.memory_space<vmem>> -> memref<400xi32, #tpu.memory_space<vmem>>
    %dma_wait3A_282 = arith.constant 0 : i32
    %dma_wait3A_283 = tpu.memref_slice %arg3[%dma_wait3A_282] : memref<320000xi32, #tpu.memory_space<hbm>> -> memref<400xi32, #tpu.memory_space<hbm>>
    tpu.wait_dma2 semaphore(%arg17 : memref<!tpu.dma_semaphore, #tpu.memory_space<semaphore_mem>>) src(%dma_wait3A_283 : memref<400xi32, #tpu.memory_space<hbm>>) dst(%dma_wait3A_281 : memref<400xi32, #tpu.memory_space<vmem>>)
    %dma_wait3A_284 = arith.constant 0 : i32
    %dma_wait3A_285 = arith.constant 0 : i32
    %dma_wait3A_286 = arith.constant 0 : i32
    %dma_wait3A_287 = tpu.memref_slice %arg10[%dma_wait3A_284, %dma_wait3A_285, %dma_wait3A_286] : memref<2x5x80xi32, #tpu.memory_space<vmem>> -> memref<1x1x80xi32, #tpu.memory_space<vmem>>
    %dma_wait3A_288 = tpu.memref_squeeze %dma_wait3A_287 : memref<1x1x80xi32, #tpu.memory_space<vmem>> -> memref<80xi32, #tpu.memory_space<vmem>>
    %dma_wait3A_289 = arith.constant 0 : i32
    %dma_wait3A_290 = tpu.memref_slice %arg4[%dma_wait3A_289] : memref<320000xi32, #tpu.memory_space<hbm>> -> memref<80xi32, #tpu.memory_space<hbm>>
    %dma_wait3A_291 = arith.constant 0 : i32
    %dma_wait3A_292 = tpu.memref_slice %arg10[%dma_wait3A_284, %dma_wait3A_285, %dma_wait3A_291] : memref<2x5x80xi32, #tpu.memory_space<vmem>> -> memref<1x1x80xi32, #tpu.memory_space<vmem>>
    %dma_wait3A_293 = tpu.memref_squeeze %dma_wait3A_292 : memref<1x1x80xi32, #tpu.memory_space<vmem>> -> memref<80xi32, #tpu.memory_space<vmem>>
    %dma_wait3A_294 = arith.constant 0 : i32
    %dma_wait3A_295 = tpu.memref_slice %arg4[%dma_wait3A_294] : memref<320000xi32, #tpu.memory_space<hbm>> -> memref<80xi32, #tpu.memory_space<hbm>>
    tpu.wait_dma2 semaphore(%arg18 : memref<!tpu.dma_semaphore, #tpu.memory_space<semaphore_mem>>) src(%dma_wait3A_295 : memref<80xi32, #tpu.memory_space<hbm>>) dst(%dma_wait3A_293 : memref<80xi32, #tpu.memory_space<vmem>>)
    %dma_wait3A_296 = arith.constant 0 : i32
    %dma_wait3A_297 = arith.constant 1 : i32
    %dma_wait3A_298 = arith.constant 0 : i32
    %dma_wait3A_299 = tpu.memref_slice %arg10[%dma_wait3A_296, %dma_wait3A_297, %dma_wait3A_298] : memref<2x5x80xi32, #tpu.memory_space<vmem>> -> memref<1x1x80xi32, #tpu.memory_space<vmem>>
    %dma_wait3A_300 = tpu.memref_squeeze %dma_wait3A_299 : memref<1x1x80xi32, #tpu.memory_space<vmem>> -> memref<80xi32, #tpu.memory_space<vmem>>
    %dma_wait3A_301 = arith.constant 0 : i32
    %dma_wait3A_302 = tpu.memref_slice %arg4[%dma_wait3A_301] : memref<320000xi32, #tpu.memory_space<hbm>> -> memref<80xi32, #tpu.memory_space<hbm>>
    %dma_wait3A_303 = arith.constant 0 : i32
    %dma_wait3A_304 = tpu.memref_slice %arg10[%dma_wait3A_296, %dma_wait3A_297, %dma_wait3A_303] : memref<2x5x80xi32, #tpu.memory_space<vmem>> -> memref<1x1x80xi32, #tpu.memory_space<vmem>>
    %dma_wait3A_305 = tpu.memref_squeeze %dma_wait3A_304 : memref<1x1x80xi32, #tpu.memory_space<vmem>> -> memref<80xi32, #tpu.memory_space<vmem>>
    %dma_wait3A_306 = arith.constant 0 : i32
    %dma_wait3A_307 = tpu.memref_slice %arg4[%dma_wait3A_306] : memref<320000xi32, #tpu.memory_space<hbm>> -> memref<80xi32, #tpu.memory_space<hbm>>
    tpu.wait_dma2 semaphore(%arg18 : memref<!tpu.dma_semaphore, #tpu.memory_space<semaphore_mem>>) src(%dma_wait3A_307 : memref<80xi32, #tpu.memory_space<hbm>>) dst(%dma_wait3A_305 : memref<80xi32, #tpu.memory_space<vmem>>)
    %dma_wait3A_308 = arith.constant 0 : i32
    %dma_wait3A_309 = arith.constant 2 : i32
    %dma_wait3A_310 = arith.constant 0 : i32
    %dma_wait3A_311 = tpu.memref_slice %arg10[%dma_wait3A_308, %dma_wait3A_309, %dma_wait3A_310] : memref<2x5x80xi32, #tpu.memory_space<vmem>> -> memref<1x1x80xi32, #tpu.memory_space<vmem>>
    %dma_wait3A_312 = tpu.memref_squeeze %dma_wait3A_311 : memref<1x1x80xi32, #tpu.memory_space<vmem>> -> memref<80xi32, #tpu.memory_space<vmem>>
    %dma_wait3A_313 = arith.constant 0 : i32
    %dma_wait3A_314 = tpu.memref_slice %arg4[%dma_wait3A_313] : memref<320000xi32, #tpu.memory_space<hbm>> -> memref<80xi32, #tpu.memory_space<hbm>>
    %dma_wait3A_315 = arith.constant 0 : i32
    %dma_wait3A_316 = tpu.memref_slice %arg10[%dma_wait3A_308, %dma_wait3A_309, %dma_wait3A_315] : memref<2x5x80xi32, #tpu.memory_space<vmem>> -> memref<1x1x80xi32, #tpu.memory_space<vmem>>
    %dma_wait3A_317 = tpu.memref_squeeze %dma_wait3A_316 : memref<1x1x80xi32, #tpu.memory_space<vmem>> -> memref<80xi32, #tpu.memory_space<vmem>>
    %dma_wait3A_318 = arith.constant 0 : i32
    %dma_wait3A_319 = tpu.memref_slice %arg4[%dma_wait3A_318] : memref<320000xi32, #tpu.memory_space<hbm>> -> memref<80xi32, #tpu.memory_space<hbm>>
    tpu.wait_dma2 semaphore(%arg18 : memref<!tpu.dma_semaphore, #tpu.memory_space<semaphore_mem>>) src(%dma_wait3A_319 : memref<80xi32, #tpu.memory_space<hbm>>) dst(%dma_wait3A_317 : memref<80xi32, #tpu.memory_space<vmem>>)
    %dma_wait3A_320 = arith.constant 0 : i32
    %dma_wait3A_321 = arith.constant 3 : i32
    %dma_wait3A_322 = arith.constant 0 : i32
    %dma_wait3A_323 = tpu.memref_slice %arg10[%dma_wait3A_320, %dma_wait3A_321, %dma_wait3A_322] : memref<2x5x80xi32, #tpu.memory_space<vmem>> -> memref<1x1x80xi32, #tpu.memory_space<vmem>>
    %dma_wait3A_324 = tpu.memref_squeeze %dma_wait3A_323 : memref<1x1x80xi32, #tpu.memory_space<vmem>> -> memref<80xi32, #tpu.memory_space<vmem>>
    %dma_wait3A_325 = arith.constant 0 : i32
    %dma_wait3A_326 = tpu.memref_slice %arg4[%dma_wait3A_325] : memref<320000xi32, #tpu.memory_space<hbm>> -> memref<80xi32, #tpu.memory_space<hbm>>
    %dma_wait3A_327 = arith.constant 0 : i32
    %dma_wait3A_328 = tpu.memref_slice %arg10[%dma_wait3A_320, %dma_wait3A_321, %dma_wait3A_327] : memref<2x5x80xi32, #tpu.memory_space<vmem>> -> memref<1x1x80xi32, #tpu.memory_space<vmem>>
    %dma_wait3A_329 = tpu.memref_squeeze %dma_wait3A_328 : memref<1x1x80xi32, #tpu.memory_space<vmem>> -> memref<80xi32, #tpu.memory_space<vmem>>
    %dma_wait3A_330 = arith.constant 0 : i32
    %dma_wait3A_331 = tpu.memref_slice %arg4[%dma_wait3A_330] : memref<320000xi32, #tpu.memory_space<hbm>> -> memref<80xi32, #tpu.memory_space<hbm>>
    tpu.wait_dma2 semaphore(%arg18 : memref<!tpu.dma_semaphore, #tpu.memory_space<semaphore_mem>>) src(%dma_wait3A_331 : memref<80xi32, #tpu.memory_space<hbm>>) dst(%dma_wait3A_329 : memref<80xi32, #tpu.memory_space<vmem>>)
    %dma_wait3A_332 = arith.constant 0 : i32
    %dma_wait3A_333 = arith.constant 4 : i32
    %dma_wait3A_334 = arith.constant 0 : i32
    %dma_wait3A_335 = tpu.memref_slice %arg10[%dma_wait3A_332, %dma_wait3A_333, %dma_wait3A_334] : memref<2x5x80xi32, #tpu.memory_space<vmem>> -> memref<1x1x80xi32, #tpu.memory_space<vmem>>
    %dma_wait3A_336 = tpu.memref_squeeze %dma_wait3A_335 : memref<1x1x80xi32, #tpu.memory_space<vmem>> -> memref<80xi32, #tpu.memory_space<vmem>>
    %dma_wait3A_337 = arith.constant 0 : i32
    %dma_wait3A_338 = tpu.memref_slice %arg4[%dma_wait3A_337] : memref<320000xi32, #tpu.memory_space<hbm>> -> memref<80xi32, #tpu.memory_space<hbm>>
    %dma_wait3A_339 = arith.constant 0 : i32
    %dma_wait3A_340 = tpu.memref_slice %arg10[%dma_wait3A_332, %dma_wait3A_333, %dma_wait3A_339] : memref<2x5x80xi32, #tpu.memory_space<vmem>> -> memref<1x1x80xi32, #tpu.memory_space<vmem>>
    %dma_wait3A_341 = tpu.memref_squeeze %dma_wait3A_340 : memref<1x1x80xi32, #tpu.memory_space<vmem>> -> memref<80xi32, #tpu.memory_space<vmem>>
    %dma_wait3A_342 = arith.constant 0 : i32
    %dma_wait3A_343 = tpu.memref_slice %arg4[%dma_wait3A_342] : memref<320000xi32, #tpu.memory_space<hbm>> -> memref<80xi32, #tpu.memory_space<hbm>>
    tpu.wait_dma2 semaphore(%arg18 : memref<!tpu.dma_semaphore, #tpu.memory_space<semaphore_mem>>) src(%dma_wait3A_343 : memref<80xi32, #tpu.memory_space<hbm>>) dst(%dma_wait3A_341 : memref<80xi32, #tpu.memory_space<vmem>>)
    %dma_wait3A_344 = arith.constant 1 : i32
    %dma_wait3A_345 = arith.constant 0 : i32
    %dma_wait3A_346 = arith.constant 0 : i32
    %dma_wait3A_347 = tpu.memref_slice %arg10[%dma_wait3A_344, %dma_wait3A_345, %dma_wait3A_346] : memref<2x5x80xi32, #tpu.memory_space<vmem>> -> memref<1x1x80xi32, #tpu.memory_space<vmem>>
    %dma_wait3A_348 = tpu.memref_squeeze %dma_wait3A_347 : memref<1x1x80xi32, #tpu.memory_space<vmem>> -> memref<80xi32, #tpu.memory_space<vmem>>
    %dma_wait3A_349 = arith.constant 0 : i32
    %dma_wait3A_350 = tpu.memref_slice %arg4[%dma_wait3A_349] : memref<320000xi32, #tpu.memory_space<hbm>> -> memref<80xi32, #tpu.memory_space<hbm>>
    %dma_wait3A_351 = arith.constant 0 : i32
    %dma_wait3A_352 = tpu.memref_slice %arg10[%dma_wait3A_344, %dma_wait3A_345, %dma_wait3A_351] : memref<2x5x80xi32, #tpu.memory_space<vmem>> -> memref<1x1x80xi32, #tpu.memory_space<vmem>>
    %dma_wait3A_353 = tpu.memref_squeeze %dma_wait3A_352 : memref<1x1x80xi32, #tpu.memory_space<vmem>> -> memref<80xi32, #tpu.memory_space<vmem>>
    %dma_wait3A_354 = arith.constant 0 : i32
    %dma_wait3A_355 = tpu.memref_slice %arg4[%dma_wait3A_354] : memref<320000xi32, #tpu.memory_space<hbm>> -> memref<80xi32, #tpu.memory_space<hbm>>
    tpu.wait_dma2 semaphore(%arg19 : memref<!tpu.dma_semaphore, #tpu.memory_space<semaphore_mem>>) src(%dma_wait3A_355 : memref<80xi32, #tpu.memory_space<hbm>>) dst(%dma_wait3A_353 : memref<80xi32, #tpu.memory_space<vmem>>)
    %dma_wait3A_356 = arith.constant 1 : i32
    %dma_wait3A_357 = arith.constant 1 : i32
    %dma_wait3A_358 = arith.constant 0 : i32
    %dma_wait3A_359 = tpu.memref_slice %arg10[%dma_wait3A_356, %dma_wait3A_357, %dma_wait3A_358] : memref<2x5x80xi32, #tpu.memory_space<vmem>> -> memref<1x1x80xi32, #tpu.memory_space<vmem>>
    %dma_wait3A_360 = tpu.memref_squeeze %dma_wait3A_359 : memref<1x1x80xi32, #tpu.memory_space<vmem>> -> memref<80xi32, #tpu.memory_space<vmem>>
    %dma_wait3A_361 = arith.constant 0 : i32
    %dma_wait3A_362 = tpu.memref_slice %arg4[%dma_wait3A_361] : memref<320000xi32, #tpu.memory_space<hbm>> -> memref<80xi32, #tpu.memory_space<hbm>>
    %dma_wait3A_363 = arith.constant 0 : i32
    %dma_wait3A_364 = tpu.memref_slice %arg10[%dma_wait3A_356, %dma_wait3A_357, %dma_wait3A_363] : memref<2x5x80xi32, #tpu.memory_space<vmem>> -> memref<1x1x80xi32, #tpu.memory_space<vmem>>
    %dma_wait3A_365 = tpu.memref_squeeze %dma_wait3A_364 : memref<1x1x80xi32, #tpu.memory_space<vmem>> -> memref<80xi32, #tpu.memory_space<vmem>>
    %dma_wait3A_366 = arith.constant 0 : i32
    %dma_wait3A_367 = tpu.memref_slice %arg4[%dma_wait3A_366] : memref<320000xi32, #tpu.memory_space<hbm>> -> memref<80xi32, #tpu.memory_space<hbm>>
    tpu.wait_dma2 semaphore(%arg19 : memref<!tpu.dma_semaphore, #tpu.memory_space<semaphore_mem>>) src(%dma_wait3A_367 : memref<80xi32, #tpu.memory_space<hbm>>) dst(%dma_wait3A_365 : memref<80xi32, #tpu.memory_space<vmem>>)
    %dma_wait3A_368 = arith.constant 1 : i32
    %dma_wait3A_369 = arith.constant 2 : i32
    %dma_wait3A_370 = arith.constant 0 : i32
    %dma_wait3A_371 = tpu.memref_slice %arg10[%dma_wait3A_368, %dma_wait3A_369, %dma_wait3A_370] : memref<2x5x80xi32, #tpu.memory_space<vmem>> -> memref<1x1x80xi32, #tpu.memory_space<vmem>>
    %dma_wait3A_372 = tpu.memref_squeeze %dma_wait3A_371 : memref<1x1x80xi32, #tpu.memory_space<vmem>> -> memref<80xi32, #tpu.memory_space<vmem>>
    %dma_wait3A_373 = arith.constant 0 : i32
    %dma_wait3A_374 = tpu.memref_slice %arg4[%dma_wait3A_373] : memref<320000xi32, #tpu.memory_space<hbm>> -> memref<80xi32, #tpu.memory_space<hbm>>
    %dma_wait3A_375 = arith.constant 0 : i32
    %dma_wait3A_376 = tpu.memref_slice %arg10[%dma_wait3A_368, %dma_wait3A_369, %dma_wait3A_375] : memref<2x5x80xi32, #tpu.memory_space<vmem>> -> memref<1x1x80xi32, #tpu.memory_space<vmem>>
    %dma_wait3A_377 = tpu.memref_squeeze %dma_wait3A_376 : memref<1x1x80xi32, #tpu.memory_space<vmem>> -> memref<80xi32, #tpu.memory_space<vmem>>
    %dma_wait3A_378 = arith.constant 0 : i32
    %dma_wait3A_379 = tpu.memref_slice %arg4[%dma_wait3A_378] : memref<320000xi32, #tpu.memory_space<hbm>> -> memref<80xi32, #tpu.memory_space<hbm>>
    tpu.wait_dma2 semaphore(%arg19 : memref<!tpu.dma_semaphore, #tpu.memory_space<semaphore_mem>>) src(%dma_wait3A_379 : memref<80xi32, #tpu.memory_space<hbm>>) dst(%dma_wait3A_377 : memref<80xi32, #tpu.memory_space<vmem>>)
    %dma_wait3A_380 = arith.constant 1 : i32
    %dma_wait3A_381 = arith.constant 3 : i32
    %dma_wait3A_382 = arith.constant 0 : i32
    %dma_wait3A_383 = tpu.memref_slice %arg10[%dma_wait3A_380, %dma_wait3A_381, %dma_wait3A_382] : memref<2x5x80xi32, #tpu.memory_space<vmem>> -> memref<1x1x80xi32, #tpu.memory_space<vmem>>
    %dma_wait3A_384 = tpu.memref_squeeze %dma_wait3A_383 : memref<1x1x80xi32, #tpu.memory_space<vmem>> -> memref<80xi32, #tpu.memory_space<vmem>>
    %dma_wait3A_385 = arith.constant 0 : i32
    %dma_wait3A_386 = tpu.memref_slice %arg4[%dma_wait3A_385] : memref<320000xi32, #tpu.memory_space<hbm>> -> memref<80xi32, #tpu.memory_space<hbm>>
    %dma_wait3A_387 = arith.constant 0 : i32
    %dma_wait3A_388 = tpu.memref_slice %arg10[%dma_wait3A_380, %dma_wait3A_381, %dma_wait3A_387] : memref<2x5x80xi32, #tpu.memory_space<vmem>> -> memref<1x1x80xi32, #tpu.memory_space<vmem>>
    %dma_wait3A_389 = tpu.memref_squeeze %dma_wait3A_388 : memref<1x1x80xi32, #tpu.memory_space<vmem>> -> memref<80xi32, #tpu.memory_space<vmem>>
    %dma_wait3A_390 = arith.constant 0 : i32
    %dma_wait3A_391 = tpu.memref_slice %arg4[%dma_wait3A_390] : memref<320000xi32, #tpu.memory_space<hbm>> -> memref<80xi32, #tpu.memory_space<hbm>>
    tpu.wait_dma2 semaphore(%arg19 : memref<!tpu.dma_semaphore, #tpu.memory_space<semaphore_mem>>) src(%dma_wait3A_391 : memref<80xi32, #tpu.memory_space<hbm>>) dst(%dma_wait3A_389 : memref<80xi32, #tpu.memory_space<vmem>>)
    %dma_wait3A_392 = arith.constant 1 : i32
    %dma_wait3A_393 = arith.constant 4 : i32
    %dma_wait3A_394 = arith.constant 0 : i32
    %dma_wait3A_395 = tpu.memref_slice %arg10[%dma_wait3A_392, %dma_wait3A_393, %dma_wait3A_394] : memref<2x5x80xi32, #tpu.memory_space<vmem>> -> memref<1x1x80xi32, #tpu.memory_space<vmem>>
    %dma_wait3A_396 = tpu.memref_squeeze %dma_wait3A_395 : memref<1x1x80xi32, #tpu.memory_space<vmem>> -> memref<80xi32, #tpu.memory_space<vmem>>
    %dma_wait3A_397 = arith.constant 0 : i32
    %dma_wait3A_398 = tpu.memref_slice %arg4[%dma_wait3A_397] : memref<320000xi32, #tpu.memory_space<hbm>> -> memref<80xi32, #tpu.memory_space<hbm>>
    %dma_wait3A_399 = arith.constant 0 : i32
    %dma_wait3A_400 = tpu.memref_slice %arg10[%dma_wait3A_392, %dma_wait3A_393, %dma_wait3A_399] : memref<2x5x80xi32, #tpu.memory_space<vmem>> -> memref<1x1x80xi32, #tpu.memory_space<vmem>>
    %dma_wait3A_401 = tpu.memref_squeeze %dma_wait3A_400 : memref<1x1x80xi32, #tpu.memory_space<vmem>> -> memref<80xi32, #tpu.memory_space<vmem>>
    %dma_wait3A_402 = arith.constant 0 : i32
    %dma_wait3A_403 = tpu.memref_slice %arg4[%dma_wait3A_402] : memref<320000xi32, #tpu.memory_space<hbm>> -> memref<80xi32, #tpu.memory_space<hbm>>
    tpu.wait_dma2 semaphore(%arg19 : memref<!tpu.dma_semaphore, #tpu.memory_space<semaphore_mem>>) src(%dma_wait3A_403 : memref<80xi32, #tpu.memory_space<hbm>>) dst(%dma_wait3A_401 : memref<80xi32, #tpu.memory_space<vmem>>)
    %dma_wait3A_404 = arith.constant 0 : i32
    %dma_wait3A_405 = arith.constant 0 : i32
    %dma_wait3A_406 = tpu.memref_slice %arg2[%arg0, %dma_wait3A_404, %dma_wait3A_405] : memref<2x10000x64xf32, #tpu.memory_space<hbm>> -> memref<1x10000x64xf32, #tpu.memory_space<hbm>>
    %dma_wait3A_407 = tpu.memref_squeeze %dma_wait3A_406 : memref<1x10000x64xf32, #tpu.memory_space<hbm>> -> memref<10000x64xf32, #tpu.memory_space<hbm>>
    %dma_wait3A_408 = arith.constant 0 : i32
    %dma_wait3A_409 = arith.constant 0 : i32
    %dma_wait3A_410 = tpu.memref_slice %dma_wait3A_407[%dma_wait3A_408, %dma_wait3A_409] : memref<10000x64xf32, #tpu.memory_space<hbm>> -> memref<400x64xf32, #tpu.memory_space<hbm>>
    %dma_wait3A_411 = arith.constant 0 : i32
    %dma_wait3A_412 = arith.constant 0 : i32
    %dma_wait3A_413 = tpu.memref_slice %arg2[%arg0, %dma_wait3A_411, %dma_wait3A_412] : memref<2x10000x64xf32, #tpu.memory_space<hbm>> -> memref<1x10000x64xf32, #tpu.memory_space<hbm>>
    %dma_wait3A_414 = tpu.memref_squeeze %dma_wait3A_413 : memref<1x10000x64xf32, #tpu.memory_space<hbm>> -> memref<10000x64xf32, #tpu.memory_space<hbm>>
    %dma_wait3A_415 = arith.constant 0 : i32
    %dma_wait3A_416 = arith.constant 0 : i32
    %dma_wait3A_417 = tpu.memref_slice %dma_wait3A_414[%dma_wait3A_415, %dma_wait3A_416] : memref<10000x64xf32, #tpu.memory_space<hbm>> -> memref<400x64xf32, #tpu.memory_space<hbm>>
    tpu.wait_dma2 semaphore(%arg14 : memref<!tpu.dma_semaphore, #tpu.memory_space<semaphore_mem>>) src(%dma_wait3A_417 : memref<400x64xf32, #tpu.memory_space<hbm>>) dst(%arg7 : memref<400x64xf32, #tpu.memory_space<vmem>>)
    %barrier3A_418 = arith.constant 0 : index
    tpu.barrier barrier_id(%barrier3A_418)
    "tpu.region"() ({
      %run_scoped3A = tpu.sem_alloc : memref<!tpu.dma_semaphore, #tpu.memory_space<semaphore_mem>>
      %dma_start3A_419 = arith.constant 0 : i32
      %dma_start3A_420 = tpu.memref_slice %arg5[%arg0, %mul3A_0, %dma_start3A_419] : memref<2x10240x64xf32, #tpu.memory_space<hbm>> -> memref<1x640x64xf32, #tpu.memory_space<hbm>>
      %dma_start3A_421 = tpu.memref_squeeze %dma_start3A_420 : memref<1x640x64xf32, #tpu.memory_space<hbm>> -> memref<640x64xf32, #tpu.memory_space<hbm>>
      %dma_start3A_422 = arith.constant 0 : i32
      %dma_start3A_423 = tpu.memref_slice %arg12[%mul3A_0, %dma_start3A_422] : memref<10240x64xf32, #tpu.memory_space<vmem_shared>> -> memref<640x64xf32, #tpu.memory_space<vmem_shared>>
      tpu.enqueue_dma source(%dma_start3A_423 : memref<640x64xf32, #tpu.memory_space<vmem_shared>>) target(%dma_start3A_421 : memref<640x64xf32, #tpu.memory_space<hbm>>) target_semaphore(%run_scoped3A : memref<!tpu.dma_semaphore, #tpu.memory_space<semaphore_mem>>)
      %dma_wait3A_424 = arith.constant 0 : i32
      %dma_wait3A_425 = tpu.memref_slice %arg5[%arg0, %mul3A_0, %dma_wait3A_424] : memref<2x10240x64xf32, #tpu.memory_space<hbm>> -> memref<1x640x64xf32, #tpu.memory_space<hbm>>
      %dma_wait3A_426 = tpu.memref_squeeze %dma_wait3A_425 : memref<1x640x64xf32, #tpu.memory_space<hbm>> -> memref<640x64xf32, #tpu.memory_space<hbm>>
      %dma_wait3A_427 = arith.constant 0 : i32
      %dma_wait3A_428 = tpu.memref_slice %arg12[%mul3A_0, %dma_wait3A_427] : memref<10240x64xf32, #tpu.memory_space<vmem_shared>> -> memref<640x64xf32, #tpu.memory_space<vmem_shared>>
      tpu.wait_dma2 semaphore(%run_scoped3A : memref<!tpu.dma_semaphore, #tpu.memory_space<semaphore_mem>>) src(%dma_wait3A_428 : memref<640x64xf32, #tpu.memory_space<vmem_shared>>) dst(%dma_wait3A_426 : memref<640x64xf32, #tpu.memory_space<hbm>>)
      tpu.yield
    }) : () -> ()
    "tpu.region"() ({
      %run_scoped3A = tpu.sem_alloc : memref<!tpu.dma_semaphore, #tpu.memory_space<semaphore_mem>>
      %dma_start3A_419 = arith.constant 0 : i32
      %dma_start3A_420 = tpu.memref_slice %arg6[%arg0, %mul3A_0, %dma_start3A_419] : memref<2x10240x8xf32, #tpu.memory_space<hbm>> -> memref<1x640x8xf32, #tpu.memory_space<hbm>>
      %dma_start3A_421 = tpu.memref_squeeze %dma_start3A_420 : memref<1x640x8xf32, #tpu.memory_space<hbm>> -> memref<640x8xf32, #tpu.memory_space<hbm>>
      %dma_start3A_422 = arith.constant 0 : i32
      %dma_start3A_423 = tpu.memref_slice %arg13[%mul3A_0, %dma_start3A_422] : memref<10240x8xf32, #tpu.memory_space<vmem_shared>> -> memref<640x8xf32, #tpu.memory_space<vmem_shared>>
      tpu.enqueue_dma source(%dma_start3A_423 : memref<640x8xf32, #tpu.memory_space<vmem_shared>>) target(%dma_start3A_421 : memref<640x8xf32, #tpu.memory_space<hbm>>) target_semaphore(%run_scoped3A : memref<!tpu.dma_semaphore, #tpu.memory_space<semaphore_mem>>)
      %dma_wait3A_424 = arith.constant 0 : i32
      %dma_wait3A_425 = tpu.memref_slice %arg6[%arg0, %mul3A_0, %dma_wait3A_424] : memref<2x10240x8xf32, #tpu.memory_space<hbm>> -> memref<1x640x8xf32, #tpu.memory_space<hbm>>
      %dma_wait3A_426 = tpu.memref_squeeze %dma_wait3A_425 : memref<1x640x8xf32, #tpu.memory_space<hbm>> -> memref<640x8xf32, #tpu.memory_space<hbm>>
      %dma_wait3A_427 = arith.constant 0 : i32
      %dma_wait3A_428 = tpu.memref_slice %arg13[%mul3A_0, %dma_wait3A_427] : memref<10240x8xf32, #tpu.memory_space<vmem_shared>> -> memref<640x8xf32, #tpu.memory_space<vmem_shared>>
      tpu.wait_dma2 semaphore(%run_scoped3A : memref<!tpu.dma_semaphore, #tpu.memory_space<semaphore_mem>>) src(%dma_wait3A_428 : memref<640x8xf32, #tpu.memory_space<vmem_shared>>) dst(%dma_wait3A_426 : memref<640x8xf32, #tpu.memory_space<hbm>>)
      tpu.yield
    }) : () -> ()
    return
  }
}

module attributes {stable_mosaic.version = 14 : i64} {
  func.func @_tc_split_body(%arg0: i32, %arg1: memref<2000x128xf32, #tpu.memory_space<vmem>>, %arg2: memref<2x2000x64xf32, #tpu.memory_space<vmem>>) attributes {dimension_semantics = [#tpu.dimension_semantics<arbitrary>], iteration_bounds = array<i64: 5>, scalar_prefetch = 0 : i64, scratch_operands = 0 : i64, tpu.core_type = #tpu.core_type<tc>, window_params = [{transform_indices = @transform_0, window_bounds = array<i64: 2000, 128>}, {transform_indices = @transform_1, window_bounds = array<i64: 2, 2000, 64>}]} {
    %get3A = arith.constant 0 : index
    %get3A_0 = arith.constant 0 : index
    %get3A_1 = vector.load %arg1[%get3A, %get3A_0] : memref<2000x128xf32, #tpu.memory_space<vmem>>, vector<2000x128xf32>
    %slice3A = vector.extract_strided_slice %get3A_1 {offsets = [0, 0], sizes = [2000, 64], strides = [1, 1]} : vector<2000x128xf32> to vector<2000x64xf32>
    %swap3A = arith.constant 0 : index
    %swap3A_2 = arith.constant 0 : index
    %swap3A_3 = arith.constant 0 : index
    %swap3A_4 = vector.load %arg2[%swap3A, %swap3A_2, %swap3A_3] : memref<2x2000x64xf32, #tpu.memory_space<vmem>>, vector<1x2000x64xf32>
    %swap3A_5 = vector.shape_cast %swap3A_4 : vector<1x2000x64xf32> to vector<2000x64xf32>
    %swap3A_6 = vector.shape_cast %slice3A : vector<2000x64xf32> to vector<1x2000x64xf32>
    tpu.vector_store %arg2[%swap3A, %swap3A_2, %swap3A_3], %swap3A_6 {strides = array<i32>} : memref<2x2000x64xf32, #tpu.memory_space<vmem>>, vector<1x2000x64xf32>,
    %slice3A_7 = vector.extract_strided_slice %get3A_1 {offsets = [0, 64], sizes = [2000, 64], strides = [1, 1]} : vector<2000x128xf32> to vector<2000x64xf32>
    %swap3A_8 = arith.constant 1 : index
    %swap3A_9 = arith.constant 0 : index
    %swap3A_10 = arith.constant 0 : index
    %swap3A_11 = vector.load %arg2[%swap3A_8, %swap3A_9, %swap3A_10] : memref<2x2000x64xf32, #tpu.memory_space<vmem>>, vector<1x2000x64xf32>
    %swap3A_12 = vector.shape_cast %swap3A_11 : vector<1x2000x64xf32> to vector<2000x64xf32>
    %swap3A_13 = vector.shape_cast %slice3A_7 : vector<2000x64xf32> to vector<1x2000x64xf32>
    tpu.vector_store %arg2[%swap3A_8, %swap3A_9, %swap3A_10], %swap3A_13 {strides = array<i32>} : memref<2x2000x64xf32, #tpu.memory_space<vmem>>, vector<1x2000x64xf32>,
    return
  }
  func.func @transform_0(%arg0: i32) -> (i32, i32) {
    %c0_i32 = arith.constant 0 : i32
    %c0_i32_0 = arith.constant 0 : i32
    return %arg0, %c0_i32 : i32, i32
  }
  func.func @transform_1(%arg0: i32) -> (i32, i32, i32) {
    %c0_i32 = arith.constant 0 : i32
    %c0_i32_0 = arith.constant 0 : i32
    %c0_i32_1 = arith.constant 0 : i32
    return %c0_i32, %arg0, %c0_i32_0 : i32, i32, i32
  }
}

module attributes {stable_mosaic.version = 14 : i64} {
  func.func @_tc_self_body(%arg0: i32, %arg1: memref<2000x128xf32, #tpu.memory_space<vmem>>, %arg2: memref<128x128xf32, #tpu.memory_space<vmem>>, %arg3: memref<1x128xf32, #tpu.memory_space<vmem>>, %arg4: memref<2000x128xf32, #tpu.memory_space<vmem>>) attributes {dimension_semantics = [#tpu.dimension_semantics<arbitrary>], iteration_bounds = array<i64: 5>, scalar_prefetch = 0 : i64, scratch_operands = 0 : i64, tpu.core_type = #tpu.core_type<tc>, window_params = [{transform_indices = @transform_0, window_bounds = array<i64: 2000, 128>}, {pipeline_mode = #tpu.pipeline_mode<synchronous>, transform_indices = @transform_1, window_bounds = array<i64: 128, 128>}, {pipeline_mode = #tpu.pipeline_mode<synchronous>, transform_indices = @transform_2, window_bounds = array<i64: 1, 128>}, {transform_indices = @transform_3, window_bounds = array<i64: 2000, 128>}]} {
    %get3A = arith.constant 0 : index
    %get3A_0 = arith.constant 0 : index
    %get3A_1 = vector.load %arg1[%get3A, %get3A_0] : memref<2000x128xf32, #tpu.memory_space<vmem>>, vector<2000x128xf32>
    %get3A_2 = arith.constant 0 : index
    %get3A_3 = arith.constant 0 : index
    %get3A_4 = vector.load %arg2[%get3A_2, %get3A_3] : memref<128x128xf32, #tpu.memory_space<vmem>>, vector<128x128xf32>
    %dot_general3A = arith.constant dense<0.000000e+00> : vector<2000x128xf32>
    %dot_general3A_5 = tpu.matmul %get3A_1, %get3A_4, %dot_general3A {dimension_numbers = #tpu.dot_dimension_numbers<[1], [0], [0], [1], [0, 0, 1, 1], [], []>, transpose_lhs_hint = false} : vector<2000x128xf32>, vector<128x128xf32>, vector<2000x128xf32> -> vector<2000x128xf32>
    %get3A_6 = arith.constant 0 : index
    %get3A_7 = arith.constant 0 : index
    %get3A_8 = vector.load %arg3[%get3A_6, %get3A_7] : memref<1x128xf32, #tpu.memory_space<vmem>>, vector<1x128xf32>
    %add3A = vector.broadcast %get3A_8 : vector<1x128xf32> to vector<2000x128xf32>
    %add3A_9 = arith.addf %dot_general3A_5, %add3A : vector<2000x128xf32>
    %swap3A = arith.constant 0 : index
    %swap3A_10 = arith.constant 0 : index
    %swap3A_11 = vector.load %arg4[%swap3A, %swap3A_10] : memref<2000x128xf32, #tpu.memory_space<vmem>>, vector<2000x128xf32>
    tpu.vector_store %arg4[%swap3A, %swap3A_10], %add3A_9 {strides = array<i32>} : memref<2000x128xf32, #tpu.memory_space<vmem>>, vector<2000x128xf32>,
    return
  }
  func.func @transform_0(%arg0: i32) -> (i32, i32) {
    %c0_i32 = arith.constant 0 : i32
    %c0_i32_0 = arith.constant 0 : i32
    return %arg0, %c0_i32 : i32, i32
  }
  func.func @transform_1(%arg0: i32) -> (i32, i32) {
    %c0_i32 = arith.constant 0 : i32
    %c0_i32_0 = arith.constant 0 : i32
    %c0_i32_1 = arith.constant 0 : i32
    return %c0_i32, %c0_i32_0 : i32, i32
  }
  func.func @transform_2(%arg0: i32) -> (i32, i32) {
    %c0_i32 = arith.constant 0 : i32
    %c0_i32_0 = arith.constant 0 : i32
    %c0_i32_1 = arith.constant 0 : i32
    return %c0_i32, %c0_i32_0 : i32, i32
  }
  func.func @transform_3(%arg0: i32) -> (i32, i32) {
    %c0_i32 = arith.constant 0 : i32
    %c0_i32_0 = arith.constant 0 : i32
    return %arg0, %c0_i32 : i32, i32
  }
}

module attributes {stable_mosaic.version = 14 : i64} {
  func.func @_tc_combine_body(%arg0: i32, %arg1: memref<2000x128xf32, #tpu.memory_space<vmem>>, %arg2: memref<2x2000x64xf32, #tpu.memory_space<vmem>>, %arg3: memref<2x2000x8xf32, #tpu.memory_space<vmem>>, %arg4: memref<128x128xf32, #tpu.memory_space<vmem>>, %arg5: memref<2x2000x64xf32, #tpu.memory_space<vmem>>) attributes {dimension_semantics = [#tpu.dimension_semantics<arbitrary>], iteration_bounds = array<i64: 5>, scalar_prefetch = 0 : i64, scratch_operands = 0 : i64, tpu.core_type = #tpu.core_type<tc>, window_params = [{transform_indices = @transform_0, window_bounds = array<i64: 2000, 128>}, {transform_indices = @transform_1, window_bounds = array<i64: 2, 2000, 64>}, {transform_indices = @transform_2, window_bounds = array<i64: 2, 2000, 8>}, {pipeline_mode = #tpu.pipeline_mode<synchronous>, transform_indices = @transform_3, window_bounds = array<i64: 128, 128>}, {transform_indices = @transform_4, window_bounds = array<i64: 2, 2000, 64>}]} {
    %get3A = arith.constant 0 : index
    %get3A_0 = arith.constant 0 : index
    %get3A_1 = arith.constant 0 : index
    %get3A_2 = vector.load %arg2[%get3A, %get3A_0, %get3A_1] : memref<2x2000x64xf32, #tpu.memory_space<vmem>>, vector<1x2000x64xf32>
    %get3A_3 = vector.shape_cast %get3A_2 : vector<1x2000x64xf32> to vector<2000x64xf32>
    %get3A_4 = arith.constant 1 : index
    %get3A_5 = arith.constant 0 : index
    %get3A_6 = arith.constant 0 : index
    %get3A_7 = vector.load %arg2[%get3A_4, %get3A_5, %get3A_6] : memref<2x2000x64xf32, #tpu.memory_space<vmem>>, vector<1x2000x64xf32>
    %get3A_8 = vector.shape_cast %get3A_7 : vector<1x2000x64xf32> to vector<2000x64xf32>
    %concatenate3A = tpu.concatenate %get3A_3, %get3A_8 in 1 : vector<2000x64xf32>, vector<2000x64xf32> -> vector<2000x128xf32>
    %get3A_9 = arith.constant 0 : index
    %get3A_10 = arith.constant 0 : index
    %get3A_11 = arith.constant 0 : index
    %get3A_12 = vector.load %arg3[%get3A_9, %get3A_10, %get3A_11] : memref<2x2000x8xf32, #tpu.memory_space<vmem>>, vector<1x2000x1xf32>
    %get3A_13 = vector.shape_cast %get3A_12 : vector<1x2000x1xf32> to vector<2000x1xf32>
    %get3A_14 = arith.constant 1 : index
    %get3A_15 = arith.constant 0 : index
    %get3A_16 = arith.constant 0 : index
    %get3A_17 = vector.load %arg3[%get3A_14, %get3A_15, %get3A_16] : memref<2x2000x8xf32, #tpu.memory_space<vmem>>, vector<1x2000x1xf32>
    %get3A_18 = vector.shape_cast %get3A_17 : vector<1x2000x1xf32> to vector<2000x1xf32>
    %add3A = arith.addf %get3A_13, %get3A_18 : vector<2000x1xf32>
    %max3A = arith.constant 1.000000e+00 : f32
    %max3A_19 = vector.broadcast %max3A : f32 to vector<2000x1xf32>
    %max3A_20 = arith.maximumf %add3A, %max3A_19 : vector<2000x1xf32>
    %div3A = vector.broadcast %max3A_20 : vector<2000x1xf32> to vector<2000x128xf32>
    %div3A_21 = arith.divf %concatenate3A, %div3A : vector<2000x128xf32>
    %get3A_22 = arith.constant 0 : index
    %get3A_23 = arith.constant 0 : index
    %get3A_24 = vector.load %arg1[%get3A_22, %get3A_23] : memref<2000x128xf32, #tpu.memory_space<vmem>>, vector<2000x128xf32>
    %get3A_25 = arith.constant 0 : index
    %get3A_26 = arith.constant 0 : index
    %get3A_27 = vector.load %arg4[%get3A_25, %get3A_26] : memref<128x128xf32, #tpu.memory_space<vmem>>, vector<128x128xf32>
    %dot_general3A = arith.constant dense<0.000000e+00> : vector<2000x128xf32>
    %dot_general3A_28 = tpu.matmul %div3A_21, %get3A_27, %dot_general3A {dimension_numbers = #tpu.dot_dimension_numbers<[1], [0], [0], [1], [0, 0, 1, 1], [], []>, transpose_lhs_hint = false} : vector<2000x128xf32>, vector<128x128xf32>, vector<2000x128xf32> -> vector<2000x128xf32>
    %add3A_29 = arith.addf %get3A_24, %dot_general3A_28 : vector<2000x128xf32>
    %max3A_30 = arith.constant 0.000000e+00 : f32
    %max3A_31 = vector.broadcast %max3A_30 : f32 to vector<2000x128xf32>
    %max3A_32 = arith.maximumf %add3A_29, %max3A_31 : vector<2000x128xf32>
    %slice3A = vector.extract_strided_slice %max3A_32 {offsets = [0, 0], sizes = [2000, 64], strides = [1, 1]} : vector<2000x128xf32> to vector<2000x64xf32>
    %swap3A = arith.constant 0 : index
    %swap3A_33 = arith.constant 0 : index
    %swap3A_34 = arith.constant 0 : index
    %swap3A_35 = vector.load %arg5[%swap3A, %swap3A_33, %swap3A_34] : memref<2x2000x64xf32, #tpu.memory_space<vmem>>, vector<1x2000x64xf32>
    %swap3A_36 = vector.shape_cast %swap3A_35 : vector<1x2000x64xf32> to vector<2000x64xf32>
    %swap3A_37 = vector.shape_cast %slice3A : vector<2000x64xf32> to vector<1x2000x64xf32>
    tpu.vector_store %arg5[%swap3A, %swap3A_33, %swap3A_34], %swap3A_37 {strides = array<i32>} : memref<2x2000x64xf32, #tpu.memory_space<vmem>>, vector<1x2000x64xf32>,
    %slice3A_38 = vector.extract_strided_slice %max3A_32 {offsets = [0, 64], sizes = [2000, 64], strides = [1, 1]} : vector<2000x128xf32> to vector<2000x64xf32>
    %swap3A_39 = arith.constant 1 : index
    %swap3A_40 = arith.constant 0 : index
    %swap3A_41 = arith.constant 0 : index
    %swap3A_42 = vector.load %arg5[%swap3A_39, %swap3A_40, %swap3A_41] : memref<2x2000x64xf32, #tpu.memory_space<vmem>>, vector<1x2000x64xf32>
    %swap3A_43 = vector.shape_cast %swap3A_42 : vector<1x2000x64xf32> to vector<2000x64xf32>
    %swap3A_44 = vector.shape_cast %slice3A_38 : vector<2000x64xf32> to vector<1x2000x64xf32>
    tpu.vector_store %arg5[%swap3A_39, %swap3A_40, %swap3A_41], %swap3A_44 {strides = array<i32>} : memref<2x2000x64xf32, #tpu.memory_space<vmem>>, vector<1x2000x64xf32>,
    return
  }
  func.func @transform_0(%arg0: i32) -> (i32, i32) {
    %c0_i32 = arith.constant 0 : i32
    %c0_i32_0 = arith.constant 0 : i32
    return %arg0, %c0_i32 : i32, i32
  }
  func.func @transform_1(%arg0: i32) -> (i32, i32, i32) {
    %c0_i32 = arith.constant 0 : i32
    %c0_i32_0 = arith.constant 0 : i32
    %c0_i32_1 = arith.constant 0 : i32
    return %c0_i32, %arg0, %c0_i32_0 : i32, i32, i32
  }
  func.func @transform_2(%arg0: i32) -> (i32, i32, i32) {
    %c0_i32 = arith.constant 0 : i32
    %c0_i32_0 = arith.constant 0 : i32
    %c0_i32_1 = arith.constant 0 : i32
    return %c0_i32, %arg0, %c0_i32_0 : i32, i32, i32
  }
  func.func @transform_3(%arg0: i32) -> (i32, i32) {
    %c0_i32 = arith.constant 0 : i32
    %c0_i32_0 = arith.constant 0 : i32
    %c0_i32_1 = arith.constant 0 : i32
    return %c0_i32, %c0_i32_0 : i32, i32
  }
  func.func @transform_4(%arg0: i32) -> (i32, i32, i32) {
    %c0_i32 = arith.constant 0 : i32
    %c0_i32_0 = arith.constant 0 : i32
    %c0_i32_1 = arith.constant 0 : i32
    return %c0_i32, %arg0, %c0_i32_0 : i32, i32, i32
  }
}

module attributes {stable_mosaic.version = 14 : i64} {
  func.func @_tc_self_split_body(%arg0: i32, %arg1: memref<2x2000x64xf32, #tpu.memory_space<vmem>>, %arg2: memref<128x128xf32, #tpu.memory_space<vmem>>, %arg3: memref<1x128xf32, #tpu.memory_space<vmem>>, %arg4: memref<2000x128xf32, #tpu.memory_space<vmem>>) attributes {dimension_semantics = [#tpu.dimension_semantics<arbitrary>], iteration_bounds = array<i64: 5>, scalar_prefetch = 0 : i64, scratch_operands = 0 : i64, tpu.core_type = #tpu.core_type<tc>, window_params = [{transform_indices = @transform_0, window_bounds = array<i64: 2, 2000, 64>}, {pipeline_mode = #tpu.pipeline_mode<synchronous>, transform_indices = @transform_1, window_bounds = array<i64: 128, 128>}, {pipeline_mode = #tpu.pipeline_mode<synchronous>, transform_indices = @transform_2, window_bounds = array<i64: 1, 128>}, {transform_indices = @transform_3, window_bounds = array<i64: 2000, 128>}]} {
    %get3A = arith.constant 0 : index
    %get3A_0 = arith.constant 0 : index
    %get3A_1 = arith.constant 0 : index
    %get3A_2 = vector.load %arg1[%get3A, %get3A_0, %get3A_1] : memref<2x2000x64xf32, #tpu.memory_space<vmem>>, vector<1x2000x64xf32>
    %get3A_3 = vector.shape_cast %get3A_2 : vector<1x2000x64xf32> to vector<2000x64xf32>
    %get3A_4 = arith.constant 1 : index
    %get3A_5 = arith.constant 0 : index
    %get3A_6 = arith.constant 0 : index
    %get3A_7 = vector.load %arg1[%get3A_4, %get3A_5, %get3A_6] : memref<2x2000x64xf32, #tpu.memory_space<vmem>>, vector<1x2000x64xf32>
    %get3A_8 = vector.shape_cast %get3A_7 : vector<1x2000x64xf32> to vector<2000x64xf32>
    %concatenate3A = tpu.concatenate %get3A_3, %get3A_8 in 1 : vector<2000x64xf32>, vector<2000x64xf32> -> vector<2000x128xf32>
    %get3A_9 = arith.constant 0 : index
    %get3A_10 = arith.constant 0 : index
    %get3A_11 = vector.load %arg2[%get3A_9, %get3A_10] : memref<128x128xf32, #tpu.memory_space<vmem>>, vector<128x128xf32>
    %dot_general3A = arith.constant dense<0.000000e+00> : vector<2000x128xf32>
    %dot_general3A_12 = tpu.matmul %concatenate3A, %get3A_11, %dot_general3A {dimension_numbers = #tpu.dot_dimension_numbers<[1], [0], [0], [1], [0, 0, 1, 1], [], []>, transpose_lhs_hint = false} : vector<2000x128xf32>, vector<128x128xf32>, vector<2000x128xf32> -> vector<2000x128xf32>
    %get3A_13 = arith.constant 0 : index
    %get3A_14 = arith.constant 0 : index
    %get3A_15 = vector.load %arg3[%get3A_13, %get3A_14] : memref<1x128xf32, #tpu.memory_space<vmem>>, vector<1x128xf32>
    %add3A = vector.broadcast %get3A_15 : vector<1x128xf32> to vector<2000x128xf32>
    %add3A_16 = arith.addf %dot_general3A_12, %add3A : vector<2000x128xf32>
    %swap3A = arith.constant 0 : index
    %swap3A_17 = arith.constant 0 : index
    %swap3A_18 = vector.load %arg4[%swap3A, %swap3A_17] : memref<2000x128xf32, #tpu.memory_space<vmem>>, vector<2000x128xf32>
    tpu.vector_store %arg4[%swap3A, %swap3A_17], %add3A_16 {strides = array<i32>} : memref<2000x128xf32, #tpu.memory_space<vmem>>, vector<2000x128xf32>,
    return
  }
  func.func @transform_0(%arg0: i32) -> (i32, i32, i32) {
    %c0_i32 = arith.constant 0 : i32
    %c0_i32_0 = arith.constant 0 : i32
    %c0_i32_1 = arith.constant 0 : i32
    return %c0_i32, %arg0, %c0_i32_0 : i32, i32, i32
  }
  func.func @transform_1(%arg0: i32) -> (i32, i32) {
    %c0_i32 = arith.constant 0 : i32
    %c0_i32_0 = arith.constant 0 : i32
    %c0_i32_1 = arith.constant 0 : i32
    return %c0_i32, %c0_i32_0 : i32, i32
  }
  func.func @transform_2(%arg0: i32) -> (i32, i32) {
    %c0_i32 = arith.constant 0 : i32
    %c0_i32_0 = arith.constant 0 : i32
    %c0_i32_1 = arith.constant 0 : i32
    return %c0_i32, %c0_i32_0 : i32, i32
  }
  func.func @transform_3(%arg0: i32) -> (i32, i32) {
    %c0_i32 = arith.constant 0 : i32
    %c0_i32_0 = arith.constant 0 : i32
    return %arg0, %c0_i32 : i32, i32
  }
}

module attributes {stable_mosaic.version = 14 : i64} {
  func.func @_tc_combine_body(%arg0: i32, %arg1: memref<2000x128xf32, #tpu.memory_space<vmem>>, %arg2: memref<2x2000x64xf32, #tpu.memory_space<vmem>>, %arg3: memref<2x2000x8xf32, #tpu.memory_space<vmem>>, %arg4: memref<128x128xf32, #tpu.memory_space<vmem>>, %arg5: memref<2000x128xf32, #tpu.memory_space<vmem>>) attributes {dimension_semantics = [#tpu.dimension_semantics<arbitrary>], iteration_bounds = array<i64: 5>, scalar_prefetch = 0 : i64, scratch_operands = 0 : i64, tpu.core_type = #tpu.core_type<tc>, window_params = [{transform_indices = @transform_0, window_bounds = array<i64: 2000, 128>}, {transform_indices = @transform_1, window_bounds = array<i64: 2, 2000, 64>}, {transform_indices = @transform_2, window_bounds = array<i64: 2, 2000, 8>}, {pipeline_mode = #tpu.pipeline_mode<synchronous>, transform_indices = @transform_3, window_bounds = array<i64: 128, 128>}, {transform_indices = @transform_4, window_bounds = array<i64: 2000, 128>}]} {
    %get3A = arith.constant 0 : index
    %get3A_0 = arith.constant 0 : index
    %get3A_1 = arith.constant 0 : index
    %get3A_2 = vector.load %arg2[%get3A, %get3A_0, %get3A_1] : memref<2x2000x64xf32, #tpu.memory_space<vmem>>, vector<1x2000x64xf32>
    %get3A_3 = vector.shape_cast %get3A_2 : vector<1x2000x64xf32> to vector<2000x64xf32>
    %get3A_4 = arith.constant 1 : index
    %get3A_5 = arith.constant 0 : index
    %get3A_6 = arith.constant 0 : index
    %get3A_7 = vector.load %arg2[%get3A_4, %get3A_5, %get3A_6] : memref<2x2000x64xf32, #tpu.memory_space<vmem>>, vector<1x2000x64xf32>
    %get3A_8 = vector.shape_cast %get3A_7 : vector<1x2000x64xf32> to vector<2000x64xf32>
    %concatenate3A = tpu.concatenate %get3A_3, %get3A_8 in 1 : vector<2000x64xf32>, vector<2000x64xf32> -> vector<2000x128xf32>
    %get3A_9 = arith.constant 0 : index
    %get3A_10 = arith.constant 0 : index
    %get3A_11 = arith.constant 0 : index
    %get3A_12 = vector.load %arg3[%get3A_9, %get3A_10, %get3A_11] : memref<2x2000x8xf32, #tpu.memory_space<vmem>>, vector<1x2000x1xf32>
    %get3A_13 = vector.shape_cast %get3A_12 : vector<1x2000x1xf32> to vector<2000x1xf32>
    %get3A_14 = arith.constant 1 : index
    %get3A_15 = arith.constant 0 : index
    %get3A_16 = arith.constant 0 : index
    %get3A_17 = vector.load %arg3[%get3A_14, %get3A_15, %get3A_16] : memref<2x2000x8xf32, #tpu.memory_space<vmem>>, vector<1x2000x1xf32>
    %get3A_18 = vector.shape_cast %get3A_17 : vector<1x2000x1xf32> to vector<2000x1xf32>
    %add3A = arith.addf %get3A_13, %get3A_18 : vector<2000x1xf32>
    %max3A = arith.constant 1.000000e+00 : f32
    %max3A_19 = vector.broadcast %max3A : f32 to vector<2000x1xf32>
    %max3A_20 = arith.maximumf %add3A, %max3A_19 : vector<2000x1xf32>
    %div3A = vector.broadcast %max3A_20 : vector<2000x1xf32> to vector<2000x128xf32>
    %div3A_21 = arith.divf %concatenate3A, %div3A : vector<2000x128xf32>
    %get3A_22 = arith.constant 0 : index
    %get3A_23 = arith.constant 0 : index
    %get3A_24 = vector.load %arg1[%get3A_22, %get3A_23] : memref<2000x128xf32, #tpu.memory_space<vmem>>, vector<2000x128xf32>
    %get3A_25 = arith.constant 0 : index
    %get3A_26 = arith.constant 0 : index
    %get3A_27 = vector.load %arg4[%get3A_25, %get3A_26] : memref<128x128xf32, #tpu.memory_space<vmem>>, vector<128x128xf32>
    %dot_general3A = arith.constant dense<0.000000e+00> : vector<2000x128xf32>
    %dot_general3A_28 = tpu.matmul %div3A_21, %get3A_27, %dot_general3A {dimension_numbers = #tpu.dot_dimension_numbers<[1], [0], [0], [1], [0, 0, 1, 1], [], []>, transpose_lhs_hint = false} : vector<2000x128xf32>, vector<128x128xf32>, vector<2000x128xf32> -> vector<2000x128xf32>
    %add3A_29 = arith.addf %get3A_24, %dot_general3A_28 : vector<2000x128xf32>
    %swap3A = arith.constant 0 : index
    %swap3A_30 = arith.constant 0 : index
    %swap3A_31 = vector.load %arg5[%swap3A, %swap3A_30] : memref<2000x128xf32, #tpu.memory_space<vmem>>, vector<2000x128xf32>
    tpu.vector_store %arg5[%swap3A, %swap3A_30], %add3A_29 {strides = array<i32>} : memref<2000x128xf32, #tpu.memory_space<vmem>>, vector<2000x128xf32>,
    return
  }
  func.func @transform_0(%arg0: i32) -> (i32, i32) {
    %c0_i32 = arith.constant 0 : i32
    %c0_i32_0 = arith.constant 0 : i32
    return %arg0, %c0_i32 : i32, i32
  }
  func.func @transform_1(%arg0: i32) -> (i32, i32, i32) {
    %c0_i32 = arith.constant 0 : i32
    %c0_i32_0 = arith.constant 0 : i32
    %c0_i32_1 = arith.constant 0 : i32
    return %c0_i32, %arg0, %c0_i32_0 : i32, i32, i32
  }
  func.func @transform_2(%arg0: i32) -> (i32, i32, i32) {
    %c0_i32 = arith.constant 0 : i32
    %c0_i32_0 = arith.constant 0 : i32
    %c0_i32_1 = arith.constant 0 : i32
    return %c0_i32, %arg0, %c0_i32_0 : i32, i32, i32
  }
  func.func @transform_3(%arg0: i32) -> (i32, i32) {
    %c0_i32 = arith.constant 0 : i32
    %c0_i32_0 = arith.constant 0 : i32
    %c0_i32_1 = arith.constant 0 : i32
    return %c0_i32, %c0_i32_0 : i32, i32
  }
  func.func @transform_4(%arg0: i32) -> (i32, i32) {
    %c0_i32 = arith.constant 0 : i32
    %c0_i32_0 = arith.constant 0 : i32
    return %arg0, %c0_i32 : i32, i32
  }
}

</mosaic_0001>

<sc_bundles>
// kernel: kernel.12.cloned.1.call-start
scs
__scs_entry_jumppad:
0x0: {  	(pc) =	sbr.rel $0x88, $3  }
0x1: {  	(tag) =	ssettag $0x0;
	lr =	simm.s32 $0x1  }
0x2: {  	[smem:$0x3F9B] =	sst lr;
	_ =	strace $0xD0000000  }
0x3: {  	_ = 	snop  }
0x4: {  	_ = 	snop  }
0x5: {  	_ = 	snop  }
0x6: {  	_ = 	snop  }
0x7: {  	_ = 	snop  }
__scs_overlays_trampoline_lowered:
0x8: {  	[smem:$0x3FAA] =	sst s0  }
0x9: {  	[smem:$0x3FAB] =	sst s1  }
0xa: {  	[smem:$0x3FAC] =	sst s2  }
0xb: {  	[smem:$0x3FAD] =	sst s3  }
0xc: {  	[smem:$0x3FAE] =	sst s4  }
0xd: {  	[smem:$0x3FAF] =	sst s5  }
0xe: {  	[smem:$0x3FB0] =	sst s6  }
0xf: {  	[smem:$0x3FB1] =	sst s7  }
0x10: {  	[smem:$0x3FB2] =	sst s8  }
0x11: {  	[smem:$0x3FB3] =	sst s9;
	s0 =	simm.s32 @!p0 $0x0  }
0x12: {  	s1 =	sld [smem:$0x3F99];
	s0 =	simm.s32 @p0 $0x1  }
0x13: {  	[smem:$0x3FB4] =	sst s0;
	s0 =	simm.s32 @!p1 $0x0  }
0x14: {  	s2 =	sld [smem:$0x3F98];
	s0 =	simm.s32 @p1 $0x1  }
0x15: {  	[smem:$0x3FB5] =	sst s0;
	s0 =	simm.s32 @!p2 $0x0  }
0x16: {  	s3 =	sld [smem:$0x3FDB];
	s0 =	simm.s32 @p2 $0x1  }
0x17: {  	s4 =	simm.s32 $0x1BF5;
	[smem:$0x3FB7] =	sst s0  }
0x18: {  	s0 =	sld [smem:$0x3F9A];
	_ =	swait.ge [sflag:s4], $0x0  }
0x19: {  	s7 =	sld [smem:$0x3F9B]  }
0x1a: {  	s8 =	sadd.s32 $0xFFFFE003, lr  }
0x1b: {  	s9 =	sadd.s32 $0xFFFFFEF7, lr;
	s5 =	simm.s32 $0xFFFFFFFF;
	p2 =	slt.u32 s8, $0xFFFFF086  }
0x1c: {  	p1 =	slt.u32 s9, $0xF7A;
	s5 =	simm.s32 @!p2 $0x0  }
0x1d: {  	s5 =	simm.s32 @p1 $0x1;
	p0 =	seq.s32 s7, s2  }
0x1e: {  	s7 =	smul.u32 @!p0 $0xF7A, s2;
	p2 =	seq.s32 @!p0 s5, $0x0  }
0x1f: {  	s9 =	smul.u32 $0xF7A, s1;
	s8 =	simm.s32 @!p0 $0x1BF5;
	p2 =	por !p2, p0  }
0x20: {  	[sflag:s8] =	ssyncset.s32 @!p0 $0xFFFFF086;
	s6 =	sadd.s32 @!p0 s3, s7;
	s7 =	simm.s32 @!p0 $0x108  }
0x21: {  	s3 =	sadd.s32 s3, s9;
	s6 =	sadd.s32 @!p0 $0x88, s6;
	s7 =	simm.s32 @p2 $0x1082  }
0x22: {  	[simem:s7], [sflag:s8] =	dma.local @!p0 [hbm:s6], $0xF7A  }
0x23: {  	s9 =	sor.u32 $0xD0000000, s2;
	s6 =	simm.s32 $0x108;
	_ =	swait.ge @!p0 [sflag:s8], $0x0  }
0x24: {  	s3 =	sadd.s32 $0x88, s3;
	s6 =	simm.s32 @!p1 $0x1082;
	[sflag:s4] =	ssyncset.s32 $0xFFFFF086  }
0x25: {  	[simem:s6], [sflag:s4] =	dma.local [hbm:s3], $0xF7A  }
0x26: {  	[smem:$0x3F9B] =	sst s1;
	(tag) =	ssettag s2;
	_ =	strace s9  }
0x27: {  	s1 =	sld [smem:$0x3FAB]  }
0x28: {  	s2 =	sld [smem:$0x3FAC]  }
0x29: {  	s4 =	sld [smem:$0x3FAE]  }
0x2a: {  	p0 =	seq.s32 s5, $0x0;
	s5 =	sld [smem:$0x3FAF]  }
0x2b: {  	s6 =	sld [smem:$0x3FB0]  }
0x2c: {  	s7 =	sld [smem:$0x3FB1]  }
0x2d: {  	s3 =	simm.s32 $0x108;
	s8 =	sld [smem:$0x3FB2]  }
0x2e: {  	s3 =	simm.s32 @!p0 $0x1082;
	s9 =	sld [smem:$0x3FB3]  }
0x2f: {  	lr =	sadd.s32 s0, s3;
	s0 =	sld [smem:$0x3FAA]  }
0x30: {  	s3 =	sld [smem:$0x3FAD]  }
0x31: {  	[smem:$0x3FB6] =	sst s10  }
0x32: {  	s10 =	sld [smem:$0x3FB4];
	_ =	sdelay $0x3  }
0x33: {  	p0 =	seq.s32 s10, $0x1;
	s10 =	sld [smem:$0x3FB6];
	_ =	sdelay $0x3  }
0x34: {  	[smem:$0x3FB6] =	sst s10  }
0x35: {  	s10 =	sld [smem:$0x3FB5];
	_ =	sdelay $0x3  }
0x36: {  	p1 =	seq.s32 s10, $0x1;
	s10 =	sld [smem:$0x3FB6];
	_ =	sdelay $0x3  }
0x37: {  	[smem:$0x3FB6] =	sst s10  }
0x38: {  	s10 =	sld [smem:$0x3FB7]  }
0x39: {  	_ = 	snop;
	(pc) =	sbr.ind lr, $3  }
0x3a: {  	_ = 	snop  }
0x3b: {  	_ = 	snop  }
0x3c: {  	p2 =	seq.s32 s10, $0x1;
	s10 =	sld [smem:$0x3FB6]  }
0x3d: {  	_ =	shalt  }
0x3e: {  	_ =	shalt  }
0x3f: {  	_ =	shalt  }
0x40: {  	_ =	shalt  }
0x41: {  	_ =	shalt  }
0x42: {  	_ =	shalt  }
0x43: {  	_ =	shalt  }
0x44: {  	_ =	shalt  }
0x45: {  	_ =	shalt  }
0x46: {  	_ =	shalt  }
0x47: {  	_ =	shalt  }
0x48: {  	_ =	shalt  }
0x49: {  	_ =	shalt  }
0x4a: {  	_ =	shalt  }
0x4b: {  	_ =	shalt  }
0x4c: {  	_ =	shalt  }
0x4d: {  	_ =	shalt  }
0x4e: {  	_ =	shalt  }
0x4f: {  	_ =	shalt  }
0x50: {  	_ =	shalt  }
0x51: {  	_ =	shalt  }
0x52: {  	_ =	shalt  }
0x53: {  	_ =	shalt  }
0x54: {  	_ =	shalt  }
0x55: {  	_ =	shalt  }
0x56: {  	_ =	shalt  }
0x57: {  	_ =	shalt  }
0x58: {  	_ =	shalt  }
0x59: {  	_ =	shalt  }
0x5a: {  	_ =	shalt  }
0x5b: {  	_ =	shalt  }
0x5c: {  	_ =	shalt  }
0x5d: {  	_ =	shalt  }
0x5e: {  	_ =	shalt  }
0x5f: {  	_ =	shalt  }
0x60: {  	_ =	shalt  }
0x61: {  	_ =	shalt  }
0x62: {  	_ =	shalt  }
0x63: {  	_ =	shalt  }
0x64: {  	_ =	shalt  }
0x65: {  	_ =	shalt  }
0x66: {  	_ =	shalt  }
0x67: {  	_ =	shalt  }
0x68: {  	_ =	shalt  }
0x69: {  	_ =	shalt  }
0x6a: {  	_ =	shalt  }
0x6b: {  	_ =	shalt  }
0x6c: {  	_ =	shalt  }
0x6d: {  	_ =	shalt  }
0x6e: {  	_ =	shalt  }
0x6f: {  	_ =	shalt  }
0x70: {  	_ =	shalt  }
0x71: {  	_ =	shalt  }
0x72: {  	_ =	shalt  }
0x73: {  	_ =	shalt  }
0x74: {  	_ =	shalt  }
0x75: {  	_ =	shalt  }
0x76: {  	_ =	shalt  }
0x77: {  	_ =	shalt  }
0x78: {  	_ =	shalt  }
0x79: {  	_ =	shalt  }
0x7a: {  	_ =	shalt  }
0x7b: {  	_ =	shalt  }
0x7c: {  	_ =	shalt  }
0x7d: {  	_ =	shalt  }
0x7e: {  	_ =	shalt  }
0x7f: {  	_ =	shalt  }
0x80: {  	_ =	shalt  }
0x81: {  	_ =	shalt  }
0x82: {  	_ =	shalt  }
0x83: {  	_ =	shalt  }
0x84: {  	_ =	shalt  }
0x85: {  	_ =	shalt  }
0x86: {  	_ =	shalt  }
0x87: {  	_ =	shalt  }
.Lfunc_end0:
.L_simem_size_0:
called_computation.1_lowered:
.L_overlay_start_0:
0x88: {  	s2 =	sld [smem:$0x3FD9]  }
0x89: {  	s3 =	sld [smem:$0x3FFE];
	_ =	sdelay $0x1  }
0x8a: {  	s1 =	srdreg.scid  }
0x8b: {  	s0 =	sand.u32 $0x1, s1  }
0x8c: {  	s17 =	sshll.u32 s0, $0xA;
	s2 =	sadd.s32 s3, s2  }
0x8d: {  	s2 =	sadd.s32 s2, s17  }
0x8e: {  	[smem:$0x3FC2] =	sst s2  }
0x8f: {  	_ = 	snop  }
0x90: {  	s2 =	sld [smem:$0x3FD0];
	(tm) =	ssettm $0x1  }
0x91: {  	s18 =	sld [smem:$0x3FFB];
	_ =	sdelay $0x3  }
0x92: {  	_ =	strace s18  }
0x93: {  	s3 =	sld [smem:$0x3FFC];
	_ =	sdelay $0x3  }
0x94: {  	_ =	strace s3  }
0x95: {  	s3 =	sld [smem:$0x3FFD];
	_ =	sdelay $0x3  }
0x96: {  	_ =	strace s3  }
0x97: {  	_ =	strace $0x8FFFFFFF  }
0x98: {  	s19 =	sld [smem:$0x3FDB];
	_ =	sdelay $0x1  }
0x99: {  	s4 =	simm.s32 $_scs_section_size  }
0x9a: {  	s5 =	simm.s32 $_size__tile_overlayer_lowered;
	s6 =	simm.s32 $_tile_overlayer_lowered  }
0x9b: {  	s22 =	simm.s32 $0x1BFF;
	s21 =	sshll.u32 s6, $0x1;
	s3 =	sadd.s32 s4, s19  }
0x9c: {  	s7 =	simm.s32 $0x0;
	s20 =	sshll.u32 s5, $0x1;
	s5 =	sadd.s32 s21, s3  }
0x9d: {  	[timem:s7], [sflag:s22] =	dma.local [hbm:s5], s20  }
0x9e: {  	_ =	swait.ge [sflag:s22], s20  }
0x9f: {  	s4 =	ssub.s32 $0x0, s20;
	[sflag:s22] =	ssyncset.done $0x0  }
0xa0: {  	[sflag:s22] =	ssyncadd.s32 s4;
	_ =	sdelay $0x1  }
0xa1: {  	s23 =	simm.s32 $0x1B8B  }
0xa2: {  	_ =	swait.ge [sflag:s23], $0x1  }
0xa3: {  	[sflag:s23] =	ssyncset.done $0x0  }
0xa4: {  	s25 =	simm.s32 $0x1B8E;
	s24 =	sld [smem:$0x3FFE];
	[sflag:s23] =	ssyncadd.s32 $0xFFFFFFFF  }
0xa5: {  	s26 =	simm.s32 $execute0_lowered;
	[smem:$0x3FD2] =	sst s25  }
0xa6: {  	s5 =	sshll.u32 s26, $0x1;
	_ =	strace $0x80000049;
	[dreg:$0x1] =	wrdreg $0xFFFFFFFF  }
0xa7: {  	s28 =	simm.s32 $_size_execute0_lowered;
	s3 =	sadd.s32 s3, s5;
	[dreg:$0x0] =	wrdreg $0x0  }
0xa8: {  	s5 =	sshll.u32 s28, $0x1;
	[dreg:$0x2] =	wrdreg s3  }
0xa9: {  	[dreg:$0x3] =	wrdreg s5  }
0xaa: {  	[dreg:$0x4] =	wrdreg $0xC0  }
0xab: {  	_ =	task [dreg:s7], $0x5FFFF  }
0xac: {  	[dreg:$0x1] =	wrdreg $0xFFFFFFFF  }
0xad: {  	[dreg:$0x0] =	wrdreg $0x60  }
0xae: {  	[dreg:$0x2] =	wrdreg s2  }
0xaf: {  	[dreg:$0x3] =	wrdreg s24  }
0xb0: {  	[dreg:$0x4] =	wrdreg $0xCE400  }
0xb1: {  	[dreg:$0x5] =	wrdreg $0x9  }
0xb2: {  	_ =	task.clear_ibuf [dreg:s7], $0x6FFFF;
	_ =	strace $0x90000049  }
0xb3: {  	s29 =	simm.s32 $0x9;
	_ =	strace $0x8000004B  }
0xb4: {  	_ =	swait.ge [sflag:s29], $0x1  }
0xb5: {  	[sflag:s29] =	ssyncadd.s32 $0xFFFFFFFF  }
0xb6: {  	_ =	strace $0x9000004B  }
0xb7: {  	_ =	sfence  }
0xb8: {  	s30 =	sld [smem:$0x0];
	_ =	sdelay $0x2  }
0xb9: {  	s31 =	sshll.u32 s1, $0xD;
	s1 =	sshrl.u32 s1, $0x2  }
0xba: {  	s3 =	sand.u32 $0x4000, s31;
	s1 =	sadd.s32 s1, s30  }
0xbb: {  	s0 =	sor.u32 s3, s0;
	s1 =	sshll.u32 s1, $0x11  }
0xbc: {  	s0 =	sor.u32 s1, s0  }
0xbd: {  	s0 =	sadd.s32 $0x8F2B, s0  }
0xbe: {  	[sflag:s0] =	ssyncadd.remote.s32 $0x1  }
0xbf: {  	_ =	sfence.sel $0xFFFF  }
0xc0: {  	[dreg:$0x0] =	wrdreg $0xFFFFFFFF;
	(pc) =	sbr.abs _section_cstart, $3  }
0xc1: {  	[dreg:$0x1] =	wrdreg $0xFFFFFFFF  }
0xc2: {  	_ =	task.clear_ibuf [dreg:s7], $0x2FFFF;
	_ =	strace $0x9FFFFFFF  }
0xc3: {  	(tm) =	ssettm $0x7FFFFFFF  }
tec
execute0_lowered:
.L_overlay_start_1:
0x0: {  	(tag) =	ssettag $0x1  }
0x1: {  	s0 =	rddreg [dreg:$0x0]  }
0x2: {  	s1 =	rddreg [dreg:$0x1]  }
0x3: {  	s2 =	rddreg [dreg:$0x2]  }
0x4: {  	s4 =	srdreg.scid;
	s13 =	stileid.u32  }
0x5: {  	s3 =	simm.s32 $0x0;
	s16 =	simm.s32 $0x1400;
	s17 =	simm.s32 $0x2800  }
0x6: {  	s18 =	simm.s32 $0x3C00;
	s28 =	simm.s32 $0xCC10;
	s29 =	simm.s32 $0xCC60  }
0x7: {  	s30 =	simm.s32 $0x6400;
	s31 =	simm.s32 $0x0;
	s8 =	smul.u32 $0xA000, s13  }
0x8: {  	s7 =	sand.u32 $0x1, s4;
	[smem:$0x7FF] =	sst s3;
	s5 =	smul.u32 $0x4E20, s13  }
0x9: {  	s4 =	sadd.s32 $0xB200, s1;
	s6 =	sadd.s32 $0x1400, s1;
	s15 =	smul.u32 $0x28000, s13  }
0xa: {  	s13 =	simm.s32 $0xCDF0;
	_ =	strace $0x8000004A;
	[dreg:$0x4] =	wrdreg s16  }
0xb: {  	s9 =	smul.u32 $0xA0000, s7;
	s10 =	ssub.s32 $0x2, s7;
	[dreg:$0x5] =	wrdreg s17  }
0xc: {  	s7 =	smul.u32 $0x13880, s7;
	[dreg:$0x6] =	wrdreg s18;
	s12 =	sshrl.u32 s5, $0x3  }
0xd: {  	s16 =	simm.s32 $0x1;
	s17 =	simm.s32 $0x5;
	s20 =	sadd.s32 s4, s12  }
0xe: {  	s18 =	simm.s32 $0x50;
	s19 =	sadd.s32 s6, s12;
	[dreg:$0xd] =	wrdreg s20  }
0xf: {  	s11 =	sshrl.u32 s10, $0x1;
	s21 =	sadd.s32 $0xA, s19;
	[dreg:$0xc] =	wrdreg s19  }
0x10: {  	s9 =	sadd.s32 s8, s9;
	s22 =	sadd.s32 $0x14, s19;
	[dreg:$0xe] =	wrdreg s21  }
0x11: {  	s25 =	sadd.s32 $0x32, s12;
	s23 =	sadd.s32 $0x1E, s19;
	[dreg:$0xf] =	wrdreg s22  }
0x12: {  	s9 =	sshrl.u32 s9, $0x3;
	s24 =	sadd.s32 $0x28, s19;
	[dreg:$0x10] =	wrdreg s23  }
0x13: {  	s12 =	sadd.s32 s4, s25;
	s26 =	sadd.s32 $0x3C, s19;
	[dreg:$0x11] =	wrdreg s24  }
0x14: {  	s14 =	sadd.s32 $0x50, s19;
	s20 =	simm.s32 $0x7800;
	[dreg:$0x12] =	wrdreg s12  }
0x15: {  	s1 =	sadd.s32 s9, s1;
	s9 =	ssub.s32 s10, s11;
	[dreg:$0x14] =	wrdreg s26  }
0x16: {  	s10 =	sadd.s32 s6, s25;
	s12 =	sadd.s32 $0x46, s19;
	[dreg:$0x16] =	wrdreg s14  }
0x17: {  	s11 =	sadd.s32 $0x5A, s19;
	s24 =	sadd.s32 s8, s2;
	[dreg:$0x8] =	wrdreg s20  }
0x18: {  	s19 =	simm.s32 $0x5000;
	s21 =	sadd.s32 s0, s7;
	[dreg:$0x13] =	wrdreg s10  }
0x19: {  	s22 =	simm.s32 $0x8C00;
	s23 =	simm.s32 $0xA000;
	[dreg:$0x15] =	wrdreg s12  }
0x1a: {  	s26 =	simm.s32 $0xB400;
	s0 =	simm.s32 $0xC990;
	[dreg:$0x17] =	wrdreg s11  }
0x1b: {  	s8 =	simm.s32 $0xCD00;
	s14 =	simm.s32 $0x4;
	[dreg:$0x7] =	wrdreg s19  }
0x1c: {  	s20 =	simm.s32 $0x2;
	s10 =	sshrl.u32 s15, $0x2;
	[dreg:$0x9] =	wrdreg s22  }
0x1d: {  	s1 =	sadd.s32 $0x15000, s1;
	s25 =	smax.u32 s9, $0x1;
	[dreg:$0xa] =	wrdreg s23  }
0x1e: {  	[dreg:$0xb] =	wrdreg s26;
	s19 =	simm.s32 $0xCB20;
	s23 =	simm.s32 $0xCB70  }
0x1f: {  	s26 =	simm.s32 $0xCBC0;
	s9 =	simm.s32 $0xCD50;
	s11 =	simm.s32 $0x7  }
0x20: {  	s12 =	simm.s32 $0x3;
	s15 =	simm.s32 $0x190;
	[dreg:$0x18] =	wrdreg s24  }
0x21: {  	s22 =	simm.s32 $0x6;
	s10 =	sadd.s32 s10, s2;
	[dreg:$0x1a] =	wrdreg s1  }
0x22: {  	[dreg:$0x1b] =	wrdreg s25;
	s25 =	simm.s32 $0xC800;
	s10 =	sadd.s32 $0x6400, s10  }
0x23: {  	v0 =	vimm.f32 $0.0e+00;
	s1 =	simm.s32 $0xCCB0;
	[dreg:$0x19] =	wrdreg s10;
	s10 =	simm.s32 $0xCDA0  }
.LBB2_1:
0x24: {  	[dreg:$0x1c] =	wrdreg s31  }
0x25: {  	s7 =	rddreg [dreg:$0xd]  }
0x26: {  	[tilespmem:s25], [sflag:$0x3] =	stream.linear.gather [hbm4b:s7+s3], $0x190, $0x38;
	[tilespmem:$0x16E40] =	vst v63  }
0x27: {  	s31 =	rddreg [dreg:$0xc]  }
0x28: {  	[tilespmem:s19], [sflag:$0x5] =	stream.linear.gather [hbm4b:s31+s3], $0x50, $0x38;
	[tilespmem:$0x16E40] =	vst v63  }
0x29: {  	s19 =	rddreg [dreg:$0xe]  }
0x2a: {  	[tilespmem:s23], [sflag:$0x5] =	stream.linear.gather [hbm4b:s19+s3], $0x50, $0x38;
	[tilespmem:$0x16E40] =	vst v63  }
0x2b: {  	s23 =	rddreg [dreg:$0xf]  }
0x2c: {  	[tilespmem:s26], [sflag:$0x5] =	stream.linear.gather [hbm4b:s23+s3], $0x50, $0x38;
	[tilespmem:$0x16E40] =	vst v63  }
0x2d: {  	s26 =	rddreg [dreg:$0x10]  }
0x2e: {  	[tilespmem:s28], [sflag:$0x5] =	stream.linear.gather [hbm4b:s26+s3], $0x50, $0x38;
	[tilespmem:$0x16E40] =	vst v63  }
0x2f: {  	s31 =	rddreg [dreg:$0x11]  }
0x30: {  	[tilespmem:s29], [sflag:$0x5] =	stream.linear.gather [hbm4b:s31+s3], $0x50, $0x38;
	[tilespmem:$0x16E40] =	vst v63  }
0x31: {  	s19 =	rddreg [dreg:$0x12]  }
0x32: {  	[tilespmem:s0], [sflag:$0x4] =	stream.linear.gather [hbm4b:s19+s3], $0x190, $0x38;
	[tilespmem:$0x16E40] =	vst v63  }
0x33: {  	s23 =	rddreg [dreg:$0x13]  }
0x34: {  	[tilespmem:s1], [sflag:$0x6] =	stream.linear.gather [hbm4b:s23+s3], $0x50, $0x38;
	[tilespmem:$0x16E40] =	vst v63  }
0x35: {  	s26 =	rddreg [dreg:$0x14]  }
0x36: {  	[tilespmem:s8], [sflag:$0x6] =	stream.linear.gather [hbm4b:s26+s3], $0x50, $0x38;
	[tilespmem:$0x16E40] =	vst v63  }
0x37: {  	s28 =	rddreg [dreg:$0x15]  }
0x38: {  	[tilespmem:s9], [sflag:$0x6] =	stream.linear.gather [hbm4b:s28+s3], $0x50, $0x38;
	[tilespmem:$0x16E40] =	vst v63  }
0x39: {  	s29 =	rddreg [dreg:$0x16]  }
0x3a: {  	[tilespmem:s10], [sflag:$0x6] =	stream.linear.gather [hbm4b:s29+s3], $0x50, $0x38;
	[tilespmem:$0x16E40] =	vst v63  }
0x3b: {  	s7 =	simm.s32 $0x0;
	s31 =	rddreg [dreg:$0x17];
	s19 =	simm.s32 $0x100  }
0x3c: {  	[tilespmem:s13], [sflag:$0x6] =	stream.linear.gather [hbm4b:s31+s3], $0x50, $0x38;
	[tilespmem:$0x16E40] =	vst v63  }
.LBB2_2:
0x3d: {  	p0 =	sne.s32 s19, $0x18F00;
	[tilespmem:s7+$0x30] =	vst v0;
	s23 =	smov.u32 s19;
	s19 =	sadd.s32 $0x100, s19  }
.Ltmp0:
0x3e: {  	[tilespmem:s7+$0x20] =	vst v0;
	(pc) =	sbr.rel @p0 .LBB2_2-.Ltmp0, $3  }
0x3f: {  	[tilespmem:s7+$0x0] =	vst v0  }
0x40: {  	[tilespmem:s7+$0x10] =	vst v0;
	_ =	sdelay $0x1  }
0x41: {  	s7 =	sshra.s32 s23, $0x2  }
0x42: {  	[tilespmem:s7+$0x30] =	vst v0  }
0x43: {  	[tilespmem:s7+$0x20] =	vst v0  }
0x44: {  	[tilespmem:s7+$0x0] =	vst v0  }
0x45: {  	[tilespmem:s7+$0x10] =	vst v0  }
0x46: {  	[spmem:s24] =	stream.linear.scatter [tilespmem:s3], [sflag:$0x7], $0x6400, $0x38;
	[tilespmem:$0x16E40] =	vst v63  }
0x47: {  	_ =	swait.ge [sflag:s11], $0x6400  }
0x48: {  	[sflag:s11] =	ssyncset.done $0x0  }
0x49: {  	s8 =	rddreg [dreg:$0x19];
	[sflag:s11] =	ssyncadd.s32 $0xFFFF9C00  }
0x4a: {  	[spmem:s8] =	stream.linear.scatter [tilespmem:s3], [sflag:$0x7], $0x3C00, $0x38;
	[tilespmem:$0x16E40] =	vst v63  }
0x4b: {  	_ =	swait.ge [sflag:s11], $0x3C00  }
0x4c: {  	[sflag:s11] =	ssyncset.done $0x0  }
0x4d: {  	[sflag:s11] =	ssyncadd.s32 $0xFFFFC400  }
0x4e: {  	[bflag:$0x0] =	sbarrier.arrive $0xFFFF  }
0x4f: {  	_ =	swait.ge [sflag:s12], $0x190  }
0x50: {  	[sflag:s12] =	ssyncset.done $0x0  }
0x51: {  	[sflag:s12] =	ssyncadd.s32 $0xFFFFFE70  }
0x52: {  	[tilespmem:s3], [sflag:$0x1] =	stream.indirect.gather [hbm4b:s21+s15], $0x40, s25, s15, $0xb8;
	[tilespmem:$0x16E40] =	vst v63  }
0x53: {  	_ =	swait.ge [sflag:s14], $0x190  }
0x54: {  	p0 =	por $0x0, $0x0;
	s7 =	simm.s32 $0x320;
	[sflag:s14] =	ssyncset.done $0x0  }
0x55: {  	s7 =	simm.s32 @p0 $0x0;
	[sflag:s14] =	ssyncadd.s32 $0xFFFFFE70  }
0x56: {  	[tilespmem:s30], [sflag:$0x2] =	stream.indirect.gather [hbm4b:s21+s15], $0x40, s0, s15, $0xb8;
	[tilespmem:$0x16E40] =	vst v63  }
0x57: {  	s7 =	sadd.s32 s5, s7;
	_ =	swait.ge [sflag:s16], $0x6400  }
0x58: {  	s7 =	sshrl.u32 s7, $0x3;
	[sflag:s16] =	ssyncset.done $0x0  }
0x59: {  	s19 =	sadd.s32 s4, s7;
	[sflag:s16] =	ssyncadd.s32 $0xFFFF9C00  }
0x5a: {  	[tilespmem:s25], [sflag:$0x3] =	stream.linear.gather [hbm4b:s19+s3], $0x190, $0x38;
	[tilespmem:$0x16E40] =	vst v63  }
0x5b: {  	_ =	swait.ge [sflag:s17], $0x50  }
0x5c: {  	[sflag:s17] =	ssyncset.done $0x0  }
0x5d: {  	[sflag:s17] =	ssyncadd.s32 $0xFFFFFFB0  }
0x5e: {  	_ =	swait.ge [sflag:s17], $0x50  }
0x5f: {  	[sflag:s17] =	ssyncset.done $0x0  }
0x60: {  	[sflag:s17] =	ssyncadd.s32 $0xFFFFFFB0  }
0x61: {  	_ =	swait.ge [sflag:s17], $0x50  }
0x62: {  	[sflag:s17] =	ssyncset.done $0x0  }
0x63: {  	[sflag:s17] =	ssyncadd.s32 $0xFFFFFFB0  }
0x64: {  	_ =	swait.ge [sflag:s17], $0x50  }
0x65: {  	[sflag:s17] =	ssyncset.done $0x0  }
0x66: {  	[sflag:s17] =	ssyncadd.s32 $0xFFFFFFB0  }
0x67: {  	_ =	swait.ge [sflag:s17], $0x50  }
0x68: {  	[sflag:s17] =	ssyncset.done $0x0  }
0x69: {  	s1 =	simm.s32 $0xCB20;
	[sflag:s17] =	ssyncadd.s32 $0xFFFFFFB0  }
0x6a: {  	[spmem:s2] =	stream.indirect.scatter.add.f32 [tilespmem:s3], [sflag:$0x7], $0x40, s1, s18, $0xb8;
	[tilespmem:$0x16E40] =	vst v63  }
0x6b: {  	_ =	swait.ge [sflag:s11], $0x1400  }
0x6c: {  	[sflag:s11] =	ssyncset.done $0x0  }
0x6d: {  	s28 =	simm.s32 $0xCB70;
	s9 =	rddreg [dreg:$0x4];
	[sflag:s11] =	ssyncadd.s32 $0xFFFFEC00  }
0x6e: {  	[spmem:s2] =	stream.indirect.scatter.add.f32 [tilespmem:s9], [sflag:$0x7], $0x40, s28, s18, $0xb8;
	[tilespmem:$0x16E40] =	vst v63  }
0x6f: {  	_ =	swait.ge [sflag:s11], $0x1400  }
0x70: {  	[sflag:s11] =	ssyncset.done $0x0  }
0x71: {  	s29 =	simm.s32 $0xCBC0;
	s10 =	rddreg [dreg:$0x5];
	[sflag:s11] =	ssyncadd.s32 $0xFFFFEC00  }
0x72: {  	[spmem:s2] =	stream.indirect.scatter.add.f32 [tilespmem:s10], [sflag:$0x7], $0x40, s29, s18, $0xb8;
	[tilespmem:$0x16E40] =	vst v63  }
0x73: {  	_ =	swait.ge [sflag:s11], $0x1400  }
0x74: {  	[sflag:s11] =	ssyncset.done $0x0  }
0x75: {  	s30 =	simm.s32 $0xCC10;
	s13 =	rddreg [dreg:$0x6];
	[sflag:s11] =	ssyncadd.s32 $0xFFFFEC00  }
0x76: {  	[spmem:s2] =	stream.indirect.scatter.add.f32 [tilespmem:s13], [sflag:$0x7], $0x40, s30, s18, $0xb8;
	[tilespmem:$0x16E40] =	vst v63  }
0x77: {  	_ =	swait.ge [sflag:s11], $0x1400  }
0x78: {  	[sflag:s11] =	ssyncset.done $0x0  }
0x79: {  	s31 =	simm.s32 $0xCC60;
	s23 =	rddreg [dreg:$0x7];
	[sflag:s11] =	ssyncadd.s32 $0xFFFFEC00  }
0x7a: {  	[spmem:s2] =	stream.indirect.scatter.add.f32 [tilespmem:s23], [sflag:$0x7], $0x40, s31, s18, $0xb8;
	[tilespmem:$0x16E40] =	vst v63  }
0x7b: {  	_ =	swait.ge [sflag:s11], $0x1400  }
0x7c: {  	[sflag:s11] =	ssyncset.done $0x0  }
0x7d: {  	s7 =	sadd.s32 s6, s7;
	[sflag:s11] =	ssyncadd.s32 $0xFFFFEC00  }
0x7e: {  	[tilespmem:s1], [sflag:$0x5] =	stream.linear.gather [hbm4b:s7+s3], $0x50, $0x38;
	[tilespmem:$0x16E40] =	vst v63  }
0x7f: {  	s24 =	sadd.s32 $0xA, s7  }
0x80: {  	[tilespmem:s28], [sflag:$0x5] =	stream.linear.gather [hbm4b:s24+s3], $0x50, $0x38;
	[tilespmem:$0x16E40] =	vst v63  }
0x81: {  	s1 =	sadd.s32 $0x14, s7  }
0x82: {  	[tilespmem:s29], [sflag:$0x5] =	stream.linear.gather [hbm4b:s1+s3], $0x50, $0x38;
	[tilespmem:$0x16E40] =	vst v63  }
0x83: {  	s8 =	sadd.s32 $0x1E, s7  }
0x84: {  	[tilespmem:s30], [sflag:$0x5] =	stream.linear.gather [hbm4b:s8+s3], $0x50, $0x38;
	[tilespmem:$0x16E40] =	vst v63  }
0x85: {  	s7 =	sadd.s32 $0x28, s7  }
0x86: {  	[tilespmem:s31], [sflag:$0x5] =	stream.linear.gather [hbm4b:s7+s3], $0x50, $0x38;
	[tilespmem:$0x16E40] =	vst v63  }
0x87: {  	_ =	swait.ge [sflag:s12], $0x190  }
0x88: {  	s7 =	simm.s32 $0x4B0;
	[sflag:s12] =	ssyncset.done $0x0  }
0x89: {  	s15 =	simm.s32 $0x190;
	s7 =	simm.s32 @p0 $0x0;
	[sflag:s12] =	ssyncadd.s32 $0xFFFFFE70  }
0x8a: {  	[tilespmem:s3], [sflag:$0x1] =	stream.indirect.gather [hbm4b:s21+s15], $0x40, s25, s15, $0xb8;
	[tilespmem:$0x16E40] =	vst v63  }
0x8b: {  	s7 =	sadd.s32 s5, s7;
	_ =	swait.ge [sflag:s20], $0x6400  }
0x8c: {  	s7 =	sshrl.u32 s7, $0x3;
	[sflag:s20] =	ssyncset.done $0x0  }
0x8d: {  	s0 =	simm.s32 $0xC990;
	s9 =	sadd.s32 s4, s7;
	[sflag:s20] =	ssyncadd.s32 $0xFFFF9C00  }
0x8e: {  	[tilespmem:s0], [sflag:$0x4] =	stream.linear.gather [hbm4b:s9+s3], $0x190, $0x38;
	[tilespmem:$0x16E40] =	vst v63  }
0x8f: {  	_ =	swait.ge [sflag:s22], $0x50  }
0x90: {  	[sflag:s22] =	ssyncset.done $0x0  }
0x91: {  	[sflag:s22] =	ssyncadd.s32 $0xFFFFFFB0  }
0x92: {  	_ =	swait.ge [sflag:s22], $0x50  }
0x93: {  	[sflag:s22] =	ssyncset.done $0x0  }
0x94: {  	[sflag:s22] =	ssyncadd.s32 $0xFFFFFFB0  }
0x95: {  	_ =	swait.ge [sflag:s22], $0x50  }
0x96: {  	[sflag:s22] =	ssyncset.done $0x0  }
0x97: {  	[sflag:s22] =	ssyncadd.s32 $0xFFFFFFB0  }
0x98: {  	_ =	swait.ge [sflag:s22], $0x50  }
0x99: {  	[sflag:s22] =	ssyncset.done $0x0  }
0x9a: {  	[sflag:s22] =	ssyncadd.s32 $0xFFFFFFB0  }
0x9b: {  	_ =	swait.ge [sflag:s22], $0x50  }
0x9c: {  	[sflag:s22] =	ssyncset.done $0x0  }
0x9d: {  	s26 =	simm.s32 $0x6400;
	s1 =	simm.s32 $0xCCB0;
	[sflag:s22] =	ssyncadd.s32 $0xFFFFFFB0  }
0x9e: {  	[spmem:s2] =	stream.indirect.scatter.add.f32 [tilespmem:s26], [sflag:$0x7], $0x40, s1, s18, $0xb8;
	[tilespmem:$0x16E40] =	vst v63  }
0x9f: {  	_ =	swait.ge [sflag:s11], $0x1400  }
0xa0: {  	[sflag:s11] =	ssyncset.done $0x0  }
0xa1: {  	s8 =	simm.s32 $0xCD00;
	s10 =	rddreg [dreg:$0x8];
	[sflag:s11] =	ssyncadd.s32 $0xFFFFEC00  }
0xa2: {  	[spmem:s2] =	stream.indirect.scatter.add.f32 [tilespmem:s10], [sflag:$0x7], $0x40, s8, s18, $0xb8;
	[tilespmem:$0x16E40] =	vst v63  }
0xa3: {  	_ =	swait.ge [sflag:s11], $0x1400  }
0xa4: {  	[sflag:s11] =	ssyncset.done $0x0  }
0xa5: {  	s9 =	simm.s32 $0xCD50;
	s13 =	rddreg [dreg:$0x9];
	[sflag:s11] =	ssyncadd.s32 $0xFFFFEC00  }
0xa6: {  	[spmem:s2] =	stream.indirect.scatter.add.f32 [tilespmem:s13], [sflag:$0x7], $0x40, s9, s18, $0xb8;
	[tilespmem:$0x16E40] =	vst v63  }
0xa7: {  	_ =	swait.ge [sflag:s11], $0x1400  }
0xa8: {  	[sflag:s11] =	ssyncset.done $0x0  }
0xa9: {  	s10 =	simm.s32 $0xCDA0;
	s23 =	rddreg [dreg:$0xa];
	[sflag:s11] =	ssyncadd.s32 $0xFFFFEC00  }
0xaa: {  	[spmem:s2] =	stream.indirect.scatter.add.f32 [tilespmem:s23], [sflag:$0x7], $0x40, s10, s18, $0xb8;
	[tilespmem:$0x16E40] =	vst v63  }
0xab: {  	_ =	swait.ge [sflag:s11], $0x1400  }
0xac: {  	[sflag:s11] =	ssyncset.done $0x0  }
0xad: {  	s13 =	simm.s32 $0xCDF0;
	s24 =	rddreg [dreg:$0xb];
	[sflag:s11] =	ssyncadd.s32 $0xFFFFEC00  }
0xae: {  	[spmem:s2] =	stream.indirect.scatter.add.f32 [tilespmem:s24], [sflag:$0x7], $0x40, s13, s18, $0xb8;
	[tilespmem:$0x16E40] =	vst v63  }
0xaf: {  	_ =	swait.ge [sflag:s11], $0x1400  }
0xb0: {  	[sflag:s11] =	ssyncset.done $0x0  }
0xb1: {  	s19 =	sadd.s32 s6, s7;
	[sflag:s11] =	ssyncadd.s32 $0xFFFFEC00  }
0xb2: {  	[tilespmem:s1], [sflag:$0x6] =	stream.linear.gather [hbm4b:s19+s3], $0x50, $0x38;
	[tilespmem:$0x16E40] =	vst v63  }
0xb3: {  	s7 =	sadd.s32 $0xA, s19  }
0xb4: {  	[tilespmem:s8], [sflag:$0x6] =	stream.linear.gather [hbm4b:s7+s3], $0x50, $0x38;
	[tilespmem:$0x16E40] =	vst v63  }
0xb5: {  	s23 =	sadd.s32 $0x14, s19  }
0xb6: {  	[tilespmem:s9], [sflag:$0x6] =	stream.linear.gather [hbm4b:s23+s3], $0x50, $0x38;
	[tilespmem:$0x16E40] =	vst v63  }
0xb7: {  	s24 =	sadd.s32 $0x1E, s19;
	s19 =	sadd.s32 $0x28, s19;
	s7 =	simm.s32 $0x7D0  }
0xb8: {  	[tilespmem:s10], [sflag:$0x6] =	stream.linear.gather [hbm4b:s24+s3], $0x50, $0x38;
	[tilespmem:$0x16E40] =	vst v63  }
.LBB2_4:
0xb9: {  	[tilespmem:s13], [sflag:$0x6] =	stream.linear.gather [hbm4b:s19+s3], $0x50, $0x38;
	[tilespmem:$0x16E40] =	vst v63  }
0xba: {  	s23 =	smov.u32 s7;
	_ =	swait.ge [sflag:s14], $0x190  }
0xbb: {  	p1 =	seq.s32 s23, $0x4FB0;
	s19 =	sadd.s32 $0xFFFFFE70, s23;
	[sflag:s14] =	ssyncset.done $0x0  }
0xbc: {  	s19 =	simm.s32 @p1 $0x0;
	[sflag:s14] =	ssyncadd.s32 $0xFFFFFE70  }
0xbd: {  	[tilespmem:s26], [sflag:$0x2] =	stream.indirect.gather [hbm4b:s21+s15], $0x40, s0, s15, $0xb8;
	[tilespmem:$0x16E40] =	vst v63  }
0xbe: {  	s23 =	simm.s32 @p1 $0x0;
	s19 =	sadd.s32 s5, s19;
	_ =	swait.ge [sflag:s16], $0x6400  }
0xbf: {  	s24 =	sadd.s32 s5, s23;
	s23 =	sshrl.u32 s19, $0x3;
	[sflag:s16] =	ssyncset.done $0x0  }
0xc0: {  	s19 =	sshrl.u32 s24, $0x3;
	s24 =	sadd.s32 s4, s23;
	[sflag:s16] =	ssyncadd.s32 $0xFFFF9C00  }
0xc1: {  	[tilespmem:s25], [sflag:$0x3] =	stream.linear.gather [hbm4b:s24+s3], $0x190, $0x38;
	[tilespmem:$0x16E40] =	vst v63  }
0xc2: {  	_ =	swait.ge [sflag:s17], $0x50  }
0xc3: {  	[sflag:s17] =	ssyncset.done $0x0  }
0xc4: {  	[sflag:s17] =	ssyncadd.s32 $0xFFFFFFB0  }
0xc5: {  	_ =	swait.ge [sflag:s17], $0x50  }
0xc6: {  	[sflag:s17] =	ssyncset.done $0x0  }
0xc7: {  	[sflag:s17] =	ssyncadd.s32 $0xFFFFFFB0  }
0xc8: {  	_ =	swait.ge [sflag:s17], $0x50  }
0xc9: {  	[sflag:s17] =	ssyncset.done $0x0  }
0xca: {  	[sflag:s17] =	ssyncadd.s32 $0xFFFFFFB0  }
0xcb: {  	_ =	swait.ge [sflag:s17], $0x50  }
0xcc: {  	[sflag:s17] =	ssyncset.done $0x0  }
0xcd: {  	[sflag:s17] =	ssyncadd.s32 $0xFFFFFFB0  }
0xce: {  	_ =	swait.ge [sflag:s17], $0x50  }
0xcf: {  	[sflag:s17] =	ssyncset.done $0x0  }
0xd0: {  	s25 =	simm.s32 $0xCB20;
	[sflag:s17] =	ssyncadd.s32 $0xFFFFFFB0  }
0xd1: {  	[spmem:s2] =	stream.indirect.scatter.add.f32 [tilespmem:s3], [sflag:$0x7], $0x40, s25, s18, $0xb8;
	[tilespmem:$0x16E40] =	vst v63  }
0xd2: {  	_ =	swait.ge [sflag:s11], $0x1400  }
0xd3: {  	[sflag:s11] =	ssyncset.done $0x0  }
0xd4: {  	s24 =	rddreg [dreg:$0x4];
	[sflag:s11] =	ssyncadd.s32 $0xFFFFEC00  }
0xd5: {  	[spmem:s2] =	stream.indirect.scatter.add.f32 [tilespmem:s24], [sflag:$0x7], $0x40, s28, s18, $0xb8;
	[tilespmem:$0x16E40] =	vst v63  }
0xd6: {  	_ =	swait.ge [sflag:s11], $0x1400  }
0xd7: {  	[sflag:s11] =	ssyncset.done $0x0  }
0xd8: {  	s24 =	rddreg [dreg:$0x5];
	[sflag:s11] =	ssyncadd.s32 $0xFFFFEC00  }
0xd9: {  	[spmem:s2] =	stream.indirect.scatter.add.f32 [tilespmem:s24], [sflag:$0x7], $0x40, s29, s18, $0xb8;
	[tilespmem:$0x16E40] =	vst v63  }
0xda: {  	_ =	swait.ge [sflag:s11], $0x1400  }
0xdb: {  	[sflag:s11] =	ssyncset.done $0x0  }
0xdc: {  	s24 =	rddreg [dreg:$0x6];
	[sflag:s11] =	ssyncadd.s32 $0xFFFFEC00  }
0xdd: {  	[spmem:s2] =	stream.indirect.scatter.add.f32 [tilespmem:s24], [sflag:$0x7], $0x40, s30, s18, $0xb8;
	[tilespmem:$0x16E40] =	vst v63  }
0xde: {  	_ =	swait.ge [sflag:s11], $0x1400  }
0xdf: {  	[sflag:s11] =	ssyncset.done $0x0  }
0xe0: {  	s24 =	rddreg [dreg:$0x7];
	[sflag:s11] =	ssyncadd.s32 $0xFFFFEC00  }
0xe1: {  	[spmem:s2] =	stream.indirect.scatter.add.f32 [tilespmem:s24], [sflag:$0x7], $0x40, s31, s18, $0xb8;
	[tilespmem:$0x16E40] =	vst v63  }
0xe2: {  	_ =	swait.ge [sflag:s11], $0x1400  }
0xe3: {  	[sflag:s11] =	ssyncset.done $0x0  }
0xe4: {  	s23 =	sadd.s32 s6, s23;
	[sflag:s11] =	ssyncadd.s32 $0xFFFFEC00  }
0xe5: {  	[tilespmem:s25], [sflag:$0x5] =	stream.linear.gather [hbm4b:s23+s3], $0x50, $0x38;
	[tilespmem:$0x16E40] =	vst v63  }
0xe6: {  	s24 =	sadd.s32 $0xA, s23  }
0xe7: {  	[tilespmem:s28], [sflag:$0x5] =	stream.linear.gather [hbm4b:s24+s3], $0x50, $0x38;
	[tilespmem:$0x16E40] =	vst v63  }
0xe8: {  	s25 =	sadd.s32 $0x14, s23  }
0xe9: {  	[tilespmem:s29], [sflag:$0x5] =	stream.linear.gather [hbm4b:s25+s3], $0x50, $0x38;
	[tilespmem:$0x16E40] =	vst v63  }
0xea: {  	s24 =	sadd.s32 $0x1E, s23  }
0xeb: {  	[tilespmem:s30], [sflag:$0x5] =	stream.linear.gather [hbm4b:s24+s3], $0x50, $0x38;
	[tilespmem:$0x16E40] =	vst v63  }
0xec: {  	s23 =	sadd.s32 $0x28, s23  }
0xed: {  	[tilespmem:s31], [sflag:$0x5] =	stream.linear.gather [hbm4b:s23+s3], $0x50, $0x38;
	[tilespmem:$0x16E40] =	vst v63  }
0xee: {  	_ =	swait.ge [sflag:s12], $0x190  }
0xef: {  	[sflag:s12] =	ssyncset.done $0x0  }
0xf0: {  	s25 =	simm.s32 $0xC800;
	[sflag:s12] =	ssyncadd.s32 $0xFFFFFE70  }
0xf1: {  	[tilespmem:s3], [sflag:$0x1] =	stream.indirect.gather [hbm4b:s21+s15], $0x40, s25, s15, $0xb8;
	[tilespmem:$0x16E40] =	vst v63  }
0xf2: {  	_ =	swait.ge [sflag:s20], $0x6400  }
0xf3: {  	[sflag:s20] =	ssyncset.done $0x0  }
0xf4: {  	s24 =	sadd.s32 s4, s19;
	[sflag:s20] =	ssyncadd.s32 $0xFFFF9C00  }
0xf5: {  	[tilespmem:s0], [sflag:$0x4] =	stream.linear.gather [hbm4b:s24+s3], $0x190, $0x38;
	[tilespmem:$0x16E40] =	vst v63  }
0xf6: {  	_ =	swait.ge [sflag:s22], $0x50  }
0xf7: {  	[sflag:s22] =	ssyncset.done $0x0  }
0xf8: {  	[sflag:s22] =	ssyncadd.s32 $0xFFFFFFB0  }
0xf9: {  	_ =	swait.ge [sflag:s22], $0x50  }
0xfa: {  	[sflag:s22] =	ssyncset.done $0x0  }
0xfb: {  	[sflag:s22] =	ssyncadd.s32 $0xFFFFFFB0  }
0xfc: {  	_ =	swait.ge [sflag:s22], $0x50  }
0xfd: {  	[sflag:s22] =	ssyncset.done $0x0  }
0xfe: {  	[sflag:s22] =	ssyncadd.s32 $0xFFFFFFB0  }
0xff: {  	_ =	swait.ge [sflag:s22], $0x50  }
0x100: {  	[sflag:s22] =	ssyncset.done $0x0  }
0x101: {  	[sflag:s22] =	ssyncadd.s32 $0xFFFFFFB0  }
0x102: {  	_ =	swait.ge [sflag:s22], $0x50  }
0x103: {  	[sflag:s22] =	ssyncset.done $0x0  }
0x104: {  	[sflag:s22] =	ssyncadd.s32 $0xFFFFFFB0  }
0x105: {  	[spmem:s2] =	stream.indirect.scatter.add.f32 [tilespmem:s26], [sflag:$0x7], $0x40, s1, s18, $0xb8;
	[tilespmem:$0x16E40] =	vst v63  }
0x106: {  	_ =	swait.ge [sflag:s11], $0x1400  }
0x107: {  	[sflag:s11] =	ssyncset.done $0x0  }
0x108: {  	s24 =	rddreg [dreg:$0x8];
	[sflag:s11] =	ssyncadd.s32 $0xFFFFEC00  }
0x109: {  	[spmem:s2] =	stream.indirect.scatter.add.f32 [tilespmem:s24], [sflag:$0x7], $0x40, s8, s18, $0xb8;
	[tilespmem:$0x16E40] =	vst v63  }
0x10a: {  	_ =	swait.ge [sflag:s11], $0x1400  }
0x10b: {  	[sflag:s11] =	ssyncset.done $0x0  }
0x10c: {  	s24 =	rddreg [dreg:$0x9];
	[sflag:s11] =	ssyncadd.s32 $0xFFFFEC00  }
0x10d: {  	[spmem:s2] =	stream.indirect.scatter.add.f32 [tilespmem:s24], [sflag:$0x7], $0x40, s9, s18, $0xb8;
	[tilespmem:$0x16E40] =	vst v63  }
0x10e: {  	_ =	swait.ge [sflag:s11], $0x1400  }
0x10f: {  	[sflag:s11] =	ssyncset.done $0x0  }
0x110: {  	s24 =	rddreg [dreg:$0xa];
	[sflag:s11] =	ssyncadd.s32 $0xFFFFEC00  }
0x111: {  	[spmem:s2] =	stream.indirect.scatter.add.f32 [tilespmem:s24], [sflag:$0x7], $0x40, s10, s18, $0xb8;
	[tilespmem:$0x16E40] =	vst v63  }
0x112: {  	_ =	swait.ge [sflag:s11], $0x1400  }
0x113: {  	[sflag:s11] =	ssyncset.done $0x0  }
0x114: {  	s24 =	rddreg [dreg:$0xb];
	[sflag:s11] =	ssyncadd.s32 $0xFFFFEC00  }
0x115: {  	[spmem:s2] =	stream.indirect.scatter.add.f32 [tilespmem:s24], [sflag:$0x7], $0x40, s13, s18, $0xb8;
	[tilespmem:$0x16E40] =	vst v63  }
0x116: {  	_ =	swait.ge [sflag:s11], $0x1400  }
0x117: {  	[sflag:s11] =	ssyncset.done $0x0  }
0x118: {  	s19 =	sadd.s32 s6, s19;
	[sflag:s11] =	ssyncadd.s32 $0xFFFFEC00  }
0x119: {  	[tilespmem:s1], [sflag:$0x6] =	stream.linear.gather [hbm4b:s19+s3], $0x50, $0x38;
	[tilespmem:$0x16E40] =	vst v63  }
0x11a: {  	p0 =	sne.s32 s7, $0x4FB0;
	s23 =	sadd.s32 $0xA, s19  }
0x11b: {  	[tilespmem:s8], [sflag:$0x6] =	stream.linear.gather [hbm4b:s23+s3], $0x50, $0x38;
	[tilespmem:$0x16E40] =	vst v63  }
.Ltmp1:
0x11c: {  	_ = 	snop;
	(pc) =	sbr.rel @p0 .LBB2_4-.Ltmp1, $4  }
0x11d: {  	s24 =	sadd.s32 $0x14, s19  }
0x11e: {  	[tilespmem:s9], [sflag:$0x6] =	stream.linear.gather [hbm4b:s24+s3], $0x50, $0x38;
	[tilespmem:$0x16E40] =	vst v63  }
0x11f: {  	s7 =	sadd.s32 $0x320, s7;
	s23 =	sadd.s32 $0x1E, s19;
	s19 =	sadd.s32 $0x28, s19  }
0x120: {  	[tilespmem:s10], [sflag:$0x6] =	stream.linear.gather [hbm4b:s23+s3], $0x50, $0x38;
	[tilespmem:$0x16E40] =	vst v63  }
0x121: {  	[tilespmem:s13], [sflag:$0x6] =	stream.linear.gather [hbm4b:s19+s3], $0x50, $0x38;
	[tilespmem:$0x16E40] =	vst v63  }
0x122: {  	_ =	swait.ge [sflag:s14], $0x190  }
0x123: {  	[sflag:s14] =	ssyncset.done $0x0  }
0x124: {  	[sflag:s14] =	ssyncadd.s32 $0xFFFFFE70  }
0x125: {  	_ =	swait.ge [sflag:s17], $0x50  }
0x126: {  	[sflag:s17] =	ssyncset.done $0x0  }
0x127: {  	[sflag:s17] =	ssyncadd.s32 $0xFFFFFFB0  }
0x128: {  	_ =	swait.ge [sflag:s17], $0x50  }
0x129: {  	[sflag:s17] =	ssyncset.done $0x0  }
0x12a: {  	[sflag:s17] =	ssyncadd.s32 $0xFFFFFFB0  }
0x12b: {  	_ =	swait.ge [sflag:s17], $0x50  }
0x12c: {  	[sflag:s17] =	ssyncset.done $0x0  }
0x12d: {  	[sflag:s17] =	ssyncadd.s32 $0xFFFFFFB0  }
0x12e: {  	_ =	swait.ge [sflag:s17], $0x50  }
0x12f: {  	[sflag:s17] =	ssyncset.done $0x0  }
0x130: {  	[sflag:s17] =	ssyncadd.s32 $0xFFFFFFB0  }
0x131: {  	_ =	swait.ge [sflag:s17], $0x50  }
0x132: {  	[sflag:s17] =	ssyncset.done $0x0  }
0x133: {  	[sflag:s17] =	ssyncadd.s32 $0xFFFFFFB0  }
0x134: {  	_ =	swait.ge [sflag:s22], $0x50  }
0x135: {  	[sflag:s22] =	ssyncset.done $0x0  }
0x136: {  	[sflag:s22] =	ssyncadd.s32 $0xFFFFFFB0  }
0x137: {  	_ =	swait.ge [sflag:s22], $0x50  }
0x138: {  	[sflag:s22] =	ssyncset.done $0x0  }
0x139: {  	[sflag:s22] =	ssyncadd.s32 $0xFFFFFFB0  }
0x13a: {  	_ =	swait.ge [sflag:s22], $0x50  }
0x13b: {  	[sflag:s22] =	ssyncset.done $0x0  }
0x13c: {  	[sflag:s22] =	ssyncadd.s32 $0xFFFFFFB0  }
0x13d: {  	_ =	swait.ge [sflag:s22], $0x50  }
0x13e: {  	[sflag:s22] =	ssyncset.done $0x0  }
0x13f: {  	[sflag:s22] =	ssyncadd.s32 $0xFFFFFFB0  }
0x140: {  	_ =	swait.ge [sflag:s22], $0x50  }
0x141: {  	[sflag:s22] =	ssyncset.done $0x0  }
0x142: {  	[sflag:s22] =	ssyncadd.s32 $0xFFFFFFB0  }
0x143: {  	_ =	swait.ge [sflag:s16], $0x6400  }
0x144: {  	[sflag:s16] =	ssyncset.done $0x0  }
0x145: {  	[sflag:s16] =	ssyncadd.s32 $0xFFFF9C00  }
0x146: {  	s7 =	stileid.u32;
	[bflag:$0x0] =	sbarrier.arrive $0xFFFF  }
0x147: {  	s7 =	sshll.u32 s7, $0x6;
	s24 =	rddreg [dreg:$0x18]  }
0x148: {  	s7 =	sor.u32 $0x1C07, s7;
	s23 =	rddreg [dreg:$0x1a];
	s15 =	sshrl.u32 s24, $0x3  }
0x149: {  	[hbm:s23], [sflag:s7] =	dma.local [spmem:s15], $0x1400  }
0x14a: {  	_ =	swait.ge [sflag:s11], $0x1400  }
0x14b: {  	s31 =	rddreg [dreg:$0x1c]  }
0x14c: {  	s26 =	rddreg [dreg:$0x1b];
	s31 =	sadd.s32 $0x1, s31  }
0x14d: {  	s19 =	simm.s32 $0xCB20;
	p0 =	sne.s32 s31, s26  }
.Ltmp2:
0x14e: {  	s28 =	simm.s32 $0xCC10;
	s29 =	simm.s32 $0xCC60;
	(pc) =	sbr.rel @p0 .LBB2_1-.Ltmp2, $4  }
0x14f: {  	s0 =	simm.s32 $0xC990;
	s1 =	simm.s32 $0xCCB0;
	s8 =	simm.s32 $0xCD00  }
0x150: {  	s9 =	simm.s32 $0xCD50;
	s10 =	simm.s32 $0xCDA0;
	s13 =	simm.s32 $0xCDF0  }
0x151: {  	s30 =	simm.s32 $0x6400;
	s23 =	simm.s32 $0xCB70;
	[sflag:s11] =	ssyncset.done $0x0  }
0x152: {  	s15 =	simm.s32 $0x190;
	[sflag:s11] =	ssyncadd.s32 $0xFFFFEC00;
	s26 =	simm.s32 $0xCBC0  }
0x153: {  	_ =	sfence.sel $0x180000  }
0x154: {  	[bflag:$0x0] =	sbarrier.arrive $0xFFFF  }
0x155: {  	_ =	strace $0x9000004A  }
0x156: {  	s0 =	stileid.u32;
	[bflag:$0x2] =	sbarrier.arrive $0xFFFF  }
0x157: {  	p0 =	sne.s32 s0, $0x0;
	s0 =	rddreg [dreg:$0x3]  }
0x158: {  	s0 =	sadd.s32 @!p0 $0x100000, s0  }
0x159: {  	[sflag:s0] =	ssyncadd.tile.s32 @!p0 $0x1;
	_ =	shalt  }
.Lfunc_end2:
_tile_overlayer_lowered:
.L_overlay_start_2:
0x15a: {  	(tag) =	ssettag $0x2  }
0x15b: {  	s0 =	rddreg [dreg:$0x0];
	s2 =	stileid.u32  }
0x15c: {  	s1 =	rddreg [dreg:$0x1];
	p0 =	sne.s32 s2, $0x0  }
0x15d: {  	s3 =	rddreg [dreg:$0x2];
	[bflag:$0x3] =	sbarrier.arrive $0xFFFF;
	s2 =	simm.s32 @!p0 $0x1C07  }
0x15e: {  	[timem:s3], [sflag:s2] =	dma.local @!p0 [hbm:s0], s1  }
0x15f: {  	s0 =	simm.s32 @!p0 $0x7  }
0x160: {  	_ =	swait.ge @!p0 [sflag:s0], s1  }
0x161: {  	s1 =	ssub.s32 @!p0 $0x0, s1;
	[sflag:s0] =	ssyncset.done @!p0 $0x0  }
0x162: {  	[sflag:s0] =	ssyncadd.s32 @!p0 s1  }
0x163: {  	[bflag:$0x3] =	sbarrier.arrive $0xFFFF  }
0x164: {  	_ =	shalt  }

// kernel: kernel.9.cloned.1.call-start
scs
__scs_entry_jumppad:
0x0: {  	(pc) =	sbr.rel $0x88, $3  }
0x1: {  	(tag) =	ssettag $0x0;
	lr =	simm.s32 $0x1  }
0x2: {  	[smem:$0x3F9B] =	sst lr;
	_ =	strace $0xD0000000  }
0x3: {  	_ = 	snop  }
0x4: {  	_ = 	snop  }
0x5: {  	_ = 	snop  }
0x6: {  	_ = 	snop  }
0x7: {  	_ = 	snop  }
__scs_overlays_trampoline_lowered:
0x8: {  	[smem:$0x3FAA] =	sst s0  }
0x9: {  	[smem:$0x3FAB] =	sst s1  }
0xa: {  	[smem:$0x3FAC] =	sst s2  }
0xb: {  	[smem:$0x3FAD] =	sst s3  }
0xc: {  	[smem:$0x3FAE] =	sst s4  }
0xd: {  	[smem:$0x3FAF] =	sst s5  }
0xe: {  	[smem:$0x3FB0] =	sst s6  }
0xf: {  	[smem:$0x3FB1] =	sst s7  }
0x10: {  	[smem:$0x3FB2] =	sst s8  }
0x11: {  	[smem:$0x3FB3] =	sst s9;
	s0 =	simm.s32 @!p0 $0x0  }
0x12: {  	s1 =	sld [smem:$0x3F99];
	s0 =	simm.s32 @p0 $0x1  }
0x13: {  	[smem:$0x3FB4] =	sst s0;
	s0 =	simm.s32 @!p1 $0x0  }
0x14: {  	s2 =	sld [smem:$0x3F98];
	s0 =	simm.s32 @p1 $0x1  }
0x15: {  	[smem:$0x3FB5] =	sst s0;
	s0 =	simm.s32 @!p2 $0x0  }
0x16: {  	s3 =	sld [smem:$0x3FDB];
	s0 =	simm.s32 @p2 $0x1  }
0x17: {  	s4 =	simm.s32 $0x1BF5;
	[smem:$0x3FB7] =	sst s0  }
0x18: {  	s0 =	sld [smem:$0x3F9A];
	_ =	swait.ge [sflag:s4], $0x0  }
0x19: {  	s7 =	sld [smem:$0x3F9B]  }
0x1a: {  	s8 =	sadd.s32 $0xFFFFE003, lr  }
0x1b: {  	s9 =	sadd.s32 $0xFFFFFEF7, lr;
	s5 =	simm.s32 $0xFFFFFFFF;
	p2 =	slt.u32 s8, $0xFFFFF086  }
0x1c: {  	p1 =	slt.u32 s9, $0xF7A;
	s5 =	simm.s32 @!p2 $0x0  }
0x1d: {  	s5 =	simm.s32 @p1 $0x1;
	p0 =	seq.s32 s7, s2  }
0x1e: {  	s7 =	smul.u32 @!p0 $0xF7A, s2;
	p2 =	seq.s32 @!p0 s5, $0x0  }
0x1f: {  	s9 =	smul.u32 $0xF7A, s1;
	s8 =	simm.s32 @!p0 $0x1BF5;
	p2 =	por !p2, p0  }
0x20: {  	[sflag:s8] =	ssyncset.s32 @!p0 $0xFFFFF086;
	s6 =	sadd.s32 @!p0 s3, s7;
	s7 =	simm.s32 @!p0 $0x108  }
0x21: {  	s3 =	sadd.s32 s3, s9;
	s6 =	sadd.s32 @!p0 $0x88, s6;
	s7 =	simm.s32 @p2 $0x1082  }
0x22: {  	[simem:s7], [sflag:s8] =	dma.local @!p0 [hbm:s6], $0xF7A  }
0x23: {  	s9 =	sor.u32 $0xD0000000, s2;
	s6 =	simm.s32 $0x108;
	_ =	swait.ge @!p0 [sflag:s8], $0x0  }
0x24: {  	s3 =	sadd.s32 $0x88, s3;
	s6 =	simm.s32 @!p1 $0x1082;
	[sflag:s4] =	ssyncset.s32 $0xFFFFF086  }
0x25: {  	[simem:s6], [sflag:s4] =	dma.local [hbm:s3], $0xF7A  }
0x26: {  	[smem:$0x3F9B] =	sst s1;
	(tag) =	ssettag s2;
	_ =	strace s9  }
0x27: {  	s1 =	sld [smem:$0x3FAB]  }
0x28: {  	s2 =	sld [smem:$0x3FAC]  }
0x29: {  	s4 =	sld [smem:$0x3FAE]  }
0x2a: {  	p0 =	seq.s32 s5, $0x0;
	s5 =	sld [smem:$0x3FAF]  }
0x2b: {  	s6 =	sld [smem:$0x3FB0]  }
0x2c: {  	s7 =	sld [smem:$0x3FB1]  }
0x2d: {  	s3 =	simm.s32 $0x108;
	s8 =	sld [smem:$0x3FB2]  }
0x2e: {  	s3 =	simm.s32 @!p0 $0x1082;
	s9 =	sld [smem:$0x3FB3]  }
0x2f: {  	lr =	sadd.s32 s0, s3;
	s0 =	sld [smem:$0x3FAA]  }
0x30: {  	s3 =	sld [smem:$0x3FAD]  }
0x31: {  	[smem:$0x3FB6] =	sst s10  }
0x32: {  	s10 =	sld [smem:$0x3FB4];
	_ =	sdelay $0x3  }
0x33: {  	p0 =	seq.s32 s10, $0x1;
	s10 =	sld [smem:$0x3FB6];
	_ =	sdelay $0x3  }
0x34: {  	[smem:$0x3FB6] =	sst s10  }
0x35: {  	s10 =	sld [smem:$0x3FB5];
	_ =	sdelay $0x3  }
0x36: {  	p1 =	seq.s32 s10, $0x1;
	s10 =	sld [smem:$0x3FB6];
	_ =	sdelay $0x3  }
0x37: {  	[smem:$0x3FB6] =	sst s10  }
0x38: {  	s10 =	sld [smem:$0x3FB7]  }
0x39: {  	_ = 	snop;
	(pc) =	sbr.ind lr, $3  }
0x3a: {  	_ = 	snop  }
0x3b: {  	_ = 	snop  }
0x3c: {  	p2 =	seq.s32 s10, $0x1;
	s10 =	sld [smem:$0x3FB6]  }
0x3d: {  	_ =	shalt  }
0x3e: {  	_ =	shalt  }
0x3f: {  	_ =	shalt  }
0x40: {  	_ =	shalt  }
0x41: {  	_ =	shalt  }
0x42: {  	_ =	shalt  }
0x43: {  	_ =	shalt  }
0x44: {  	_ =	shalt  }
0x45: {  	_ =	shalt  }
0x46: {  	_ =	shalt  }
0x47: {  	_ =	shalt  }
0x48: {  	_ =	shalt  }
0x49: {  	_ =	shalt  }
0x4a: {  	_ =	shalt  }
0x4b: {  	_ =	shalt  }
0x4c: {  	_ =	shalt  }
0x4d: {  	_ =	shalt  }
0x4e: {  	_ =	shalt  }
0x4f: {  	_ =	shalt  }
0x50: {  	_ =	shalt  }
0x51: {  	_ =	shalt  }
0x52: {  	_ =	shalt  }
0x53: {  	_ =	shalt  }
0x54: {  	_ =	shalt  }
0x55: {  	_ =	shalt  }
0x56: {  	_ =	shalt  }
0x57: {  	_ =	shalt  }
0x58: {  	_ =	shalt  }
0x59: {  	_ =	shalt  }
0x5a: {  	_ =	shalt  }
0x5b: {  	_ =	shalt  }
0x5c: {  	_ =	shalt  }
0x5d: {  	_ =	shalt  }
0x5e: {  	_ =	shalt  }
0x5f: {  	_ =	shalt  }
0x60: {  	_ =	shalt  }
0x61: {  	_ =	shalt  }
0x62: {  	_ =	shalt  }
0x63: {  	_ =	shalt  }
0x64: {  	_ =	shalt  }
0x65: {  	_ =	shalt  }
0x66: {  	_ =	shalt  }
0x67: {  	_ =	shalt  }
0x68: {  	_ =	shalt  }
0x69: {  	_ =	shalt  }
0x6a: {  	_ =	shalt  }
0x6b: {  	_ =	shalt  }
0x6c: {  	_ =	shalt  }
0x6d: {  	_ =	shalt  }
0x6e: {  	_ =	shalt  }
0x6f: {  	_ =	shalt  }
0x70: {  	_ =	shalt  }
0x71: {  	_ =	shalt  }
0x72: {  	_ =	shalt  }
0x73: {  	_ =	shalt  }
0x74: {  	_ =	shalt  }
0x75: {  	_ =	shalt  }
0x76: {  	_ =	shalt  }
0x77: {  	_ =	shalt  }
0x78: {  	_ =	shalt  }
0x79: {  	_ =	shalt  }
0x7a: {  	_ =	shalt  }
0x7b: {  	_ =	shalt  }
0x7c: {  	_ =	shalt  }
0x7d: {  	_ =	shalt  }
0x7e: {  	_ =	shalt  }
0x7f: {  	_ =	shalt  }
0x80: {  	_ =	shalt  }
0x81: {  	_ =	shalt  }
0x82: {  	_ =	shalt  }
0x83: {  	_ =	shalt  }
0x84: {  	_ =	shalt  }
0x85: {  	_ =	shalt  }
0x86: {  	_ =	shalt  }
0x87: {  	_ =	shalt  }
.Lfunc_end0:
.L_simem_size_0:
called_computation_lowered:
.L_overlay_start_0:
0x88: {  	s2 =	sld [smem:$0x3FD9]  }
0x89: {  	s3 =	sld [smem:$0x3FFE];
	_ =	sdelay $0x1  }
0x8a: {  	s1 =	srdreg.scid  }
0x8b: {  	s0 =	sand.u32 $0x1, s1  }
0x8c: {  	s17 =	sshll.u32 s0, $0xA;
	s2 =	sadd.s32 s3, s2  }
0x8d: {  	s2 =	sadd.s32 s2, s17  }
0x8e: {  	[smem:$0x3FC2] =	sst s2  }
0x8f: {  	_ = 	snop  }
0x90: {  	s2 =	sld [smem:$0x3FD0];
	(tm) =	ssettm $0x1  }
0x91: {  	s18 =	sld [smem:$0x3FFB];
	_ =	sdelay $0x3  }
0x92: {  	_ =	strace s18  }
0x93: {  	s3 =	sld [smem:$0x3FFC];
	_ =	sdelay $0x3  }
0x94: {  	_ =	strace s3  }
0x95: {  	s3 =	sld [smem:$0x3FFD];
	_ =	sdelay $0x3  }
0x96: {  	_ =	strace s3  }
0x97: {  	_ =	strace $0x8FFFFFFF  }
0x98: {  	s19 =	sld [smem:$0x3FDB];
	_ =	sdelay $0x1  }
0x99: {  	s4 =	simm.s32 $_scs_section_size  }
0x9a: {  	s5 =	simm.s32 $_size__tile_overlayer_lowered;
	s6 =	simm.s32 $_tile_overlayer_lowered  }
0x9b: {  	s22 =	simm.s32 $0x1BFF;
	s21 =	sshll.u32 s6, $0x1;
	s3 =	sadd.s32 s4, s19  }
0x9c: {  	s7 =	simm.s32 $0x0;
	s20 =	sshll.u32 s5, $0x1;
	s5 =	sadd.s32 s21, s3  }
0x9d: {  	[timem:s7], [sflag:s22] =	dma.local [hbm:s5], s20  }
0x9e: {  	_ =	swait.ge [sflag:s22], s20  }
0x9f: {  	s4 =	ssub.s32 $0x0, s20;
	[sflag:s22] =	ssyncset.done $0x0  }
0xa0: {  	[sflag:s22] =	ssyncadd.s32 s4;
	_ =	sdelay $0x1  }
0xa1: {  	s23 =	simm.s32 $0x1B8B  }
0xa2: {  	_ =	swait.ge [sflag:s23], $0x1  }
0xa3: {  	[sflag:s23] =	ssyncset.done $0x0  }
0xa4: {  	s25 =	simm.s32 $0x1B8E;
	s24 =	sld [smem:$0x3FFE];
	[sflag:s23] =	ssyncadd.s32 $0xFFFFFFFF  }
0xa5: {  	s26 =	simm.s32 $execute0_lowered;
	[smem:$0x3FD2] =	sst s25  }
0xa6: {  	s5 =	sshll.u32 s26, $0x1;
	_ =	strace $0x80000046;
	[dreg:$0x1] =	wrdreg $0xFFFFFFFF  }
0xa7: {  	s28 =	simm.s32 $_size_execute0_lowered;
	s3 =	sadd.s32 s3, s5;
	[dreg:$0x0] =	wrdreg $0x0  }
0xa8: {  	s5 =	sshll.u32 s28, $0x1;
	[dreg:$0x2] =	wrdreg s3  }
0xa9: {  	[dreg:$0x3] =	wrdreg s5  }
0xaa: {  	[dreg:$0x4] =	wrdreg $0xC0  }
0xab: {  	_ =	task [dreg:s7], $0x5FFFF  }
0xac: {  	[dreg:$0x1] =	wrdreg $0xFFFFFFFF  }
0xad: {  	[dreg:$0x0] =	wrdreg $0x60  }
0xae: {  	[dreg:$0x2] =	wrdreg s2  }
0xaf: {  	[dreg:$0x3] =	wrdreg s24  }
0xb0: {  	[dreg:$0x4] =	wrdreg $0xD0C00  }
0xb1: {  	[dreg:$0x5] =	wrdreg $0x170C00  }
0xb2: {  	[dreg:$0x6] =	wrdreg $0x9  }
0xb3: {  	_ =	task.clear_ibuf [dreg:s7], $0x7FFFF;
	_ =	strace $0x90000046  }
0xb4: {  	s29 =	simm.s32 $0x9;
	_ =	strace $0x80000048  }
0xb5: {  	_ =	swait.ge [sflag:s29], $0x1  }
0xb6: {  	[sflag:s29] =	ssyncadd.s32 $0xFFFFFFFF  }
0xb7: {  	_ =	strace $0x90000048  }
0xb8: {  	_ =	sfence  }
0xb9: {  	s30 =	sld [smem:$0x0];
	_ =	sdelay $0x2  }
0xba: {  	s31 =	sshll.u32 s1, $0xD;
	s1 =	sshrl.u32 s1, $0x2  }
0xbb: {  	s3 =	sand.u32 $0x4000, s31;
	s1 =	sadd.s32 s1, s30  }
0xbc: {  	s0 =	sor.u32 s3, s0;
	s1 =	sshll.u32 s1, $0x11  }
0xbd: {  	s0 =	sor.u32 s1, s0  }
0xbe: {  	s0 =	sadd.s32 $0x8F2B, s0  }
0xbf: {  	[sflag:s0] =	ssyncadd.remote.s32 $0x1  }
0xc0: {  	_ =	sfence.sel $0xFFFF  }
0xc1: {  	[dreg:$0x0] =	wrdreg $0xFFFFFFFF;
	(pc) =	sbr.abs _section_cstart, $3  }
0xc2: {  	[dreg:$0x1] =	wrdreg $0xFFFFFFFF  }
0xc3: {  	_ =	task.clear_ibuf [dreg:s7], $0x2FFFF;
	_ =	strace $0x9FFFFFFF  }
0xc4: {  	(tm) =	ssettm $0x7FFFFFFF  }
0xc5: {  	_ =	shalt  }
tec
execute0_lowered:
.L_overlay_start_1:
0x0: {  	(tag) =	ssettag $0x1  }
0x1: {  	s0 =	rddreg [dreg:$0x0]  }
0x2: {  	s1 =	rddreg [dreg:$0x1]  }
0x3: {  	s2 =	rddreg [dreg:$0x2];
	s4 =	srdreg.scid  }
0x4: {  	s15 =	stileid.u32;
	s3 =	rddreg [dreg:$0x3];
	s25 =	simm.s32 $0x1400  }
0x5: {  	s5 =	simm.s32 $0x2800;
	s8 =	sand.u32 $0x1, s4;
	s9 =	smul.u32 $0xA000, s15  }
0x6: {  	s4 =	simm.s32 $0x0;
	s10 =	smul.u32 $0x1400, s15;
	s31 =	sadd.s32 $0xB200, s1  }
0x7: {  	s6 =	sadd.s32 $0x1400, s1;
	s20 =	smul.u32 $0x280, s15;
	[smem:$0x7FF] =	sst s4  }
0x8: {  	s7 =	smul.u32 $0xA0000, s8;
	_ =	strace $0x80000047;
	[dreg:$0x5] =	wrdreg s25  }
0x9: {  	s11 =	smul.u32 $0x14000, s8;
	[dreg:$0x6] =	wrdreg s5;
	s25 =	simm.s32 $0xA000  }
0xa: {  	s13 =	ssub.s32 $0x2, s8;
	s5 =	simm.s32 $0xB400;
	[dreg:$0xb] =	wrdreg s25  }
0xb: {  	s19 =	sshrl.u32 s13, $0x1;
	s18 =	sadd.s32 s9, s2;
	[dreg:$0xc] =	wrdreg s5  }
0xc: {  	s7 =	sadd.s32 s9, s7;
	s11 =	sadd.s32 s10, s11;
	[dreg:$0x11] =	wrdreg s18  }
0xd: {  	s12 =	sshrl.u32 s7, $0x3;
	s7 =	smul.u32 $0x4E20, s15;
	s11 =	sshrl.u32 s11, $0x3  }
0xe: {  	s15 =	smul.u32 $0x5000, s15;
	s12 =	sadd.s32 s12, s1;
	s1 =	sadd.s32 s11, s1  }
0xf: {  	s11 =	ssub.s32 s13, s19;
	s13 =	sadd.s32 $0x190, s20;
	s19 =	simm.s32 $0x3C00  }
0x10: {  	s14 =	sshrl.u32 s7, $0x3;
	[dreg:$0x7] =	wrdreg s19;
	s12 =	sadd.s32 $0x1A000, s12  }
0x11: {  	s22 =	sshrl.u32 s15, $0x2;
	s15 =	sadd.s32 s10, s3;
	[dreg:$0x1b] =	wrdreg s12  }
0x12: {  	s21 =	sshll.u32 s13, $0x6;
	s16 =	sadd.s32 s31, s14;
	[dreg:$0x13] =	wrdreg s15  }
0x13: {  	s9 =	sadd.s32 s21, s2;
	[dreg:$0xd] =	wrdreg s16  }
0x14: {  	s30 =	simm.s32 $0xCC60;
	s21 =	simm.s32 $0x5000;
	[dreg:$0x12] =	wrdreg s9  }
0x15: {  	s9 =	sadd.s32 s22, s3;
	[dreg:$0x8] =	wrdreg s21;
	s22 =	simm.s32 $0x7800  }
0x16: {  	s16 =	sadd.s32 s6, s14;
	s14 =	sadd.s32 $0x32, s14;
	[dreg:$0x9] =	wrdreg s22  }
0x17: {  	s29 =	simm.s32 $0xC990;
	s17 =	sadd.s32 s31, s14;
	[dreg:$0xe] =	wrdreg s16  }
0x18: {  	s28 =	simm.s32 $0xCCB0;
	s14 =	sadd.s32 s6, s14;
	[dreg:$0xf] =	wrdreg s17  }
0x19: {  	s24 =	smul.u32 $0x13880, s8;
	s23 =	sadd.s32 $0x280, s9;
	[dreg:$0x10] =	wrdreg s14  }
0x1a: {  	p0 =	sne.s32 s8, $0x0;
	s26 =	sadd.s32 $0x500, s9;
	[dreg:$0x14] =	wrdreg s23  }
0x1b: {  	p1 =	seq.s32 s8, $0x0;
	s20 =	sadd.s32 $0x780, s9;
	[dreg:$0x15] =	wrdreg s26  }
0x1c: {  	s5 =	simm.s32 $0x3;
	s10 =	sadd.s32 $0x1180, s9;
	[dreg:$0x16] =	wrdreg s20  }
0x1d: {  	s12 =	simm.s32 $0x6;
	s19 =	sadd.s32 $0xA, s16;
	[dreg:$0x1a] =	wrdreg s10  }
0x1e: {  	s21 =	sadd.s32 $0x1E, s16;
	s22 =	sadd.s32 $0x28, s16;
	[dreg:$0x1e] =	wrdreg s19  }
0x1f: {  	s25 =	sadd.s32 $0x50, s16;
	s17 =	sadd.s32 s0, s24;
	[smem:$0x7F8] =	sst s21  }
0x20: {  	s23 =	simm.s32 $0x8C00;
	s24 =	sadd.s32 $0xA00, s9;
	[smem:$0x7F9] =	sst s22  }
0x21: {  	s26 =	sshll.u32 s13, $0x3;
	s13 =	sadd.s32 $0x15000, s1;
	[smem:$0x7FC] =	sst s25  }
0x22: {  	s14 =	smax.u32 s11, $0x1;
	s20 =	sadd.s32 $0x14, s16;
	[dreg:$0x17] =	wrdreg s24  }
0x23: {  	s21 =	simm.s32 $0xC800;
	s19 =	simm.s32 $0xCB70;
	[dreg:$0xa] =	wrdreg s23  }
0x24: {  	s22 =	simm.s32 $0xCC10;
	s1 =	simm.s32 $0xCD00;
	[dreg:$0x1c] =	wrdreg s13  }
0x25: {  	s25 =	simm.s32 $0x7;
	s0 =	simm.s32 $0x5;
	[dreg:$0x1d] =	wrdreg s14  }
0x26: {  	s11 =	simm.s32 $0x0;
	s8 =	sadd.s32 s26, s3;
	[dreg:$0x1f] =	wrdreg s20  }
0x27: {  	s23 =	sadd.s32 $0x3C, s16;
	s24 =	sadd.s32 $0x46, s16;
	[dreg:$0x18] =	wrdreg s8  }
0x28: {  	s26 =	sadd.s32 $0x5A, s16;
	s16 =	simm.s32 $0xCB20;
	[smem:$0x7FA] =	sst s23  }
0x29: {  	s20 =	simm.s32 $0xCBC0;
	s13 =	simm.s32 $0xCDF0;
	[smem:$0x7FB] =	sst s24  }
0x2a: {  	s14 =	simm.s32 $0x4;
	s8 =	sadd.s32 $0xF00, s9;
	[smem:$0x7FD] =	sst s26  }
0x2b: {  	s9 =	simm.s32 $0xCD50;
	s24 =	simm.s32 $0xCDA0;
	s23 =	simm.s32 $0x190  }
0x2c: {  	v0 =	vimm.f32 $0.0e+00;
	v1 =	vimm.f32 $1.000000000e+00;
	s26 =	simm.s32 $0x6400;
	[dreg:$0x19] =	wrdreg s8;
	s8 =	simm.s32 $0x50  }
.LBB2_1:
0x2d: {  	[smem:$0x7F7] =	sst s11  }
0x2e: {  	s10 =	rddreg [dreg:$0xd]  }
0x2f: {  	[tilespmem:s21], [sflag:$0x3] =	stream.linear.gather [hbm4b:s10+s4], $0x190, $0x38;
	[tilespmem:$0x184C0] =	vst v63  }
0x30: {  	s11 =	rddreg [dreg:$0xe]  }
0x31: {  	[tilespmem:s16], [sflag:$0x5] =	stream.linear.gather [hbm4b:s11+s4], $0x50, $0x38;
	[tilespmem:$0x184C0] =	vst v63  }
0x32: {  	s11 =	rddreg [dreg:$0x1e]  }
0x33: {  	[tilespmem:s19], [sflag:$0x5] =	stream.linear.gather [hbm4b:s11+s4], $0x50, $0x38;
	[tilespmem:$0x184C0] =	vst v63  }
0x34: {  	s11 =	rddreg [dreg:$0x1f]  }
0x35: {  	[tilespmem:s20], [sflag:$0x5] =	stream.linear.gather [hbm4b:s11+s4], $0x50, $0x38;
	[tilespmem:$0x184C0] =	vst v63  }
0x36: {  	s11 =	sld [smem:$0x7F8];
	_ =	sdelay $0x2  }
0x37: {  	[tilespmem:s22], [sflag:$0x5] =	stream.linear.gather [hbm4b:s11+s4], $0x50, $0x38;
	[tilespmem:$0x184C0] =	vst v63  }
0x38: {  	s11 =	sld [smem:$0x7F9];
	_ =	sdelay $0x2  }
0x39: {  	[tilespmem:s30], [sflag:$0x5] =	stream.linear.gather [hbm4b:s11+s4], $0x50, $0x38;
	[tilespmem:$0x184C0] =	vst v63  }
0x3a: {  	s11 =	rddreg [dreg:$0xf]  }
0x3b: {  	[tilespmem:s29], [sflag:$0x4] =	stream.linear.gather [hbm4b:s11+s4], $0x190, $0x38;
	[tilespmem:$0x184C0] =	vst v63  }
0x3c: {  	s11 =	rddreg [dreg:$0x10]  }
0x3d: {  	[tilespmem:s28], [sflag:$0x6] =	stream.linear.gather [hbm4b:s11+s4], $0x50, $0x38;
	[tilespmem:$0x184C0] =	vst v63  }
0x3e: {  	s11 =	sld [smem:$0x7FA];
	_ =	sdelay $0x2  }
0x3f: {  	[tilespmem:s1], [sflag:$0x6] =	stream.linear.gather [hbm4b:s11+s4], $0x50, $0x38;
	[tilespmem:$0x184C0] =	vst v63  }
0x40: {  	s11 =	sld [smem:$0x7FB];
	_ =	sdelay $0x2  }
0x41: {  	[tilespmem:s9], [sflag:$0x6] =	stream.linear.gather [hbm4b:s11+s4], $0x50, $0x38;
	[tilespmem:$0x184C0] =	vst v63  }
0x42: {  	s11 =	sld [smem:$0x7FC];
	_ =	sdelay $0x2  }
0x43: {  	[tilespmem:s24], [sflag:$0x6] =	stream.linear.gather [hbm4b:s11+s4], $0x50, $0x38;
	[tilespmem:$0x184C0] =	vst v63  }
0x44: {  	s11 =	sld [smem:$0x7FD];
	_ =	sdelay $0x2  }
0x45: {  	[tilespmem:s13], [sflag:$0x6] =	stream.linear.gather [hbm4b:s11+s4], $0x50, $0x38;
	[tilespmem:$0x184C0] =	vst v63  }
0x46: {  	s10 =	simm.s32 $0x0;
	s11 =	simm.s32 $0x100  }
.LBB2_2:
0x47: {  	p2 =	sne.s32 s11, $0x18F00;
	[tilespmem:s10+$0x30] =	vst v0;
	s13 =	smov.u32 s11;
	s11 =	sadd.s32 $0x100, s11  }
.Ltmp0:
0x48: {  	[tilespmem:s10+$0x20] =	vst v0;
	(pc) =	sbr.rel @p2 .LBB2_2-.Ltmp0, $3  }
0x49: {  	[tilespmem:s10+$0x0] =	vst v0  }
0x4a: {  	[tilespmem:s10+$0x10] =	vst v0;
	_ =	sdelay $0x1  }
0x4b: {  	s10 =	sshra.s32 s13, $0x2  }
0x4c: {  	[tilespmem:s10+$0x30] =	vst v0  }
0x4d: {  	[tilespmem:s10+$0x20] =	vst v0  }
0x4e: {  	[tilespmem:s10+$0x0] =	vst v0  }
0x4f: {  	[tilespmem:s10+$0x10] =	vst v0;
	s13 =	simm.s32 $0x0  }
0x50: {  	[spmem:s18] =	stream.linear.scatter [tilespmem:s13], [sflag:$0x7], $0x6400, $0x38;
	[tilespmem:$0x184C0] =	vst v63  }
0x51: {  	_ =	swait.ge [sflag:s25], $0x6400  }
0x52: {  	[sflag:s25] =	ssyncset.done $0x0  }
0x53: {  	s11 =	rddreg [dreg:$0x12];
	[sflag:s25] =	ssyncadd.s32 $0xFFFF9C00  }
0x54: {  	[spmem:s11] =	stream.linear.scatter [tilespmem:s13], [sflag:$0x7], $0x3C00, $0x38;
	[tilespmem:$0x184C0] =	vst v63  }
0x55: {  	_ =	swait.ge [sflag:s25], $0x3C00  }
0x56: {  	[sflag:s25] =	ssyncset.done $0x0  }
0x57: {  	s10 =	simm.s32 $0x20;
	s11 =	simm.s32 $0x0;
	[sflag:s25] =	ssyncadd.s32 $0xFFFFC400  }
.LBB2_4:
0x58: {  	p2 =	sne.s32 s10, $0x9E0;
	[tilespmem:s11+$0xCE40] =	vst.msk $0xff, v0;
	s11 =	smov.u32 s10;
	s10 =	sadd.s32 $0x20, s10  }
.Ltmp1:
0x59: {  	(pc) =	sbr.rel @p2 .LBB2_4-.Ltmp1, $2  }
0x5a: {  	_ =	sdelay $0x2  }
0x5b: {  	s11 =	sshra.s32 s11, $0x2  }
0x5c: {  	[tilespmem:s11+$0xCE40] =	vst.msk $0xff, v0;
	s11 =	simm.s32 $0xCE40  }
0x5d: {  	[spmem:s15] =	stream.linear.scatter [tilespmem:s11], [sflag:$0x7], $0x280, $0x38;
	[tilespmem:$0x184C0] =	vst v63  }
0x5e: {  	_ =	swait.ge [sflag:s25], $0x280  }
0x5f: {  	[sflag:s25] =	ssyncset.done $0x0  }
0x60: {  	s10 =	rddreg [dreg:$0x14];
	[sflag:s25] =	ssyncadd.s32 $0xFFFFFD80  }
0x61: {  	[spmem:s10] =	stream.linear.scatter [tilespmem:s11], [sflag:$0x7], $0x280, $0x38;
	[tilespmem:$0x184C0] =	vst v63  }
0x62: {  	_ =	swait.ge [sflag:s25], $0x280  }
0x63: {  	[sflag:s25] =	ssyncset.done $0x0  }
0x64: {  	s13 =	rddreg [dreg:$0x15];
	[sflag:s25] =	ssyncadd.s32 $0xFFFFFD80  }
0x65: {  	[spmem:s13] =	stream.linear.scatter [tilespmem:s11], [sflag:$0x7], $0x280, $0x38;
	[tilespmem:$0x184C0] =	vst v63  }
0x66: {  	_ =	swait.ge [sflag:s25], $0x280  }
0x67: {  	[sflag:s25] =	ssyncset.done $0x0  }
0x68: {  	s15 =	rddreg [dreg:$0x16];
	[sflag:s25] =	ssyncadd.s32 $0xFFFFFD80  }
0x69: {  	[spmem:s15] =	stream.linear.scatter [tilespmem:s11], [sflag:$0x7], $0x280, $0x38;
	[tilespmem:$0x184C0] =	vst v63  }
0x6a: {  	_ =	swait.ge [sflag:s25], $0x280  }
0x6b: {  	[sflag:s25] =	ssyncset.done $0x0  }
0x6c: {  	s18 =	rddreg [dreg:$0x17];
	[sflag:s25] =	ssyncadd.s32 $0xFFFFFD80  }
0x6d: {  	[spmem:s18] =	stream.linear.scatter [tilespmem:s11], [sflag:$0x7], $0x280, $0x38;
	[tilespmem:$0x184C0] =	vst v63  }
0x6e: {  	_ =	swait.ge [sflag:s25], $0x280  }
0x6f: {  	[sflag:s25] =	ssyncset.done $0x0  }
0x70: {  	s13 =	rddreg [dreg:$0x18];
	[sflag:s25] =	ssyncadd.s32 $0xFFFFFD80  }
0x71: {  	[spmem:s13] =	stream.linear.scatter [tilespmem:s11], [sflag:$0x7], $0x280, $0x38;
	[tilespmem:$0x184C0] =	vst v63  }
0x72: {  	_ =	swait.ge [sflag:s25], $0x280  }
0x73: {  	[sflag:s25] =	ssyncset.done $0x0  }
0x74: {  	s15 =	rddreg [dreg:$0x19];
	[sflag:s25] =	ssyncadd.s32 $0xFFFFFD80  }
0x75: {  	[spmem:s15] =	stream.linear.scatter [tilespmem:s11], [sflag:$0x7], $0x280, $0x38;
	[tilespmem:$0x184C0] =	vst v63  }
0x76: {  	_ =	swait.ge [sflag:s25], $0x280  }
0x77: {  	[sflag:s25] =	ssyncset.done $0x0  }
0x78: {  	s18 =	rddreg [dreg:$0x1a];
	[sflag:s25] =	ssyncadd.s32 $0xFFFFFD80  }
0x79: {  	[spmem:s18] =	stream.linear.scatter [tilespmem:s11], [sflag:$0x7], $0x280, $0x38;
	[tilespmem:$0x184C0] =	vst v63  }
0x7a: {  	_ =	swait.ge [sflag:s25], $0x280  }
0x7b: {  	s10 =	simm.s32 $0x20;
	[sflag:s25] =	ssyncset.done $0x0  }
0x7c: {  	s13 =	simm.s32 $0x1;
	s11 =	simm.s32 $0x0;
	[sflag:s25] =	ssyncadd.s32 $0xFFFFFD80  }
.LBB2_6:
0x7d: {  	p2 =	sne.s32 s10, $0x9E0;
	[tilespmem:s11+$0xCE40] =	vst.msk $0xff, v1;
	s11 =	smov.u32 s10;
	s10 =	sadd.s32 $0x20, s10  }
.Ltmp2:
0x7e: {  	(pc) =	sbr.rel @p2 .LBB2_6-.Ltmp2, $2  }
0x7f: {  	_ =	sdelay $0x2  }
0x80: {  	s11 =	sshra.s32 s11, $0x2  }
0x81: {  	[tilespmem:s11+$0xCE40] =	vst.msk $0xff, v1  }
0x82: {  	[bflag:$0x0] =	sbarrier.arrive $0xFFFF  }
0x83: {  	_ =	swait.ge [sflag:s5], $0x190  }
0x84: {  	[sflag:s5] =	ssyncset.done $0x0  }
0x85: {  	[sflag:s5] =	ssyncadd.s32 $0xFFFFFE70  }
0x86: {  	[tilespmem:s4], [sflag:$0x1] =	stream.indirect.gather [hbm4b:s17+s23], $0x40, s21, s23, $0xb8;
	[tilespmem:$0x184C0] =	vst v63  }
0x87: {  	_ =	swait.ge [sflag:s14], $0x190  }
0x88: {  	p2 =	por $0x0, $0x0;
	s10 =	simm.s32 $0x320;
	[sflag:s14] =	ssyncset.done $0x0  }
0x89: {  	s10 =	simm.s32 @p2 $0x0;
	[sflag:s14] =	ssyncadd.s32 $0xFFFFFE70  }
0x8a: {  	[tilespmem:s26], [sflag:$0x2] =	stream.indirect.gather [hbm4b:s17+s23], $0x40, s29, s23, $0xb8;
	[tilespmem:$0x184C0] =	vst v63  }
0x8b: {  	s10 =	sadd.s32 s7, s10;
	_ =	swait.ge [sflag:s13], $0x6400  }
0x8c: {  	s23 =	sshrl.u32 s10, $0x3;
	[sflag:s13] =	ssyncset.done $0x0  }
0x8d: {  	s10 =	sadd.s32 s31, s23;
	[sflag:s13] =	ssyncadd.s32 $0xFFFF9C00  }
0x8e: {  	[tilespmem:s21], [sflag:$0x3] =	stream.linear.gather [hbm4b:s10+s4], $0x190, $0x38;
	[tilespmem:$0x184C0] =	vst v63  }
0x8f: {  	_ =	swait.ge [sflag:s0], $0x50  }
0x90: {  	[sflag:s0] =	ssyncset.done $0x0  }
0x91: {  	[sflag:s0] =	ssyncadd.s32 $0xFFFFFFB0  }
0x92: {  	_ =	swait.ge [sflag:s0], $0x50  }
0x93: {  	[sflag:s0] =	ssyncset.done $0x0  }
0x94: {  	[sflag:s0] =	ssyncadd.s32 $0xFFFFFFB0  }
0x95: {  	_ =	swait.ge [sflag:s0], $0x50  }
0x96: {  	[sflag:s0] =	ssyncset.done $0x0  }
0x97: {  	[sflag:s0] =	ssyncadd.s32 $0xFFFFFFB0  }
0x98: {  	_ =	swait.ge [sflag:s0], $0x50  }
0x99: {  	[sflag:s0] =	ssyncset.done $0x0  }
0x9a: {  	[sflag:s0] =	ssyncadd.s32 $0xFFFFFFB0  }
0x9b: {  	_ =	swait.ge [sflag:s0], $0x50  }
0x9c: {  	[sflag:s0] =	ssyncset.done $0x0  }
0x9d: {  	[sflag:s0] =	ssyncadd.s32 $0xFFFFFFB0  }
0x9e: {  	[spmem:s2] =	stream.indirect.scatter.add.f32 [tilespmem:s4], [sflag:$0x7], $0x40, s16, s8, $0xb8;
	[tilespmem:$0x184C0] =	vst v63  }
0x9f: {  	_ =	swait.ge [sflag:s25], $0x1400  }
0xa0: {  	[sflag:s25] =	ssyncset.done $0x0  }
0xa1: {  	s26 =	rddreg [dreg:$0x5];
	[sflag:s25] =	ssyncadd.s32 $0xFFFFEC00  }
0xa2: {  	[spmem:s2] =	stream.indirect.scatter.add.f32 [tilespmem:s26], [sflag:$0x7], $0x40, s19, s8, $0xb8;
	[tilespmem:$0x184C0] =	vst v63  }
0xa3: {  	_ =	swait.ge [sflag:s25], $0x1400  }
0xa4: {  	[sflag:s25] =	ssyncset.done $0x0  }
0xa5: {  	s13 =	rddreg [dreg:$0x6];
	[sflag:s25] =	ssyncadd.s32 $0xFFFFEC00  }
0xa6: {  	[spmem:s2] =	stream.indirect.scatter.add.f32 [tilespmem:s13], [sflag:$0x7], $0x40, s20, s8, $0xb8;
	[tilespmem:$0x184C0] =	vst v63  }
0xa7: {  	_ =	swait.ge [sflag:s25], $0x1400  }
0xa8: {  	[sflag:s25] =	ssyncset.done $0x0  }
0xa9: {  	s14 =	rddreg [dreg:$0x7];
	[sflag:s25] =	ssyncadd.s32 $0xFFFFEC00  }
0xaa: {  	[spmem:s2] =	stream.indirect.scatter.add.f32 [tilespmem:s14], [sflag:$0x7], $0x40, s22, s8, $0xb8;
	[tilespmem:$0x184C0] =	vst v63  }
0xab: {  	_ =	swait.ge [sflag:s25], $0x1400  }
0xac: {  	[sflag:s25] =	ssyncset.done $0x0  }
0xad: {  	s15 =	rddreg [dreg:$0x8];
	[sflag:s25] =	ssyncadd.s32 $0xFFFFEC00  }
0xae: {  	[spmem:s2] =	stream.indirect.scatter.add.f32 [tilespmem:s15], [sflag:$0x7], $0x40, s30, s8, $0xb8;
	[tilespmem:$0x184C0] =	vst v63  }
0xaf: {  	_ =	swait.ge [sflag:s25], $0x1400  }
0xb0: {  	s10 =	simm.s32 @!p0 $0x7;
	s26 =	simm.s32 @!p0 $0xCE40;
	[sflag:s25] =	ssyncset.done $0x0  }
0xb1: {  	s13 =	simm.s32 @!p0 $0xCB20;
	s14 =	simm.s32 @!p0 $0x50;
	[sflag:s25] =	ssyncadd.s32 $0xFFFFEC00  }
0xb2: {  	[spmem:s3] =	stream.indirect.scatter.add.f32 @!p0 [tilespmem:s26], [sflag:$0x7], $0x8, s13, s14, $0xb8;
	[tilespmem:$0x184C0] =	vst v63  }
0xb3: {  	_ =	swait.ge @!p0 [sflag:s10], $0x280  }
0xb4: {  	[sflag:s10] =	ssyncset.done @!p0 $0x0  }
0xb5: {  	s13 =	simm.s32 @!p0 $0xCB70;
	[sflag:s10] =	ssyncadd.s32 @!p0 $0xFFFFFD80  }
0xb6: {  	[spmem:s3] =	stream.indirect.scatter.add.f32 @!p0 [tilespmem:s26], [sflag:$0x7], $0x8, s13, s14, $0xb8;
	[tilespmem:$0x184C0] =	vst v63  }
0xb7: {  	_ =	swait.ge @!p0 [sflag:s10], $0x280  }
0xb8: {  	[sflag:s10] =	ssyncset.done @!p0 $0x0  }
0xb9: {  	s13 =	simm.s32 @!p0 $0xCBC0;
	[sflag:s10] =	ssyncadd.s32 @!p0 $0xFFFFFD80  }
0xba: {  	[spmem:s3] =	stream.indirect.scatter.add.f32 @!p0 [tilespmem:s26], [sflag:$0x7], $0x8, s13, s14, $0xb8;
	[tilespmem:$0x184C0] =	vst v63  }
0xbb: {  	_ =	swait.ge @!p0 [sflag:s10], $0x280  }
0xbc: {  	[sflag:s10] =	ssyncset.done @!p0 $0x0  }
0xbd: {  	s13 =	simm.s32 @!p0 $0xCC10;
	[sflag:s10] =	ssyncadd.s32 @!p0 $0xFFFFFD80  }
0xbe: {  	[spmem:s3] =	stream.indirect.scatter.add.f32 @!p0 [tilespmem:s26], [sflag:$0x7], $0x8, s13, s14, $0xb8;
	[tilespmem:$0x184C0] =	vst v63  }
0xbf: {  	_ =	swait.ge @!p0 [sflag:s10], $0x280  }
0xc0: {  	[sflag:s10] =	ssyncset.done @!p0 $0x0  }
0xc1: {  	s13 =	simm.s32 @!p0 $0xCC60;
	[sflag:s10] =	ssyncadd.s32 @!p0 $0xFFFFFD80  }
0xc2: {  	[spmem:s3] =	stream.indirect.scatter.add.f32 @!p0 [tilespmem:s26], [sflag:$0x7], $0x8, s13, s14, $0xb8;
	[tilespmem:$0x184C0] =	vst v63  }
0xc3: {  	_ =	swait.ge @!p0 [sflag:s10], $0x280  }
0xc4: {  	[sflag:s10] =	ssyncset.done @!p0 $0x0  }
0xc5: {  	s11 =	sadd.s32 s6, s23;
	[sflag:s10] =	ssyncadd.s32 @!p0 $0xFFFFFD80  }
0xc6: {  	[tilespmem:s16], [sflag:$0x5] =	stream.linear.gather [hbm4b:s11+s4], $0x50, $0x38;
	[tilespmem:$0x184C0] =	vst v63  }
0xc7: {  	s16 =	sadd.s32 $0xA, s11  }
0xc8: {  	[tilespmem:s19], [sflag:$0x5] =	stream.linear.gather [hbm4b:s16+s4], $0x50, $0x38;
	[tilespmem:$0x184C0] =	vst v63  }
0xc9: {  	s19 =	sadd.s32 $0x14, s11  }
0xca: {  	[tilespmem:s20], [sflag:$0x5] =	stream.linear.gather [hbm4b:s19+s4], $0x50, $0x38;
	[tilespmem:$0x184C0] =	vst v63  }
0xcb: {  	s20 =	sadd.s32 $0x1E, s11  }
0xcc: {  	[tilespmem:s22], [sflag:$0x5] =	stream.linear.gather [hbm4b:s20+s4], $0x50, $0x38;
	[tilespmem:$0x184C0] =	vst v63  }
0xcd: {  	s11 =	sadd.s32 $0x28, s11  }
0xce: {  	[tilespmem:s30], [sflag:$0x5] =	stream.linear.gather [hbm4b:s11+s4], $0x50, $0x38;
	[tilespmem:$0x184C0] =	vst v63  }
0xcf: {  	_ =	swait.ge [sflag:s5], $0x190  }
0xd0: {  	s18 =	simm.s32 $0x190;
	s11 =	simm.s32 $0x4B0;
	[sflag:s5] =	ssyncset.done $0x0  }
0xd1: {  	s23 =	simm.s32 $0x2;
	s11 =	simm.s32 @p2 $0x0;
	[sflag:s5] =	ssyncadd.s32 $0xFFFFFE70  }
0xd2: {  	[tilespmem:s4], [sflag:$0x1] =	stream.indirect.gather [hbm4b:s17+s18], $0x40, s21, s18, $0xb8;
	[tilespmem:$0x184C0] =	vst v63  }
0xd3: {  	s11 =	sadd.s32 s7, s11;
	_ =	swait.ge [sflag:s23], $0x6400  }
0xd4: {  	s30 =	sshrl.u32 s11, $0x3;
	[sflag:s23] =	ssyncset.done $0x0  }
0xd5: {  	s11 =	sadd.s32 s31, s30;
	[sflag:s23] =	ssyncadd.s32 $0xFFFF9C00  }
0xd6: {  	[tilespmem:s29], [sflag:$0x4] =	stream.linear.gather [hbm4b:s11+s4], $0x190, $0x38;
	[tilespmem:$0x184C0] =	vst v63  }
0xd7: {  	_ =	swait.ge [sflag:s12], $0x50  }
0xd8: {  	[sflag:s12] =	ssyncset.done $0x0  }
0xd9: {  	[sflag:s12] =	ssyncadd.s32 $0xFFFFFFB0  }
0xda: {  	_ =	swait.ge [sflag:s12], $0x50  }
0xdb: {  	[sflag:s12] =	ssyncset.done $0x0  }
0xdc: {  	[sflag:s12] =	ssyncadd.s32 $0xFFFFFFB0  }
0xdd: {  	_ =	swait.ge [sflag:s12], $0x50  }
0xde: {  	[sflag:s12] =	ssyncset.done $0x0  }
0xdf: {  	[sflag:s12] =	ssyncadd.s32 $0xFFFFFFB0  }
0xe0: {  	_ =	swait.ge [sflag:s12], $0x50  }
0xe1: {  	[sflag:s12] =	ssyncset.done $0x0  }
0xe2: {  	[sflag:s12] =	ssyncadd.s32 $0xFFFFFFB0  }
0xe3: {  	_ =	swait.ge [sflag:s12], $0x50  }
0xe4: {  	[sflag:s12] =	ssyncset.done $0x0  }
0xe5: {  	s15 =	simm.s32 $0x6400;
	[sflag:s12] =	ssyncadd.s32 $0xFFFFFFB0  }
0xe6: {  	[spmem:s2] =	stream.indirect.scatter.add.f32 [tilespmem:s15], [sflag:$0x7], $0x40, s28, s8, $0xb8;
	[tilespmem:$0x184C0] =	vst v63  }
0xe7: {  	_ =	swait.ge [sflag:s25], $0x1400  }
0xe8: {  	[sflag:s25] =	ssyncset.done $0x0  }
0xe9: {  	s15 =	rddreg [dreg:$0x9];
	[sflag:s25] =	ssyncadd.s32 $0xFFFFEC00  }
0xea: {  	[spmem:s2] =	stream.indirect.scatter.add.f32 [tilespmem:s15], [sflag:$0x7], $0x40, s1, s8, $0xb8;
	[tilespmem:$0x184C0] =	vst v63  }
0xeb: {  	_ =	swait.ge [sflag:s25], $0x1400  }
0xec: {  	[sflag:s25] =	ssyncset.done $0x0  }
0xed: {  	s18 =	rddreg [dreg:$0xa];
	[sflag:s25] =	ssyncadd.s32 $0xFFFFEC00  }
0xee: {  	[spmem:s2] =	stream.indirect.scatter.add.f32 [tilespmem:s18], [sflag:$0x7], $0x40, s9, s8, $0xb8;
	[tilespmem:$0x184C0] =	vst v63  }
0xef: {  	_ =	swait.ge [sflag:s25], $0x1400  }
0xf0: {  	[sflag:s25] =	ssyncset.done $0x0  }
0xf1: {  	s19 =	rddreg [dreg:$0xb];
	[sflag:s25] =	ssyncadd.s32 $0xFFFFEC00  }
0xf2: {  	[spmem:s2] =	stream.indirect.scatter.add.f32 [tilespmem:s19], [sflag:$0x7], $0x40, s24, s8, $0xb8;
	[tilespmem:$0x184C0] =	vst v63  }
0xf3: {  	_ =	swait.ge [sflag:s25], $0x1400  }
0xf4: {  	[sflag:s25] =	ssyncset.done $0x0  }
0xf5: {  	s22 =	simm.s32 $0xCDF0;
	s20 =	rddreg [dreg:$0xc];
	[sflag:s25] =	ssyncadd.s32 $0xFFFFEC00  }
0xf6: {  	[spmem:s2] =	stream.indirect.scatter.add.f32 [tilespmem:s20], [sflag:$0x7], $0x40, s22, s8, $0xb8;
	[tilespmem:$0x184C0] =	vst v63  }
0xf7: {  	_ =	swait.ge [sflag:s25], $0x1400  }
0xf8: {  	s13 =	simm.s32 @!p1 $0x50;
	s5 =	simm.s32 @!p1 $0xCCB0;
	[sflag:s25] =	ssyncset.done $0x0  }
0xf9: {  	s11 =	simm.s32 @!p1 $0xCE40;
	s15 =	simm.s32 @!p1 $0x7;
	[sflag:s25] =	ssyncadd.s32 $0xFFFFEC00  }
0xfa: {  	[spmem:s3] =	stream.indirect.scatter.add.f32 @!p1 [tilespmem:s11], [sflag:$0x7], $0x8, s5, s13, $0xb8;
	[tilespmem:$0x184C0] =	vst v63  }
0xfb: {  	_ =	swait.ge @!p1 [sflag:s15], $0x280  }
0xfc: {  	[sflag:s15] =	ssyncset.done @!p1 $0x0  }
0xfd: {  	s5 =	simm.s32 @!p1 $0xCD00;
	[sflag:s15] =	ssyncadd.s32 @!p1 $0xFFFFFD80  }
0xfe: {  	[spmem:s3] =	stream.indirect.scatter.add.f32 @!p1 [tilespmem:s11], [sflag:$0x7], $0x8, s5, s13, $0xb8;
	[tilespmem:$0x184C0] =	vst v63  }
0xff: {  	_ =	swait.ge @!p1 [sflag:s15], $0x280  }
0x100: {  	[sflag:s15] =	ssyncset.done @!p1 $0x0  }
0x101: {  	s5 =	simm.s32 @!p1 $0xCD50;
	[sflag:s15] =	ssyncadd.s32 @!p1 $0xFFFFFD80  }
0x102: {  	[spmem:s3] =	stream.indirect.scatter.add.f32 @!p1 [tilespmem:s11], [sflag:$0x7], $0x8, s5, s13, $0xb8;
	[tilespmem:$0x184C0] =	vst v63  }
0x103: {  	_ =	swait.ge @!p1 [sflag:s15], $0x280  }
0x104: {  	[sflag:s15] =	ssyncset.done @!p1 $0x0  }
0x105: {  	s5 =	simm.s32 @!p1 $0xCDA0;
	[sflag:s15] =	ssyncadd.s32 @!p1 $0xFFFFFD80  }
0x106: {  	[spmem:s3] =	stream.indirect.scatter.add.f32 @!p1 [tilespmem:s11], [sflag:$0x7], $0x8, s5, s13, $0xb8;
	[tilespmem:$0x184C0] =	vst v63  }
0x107: {  	_ =	swait.ge @!p1 [sflag:s15], $0x280  }
0x108: {  	[sflag:s15] =	ssyncset.done @!p1 $0x0  }
0x109: {  	s5 =	simm.s32 @!p1 $0xCDF0;
	[sflag:s15] =	ssyncadd.s32 @!p1 $0xFFFFFD80  }
0x10a: {  	[spmem:s3] =	stream.indirect.scatter.add.f32 @!p1 [tilespmem:s11], [sflag:$0x7], $0x8, s5, s13, $0xb8;
	[tilespmem:$0x184C0] =	vst v63  }
0x10b: {  	_ =	swait.ge @!p1 [sflag:s15], $0x280  }
0x10c: {  	[sflag:s15] =	ssyncset.done @!p1 $0x0  }
0x10d: {  	s23 =	sadd.s32 s6, s30;
	[sflag:s15] =	ssyncadd.s32 @!p1 $0xFFFFFD80  }
0x10e: {  	[tilespmem:s28], [sflag:$0x6] =	stream.linear.gather [hbm4b:s23+s4], $0x50, $0x38;
	[tilespmem:$0x184C0] =	vst v63  }
0x10f: {  	s16 =	sadd.s32 $0xA, s23  }
0x110: {  	[tilespmem:s1], [sflag:$0x6] =	stream.linear.gather [hbm4b:s16+s4], $0x50, $0x38;
	[tilespmem:$0x184C0] =	vst v63  }
0x111: {  	s29 =	sadd.s32 $0x14, s23;
	s30 =	sadd.s32 $0x1E, s23  }
0x112: {  	[tilespmem:s9], [sflag:$0x6] =	stream.linear.gather [hbm4b:s29+s4], $0x50, $0x38;
	[tilespmem:$0x184C0] =	vst v63  }
0x113: {  	s18 =	sadd.s32 $0x28, s23;
	s5 =	simm.s32 $0x3;
	s16 =	simm.s32 $0x7D0  }
0x114: {  	[tilespmem:s24], [sflag:$0x6] =	stream.linear.gather [hbm4b:s30+s4], $0x50, $0x38;
	[tilespmem:$0x184C0] =	vst v63  }
.LBB2_8:
0x115: {  	s19 =	smov.u32 s16  }
0x116: {  	s24 =	simm.s32 $0xCDF0;
	s1 =	simm.s32 $0x4;
	s28 =	simm.s32 $0x190  }
0x117: {  	[tilespmem:s24], [sflag:$0x6] =	stream.linear.gather [hbm4b:s18+s4], $0x50, $0x38;
	[tilespmem:$0x184C0] =	vst v63  }
0x118: {  	s23 =	simm.s32 $0xC990;
	s9 =	simm.s32 $0x1;
	_ =	swait.ge [sflag:s1], $0x190  }
0x119: {  	p3 =	seq.s32 s19, $0x4FB0;
	s18 =	sadd.s32 $0xFFFFFE70, s19;
	[sflag:s1] =	ssyncset.done $0x0  }
0x11a: {  	s18 =	simm.s32 @p3 $0x0;
	[sflag:s1] =	ssyncadd.s32 $0xFFFFFE70;
	s1 =	simm.s32 $0x6400  }
0x11b: {  	[tilespmem:s1], [sflag:$0x2] =	stream.indirect.gather [hbm4b:s17+s28], $0x40, s23, s28, $0xb8;
	[tilespmem:$0x184C0] =	vst v63  }
0x11c: {  	s19 =	simm.s32 @p3 $0x0;
	s18 =	sadd.s32 s7, s18;
	_ =	swait.ge [sflag:s9], $0x6400  }
0x11d: {  	s20 =	sadd.s32 s7, s19;
	s19 =	sshrl.u32 s18, $0x3;
	[sflag:s9] =	ssyncset.done $0x0  }
0x11e: {  	s30 =	sadd.s32 s31, s19;
	[sflag:s9] =	ssyncadd.s32 $0xFFFF9C00  }
0x11f: {  	[tilespmem:s21], [sflag:$0x3] =	stream.linear.gather [hbm4b:s30+s4], $0x190, $0x38;
	[tilespmem:$0x184C0] =	vst v63  }
0x120: {  	_ =	swait.ge [sflag:s0], $0x50  }
0x121: {  	[sflag:s0] =	ssyncset.done $0x0  }
0x122: {  	[sflag:s0] =	ssyncadd.s32 $0xFFFFFFB0  }
0x123: {  	_ =	swait.ge [sflag:s0], $0x50  }
0x124: {  	[sflag:s0] =	ssyncset.done $0x0  }
0x125: {  	[sflag:s0] =	ssyncadd.s32 $0xFFFFFFB0  }
0x126: {  	_ =	swait.ge [sflag:s0], $0x50  }
0x127: {  	[sflag:s0] =	ssyncset.done $0x0  }
0x128: {  	[sflag:s0] =	ssyncadd.s32 $0xFFFFFFB0  }
0x129: {  	_ =	swait.ge [sflag:s0], $0x50  }
0x12a: {  	[sflag:s0] =	ssyncset.done $0x0  }
0x12b: {  	[sflag:s0] =	ssyncadd.s32 $0xFFFFFFB0  }
0x12c: {  	_ =	swait.ge [sflag:s0], $0x50  }
0x12d: {  	[sflag:s0] =	ssyncset.done $0x0  }
0x12e: {  	s21 =	simm.s32 $0xCB20;
	[sflag:s0] =	ssyncadd.s32 $0xFFFFFFB0  }
0x12f: {  	[spmem:s2] =	stream.indirect.scatter.add.f32 [tilespmem:s4], [sflag:$0x7], $0x40, s21, s8, $0xb8;
	[tilespmem:$0x184C0] =	vst v63  }
0x130: {  	_ =	swait.ge [sflag:s25], $0x1400  }
0x131: {  	[sflag:s25] =	ssyncset.done $0x0  }
0x132: {  	s29 =	simm.s32 $0xCB70;
	s9 =	rddreg [dreg:$0x5];
	[sflag:s25] =	ssyncadd.s32 $0xFFFFEC00  }
0x133: {  	[spmem:s2] =	stream.indirect.scatter.add.f32 [tilespmem:s9], [sflag:$0x7], $0x40, s29, s8, $0xb8;
	[tilespmem:$0x184C0] =	vst v63  }
0x134: {  	_ =	swait.ge [sflag:s25], $0x1400  }
0x135: {  	[sflag:s25] =	ssyncset.done $0x0  }
0x136: {  	s30 =	simm.s32 $0xCBC0;
	s22 =	rddreg [dreg:$0x6];
	[sflag:s25] =	ssyncadd.s32 $0xFFFFEC00  }
0x137: {  	[spmem:s2] =	stream.indirect.scatter.add.f32 [tilespmem:s22], [sflag:$0x7], $0x40, s30, s8, $0xb8;
	[tilespmem:$0x184C0] =	vst v63  }
0x138: {  	_ =	swait.ge [sflag:s25], $0x1400  }
0x139: {  	[sflag:s25] =	ssyncset.done $0x0  }
0x13a: {  	s22 =	simm.s32 $0xCC10;
	s9 =	rddreg [dreg:$0x7];
	[sflag:s25] =	ssyncadd.s32 $0xFFFFEC00  }
0x13b: {  	[spmem:s2] =	stream.indirect.scatter.add.f32 [tilespmem:s9], [sflag:$0x7], $0x40, s22, s8, $0xb8;
	[tilespmem:$0x184C0] =	vst v63  }
0x13c: {  	_ =	swait.ge [sflag:s25], $0x1400  }
0x13d: {  	s18 =	sshrl.u32 s20, $0x3;
	[sflag:s25] =	ssyncset.done $0x0  }
0x13e: {  	s9 =	simm.s32 $0xCC60;
	s20 =	rddreg [dreg:$0x8];
	[sflag:s25] =	ssyncadd.s32 $0xFFFFEC00  }
0x13f: {  	[spmem:s2] =	stream.indirect.scatter.add.f32 [tilespmem:s20], [sflag:$0x7], $0x40, s9, s8, $0xb8;
	[tilespmem:$0x184C0] =	vst v63  }
0x140: {  	_ =	swait.ge [sflag:s25], $0x1400  }
0x141: {  	[sflag:s25] =	ssyncset.done $0x0  }
0x142: {  	s20 =	simm.s32 @!p0 $0xCB20;
	[sflag:s25] =	ssyncadd.s32 $0xFFFFEC00  }
0x143: {  	[spmem:s3] =	stream.indirect.scatter.add.f32 @!p0 [tilespmem:s26], [sflag:$0x7], $0x8, s20, s14, $0xb8;
	[tilespmem:$0x184C0] =	vst v63  }
0x144: {  	_ =	swait.ge @!p0 [sflag:s10], $0x280  }
0x145: {  	[sflag:s10] =	ssyncset.done @!p0 $0x0  }
0x146: {  	s20 =	simm.s32 @!p0 $0xCB70;
	[sflag:s10] =	ssyncadd.s32 @!p0 $0xFFFFFD80  }
0x147: {  	[spmem:s3] =	stream.indirect.scatter.add.f32 @!p0 [tilespmem:s26], [sflag:$0x7], $0x8, s20, s14, $0xb8;
	[tilespmem:$0x184C0] =	vst v63  }
0x148: {  	_ =	swait.ge @!p0 [sflag:s10], $0x280  }
0x149: {  	[sflag:s10] =	ssyncset.done @!p0 $0x0  }
0x14a: {  	s20 =	simm.s32 @!p0 $0xCBC0;
	[sflag:s10] =	ssyncadd.s32 @!p0 $0xFFFFFD80  }
0x14b: {  	[spmem:s3] =	stream.indirect.scatter.add.f32 @!p0 [tilespmem:s26], [sflag:$0x7], $0x8, s20, s14, $0xb8;
	[tilespmem:$0x184C0] =	vst v63  }
0x14c: {  	_ =	swait.ge @!p0 [sflag:s10], $0x280  }
0x14d: {  	[sflag:s10] =	ssyncset.done @!p0 $0x0  }
0x14e: {  	s20 =	simm.s32 @!p0 $0xCC10;
	[sflag:s10] =	ssyncadd.s32 @!p0 $0xFFFFFD80  }
0x14f: {  	[spmem:s3] =	stream.indirect.scatter.add.f32 @!p0 [tilespmem:s26], [sflag:$0x7], $0x8, s20, s14, $0xb8;
	[tilespmem:$0x184C0] =	vst v63  }
0x150: {  	_ =	swait.ge @!p0 [sflag:s10], $0x280  }
0x151: {  	[sflag:s10] =	ssyncset.done @!p0 $0x0  }
0x152: {  	s20 =	simm.s32 @!p0 $0xCC60;
	[sflag:s10] =	ssyncadd.s32 @!p0 $0xFFFFFD80  }
0x153: {  	[spmem:s3] =	stream.indirect.scatter.add.f32 @!p0 [tilespmem:s26], [sflag:$0x7], $0x8, s20, s14, $0xb8;
	[tilespmem:$0x184C0] =	vst v63  }
0x154: {  	_ =	swait.ge @!p0 [sflag:s10], $0x280  }
0x155: {  	[sflag:s10] =	ssyncset.done @!p0 $0x0  }
0x156: {  	s19 =	sadd.s32 s6, s19;
	[sflag:s10] =	ssyncadd.s32 @!p0 $0xFFFFFD80  }
0x157: {  	[tilespmem:s21], [sflag:$0x5] =	stream.linear.gather [hbm4b:s19+s4], $0x50, $0x38;
	[tilespmem:$0x184C0] =	vst v63  }
0x158: {  	s20 =	sadd.s32 $0xA, s19  }
0x159: {  	[tilespmem:s29], [sflag:$0x5] =	stream.linear.gather [hbm4b:s20+s4], $0x50, $0x38;
	[tilespmem:$0x184C0] =	vst v63  }
0x15a: {  	s21 =	sadd.s32 $0x14, s19  }
0x15b: {  	[tilespmem:s30], [sflag:$0x5] =	stream.linear.gather [hbm4b:s21+s4], $0x50, $0x38;
	[tilespmem:$0x184C0] =	vst v63  }
0x15c: {  	s29 =	sadd.s32 $0x1E, s19  }
0x15d: {  	[tilespmem:s22], [sflag:$0x5] =	stream.linear.gather [hbm4b:s29+s4], $0x50, $0x38;
	[tilespmem:$0x184C0] =	vst v63  }
0x15e: {  	s19 =	sadd.s32 $0x28, s19  }
0x15f: {  	[tilespmem:s9], [sflag:$0x5] =	stream.linear.gather [hbm4b:s19+s4], $0x50, $0x38;
	[tilespmem:$0x184C0] =	vst v63  }
0x160: {  	_ =	swait.ge [sflag:s5], $0x190  }
0x161: {  	[sflag:s5] =	ssyncset.done $0x0  }
0x162: {  	s20 =	simm.s32 $0x2;
	s21 =	simm.s32 $0xC800;
	[sflag:s5] =	ssyncadd.s32 $0xFFFFFE70  }
0x163: {  	[tilespmem:s4], [sflag:$0x1] =	stream.indirect.gather [hbm4b:s17+s28], $0x40, s21, s28, $0xb8;
	[tilespmem:$0x184C0] =	vst v63  }
0x164: {  	_ =	swait.ge [sflag:s20], $0x6400  }
0x165: {  	[sflag:s20] =	ssyncset.done $0x0  }
0x166: {  	s22 =	sadd.s32 s31, s18;
	[sflag:s20] =	ssyncadd.s32 $0xFFFF9C00  }
0x167: {  	[tilespmem:s23], [sflag:$0x4] =	stream.linear.gather [hbm4b:s22+s4], $0x190, $0x38;
	[tilespmem:$0x184C0] =	vst v63  }
0x168: {  	_ =	swait.ge [sflag:s12], $0x50  }
0x169: {  	[sflag:s12] =	ssyncset.done $0x0  }
0x16a: {  	[sflag:s12] =	ssyncadd.s32 $0xFFFFFFB0  }
0x16b: {  	_ =	swait.ge [sflag:s12], $0x50  }
0x16c: {  	[sflag:s12] =	ssyncset.done $0x0  }
0x16d: {  	[sflag:s12] =	ssyncadd.s32 $0xFFFFFFB0  }
0x16e: {  	_ =	swait.ge [sflag:s12], $0x50  }
0x16f: {  	[sflag:s12] =	ssyncset.done $0x0  }
0x170: {  	[sflag:s12] =	ssyncadd.s32 $0xFFFFFFB0  }
0x171: {  	_ =	swait.ge [sflag:s12], $0x50  }
0x172: {  	[sflag:s12] =	ssyncset.done $0x0  }
0x173: {  	[sflag:s12] =	ssyncadd.s32 $0xFFFFFFB0  }
0x174: {  	_ =	swait.ge [sflag:s12], $0x50  }
0x175: {  	[sflag:s12] =	ssyncset.done $0x0  }
0x176: {  	s20 =	simm.s32 $0xCCB0;
	[sflag:s12] =	ssyncadd.s32 $0xFFFFFFB0  }
0x177: {  	[spmem:s2] =	stream.indirect.scatter.add.f32 [tilespmem:s1], [sflag:$0x7], $0x40, s20, s8, $0xb8;
	[tilespmem:$0x184C0] =	vst v63  }
0x178: {  	_ =	swait.ge [sflag:s25], $0x1400  }
0x179: {  	[sflag:s25] =	ssyncset.done $0x0  }
0x17a: {  	s9 =	simm.s32 $0xCD00;
	s28 =	rddreg [dreg:$0x9];
	[sflag:s25] =	ssyncadd.s32 $0xFFFFEC00  }
0x17b: {  	[spmem:s2] =	stream.indirect.scatter.add.f32 [tilespmem:s28], [sflag:$0x7], $0x40, s9, s8, $0xb8;
	[tilespmem:$0x184C0] =	vst v63  }
0x17c: {  	_ =	swait.ge [sflag:s25], $0x1400  }
0x17d: {  	[sflag:s25] =	ssyncset.done $0x0  }
0x17e: {  	s28 =	simm.s32 $0xCD50;
	s29 =	rddreg [dreg:$0xa];
	[sflag:s25] =	ssyncadd.s32 $0xFFFFEC00  }
0x17f: {  	[spmem:s2] =	stream.indirect.scatter.add.f32 [tilespmem:s29], [sflag:$0x7], $0x40, s28, s8, $0xb8;
	[tilespmem:$0x184C0] =	vst v63  }
0x180: {  	_ =	swait.ge [sflag:s25], $0x1400  }
0x181: {  	[sflag:s25] =	ssyncset.done $0x0  }
0x182: {  	s29 =	simm.s32 $0xCDA0;
	s30 =	rddreg [dreg:$0xb];
	[sflag:s25] =	ssyncadd.s32 $0xFFFFEC00  }
0x183: {  	[spmem:s2] =	stream.indirect.scatter.add.f32 [tilespmem:s30], [sflag:$0x7], $0x40, s29, s8, $0xb8;
	[tilespmem:$0x184C0] =	vst v63  }
0x184: {  	_ =	swait.ge [sflag:s25], $0x1400  }
0x185: {  	[sflag:s25] =	ssyncset.done $0x0  }
0x186: {  	s1 =	rddreg [dreg:$0xc];
	[sflag:s25] =	ssyncadd.s32 $0xFFFFEC00  }
0x187: {  	[spmem:s2] =	stream.indirect.scatter.add.f32 [tilespmem:s1], [sflag:$0x7], $0x40, s24, s8, $0xb8;
	[tilespmem:$0x184C0] =	vst v63  }
0x188: {  	_ =	swait.ge [sflag:s25], $0x1400  }
0x189: {  	[sflag:s25] =	ssyncset.done $0x0  }
0x18a: {  	s1 =	simm.s32 @!p1 $0xCCB0;
	[sflag:s25] =	ssyncadd.s32 $0xFFFFEC00  }
0x18b: {  	[spmem:s3] =	stream.indirect.scatter.add.f32 @!p1 [tilespmem:s11], [sflag:$0x7], $0x8, s1, s13, $0xb8;
	[tilespmem:$0x184C0] =	vst v63  }
0x18c: {  	_ =	swait.ge @!p1 [sflag:s15], $0x280  }
0x18d: {  	[sflag:s15] =	ssyncset.done @!p1 $0x0  }
0x18e: {  	s1 =	simm.s32 @!p1 $0xCD00;
	[sflag:s15] =	ssyncadd.s32 @!p1 $0xFFFFFD80  }
0x18f: {  	[spmem:s3] =	stream.indirect.scatter.add.f32 @!p1 [tilespmem:s11], [sflag:$0x7], $0x8, s1, s13, $0xb8;
	[tilespmem:$0x184C0] =	vst v63  }
0x190: {  	_ =	swait.ge @!p1 [sflag:s15], $0x280  }
0x191: {  	[sflag:s15] =	ssyncset.done @!p1 $0x0  }
0x192: {  	s1 =	simm.s32 @!p1 $0xCD50;
	[sflag:s15] =	ssyncadd.s32 @!p1 $0xFFFFFD80  }
0x193: {  	[spmem:s3] =	stream.indirect.scatter.add.f32 @!p1 [tilespmem:s11], [sflag:$0x7], $0x8, s1, s13, $0xb8;
	[tilespmem:$0x184C0] =	vst v63  }
0x194: {  	_ =	swait.ge @!p1 [sflag:s15], $0x280  }
0x195: {  	[sflag:s15] =	ssyncset.done @!p1 $0x0  }
0x196: {  	s1 =	simm.s32 @!p1 $0xCDA0;
	[sflag:s15] =	ssyncadd.s32 @!p1 $0xFFFFFD80  }
0x197: {  	[spmem:s3] =	stream.indirect.scatter.add.f32 @!p1 [tilespmem:s11], [sflag:$0x7], $0x8, s1, s13, $0xb8;
	[tilespmem:$0x184C0] =	vst v63  }
0x198: {  	_ =	swait.ge @!p1 [sflag:s15], $0x280  }
0x199: {  	[sflag:s15] =	ssyncset.done @!p1 $0x0  }
0x19a: {  	s1 =	simm.s32 @!p1 $0xCDF0;
	[sflag:s15] =	ssyncadd.s32 @!p1 $0xFFFFFD80  }
0x19b: {  	[spmem:s3] =	stream.indirect.scatter.add.f32 @!p1 [tilespmem:s11], [sflag:$0x7], $0x8, s1, s13, $0xb8;
	[tilespmem:$0x184C0] =	vst v63  }
0x19c: {  	_ =	swait.ge @!p1 [sflag:s15], $0x280  }
0x19d: {  	[sflag:s15] =	ssyncset.done @!p1 $0x0  }
0x19e: {  	s16 =	sadd.s32 $0x320, s16;
	s18 =	sadd.s32 s6, s18;
	[sflag:s15] =	ssyncadd.s32 @!p1 $0xFFFFFD80  }
0x19f: {  	[tilespmem:s20], [sflag:$0x6] =	stream.linear.gather [hbm4b:s18+s4], $0x50, $0x38;
	[tilespmem:$0x184C0] =	vst v63  }
0x1a0: {  	p2 =	sne.s32 s16, $0x52D0;
	s23 =	sadd.s32 $0xA, s18  }
0x1a1: {  	[tilespmem:s9], [sflag:$0x6] =	stream.linear.gather [hbm4b:s23+s4], $0x50, $0x38;
	[tilespmem:$0x184C0] =	vst v63  }
.Ltmp3:
0x1a2: {  	_ = 	snop;
	(pc) =	sbr.rel @p2 .LBB2_8-.Ltmp3, $4  }
0x1a3: {  	s24 =	sadd.s32 $0x14, s18  }
0x1a4: {  	[tilespmem:s28], [sflag:$0x6] =	stream.linear.gather [hbm4b:s24+s4], $0x50, $0x38;
	[tilespmem:$0x184C0] =	vst v63  }
0x1a5: {  	s22 =	simm.s32 $0xCDF0;
	s30 =	sadd.s32 $0x1E, s18;
	s18 =	sadd.s32 $0x28, s18  }
0x1a6: {  	[tilespmem:s29], [sflag:$0x6] =	stream.linear.gather [hbm4b:s30+s4], $0x50, $0x38;
	[tilespmem:$0x184C0] =	vst v63  }
0x1a7: {  	[tilespmem:s22], [sflag:$0x6] =	stream.linear.gather [hbm4b:s18+s4], $0x50, $0x38;
	[tilespmem:$0x184C0] =	vst v63  }
0x1a8: {  	s1 =	simm.s32 $0x4  }
0x1a9: {  	_ =	swait.ge [sflag:s1], $0x190  }
0x1aa: {  	[sflag:s1] =	ssyncset.done $0x0  }
0x1ab: {  	[sflag:s1] =	ssyncadd.s32 $0xFFFFFE70  }
0x1ac: {  	_ =	swait.ge [sflag:s0], $0x50  }
0x1ad: {  	[sflag:s0] =	ssyncset.done $0x0  }
0x1ae: {  	[sflag:s0] =	ssyncadd.s32 $0xFFFFFFB0  }
0x1af: {  	_ =	swait.ge [sflag:s0], $0x50  }
0x1b0: {  	[sflag:s0] =	ssyncset.done $0x0  }
0x1b1: {  	[sflag:s0] =	ssyncadd.s32 $0xFFFFFFB0  }
0x1b2: {  	_ =	swait.ge [sflag:s0], $0x50  }
0x1b3: {  	[sflag:s0] =	ssyncset.done $0x0  }
0x1b4: {  	[sflag:s0] =	ssyncadd.s32 $0xFFFFFFB0  }
0x1b5: {  	_ =	swait.ge [sflag:s0], $0x50  }
0x1b6: {  	[sflag:s0] =	ssyncset.done $0x0  }
0x1b7: {  	[sflag:s0] =	ssyncadd.s32 $0xFFFFFFB0  }
0x1b8: {  	_ =	swait.ge [sflag:s0], $0x50  }
0x1b9: {  	[sflag:s0] =	ssyncset.done $0x0  }
0x1ba: {  	[sflag:s0] =	ssyncadd.s32 $0xFFFFFFB0  }
0x1bb: {  	_ =	swait.ge [sflag:s12], $0x50  }
0x1bc: {  	[sflag:s12] =	ssyncset.done $0x0  }
0x1bd: {  	[sflag:s12] =	ssyncadd.s32 $0xFFFFFFB0  }
0x1be: {  	_ =	swait.ge [sflag:s12], $0x50  }
0x1bf: {  	[sflag:s12] =	ssyncset.done $0x0  }
0x1c0: {  	[sflag:s12] =	ssyncadd.s32 $0xFFFFFFB0  }
0x1c1: {  	_ =	swait.ge [sflag:s12], $0x50  }
0x1c2: {  	[sflag:s12] =	ssyncset.done $0x0  }
0x1c3: {  	[sflag:s12] =	ssyncadd.s32 $0xFFFFFFB0  }
0x1c4: {  	_ =	swait.ge [sflag:s12], $0x50  }
0x1c5: {  	[sflag:s12] =	ssyncset.done $0x0  }
0x1c6: {  	[sflag:s12] =	ssyncadd.s32 $0xFFFFFFB0  }
0x1c7: {  	_ =	swait.ge [sflag:s12], $0x50  }
0x1c8: {  	[sflag:s12] =	ssyncset.done $0x0  }
0x1c9: {  	s20 =	simm.s32 $0x1;
	[sflag:s12] =	ssyncadd.s32 $0xFFFFFFB0  }
0x1ca: {  	_ =	swait.ge [sflag:s20], $0x6400  }
0x1cb: {  	[sflag:s20] =	ssyncset.done $0x0  }
0x1cc: {  	[sflag:s20] =	ssyncadd.s32 $0xFFFF9C00  }
0x1cd: {  	s10 =	stileid.u32;
	[bflag:$0x0] =	sbarrier.arrive $0xFFFF  }
0x1ce: {  	s10 =	sshll.u32 s10, $0x6;
	s18 =	rddreg [dreg:$0x11]  }
0x1cf: {  	s10 =	sor.u32 $0x1C07, s10;
	s13 =	rddreg [dreg:$0x1b];
	s11 =	sshrl.u32 s18, $0x3  }
0x1d0: {  	[hbm:s13], [sflag:s10] =	dma.local [spmem:s11], $0x1400  }
0x1d1: {  	_ =	swait.ge [sflag:s25], $0x1400  }
0x1d2: {  	[sflag:s25] =	ssyncset.done $0x0;
	s15 =	rddreg [dreg:$0x13]  }
0x1d3: {  	s23 =	rddreg [dreg:$0x1c];
	[sflag:s25] =	ssyncadd.s32 $0xFFFFEC00;
	s22 =	sshrl.u32 s15, $0x3  }
0x1d4: {  	[hbm:s23], [sflag:s10] =	dma.local [spmem:s22], $0x280  }
0x1d5: {  	_ =	swait.ge [sflag:s25], $0x280  }
0x1d6: {  	s24 =	sld [smem:$0x7F7];
	_ =	sdelay $0x2  }
0x1d7: {  	s16 =	simm.s32 $0xCB20;
	s26 =	rddreg [dreg:$0x1d];
	s11 =	sadd.s32 $0x1, s24  }
0x1d8: {  	s19 =	simm.s32 $0xCB70;
	s30 =	simm.s32 $0xCC60;
	p2 =	sne.s32 s11, s26  }
.Ltmp4:
0x1d9: {  	s29 =	simm.s32 $0xC990;
	s28 =	simm.s32 $0xCCB0;
	(pc) =	sbr.rel @p2 .LBB2_1-.Ltmp4, $4  }
0x1da: {  	s9 =	simm.s32 $0xCD50;
	s5 =	simm.s32 $0x3;
	s14 =	simm.s32 $0x4  }
0x1db: {  	s1 =	simm.s32 $0xCD00;
	s20 =	simm.s32 $0xCBC0;
	s13 =	simm.s32 $0xCDF0  }
0x1dc: {  	s22 =	simm.s32 $0xCC10;
	s23 =	simm.s32 $0x190;
	[sflag:s25] =	ssyncset.done $0x0  }
0x1dd: {  	[sflag:s25] =	ssyncadd.s32 $0xFFFFFD80;
	s24 =	simm.s32 $0xCDA0;
	s26 =	simm.s32 $0x6400  }
0x1de: {  	_ =	sfence.sel $0x180000  }
0x1df: {  	[bflag:$0x0] =	sbarrier.arrive $0xFFFF  }
0x1e0: {  	_ =	strace $0x90000047  }
0x1e1: {  	s0 =	stileid.u32;
	[bflag:$0x2] =	sbarrier.arrive $0xFFFF  }
0x1e2: {  	p0 =	sne.s32 s0, $0x0;
	s0 =	rddreg [dreg:$0x4]  }
0x1e3: {  	s0 =	sadd.s32 @!p0 $0x100000, s0  }
0x1e4: {  	[sflag:s0] =	ssyncadd.tile.s32 @!p0 $0x1;
	_ =	shalt  }
.Lfunc_end2:
_tile_overlayer_lowered:
.L_overlay_start_2:
0x1e5: {  	(tag) =	ssettag $0x2  }
0x1e6: {  	s0 =	rddreg [dreg:$0x0];
	s2 =	stileid.u32  }
0x1e7: {  	s1 =	rddreg [dreg:$0x1];
	p0 =	sne.s32 s2, $0x0  }
0x1e8: {  	s3 =	rddreg [dreg:$0x2];
	[bflag:$0x3] =	sbarrier.arrive $0xFFFF;
	s2 =	simm.s32 @!p0 $0x1C07  }
0x1e9: {  	[timem:s3], [sflag:s2] =	dma.local @!p0 [hbm:s0], s1  }
0x1ea: {  	s0 =	simm.s32 @!p0 $0x7  }
0x1eb: {  	_ =	swait.ge @!p0 [sflag:s0], s1  }
0x1ec: {  	s1 =	ssub.s32 @!p0 $0x0, s1;
	[sflag:s0] =	ssyncset.done @!p0 $0x0  }
0x1ed: {  	[sflag:s0] =	ssyncadd.s32 @!p0 s1  }
0x1ee: {  	[bflag:$0x3] =	sbarrier.arrive $0xFFFF  }
0x1ef: {  	_ =	shalt  }

</sc_bundles>
